<compile_context>
chip_gen: v7x
topology: tpu7x:2x2x1
jax: 0.10.2.dev20260603
libtpu: 0.0.44.dev20260713+nightly
codegen_flags: <defaults>
</compile_context>

<pallas_src>
import functools

import jax
import jax.numpy as jnp
from jax import lax
from jax.experimental import pallas as pl
from jax.experimental.pallas import tpu as pltpu
from jax.experimental.pallas import tpu_sc as plsc

_NSUB = 16
_EK = 96
_RING = 3
_PACK = 16384


def _sc_aggregate(h2, packed, n_nodes, half, n_chunks):
    npad = n_nodes + 16
    per_sub = n_chunks * _EK
    nps = (n_nodes // _NSUB) & ~7
    tail = n_nodes - _NSUB * nps
    mesh = plsc.VectorSubcoreMesh(core_axis_name="c", subcore_axis_name="s")

    @functools.partial(
        pl.kernel,
        mesh=mesh,
        out_type=jax.ShapeDtypeStruct((2 * n_nodes, half), jnp.float32),
        scratch_types=[
            pltpu.VMEM_SHARED((npad, half), jnp.float32),
            pltpu.VMEM((per_sub,), jnp.int32),
        ]
        + [pltpu.VMEM((_EK,), jnp.int32) for _ in range(2 * _RING)]
        + [pltpu.VMEM((_EK, half), jnp.float32) for _ in range(_RING)]
        + [pltpu.SemaphoreType.DMA for _ in range(2 * _RING)],
    )
    def agg(h2_hbm, packed_hbm, z2_hbm, shared, pk, *ring):
        sbufs = ring[0:2 * _RING:2]
        dbufs = ring[1:2 * _RING:2]
        rows = ring[2 * _RING:3 * _RING]
        gsem = ring[3 * _RING:4 * _RING]
        ssem = ring[4 * _RING:]
        c = lax.axis_index("c")
        s = lax.axis_index("s")
        coff = c * n_nodes
        nbase = s * nps
        pltpu.sync_copy(h2_hbm.at[pl.ds(coff + nbase, nps)],
                        shared.at[pl.ds(nbase, nps)])
        if tail:
            @pl.when(s == _NSUB - 1)
            def _():
                pltpu.sync_copy(
                    h2_hbm.at[pl.ds(coff + _NSUB * nps, tail)],
                    shared.at[pl.ds(_NSUB * nps, tail)])
        pltpu.sync_copy(packed_hbm.at[s], pk)
        plsc.subcore_barrier()

        shift = _PACK.bit_length() - 1

        def unpack(j, sbuf, dbuf):
            for k in range(0, _EK, 16):
                v = pk[pl.ds(j * _EK + k, 16)]
                sbuf[pl.ds(k, 16)] = (v >> shift) + coff
                dbuf[pl.ds(k, 16)] = v & (_PACK - 1)

        def g_start(sbuf, buf, sem):
            pltpu.async_copy(h2_hbm.at[sbuf], buf, sem)

        def g_wait(sbuf, buf, sem):
            pltpu.make_async_copy(h2_hbm.at[sbuf], buf, sem).wait()

        def s_start(r):
            pltpu.async_copy(rows[r], shared.at[dbufs[r]], ssem[r], add=True)

        def s_wait(r):
            pltpu.make_async_copy(rows[r], shared.at[dbufs[r]], ssem[r]).wait()

        R = _RING

        def body(j, r, drain):
            rn = (r + R - 1) % R
            g_wait(sbufs[r], rows[r], gsem[r])
            s_start(r)
            if drain:
                s_wait(rn)
            unpack(j + R - 1, sbufs[rn], dbufs[rn])
            g_start(sbufs[rn], rows[rn], gsem[rn])

        for r in range(R - 1):
            unpack(r, sbufs[r], dbufs[r])
            g_start(sbufs[r], rows[r], gsem[r])
        body(0, 0, drain=False)

        @pl.loop(1, n_chunks - 2 * R + 2, step=R)
        def _(jj):
            for q in range(R):
                body(jj + q, (1 + q) % R, drain=True)

        for q in range(R - 1):
            r = (1 + q) % R
            g_wait(sbufs[r], rows[r], gsem[r])
            s_start(r)
        for r in range(R):
            s_wait(r)

        plsc.subcore_barrier()
        pltpu.sync_copy(shared.at[pl.ds(nbase, nps)],
                        z2_hbm.at[pl.ds(coff + nbase, nps)])
        if tail:
            @pl.when(s == _NSUB - 1)
            def _():
                pltpu.sync_copy(
                    shared.at[pl.ds(_NSUB * nps, tail)],
                    z2_hbm.at[pl.ds(coff + _NSUB * nps, tail)])

    return agg(h2, packed)


def _mlp_layer(z3, w1, b1, w2, b2, so, to, n_nodes, half, bn):
    d = 2 * half
    grid = (n_nodes // bn,)

    def body(z_ref, w1_ref, b1_ref, w2_ref, b2_ref, so_ref, to_ref,
             h_ref, p_ref):
        z = jnp.concatenate([z_ref[0], z_ref[1]], axis=-1)
        u = jnp.maximum(
            jnp.dot(z.astype(jnp.bfloat16), w1_ref[...],
                    preferred_element_type=jnp.float32)
            + b1_ref[...], 0.0)
        v = jnp.maximum(
            jnp.dot(u.astype(jnp.bfloat16), w2_ref[...],
                    preferred_element_type=jnp.float32) + b2_ref[...], 0.0)
        h = jnp.maximum(v * so_ref[...] + to_ref[...], 0.0)
        h_ref[0] = h[:, :half]
        h_ref[1] = h[:, half:]

        @pl.when(pl.program_id(0) == 0)
        def _():
            p_ref[...] = jnp.zeros_like(p_ref)

        p_ref[...] += jnp.sum(h, axis=0, keepdims=True)

    return pl.pallas_call(
        body,
        grid=grid,
        in_specs=[
            pl.BlockSpec((2, bn, half), lambda i: (0, i, 0)),
            pl.BlockSpec((d, d), lambda i: (0, 0)),
            pl.BlockSpec((1, d), lambda i: (0, 0)),
            pl.BlockSpec((d, d), lambda i: (0, 0)),
            pl.BlockSpec((1, d), lambda i: (0, 0)),
            pl.BlockSpec((1, d), lambda i: (0, 0)),
            pl.BlockSpec((1, d), lambda i: (0, 0)),
        ],
        out_specs=[
            pl.BlockSpec((2, bn, half), lambda i: (0, i, 0)),
            pl.BlockSpec((1, d), lambda i: (0, 0)),
        ],
        out_shape=[
            jax.ShapeDtypeStruct((2, n_nodes, half), jnp.float32),
            jax.ShapeDtypeStruct((1, d), jnp.float32),
        ],
    )(z3, w1, b1, w2, b2, so, to)


def _colsum(x, bn):
    n, d = x.shape

    def body(x_ref, p_ref):
        @pl.when(pl.program_id(0) == 0)
        def _():
            p_ref[...] = jnp.zeros_like(p_ref)

        p_ref[...] += jnp.sum(x_ref[...], axis=0, keepdims=True)

    return pl.pallas_call(
        body,
        grid=(n // bn,),
        in_specs=[pl.BlockSpec((bn, d), lambda i: (i, 0))],
        out_specs=pl.BlockSpec((1, d), lambda i: (0, 0)),
        out_shape=jax.ShapeDtypeStruct((1, d), jnp.float32),
    )(x)


def _heads(pooled_flat, wp_flat, bp):

    def body(p_ref, w_ref, b_ref, o_ref):
        o_ref[...] = (
            jnp.dot(p_ref[...], w_ref[...], preferred_element_type=jnp.float32,
                    precision=lax.Precision.HIGHEST)
            + jnp.sum(b_ref[...], axis=0, keepdims=True))

    return pl.pallas_call(
        body,
        out_shape=jax.ShapeDtypeStruct((1, bp.shape[1]), jnp.float32),
    )(pooled_flat, wp_flat, bp)


def kernel(x, edge_index, W1, b1, W2, b2, g_mlp, be_mlp, g_app, be_app,
           g_out, be_out, Wp, bp):
    n, d = x.shape
    e = edge_index.shape[1]
    num_layers = W1.shape[0]
    half = d // 2
    bn_eps = 1e-5
    r = 1.0 / jnp.sqrt(jnp.float32(1.0 + bn_eps))

    src = edge_index[0]
    dst = edge_index[1]
    n_chunks = -(-(e // _NSUB) // _EK)
    n_chunks += -n_chunks % _RING
    per_sub = n_chunks * _EK
    pad = _NSUB * per_sub - e
    src_p = jnp.concatenate([src, jnp.zeros((pad,), jnp.int32)])
    dst_p = jnp.concatenate([dst, jnp.full((pad,), n, jnp.int32)])
    packed = (src_p * _PACK + dst_p).reshape(_NSUB, per_sub)

    h3 = x.reshape(n, 2, half).transpose(1, 0, 2)
    pooled = [_colsum(x, 1000)]

    for i in range(num_layers):
        a1 = r * g_mlp[i]
        w1f = (W1[i] * a1[None, :]).astype(jnp.bfloat16)
        b1f = (b1[i] * a1 + be_mlp[i])[None, :]
        a2 = r * g_app[i]
        w2f = (W2[i] * a2[None, :]).astype(jnp.bfloat16)
        b2f = (b2[i] * a2 + be_app[i])[None, :]
        so = (r * g_out[i])[None, :]
        to = be_out[i][None, :]

        z2 = _sc_aggregate(h3.reshape(2 * n, half), packed, n, half, n_chunks)
        h3, p = _mlp_layer(z2.reshape(2, n, half), w1f, b1f, w2f, b2f,
                           so, to, n, half, 1000)
        pooled.append(p)

    pooled_flat = jnp.concatenate(pooled, axis=1)
    wp_flat = Wp.reshape((num_layers + 1) * d, Wp.shape[2])
    return _heads(pooled_flat, wp_flat, bp)

# --- scband reference (transcript-rebuilt; emitter-appended) ---
"""Pipeline reference for scband-gin-59313498358211 (READ-ONLY COPY).

The authoritative reference and input builder live on the scoring server;
editing this copy changes nothing except your own understanding.
"""

import jax, jax.numpy as jnp
import numpy as np

N = 10000
E = 160000
D = 256
H = 256
C = 128
L = 3  # num_layers - 1 GIN conv layers
BN_EPS = 1e-5


def setup_inputs(seed: int = 0) -> dict:
    key = jax.random.key(seed)
    ks = jax.random.split(key, 16)
    inp = {}
    inp["x"] = jax.random.normal(ks[0], (N, D), dtype=jnp.float32)
    inp["edge_index"] = jax.random.randint(ks[1], (2, E), 0, N, dtype=jnp.int32)
    # GIN conv MLP params (all layers share dims since D == H): 2-layer MLP per conv
    inp["W1"] = jax.random.normal(ks[2], (L, D, H), dtype=jnp.float32) * 0.05
    inp["b1"] = jnp.zeros((L, H), dtype=jnp.float32)
    inp["W2"] = jax.random.normal(ks[3], (L, H, H), dtype=jnp.float32) * 0.05
    inp["b2"] = jnp.zeros((L, H), dtype=jnp.float32)
    # BatchNorm (eval mode) affine params: inside MLP, in ApplyNodeFunc, and outer per-layer BN
    inp["g_mlp"] = jnp.ones((L, H), dtype=jnp.float32)
    inp["be_mlp"] = jnp.zeros((L, H), dtype=jnp.float32)
    inp["g_app"] = jnp.ones((L, H), dtype=jnp.float32)
    inp["be_app"] = jnp.zeros((L, H), dtype=jnp.float32)
    inp["g_out"] = jnp.ones((L, H), dtype=jnp.float32)
    inp["be_out"] = jnp.zeros((L, H), dtype=jnp.float32)
    # linears_prediction: one per hidden_rep (input + L layers); all input dims are D==H
    inp["Wp"] = jax.random.normal(ks[4], (L + 1, D, C), dtype=jnp.float32) * 0.05
    inp["bp"] = jnp.zeros((L + 1, C), dtype=jnp.float32)
    return inp


def _bn_eval(h, g, b):
    # BatchNorm1d in eval mode with default running stats (mean=0, var=1)
    return h / jnp.sqrt(1.0 + BN_EPS) * g + b


def reference(x, edge_index, W1, b1, W2, b2, g_mlp, be_mlp, g_app, be_app, g_out, be_out, Wp, bp):
    src = edge_index[0]
    dst = edge_index[1]
    h = x
    hidden_rep = [h]
    for i in range(L):
        # GINConv with sum neighbor pooling, eps=0 (learn_eps False, init 0)
        agg = jnp.zeros_like(h).at[dst].add(h[src])
        z = h + agg
        # ApplyNodeFunc: MLP (Linear -> BN -> ReLU -> Linear), then BN, ReLU
        z = z @ W1[i] + b1[i]
        z = jax.nn.relu(_bn_eval(z, g_mlp[i], be_mlp[i]))
        z = z @ W2[i] + b2[i]
        z = jax.nn.relu(_bn_eval(z, g_app[i], be_app[i]))
        # outer per-layer BatchNorm + activation (relu)
        z = jax.nn.relu(_bn_eval(z, g_out[i], be_out[i]))
        h = z
        hidden_rep.append(h)
    # SumPooling over the (single) graph, then per-layer prediction heads
    score = jnp.zeros((1, C), dtype=jnp.float32)
    for i in range(L + 1):
        pooled = jnp.sum(hidden_rep[i], axis=0, keepdims=True)
        # dropout is identity in eval mode
        score = score + (pooled @ Wp[i] + bp[i])
    return score

if __name__ == "__main__":
    import jax
    _d = setup_inputs()
    print(jax.jit(kernel)(*tuple(_d.values())))

</pallas_src>

<mosaic_0001>
#map = affine_map<(d0, d1) -> (0, 0)>
module attributes {stable_mosaic.version = 14 : i64} {
  func.func @agg(%arg0: i32, %arg1: i32, %arg2: memref<20000x128xf32, #tpu.memory_space<hbm>>, %arg3: memref<16x10080xi32, #tpu.memory_space<hbm>>, %arg4: memref<20000x128xf32, #tpu.memory_space<hbm>>, %arg5: memref<10016x128xf32, #tpu.memory_space<vmem_shared>>, %arg6: memref<10080xi32, #tpu.memory_space<vmem>>, %arg7: memref<96xi32, #tpu.memory_space<vmem>>, %arg8: memref<96xi32, #tpu.memory_space<vmem>>, %arg9: memref<96xi32, #tpu.memory_space<vmem>>, %arg10: memref<96xi32, #tpu.memory_space<vmem>>, %arg11: memref<96xi32, #tpu.memory_space<vmem>>, %arg12: memref<96xi32, #tpu.memory_space<vmem>>, %arg13: memref<96x128xf32, #tpu.memory_space<vmem>>, %arg14: memref<96x128xf32, #tpu.memory_space<vmem>>, %arg15: memref<96x128xf32, #tpu.memory_space<vmem>>, %arg16: memref<!tpu.dma_semaphore, #tpu.memory_space<semaphore_mem>>, %arg17: memref<!tpu.dma_semaphore, #tpu.memory_space<semaphore_mem>>, %arg18: memref<!tpu.dma_semaphore, #tpu.memory_space<semaphore_mem>>, %arg19: memref<!tpu.dma_semaphore, #tpu.memory_space<semaphore_mem>>, %arg20: memref<!tpu.dma_semaphore, #tpu.memory_space<semaphore_mem>>, %arg21: memref<!tpu.dma_semaphore, #tpu.memory_space<semaphore_mem>>) attributes {dimension_semantics = [#tpu.dimension_semantics<core_parallel>, #tpu.dimension_semantics<subcore_parallel>], iteration_bounds = array<i64: 2, 16>, scalar_prefetch = 0 : i64, scratch_operands = 17 : i64, tpu.core_type = #tpu.core_type<sc_vector_subcore>, window_params = [{transform_indices = #map}, {transform_indices = #map}, {transform_indices = #map}]} {
    %mul3A = arith.constant 10000 : i32
    %mul3A_0 = arith.muli %arg0, %mul3A : i32
    %mul3A_1 = arith.constant 624 : i32
    %mul3A_2 = arith.muli %arg1, %mul3A_1 : i32
    %add3A = arith.addi %mul3A_0, %mul3A_2 : i32
    "tpu.region"() ({
      %run_scoped3A = tpu.sem_alloc : memref<!tpu.dma_semaphore, #tpu.memory_space<semaphore_mem>>
      %dma_start3A_388 = arith.constant 0 : i32
      %dma_start3A_389 = tpu.memref_slice %arg5[%mul3A_2, %dma_start3A_388] : memref<10016x128xf32, #tpu.memory_space<vmem_shared>> -> memref<624x128xf32, #tpu.memory_space<vmem_shared>>
      %dma_start3A_390 = arith.constant 0 : i32
      %dma_start3A_391 = tpu.memref_slice %arg2[%add3A, %dma_start3A_390] : memref<20000x128xf32, #tpu.memory_space<hbm>> -> memref<624x128xf32, #tpu.memory_space<hbm>>
      tpu.enqueue_dma source(%dma_start3A_391 : memref<624x128xf32, #tpu.memory_space<hbm>>) target(%dma_start3A_389 : memref<624x128xf32, #tpu.memory_space<vmem_shared>>) target_semaphore(%run_scoped3A : memref<!tpu.dma_semaphore, #tpu.memory_space<semaphore_mem>>)
      %dma_wait3A_392 = arith.constant 0 : i32
      %dma_wait3A_393 = tpu.memref_slice %arg5[%mul3A_2, %dma_wait3A_392] : memref<10016x128xf32, #tpu.memory_space<vmem_shared>> -> memref<624x128xf32, #tpu.memory_space<vmem_shared>>
      %dma_wait3A_394 = arith.constant 0 : i32
      %dma_wait3A_395 = tpu.memref_slice %arg2[%add3A, %dma_wait3A_394] : memref<20000x128xf32, #tpu.memory_space<hbm>> -> memref<624x128xf32, #tpu.memory_space<hbm>>
      tpu.wait_dma2 semaphore(%run_scoped3A : memref<!tpu.dma_semaphore, #tpu.memory_space<semaphore_mem>>) src(%dma_wait3A_395 : memref<624x128xf32, #tpu.memory_space<hbm>>) dst(%dma_wait3A_393 : memref<624x128xf32, #tpu.memory_space<vmem_shared>>)
      tpu.yield
    }) : () -> ()
    %eq3A = arith.constant 15 : i32
    %eq3A_3 = arith.cmpi eq, %arg1, %eq3A : i32
    %convert_element_type3A = arith.extui %eq3A_3 : i1 to i32
    %cond3A = arith.constant 0 : i32
    %cond3A_4 = arith.cmpi ne, %convert_element_type3A, %cond3A : i32
    scf.if %cond3A_4 {
      %add3A_388 = arith.constant 9984 : i32
      %add3A_389 = arith.addi %mul3A_0, %add3A_388 : i32
      "tpu.region"() ({
        %run_scoped3A = tpu.sem_alloc : memref<!tpu.dma_semaphore, #tpu.memory_space<semaphore_mem>>
        %dma_start3A_390 = arith.constant 9984 : i32
        %dma_start3A_391 = arith.constant 0 : i32
        %dma_start3A_392 = tpu.memref_slice %arg5[%dma_start3A_390, %dma_start3A_391] : memref<10016x128xf32, #tpu.memory_space<vmem_shared>> -> memref<16x128xf32, #tpu.memory_space<vmem_shared>>
        %dma_start3A_393 = arith.constant 0 : i32
        %dma_start3A_394 = tpu.memref_slice %arg2[%add3A_389, %dma_start3A_393] : memref<20000x128xf32, #tpu.memory_space<hbm>> -> memref<16x128xf32, #tpu.memory_space<hbm>>
        tpu.enqueue_dma source(%dma_start3A_394 : memref<16x128xf32, #tpu.memory_space<hbm>>) target(%dma_start3A_392 : memref<16x128xf32, #tpu.memory_space<vmem_shared>>) target_semaphore(%run_scoped3A : memref<!tpu.dma_semaphore, #tpu.memory_space<semaphore_mem>>)
        %dma_wait3A_395 = arith.constant 9984 : i32
        %dma_wait3A_396 = arith.constant 0 : i32
        %dma_wait3A_397 = tpu.memref_slice %arg5[%dma_wait3A_395, %dma_wait3A_396] : memref<10016x128xf32, #tpu.memory_space<vmem_shared>> -> memref<16x128xf32, #tpu.memory_space<vmem_shared>>
        %dma_wait3A_398 = arith.constant 0 : i32
        %dma_wait3A_399 = tpu.memref_slice %arg2[%add3A_389, %dma_wait3A_398] : memref<20000x128xf32, #tpu.memory_space<hbm>> -> memref<16x128xf32, #tpu.memory_space<hbm>>
        tpu.wait_dma2 semaphore(%run_scoped3A : memref<!tpu.dma_semaphore, #tpu.memory_space<semaphore_mem>>) src(%dma_wait3A_399 : memref<16x128xf32, #tpu.memory_space<hbm>>) dst(%dma_wait3A_397 : memref<16x128xf32, #tpu.memory_space<vmem_shared>>)
        tpu.yield
      }) : () -> ()
    } else {
    }
    "tpu.region"() ({
      %run_scoped3A = tpu.sem_alloc : memref<!tpu.dma_semaphore, #tpu.memory_space<semaphore_mem>>
      %dma_start3A_388 = arith.constant 0 : i32
      %dma_start3A_389 = tpu.memref_slice %arg3[%arg1, %dma_start3A_388] : memref<16x10080xi32, #tpu.memory_space<hbm>> -> memref<1x10080xi32, #tpu.memory_space<hbm>>
      %dma_start3A_390 = tpu.memref_squeeze %dma_start3A_389 : memref<1x10080xi32, #tpu.memory_space<hbm>> -> memref<10080xi32, #tpu.memory_space<hbm>>
      %dma_start3A_391 = arith.constant 0 : i32
      %dma_start3A_392 = tpu.memref_slice %arg3[%arg1, %dma_start3A_391] : memref<16x10080xi32, #tpu.memory_space<hbm>> -> memref<1x10080xi32, #tpu.memory_space<hbm>>
      %dma_start3A_393 = tpu.memref_squeeze %dma_start3A_392 : memref<1x10080xi32, #tpu.memory_space<hbm>> -> memref<10080xi32, #tpu.memory_space<hbm>>
      tpu.enqueue_dma source(%dma_start3A_393 : memref<10080xi32, #tpu.memory_space<hbm>>) target(%arg6 : memref<10080xi32, #tpu.memory_space<vmem>>) target_semaphore(%run_scoped3A : memref<!tpu.dma_semaphore, #tpu.memory_space<semaphore_mem>>)
      %dma_wait3A_394 = arith.constant 0 : i32
      %dma_wait3A_395 = tpu.memref_slice %arg3[%arg1, %dma_wait3A_394] : memref<16x10080xi32, #tpu.memory_space<hbm>> -> memref<1x10080xi32, #tpu.memory_space<hbm>>
      %dma_wait3A_396 = tpu.memref_squeeze %dma_wait3A_395 : memref<1x10080xi32, #tpu.memory_space<hbm>> -> memref<10080xi32, #tpu.memory_space<hbm>>
      %dma_wait3A_397 = arith.constant 0 : i32
      %dma_wait3A_398 = tpu.memref_slice %arg3[%arg1, %dma_wait3A_397] : memref<16x10080xi32, #tpu.memory_space<hbm>> -> memref<1x10080xi32, #tpu.memory_space<hbm>>
      %dma_wait3A_399 = tpu.memref_squeeze %dma_wait3A_398 : memref<1x10080xi32, #tpu.memory_space<hbm>> -> memref<10080xi32, #tpu.memory_space<hbm>>
      tpu.wait_dma2 semaphore(%run_scoped3A : memref<!tpu.dma_semaphore, #tpu.memory_space<semaphore_mem>>) src(%dma_wait3A_399 : memref<10080xi32, #tpu.memory_space<hbm>>) dst(%arg6 : memref<10080xi32, #tpu.memory_space<vmem>>)
      tpu.yield
    }) : () -> ()
    %barrier3A = arith.constant 0 : index
    tpu.barrier barrier_id(%barrier3A)
    %get3A = arith.constant 0 : index
    %get3A_5 = tpu.vector_load %arg6[%get3A] {strides = array<i32>} : memref<10080xi32, #tpu.memory_space<vmem>>, vector<16xi32>,
    %get3A_6 = vector.shape_cast %get3A_5 : vector<16xi32> to vector<16xi32>
    %shift_right_arithmetic3A = arith.constant 14 : i32
    %shift_right_arithmetic3A_7 = vector.broadcast %shift_right_arithmetic3A : i32 to vector<16xi32>
    %shift_right_arithmetic3A_8 = arith.shrsi %get3A_6, %shift_right_arithmetic3A_7 : vector<16xi32>
    %add3A_9 = vector.broadcast %mul3A_0 : i32 to vector<16xi32>
    %add3A_10 = arith.addi %shift_right_arithmetic3A_8, %add3A_9 : vector<16xi32>
    %swap3A = arith.constant 0 : index
    %swap3A_11 = tpu.vector_load %arg7[%swap3A] {strides = array<i32>} : memref<96xi32, #tpu.memory_space<vmem>>, vector<16xi32>,
    %swap3A_12 = vector.shape_cast %swap3A_11 : vector<16xi32> to vector<16xi32>
    %swap3A_13 = vector.shape_cast %add3A_10 : vector<16xi32> to vector<16xi32>
    tpu.vector_store %arg7[%swap3A], %swap3A_13 {strides = array<i32>} : memref<96xi32, #tpu.memory_space<vmem>>, vector<16xi32>,
    %and3A = arith.constant 16383 : i32
    %and3A_14 = vector.broadcast %and3A : i32 to vector<16xi32>
    %and3A_15 = arith.andi %get3A_6, %and3A_14 : vector<16xi32>
    %swap3A_16 = arith.constant 0 : index
    %swap3A_17 = tpu.vector_load %arg8[%swap3A_16] {strides = array<i32>} : memref<96xi32, #tpu.memory_space<vmem>>, vector<16xi32>,
    %swap3A_18 = vector.shape_cast %swap3A_17 : vector<16xi32> to vector<16xi32>
    %swap3A_19 = vector.shape_cast %and3A_15 : vector<16xi32> to vector<16xi32>
    tpu.vector_store %arg8[%swap3A_16], %swap3A_19 {strides = array<i32>} : memref<96xi32, #tpu.memory_space<vmem>>, vector<16xi32>,
    %get3A_20 = arith.constant 16 : index
    %get3A_21 = tpu.vector_load %arg6[%get3A_20] {strides = array<i32>} : memref<10080xi32, #tpu.memory_space<vmem>>, vector<16xi32>,
    %get3A_22 = vector.shape_cast %get3A_21 : vector<16xi32> to vector<16xi32>
    %shift_right_arithmetic3A_23 = arith.constant 14 : i32
    %shift_right_arithmetic3A_24 = vector.broadcast %shift_right_arithmetic3A_23 : i32 to vector<16xi32>
    %shift_right_arithmetic3A_25 = arith.shrsi %get3A_22, %shift_right_arithmetic3A_24 : vector<16xi32>
    %add3A_26 = vector.broadcast %mul3A_0 : i32 to vector<16xi32>
    %add3A_27 = arith.addi %shift_right_arithmetic3A_25, %add3A_26 : vector<16xi32>
    %swap3A_28 = arith.constant 16 : index
    %swap3A_29 = tpu.vector_load %arg7[%swap3A_28] {strides = array<i32>} : memref<96xi32, #tpu.memory_space<vmem>>, vector<16xi32>,
    %swap3A_30 = vector.shape_cast %swap3A_29 : vector<16xi32> to vector<16xi32>
    %swap3A_31 = vector.shape_cast %add3A_27 : vector<16xi32> to vector<16xi32>
    tpu.vector_store %arg7[%swap3A_28], %swap3A_31 {strides = array<i32>} : memref<96xi32, #tpu.memory_space<vmem>>, vector<16xi32>,
    %and3A_32 = arith.constant 16383 : i32
    %and3A_33 = vector.broadcast %and3A_32 : i32 to vector<16xi32>
    %and3A_34 = arith.andi %get3A_22, %and3A_33 : vector<16xi32>
    %swap3A_35 = arith.constant 16 : index
    %swap3A_36 = tpu.vector_load %arg8[%swap3A_35] {strides = array<i32>} : memref<96xi32, #tpu.memory_space<vmem>>, vector<16xi32>,
    %swap3A_37 = vector.shape_cast %swap3A_36 : vector<16xi32> to vector<16xi32>
    %swap3A_38 = vector.shape_cast %and3A_34 : vector<16xi32> to vector<16xi32>
    tpu.vector_store %arg8[%swap3A_35], %swap3A_38 {strides = array<i32>} : memref<96xi32, #tpu.memory_space<vmem>>, vector<16xi32>,
    %get3A_39 = arith.constant 32 : index
    %get3A_40 = tpu.vector_load %arg6[%get3A_39] {strides = array<i32>} : memref<10080xi32, #tpu.memory_space<vmem>>, vector<16xi32>,
    %get3A_41 = vector.shape_cast %get3A_40 : vector<16xi32> to vector<16xi32>
    %shift_right_arithmetic3A_42 = arith.constant 14 : i32
    %shift_right_arithmetic3A_43 = vector.broadcast %shift_right_arithmetic3A_42 : i32 to vector<16xi32>
    %shift_right_arithmetic3A_44 = arith.shrsi %get3A_41, %shift_right_arithmetic3A_43 : vector<16xi32>
    %add3A_45 = vector.broadcast %mul3A_0 : i32 to vector<16xi32>
    %add3A_46 = arith.addi %shift_right_arithmetic3A_44, %add3A_45 : vector<16xi32>
    %swap3A_47 = arith.constant 32 : index
    %swap3A_48 = tpu.vector_load %arg7[%swap3A_47] {strides = array<i32>} : memref<96xi32, #tpu.memory_space<vmem>>, vector<16xi32>,
    %swap3A_49 = vector.shape_cast %swap3A_48 : vector<16xi32> to vector<16xi32>
    %swap3A_50 = vector.shape_cast %add3A_46 : vector<16xi32> to vector<16xi32>
    tpu.vector_store %arg7[%swap3A_47], %swap3A_50 {strides = array<i32>} : memref<96xi32, #tpu.memory_space<vmem>>, vector<16xi32>,
    %and3A_51 = arith.constant 16383 : i32
    %and3A_52 = vector.broadcast %and3A_51 : i32 to vector<16xi32>
    %and3A_53 = arith.andi %get3A_41, %and3A_52 : vector<16xi32>
    %swap3A_54 = arith.constant 32 : index
    %swap3A_55 = tpu.vector_load %arg8[%swap3A_54] {strides = array<i32>} : memref<96xi32, #tpu.memory_space<vmem>>, vector<16xi32>,
    %swap3A_56 = vector.shape_cast %swap3A_55 : vector<16xi32> to vector<16xi32>
    %swap3A_57 = vector.shape_cast %and3A_53 : vector<16xi32> to vector<16xi32>
    tpu.vector_store %arg8[%swap3A_54], %swap3A_57 {strides = array<i32>} : memref<96xi32, #tpu.memory_space<vmem>>, vector<16xi32>,
    %get3A_58 = arith.constant 48 : index
    %get3A_59 = tpu.vector_load %arg6[%get3A_58] {strides = array<i32>} : memref<10080xi32, #tpu.memory_space<vmem>>, vector<16xi32>,
    %get3A_60 = vector.shape_cast %get3A_59 : vector<16xi32> to vector<16xi32>
    %shift_right_arithmetic3A_61 = arith.constant 14 : i32
    %shift_right_arithmetic3A_62 = vector.broadcast %shift_right_arithmetic3A_61 : i32 to vector<16xi32>
    %shift_right_arithmetic3A_63 = arith.shrsi %get3A_60, %shift_right_arithmetic3A_62 : vector<16xi32>
    %add3A_64 = vector.broadcast %mul3A_0 : i32 to vector<16xi32>
    %add3A_65 = arith.addi %shift_right_arithmetic3A_63, %add3A_64 : vector<16xi32>
    %swap3A_66 = arith.constant 48 : index
    %swap3A_67 = tpu.vector_load %arg7[%swap3A_66] {strides = array<i32>} : memref<96xi32, #tpu.memory_space<vmem>>, vector<16xi32>,
    %swap3A_68 = vector.shape_cast %swap3A_67 : vector<16xi32> to vector<16xi32>
    %swap3A_69 = vector.shape_cast %add3A_65 : vector<16xi32> to vector<16xi32>
    tpu.vector_store %arg7[%swap3A_66], %swap3A_69 {strides = array<i32>} : memref<96xi32, #tpu.memory_space<vmem>>, vector<16xi32>,
    %and3A_70 = arith.constant 16383 : i32
    %and3A_71 = vector.broadcast %and3A_70 : i32 to vector<16xi32>
    %and3A_72 = arith.andi %get3A_60, %and3A_71 : vector<16xi32>
    %swap3A_73 = arith.constant 48 : index
    %swap3A_74 = tpu.vector_load %arg8[%swap3A_73] {strides = array<i32>} : memref<96xi32, #tpu.memory_space<vmem>>, vector<16xi32>,
    %swap3A_75 = vector.shape_cast %swap3A_74 : vector<16xi32> to vector<16xi32>
    %swap3A_76 = vector.shape_cast %and3A_72 : vector<16xi32> to vector<16xi32>
    tpu.vector_store %arg8[%swap3A_73], %swap3A_76 {strides = array<i32>} : memref<96xi32, #tpu.memory_space<vmem>>, vector<16xi32>,
    %get3A_77 = arith.constant 64 : index
    %get3A_78 = tpu.vector_load %arg6[%get3A_77] {strides = array<i32>} : memref<10080xi32, #tpu.memory_space<vmem>>, vector<16xi32>,
    %get3A_79 = vector.shape_cast %get3A_78 : vector<16xi32> to vector<16xi32>
    %shift_right_arithmetic3A_80 = arith.constant 14 : i32
    %shift_right_arithmetic3A_81 = vector.broadcast %shift_right_arithmetic3A_80 : i32 to vector<16xi32>
    %shift_right_arithmetic3A_82 = arith.shrsi %get3A_79, %shift_right_arithmetic3A_81 : vector<16xi32>
    %add3A_83 = vector.broadcast %mul3A_0 : i32 to vector<16xi32>
    %add3A_84 = arith.addi %shift_right_arithmetic3A_82, %add3A_83 : vector<16xi32>
    %swap3A_85 = arith.constant 64 : index
    %swap3A_86 = tpu.vector_load %arg7[%swap3A_85] {strides = array<i32>} : memref<96xi32, #tpu.memory_space<vmem>>, vector<16xi32>,
    %swap3A_87 = vector.shape_cast %swap3A_86 : vector<16xi32> to vector<16xi32>
    %swap3A_88 = vector.shape_cast %add3A_84 : vector<16xi32> to vector<16xi32>
    tpu.vector_store %arg7[%swap3A_85], %swap3A_88 {strides = array<i32>} : memref<96xi32, #tpu.memory_space<vmem>>, vector<16xi32>,
    %and3A_89 = arith.constant 16383 : i32
    %and3A_90 = vector.broadcast %and3A_89 : i32 to vector<16xi32>
    %and3A_91 = arith.andi %get3A_79, %and3A_90 : vector<16xi32>
    %swap3A_92 = arith.constant 64 : index
    %swap3A_93 = tpu.vector_load %arg8[%swap3A_92] {strides = array<i32>} : memref<96xi32, #tpu.memory_space<vmem>>, vector<16xi32>,
    %swap3A_94 = vector.shape_cast %swap3A_93 : vector<16xi32> to vector<16xi32>
    %swap3A_95 = vector.shape_cast %and3A_91 : vector<16xi32> to vector<16xi32>
    tpu.vector_store %arg8[%swap3A_92], %swap3A_95 {strides = array<i32>} : memref<96xi32, #tpu.memory_space<vmem>>, vector<16xi32>,
    %get3A_96 = arith.constant 80 : index
    %get3A_97 = tpu.vector_load %arg6[%get3A_96] {strides = array<i32>} : memref<10080xi32, #tpu.memory_space<vmem>>, vector<16xi32>,
    %get3A_98 = vector.shape_cast %get3A_97 : vector<16xi32> to vector<16xi32>
    %shift_right_arithmetic3A_99 = arith.constant 14 : i32
    %shift_right_arithmetic3A_100 = vector.broadcast %shift_right_arithmetic3A_99 : i32 to vector<16xi32>
    %shift_right_arithmetic3A_101 = arith.shrsi %get3A_98, %shift_right_arithmetic3A_100 : vector<16xi32>
    %add3A_102 = vector.broadcast %mul3A_0 : i32 to vector<16xi32>
    %add3A_103 = arith.addi %shift_right_arithmetic3A_101, %add3A_102 : vector<16xi32>
    %swap3A_104 = arith.constant 80 : index
    %swap3A_105 = tpu.vector_load %arg7[%swap3A_104] {strides = array<i32>} : memref<96xi32, #tpu.memory_space<vmem>>, vector<16xi32>,
    %swap3A_106 = vector.shape_cast %swap3A_105 : vector<16xi32> to vector<16xi32>
    %swap3A_107 = vector.shape_cast %add3A_103 : vector<16xi32> to vector<16xi32>
    tpu.vector_store %arg7[%swap3A_104], %swap3A_107 {strides = array<i32>} : memref<96xi32, #tpu.memory_space<vmem>>, vector<16xi32>,
    %and3A_108 = arith.constant 16383 : i32
    %and3A_109 = vector.broadcast %and3A_108 : i32 to vector<16xi32>
    %and3A_110 = arith.andi %get3A_98, %and3A_109 : vector<16xi32>
    %swap3A_111 = arith.constant 80 : index
    %swap3A_112 = tpu.vector_load %arg8[%swap3A_111] {strides = array<i32>} : memref<96xi32, #tpu.memory_space<vmem>>, vector<16xi32>,
    %swap3A_113 = vector.shape_cast %swap3A_112 : vector<16xi32> to vector<16xi32>
    %swap3A_114 = vector.shape_cast %and3A_110 : vector<16xi32> to vector<16xi32>
    tpu.vector_store %arg8[%swap3A_111], %swap3A_114 {strides = array<i32>} : memref<96xi32, #tpu.memory_space<vmem>>, vector<16xi32>,
    %dma_start3A = arith.constant 0 : i32
    %dma_start3A_115 = arith.constant 0 : i32
    %dma_start3A_116 = tpu.memref_slice %arg2[%dma_start3A, %dma_start3A_115] : memref<20000x128xf32, #tpu.memory_space<hbm>> -> memref<20000x128xf32, #tpu.memory_space<hbm>>
    tpu.enqueue_indirect_dma source(%dma_start3A_116 : memref<20000x128xf32, #tpu.memory_space<hbm>>) target(%arg13 : memref<96x128xf32, #tpu.memory_space<vmem>>) offsets(%arg7 : memref<96xi32, #tpu.memory_space<vmem>>) semaphore(%arg16 : memref<!tpu.dma_semaphore, #tpu.memory_space<semaphore_mem>>)
    %get3A_117 = arith.constant 96 : index
    %get3A_118 = tpu.vector_load %arg6[%get3A_117] {strides = array<i32>} : memref<10080xi32, #tpu.memory_space<vmem>>, vector<16xi32>,
    %get3A_119 = vector.shape_cast %get3A_118 : vector<16xi32> to vector<16xi32>
    %shift_right_arithmetic3A_120 = arith.constant 14 : i32
    %shift_right_arithmetic3A_121 = vector.broadcast %shift_right_arithmetic3A_120 : i32 to vector<16xi32>
    %shift_right_arithmetic3A_122 = arith.shrsi %get3A_119, %shift_right_arithmetic3A_121 : vector<16xi32>
    %add3A_123 = vector.broadcast %mul3A_0 : i32 to vector<16xi32>
    %add3A_124 = arith.addi %shift_right_arithmetic3A_122, %add3A_123 : vector<16xi32>
    %swap3A_125 = arith.constant 0 : index
    %swap3A_126 = tpu.vector_load %arg9[%swap3A_125] {strides = array<i32>} : memref<96xi32, #tpu.memory_space<vmem>>, vector<16xi32>,
    %swap3A_127 = vector.shape_cast %swap3A_126 : vector<16xi32> to vector<16xi32>
    %swap3A_128 = vector.shape_cast %add3A_124 : vector<16xi32> to vector<16xi32>
    tpu.vector_store %arg9[%swap3A_125], %swap3A_128 {strides = array<i32>} : memref<96xi32, #tpu.memory_space<vmem>>, vector<16xi32>,
    %and3A_129 = arith.constant 16383 : i32
    %and3A_130 = vector.broadcast %and3A_129 : i32 to vector<16xi32>
    %and3A_131 = arith.andi %get3A_119, %and3A_130 : vector<16xi32>
    %swap3A_132 = arith.constant 0 : index
    %swap3A_133 = tpu.vector_load %arg10[%swap3A_132] {strides = array<i32>} : memref<96xi32, #tpu.memory_space<vmem>>, vector<16xi32>,
    %swap3A_134 = vector.shape_cast %swap3A_133 : vector<16xi32> to vector<16xi32>
    %swap3A_135 = vector.shape_cast %and3A_131 : vector<16xi32> to vector<16xi32>
    tpu.vector_store %arg10[%swap3A_132], %swap3A_135 {strides = array<i32>} : memref<96xi32, #tpu.memory_space<vmem>>, vector<16xi32>,
    %get3A_136 = arith.constant 112 : index
    %get3A_137 = tpu.vector_load %arg6[%get3A_136] {strides = array<i32>} : memref<10080xi32, #tpu.memory_space<vmem>>, vector<16xi32>,
    %get3A_138 = vector.shape_cast %get3A_137 : vector<16xi32> to vector<16xi32>
    %shift_right_arithmetic3A_139 = arith.constant 14 : i32
    %shift_right_arithmetic3A_140 = vector.broadcast %shift_right_arithmetic3A_139 : i32 to vector<16xi32>
    %shift_right_arithmetic3A_141 = arith.shrsi %get3A_138, %shift_right_arithmetic3A_140 : vector<16xi32>
    %add3A_142 = vector.broadcast %mul3A_0 : i32 to vector<16xi32>
    %add3A_143 = arith.addi %shift_right_arithmetic3A_141, %add3A_142 : vector<16xi32>
    %swap3A_144 = arith.constant 16 : index
    %swap3A_145 = tpu.vector_load %arg9[%swap3A_144] {strides = array<i32>} : memref<96xi32, #tpu.memory_space<vmem>>, vector<16xi32>,
    %swap3A_146 = vector.shape_cast %swap3A_145 : vector<16xi32> to vector<16xi32>
    %swap3A_147 = vector.shape_cast %add3A_143 : vector<16xi32> to vector<16xi32>
    tpu.vector_store %arg9[%swap3A_144], %swap3A_147 {strides = array<i32>} : memref<96xi32, #tpu.memory_space<vmem>>, vector<16xi32>,
    %and3A_148 = arith.constant 16383 : i32
    %and3A_149 = vector.broadcast %and3A_148 : i32 to vector<16xi32>
    %and3A_150 = arith.andi %get3A_138, %and3A_149 : vector<16xi32>
    %swap3A_151 = arith.constant 16 : index
    %swap3A_152 = tpu.vector_load %arg10[%swap3A_151] {strides = array<i32>} : memref<96xi32, #tpu.memory_space<vmem>>, vector<16xi32>,
    %swap3A_153 = vector.shape_cast %swap3A_152 : vector<16xi32> to vector<16xi32>
    %swap3A_154 = vector.shape_cast %and3A_150 : vector<16xi32> to vector<16xi32>
    tpu.vector_store %arg10[%swap3A_151], %swap3A_154 {strides = array<i32>} : memref<96xi32, #tpu.memory_space<vmem>>, vector<16xi32>,
    %get3A_155 = arith.constant 128 : index
    %get3A_156 = tpu.vector_load %arg6[%get3A_155] {strides = array<i32>} : memref<10080xi32, #tpu.memory_space<vmem>>, vector<16xi32>,
    %get3A_157 = vector.shape_cast %get3A_156 : vector<16xi32> to vector<16xi32>
    %shift_right_arithmetic3A_158 = arith.constant 14 : i32
    %shift_right_arithmetic3A_159 = vector.broadcast %shift_right_arithmetic3A_158 : i32 to vector<16xi32>
    %shift_right_arithmetic3A_160 = arith.shrsi %get3A_157, %shift_right_arithmetic3A_159 : vector<16xi32>
    %add3A_161 = vector.broadcast %mul3A_0 : i32 to vector<16xi32>
    %add3A_162 = arith.addi %shift_right_arithmetic3A_160, %add3A_161 : vector<16xi32>
    %swap3A_163 = arith.constant 32 : index
    %swap3A_164 = tpu.vector_load %arg9[%swap3A_163] {strides = array<i32>} : memref<96xi32, #tpu.memory_space<vmem>>, vector<16xi32>,
    %swap3A_165 = vector.shape_cast %swap3A_164 : vector<16xi32> to vector<16xi32>
    %swap3A_166 = vector.shape_cast %add3A_162 : vector<16xi32> to vector<16xi32>
    tpu.vector_store %arg9[%swap3A_163], %swap3A_166 {strides = array<i32>} : memref<96xi32, #tpu.memory_space<vmem>>, vector<16xi32>,
    %and3A_167 = arith.constant 16383 : i32
    %and3A_168 = vector.broadcast %and3A_167 : i32 to vector<16xi32>
    %and3A_169 = arith.andi %get3A_157, %and3A_168 : vector<16xi32>
    %swap3A_170 = arith.constant 32 : index
    %swap3A_171 = tpu.vector_load %arg10[%swap3A_170] {strides = array<i32>} : memref<96xi32, #tpu.memory_space<vmem>>, vector<16xi32>,
    %swap3A_172 = vector.shape_cast %swap3A_171 : vector<16xi32> to vector<16xi32>
    %swap3A_173 = vector.shape_cast %and3A_169 : vector<16xi32> to vector<16xi32>
    tpu.vector_store %arg10[%swap3A_170], %swap3A_173 {strides = array<i32>} : memref<96xi32, #tpu.memory_space<vmem>>, vector<16xi32>,
    %get3A_174 = arith.constant 144 : index
    %get3A_175 = tpu.vector_load %arg6[%get3A_174] {strides = array<i32>} : memref<10080xi32, #tpu.memory_space<vmem>>, vector<16xi32>,
    %get3A_176 = vector.shape_cast %get3A_175 : vector<16xi32> to vector<16xi32>
    %shift_right_arithmetic3A_177 = arith.constant 14 : i32
    %shift_right_arithmetic3A_178 = vector.broadcast %shift_right_arithmetic3A_177 : i32 to vector<16xi32>
    %shift_right_arithmetic3A_179 = arith.shrsi %get3A_176, %shift_right_arithmetic3A_178 : vector<16xi32>
    %add3A_180 = vector.broadcast %mul3A_0 : i32 to vector<16xi32>
    %add3A_181 = arith.addi %shift_right_arithmetic3A_179, %add3A_180 : vector<16xi32>
    %swap3A_182 = arith.constant 48 : index
    %swap3A_183 = tpu.vector_load %arg9[%swap3A_182] {strides = array<i32>} : memref<96xi32, #tpu.memory_space<vmem>>, vector<16xi32>,
    %swap3A_184 = vector.shape_cast %swap3A_183 : vector<16xi32> to vector<16xi32>
    %swap3A_185 = vector.shape_cast %add3A_181 : vector<16xi32> to vector<16xi32>
    tpu.vector_store %arg9[%swap3A_182], %swap3A_185 {strides = array<i32>} : memref<96xi32, #tpu.memory_space<vmem>>, vector<16xi32>,
    %and3A_186 = arith.constant 16383 : i32
    %and3A_187 = vector.broadcast %and3A_186 : i32 to vector<16xi32>
    %and3A_188 = arith.andi %get3A_176, %and3A_187 : vector<16xi32>
    %swap3A_189 = arith.constant 48 : index
    %swap3A_190 = tpu.vector_load %arg10[%swap3A_189] {strides = array<i32>} : memref<96xi32, #tpu.memory_space<vmem>>, vector<16xi32>,
    %swap3A_191 = vector.shape_cast %swap3A_190 : vector<16xi32> to vector<16xi32>
    %swap3A_192 = vector.shape_cast %and3A_188 : vector<16xi32> to vector<16xi32>
    tpu.vector_store %arg10[%swap3A_189], %swap3A_192 {strides = array<i32>} : memref<96xi32, #tpu.memory_space<vmem>>, vector<16xi32>,
    %get3A_193 = arith.constant 160 : index
    %get3A_194 = tpu.vector_load %arg6[%get3A_193] {strides = array<i32>} : memref<10080xi32, #tpu.memory_space<vmem>>, vector<16xi32>,
    %get3A_195 = vector.shape_cast %get3A_194 : vector<16xi32> to vector<16xi32>
    %shift_right_arithmetic3A_196 = arith.constant 14 : i32
    %shift_right_arithmetic3A_197 = vector.broadcast %shift_right_arithmetic3A_196 : i32 to vector<16xi32>
    %shift_right_arithmetic3A_198 = arith.shrsi %get3A_195, %shift_right_arithmetic3A_197 : vector<16xi32>
    %add3A_199 = vector.broadcast %mul3A_0 : i32 to vector<16xi32>
    %add3A_200 = arith.addi %shift_right_arithmetic3A_198, %add3A_199 : vector<16xi32>
    %swap3A_201 = arith.constant 64 : index
    %swap3A_202 = tpu.vector_load %arg9[%swap3A_201] {strides = array<i32>} : memref<96xi32, #tpu.memory_space<vmem>>, vector<16xi32>,
    %swap3A_203 = vector.shape_cast %swap3A_202 : vector<16xi32> to vector<16xi32>
    %swap3A_204 = vector.shape_cast %add3A_200 : vector<16xi32> to vector<16xi32>
    tpu.vector_store %arg9[%swap3A_201], %swap3A_204 {strides = array<i32>} : memref<96xi32, #tpu.memory_space<vmem>>, vector<16xi32>,
    %and3A_205 = arith.constant 16383 : i32
    %and3A_206 = vector.broadcast %and3A_205 : i32 to vector<16xi32>
    %and3A_207 = arith.andi %get3A_195, %and3A_206 : vector<16xi32>
    %swap3A_208 = arith.constant 64 : index
    %swap3A_209 = tpu.vector_load %arg10[%swap3A_208] {strides = array<i32>} : memref<96xi32, #tpu.memory_space<vmem>>, vector<16xi32>,
    %swap3A_210 = vector.shape_cast %swap3A_209 : vector<16xi32> to vector<16xi32>
    %swap3A_211 = vector.shape_cast %and3A_207 : vector<16xi32> to vector<16xi32>
    tpu.vector_store %arg10[%swap3A_208], %swap3A_211 {strides = array<i32>} : memref<96xi32, #tpu.memory_space<vmem>>, vector<16xi32>,
    %get3A_212 = arith.constant 176 : index
    %get3A_213 = tpu.vector_load %arg6[%get3A_212] {strides = array<i32>} : memref<10080xi32, #tpu.memory_space<vmem>>, vector<16xi32>,
    %get3A_214 = vector.shape_cast %get3A_213 : vector<16xi32> to vector<16xi32>
    %shift_right_arithmetic3A_215 = arith.constant 14 : i32
    %shift_right_arithmetic3A_216 = vector.broadcast %shift_right_arithmetic3A_215 : i32 to vector<16xi32>
    %shift_right_arithmetic3A_217 = arith.shrsi %get3A_214, %shift_right_arithmetic3A_216 : vector<16xi32>
    %add3A_218 = vector.broadcast %mul3A_0 : i32 to vector<16xi32>
    %add3A_219 = arith.addi %shift_right_arithmetic3A_217, %add3A_218 : vector<16xi32>
    %swap3A_220 = arith.constant 80 : index
    %swap3A_221 = tpu.vector_load %arg9[%swap3A_220] {strides = array<i32>} : memref<96xi32, #tpu.memory_space<vmem>>, vector<16xi32>,
    %swap3A_222 = vector.shape_cast %swap3A_221 : vector<16xi32> to vector<16xi32>
    %swap3A_223 = vector.shape_cast %add3A_219 : vector<16xi32> to vector<16xi32>
    tpu.vector_store %arg9[%swap3A_220], %swap3A_223 {strides = array<i32>} : memref<96xi32, #tpu.memory_space<vmem>>, vector<16xi32>,
    %and3A_224 = arith.constant 16383 : i32
    %and3A_225 = vector.broadcast %and3A_224 : i32 to vector<16xi32>
    %and3A_226 = arith.andi %get3A_214, %and3A_225 : vector<16xi32>
    %swap3A_227 = arith.constant 80 : index
    %swap3A_228 = tpu.vector_load %arg10[%swap3A_227] {strides = array<i32>} : memref<96xi32, #tpu.memory_space<vmem>>, vector<16xi32>,
    %swap3A_229 = vector.shape_cast %swap3A_228 : vector<16xi32> to vector<16xi32>
    %swap3A_230 = vector.shape_cast %and3A_226 : vector<16xi32> to vector<16xi32>
    tpu.vector_store %arg10[%swap3A_227], %swap3A_230 {strides = array<i32>} : memref<96xi32, #tpu.memory_space<vmem>>, vector<16xi32>,
    %dma_start3A_231 = arith.constant 0 : i32
    %dma_start3A_232 = arith.constant 0 : i32
    %dma_start3A_233 = tpu.memref_slice %arg2[%dma_start3A_231, %dma_start3A_232] : memref<20000x128xf32, #tpu.memory_space<hbm>> -> memref<20000x128xf32, #tpu.memory_space<hbm>>
    tpu.enqueue_indirect_dma source(%dma_start3A_233 : memref<20000x128xf32, #tpu.memory_space<hbm>>) target(%arg14 : memref<96x128xf32, #tpu.memory_space<vmem>>) offsets(%arg9 : memref<96xi32, #tpu.memory_space<vmem>>) semaphore(%arg17 : memref<!tpu.dma_semaphore, #tpu.memory_space<semaphore_mem>>)
    %dma_wait3A = arith.constant 0 : i32
    %dma_wait3A_234 = arith.constant 0 : i32
    %dma_wait3A_235 = tpu.memref_slice %arg2[%dma_wait3A, %dma_wait3A_234] : memref<20000x128xf32, #tpu.memory_space<hbm>> -> memref<20000x128xf32, #tpu.memory_space<hbm>>
    tpu.wait_indirect_dma semaphore(%arg16 : memref<!tpu.dma_semaphore, #tpu.memory_space<semaphore_mem>>) src(%dma_wait3A_235 : memref<20000x128xf32, #tpu.memory_space<hbm>>) dst(%arg13 : memref<96x128xf32, #tpu.memory_space<vmem>>)
    %dma_start3A_236 = arith.constant 0 : i32
    %dma_start3A_237 = arith.constant 0 : i32
    %dma_start3A_238 = tpu.memref_slice %arg5[%dma_start3A_236, %dma_start3A_237] : memref<10016x128xf32, #tpu.memory_space<vmem_shared>> -> memref<10016x128xf32, #tpu.memory_space<vmem_shared>>
    tpu.enqueue_indirect_dma source(%arg13 : memref<96x128xf32, #tpu.memory_space<vmem>>) target(%dma_start3A_238 : memref<10016x128xf32, #tpu.memory_space<vmem_shared>>) offsets(%arg8 : memref<96xi32, #tpu.memory_space<vmem>>) semaphore(%arg19 : memref<!tpu.dma_semaphore, #tpu.memory_space<semaphore_mem>>) {add = true}
    %get3A_239 = arith.constant 192 : index
    %get3A_240 = tpu.vector_load %arg6[%get3A_239] {strides = array<i32>} : memref<10080xi32, #tpu.memory_space<vmem>>, vector<16xi32>,
    %get3A_241 = vector.shape_cast %get3A_240 : vector<16xi32> to vector<16xi32>
    %shift_right_arithmetic3A_242 = arith.constant 14 : i32
    %shift_right_arithmetic3A_243 = vector.broadcast %shift_right_arithmetic3A_242 : i32 to vector<16xi32>
    %shift_right_arithmetic3A_244 = arith.shrsi %get3A_241, %shift_right_arithmetic3A_243 : vector<16xi32>
    %add3A_245 = vector.broadcast %mul3A_0 : i32 to vector<16xi32>
    %add3A_246 = arith.addi %shift_right_arithmetic3A_244, %add3A_245 : vector<16xi32>
    %swap3A_247 = arith.constant 0 : index
    %swap3A_248 = tpu.vector_load %arg11[%swap3A_247] {strides = array<i32>} : memref<96xi32, #tpu.memory_space<vmem>>, vector<16xi32>,
    %swap3A_249 = vector.shape_cast %swap3A_248 : vector<16xi32> to vector<16xi32>
    %swap3A_250 = vector.shape_cast %add3A_246 : vector<16xi32> to vector<16xi32>
    tpu.vector_store %arg11[%swap3A_247], %swap3A_250 {strides = array<i32>} : memref<96xi32, #tpu.memory_space<vmem>>, vector<16xi32>,
    %and3A_251 = arith.constant 16383 : i32
    %and3A_252 = vector.broadcast %and3A_251 : i32 to vector<16xi32>
    %and3A_253 = arith.andi %get3A_241, %and3A_252 : vector<16xi32>
    %swap3A_254 = arith.constant 0 : index
    %swap3A_255 = tpu.vector_load %arg12[%swap3A_254] {strides = array<i32>} : memref<96xi32, #tpu.memory_space<vmem>>, vector<16xi32>,
    %swap3A_256 = vector.shape_cast %swap3A_255 : vector<16xi32> to vector<16xi32>
    %swap3A_257 = vector.shape_cast %and3A_253 : vector<16xi32> to vector<16xi32>
    tpu.vector_store %arg12[%swap3A_254], %swap3A_257 {strides = array<i32>} : memref<96xi32, #tpu.memory_space<vmem>>, vector<16xi32>,
    %get3A_258 = arith.constant 208 : index
    %get3A_259 = tpu.vector_load %arg6[%get3A_258] {strides = array<i32>} : memref<10080xi32, #tpu.memory_space<vmem>>, vector<16xi32>,
    %get3A_260 = vector.shape_cast %get3A_259 : vector<16xi32> to vector<16xi32>
    %shift_right_arithmetic3A_261 = arith.constant 14 : i32
    %shift_right_arithmetic3A_262 = vector.broadcast %shift_right_arithmetic3A_261 : i32 to vector<16xi32>
    %shift_right_arithmetic3A_263 = arith.shrsi %get3A_260, %shift_right_arithmetic3A_262 : vector<16xi32>
    %add3A_264 = vector.broadcast %mul3A_0 : i32 to vector<16xi32>
    %add3A_265 = arith.addi %shift_right_arithmetic3A_263, %add3A_264 : vector<16xi32>
    %swap3A_266 = arith.constant 16 : index
    %swap3A_267 = tpu.vector_load %arg11[%swap3A_266] {strides = array<i32>} : memref<96xi32, #tpu.memory_space<vmem>>, vector<16xi32>,
    %swap3A_268 = vector.shape_cast %swap3A_267 : vector<16xi32> to vector<16xi32>
    %swap3A_269 = vector.shape_cast %add3A_265 : vector<16xi32> to vector<16xi32>
    tpu.vector_store %arg11[%swap3A_266], %swap3A_269 {strides = array<i32>} : memref<96xi32, #tpu.memory_space<vmem>>, vector<16xi32>,
    %and3A_270 = arith.constant 16383 : i32
    %and3A_271 = vector.broadcast %and3A_270 : i32 to vector<16xi32>
    %and3A_272 = arith.andi %get3A_260, %and3A_271 : vector<16xi32>
    %swap3A_273 = arith.constant 16 : index
    %swap3A_274 = tpu.vector_load %arg12[%swap3A_273] {strides = array<i32>} : memref<96xi32, #tpu.memory_space<vmem>>, vector<16xi32>,
    %swap3A_275 = vector.shape_cast %swap3A_274 : vector<16xi32> to vector<16xi32>
    %swap3A_276 = vector.shape_cast %and3A_272 : vector<16xi32> to vector<16xi32>
    tpu.vector_store %arg12[%swap3A_273], %swap3A_276 {strides = array<i32>} : memref<96xi32, #tpu.memory_space<vmem>>, vector<16xi32>,
    %get3A_277 = arith.constant 224 : index
    %get3A_278 = tpu.vector_load %arg6[%get3A_277] {strides = array<i32>} : memref<10080xi32, #tpu.memory_space<vmem>>, vector<16xi32>,
    %get3A_279 = vector.shape_cast %get3A_278 : vector<16xi32> to vector<16xi32>
    %shift_right_arithmetic3A_280 = arith.constant 14 : i32
    %shift_right_arithmetic3A_281 = vector.broadcast %shift_right_arithmetic3A_280 : i32 to vector<16xi32>
    %shift_right_arithmetic3A_282 = arith.shrsi %get3A_279, %shift_right_arithmetic3A_281 : vector<16xi32>
    %add3A_283 = vector.broadcast %mul3A_0 : i32 to vector<16xi32>
    %add3A_284 = arith.addi %shift_right_arithmetic3A_282, %add3A_283 : vector<16xi32>
    %swap3A_285 = arith.constant 32 : index
    %swap3A_286 = tpu.vector_load %arg11[%swap3A_285] {strides = array<i32>} : memref<96xi32, #tpu.memory_space<vmem>>, vector<16xi32>,
    %swap3A_287 = vector.shape_cast %swap3A_286 : vector<16xi32> to vector<16xi32>
    %swap3A_288 = vector.shape_cast %add3A_284 : vector<16xi32> to vector<16xi32>
    tpu.vector_store %arg11[%swap3A_285], %swap3A_288 {strides = array<i32>} : memref<96xi32, #tpu.memory_space<vmem>>, vector<16xi32>,
    %and3A_289 = arith.constant 16383 : i32
    %and3A_290 = vector.broadcast %and3A_289 : i32 to vector<16xi32>
    %and3A_291 = arith.andi %get3A_279, %and3A_290 : vector<16xi32>
    %swap3A_292 = arith.constant 32 : index
    %swap3A_293 = tpu.vector_load %arg12[%swap3A_292] {strides = array<i32>} : memref<96xi32, #tpu.memory_space<vmem>>, vector<16xi32>,
    %swap3A_294 = vector.shape_cast %swap3A_293 : vector<16xi32> to vector<16xi32>
    %swap3A_295 = vector.shape_cast %and3A_291 : vector<16xi32> to vector<16xi32>
    tpu.vector_store %arg12[%swap3A_292], %swap3A_295 {strides = array<i32>} : memref<96xi32, #tpu.memory_space<vmem>>, vector<16xi32>,
    %get3A_296 = arith.constant 240 : index
    %get3A_297 = tpu.vector_load %arg6[%get3A_296] {strides = array<i32>} : memref<10080xi32, #tpu.memory_space<vmem>>, vector<16xi32>,
    %get3A_298 = vector.shape_cast %get3A_297 : vector<16xi32> to vector<16xi32>
    %shift_right_arithmetic3A_299 = arith.constant 14 : i32
    %shift_right_arithmetic3A_300 = vector.broadcast %shift_right_arithmetic3A_299 : i32 to vector<16xi32>
    %shift_right_arithmetic3A_301 = arith.shrsi %get3A_298, %shift_right_arithmetic3A_300 : vector<16xi32>
    %add3A_302 = vector.broadcast %mul3A_0 : i32 to vector<16xi32>
    %add3A_303 = arith.addi %shift_right_arithmetic3A_301, %add3A_302 : vector<16xi32>
    %swap3A_304 = arith.constant 48 : index
    %swap3A_305 = tpu.vector_load %arg11[%swap3A_304] {strides = array<i32>} : memref<96xi32, #tpu.memory_space<vmem>>, vector<16xi32>,
    %swap3A_306 = vector.shape_cast %swap3A_305 : vector<16xi32> to vector<16xi32>
    %swap3A_307 = vector.shape_cast %add3A_303 : vector<16xi32> to vector<16xi32>
    tpu.vector_store %arg11[%swap3A_304], %swap3A_307 {strides = array<i32>} : memref<96xi32, #tpu.memory_space<vmem>>, vector<16xi32>,
    %and3A_308 = arith.constant 16383 : i32
    %and3A_309 = vector.broadcast %and3A_308 : i32 to vector<16xi32>
    %and3A_310 = arith.andi %get3A_298, %and3A_309 : vector<16xi32>
    %swap3A_311 = arith.constant 48 : index
    %swap3A_312 = tpu.vector_load %arg12[%swap3A_311] {strides = array<i32>} : memref<96xi32, #tpu.memory_space<vmem>>, vector<16xi32>,
    %swap3A_313 = vector.shape_cast %swap3A_312 : vector<16xi32> to vector<16xi32>
    %swap3A_314 = vector.shape_cast %and3A_310 : vector<16xi32> to vector<16xi32>
    tpu.vector_store %arg12[%swap3A_311], %swap3A_314 {strides = array<i32>} : memref<96xi32, #tpu.memory_space<vmem>>, vector<16xi32>,
    %get3A_315 = arith.constant 256 : index
    %get3A_316 = tpu.vector_load %arg6[%get3A_315] {strides = array<i32>} : memref<10080xi32, #tpu.memory_space<vmem>>, vector<16xi32>,
    %get3A_317 = vector.shape_cast %get3A_316 : vector<16xi32> to vector<16xi32>
    %shift_right_arithmetic3A_318 = arith.constant 14 : i32
    %shift_right_arithmetic3A_319 = vector.broadcast %shift_right_arithmetic3A_318 : i32 to vector<16xi32>
    %shift_right_arithmetic3A_320 = arith.shrsi %get3A_317, %shift_right_arithmetic3A_319 : vector<16xi32>
    %add3A_321 = vector.broadcast %mul3A_0 : i32 to vector<16xi32>
    %add3A_322 = arith.addi %shift_right_arithmetic3A_320, %add3A_321 : vector<16xi32>
    %swap3A_323 = arith.constant 64 : index
    %swap3A_324 = tpu.vector_load %arg11[%swap3A_323] {strides = array<i32>} : memref<96xi32, #tpu.memory_space<vmem>>, vector<16xi32>,
    %swap3A_325 = vector.shape_cast %swap3A_324 : vector<16xi32> to vector<16xi32>
    %swap3A_326 = vector.shape_cast %add3A_322 : vector<16xi32> to vector<16xi32>
    tpu.vector_store %arg11[%swap3A_323], %swap3A_326 {strides = array<i32>} : memref<96xi32, #tpu.memory_space<vmem>>, vector<16xi32>,
    %and3A_327 = arith.constant 16383 : i32
    %and3A_328 = vector.broadcast %and3A_327 : i32 to vector<16xi32>
    %and3A_329 = arith.andi %get3A_317, %and3A_328 : vector<16xi32>
    %swap3A_330 = arith.constant 64 : index
    %swap3A_331 = tpu.vector_load %arg12[%swap3A_330] {strides = array<i32>} : memref<96xi32, #tpu.memory_space<vmem>>, vector<16xi32>,
    %swap3A_332 = vector.shape_cast %swap3A_331 : vector<16xi32> to vector<16xi32>
    %swap3A_333 = vector.shape_cast %and3A_329 : vector<16xi32> to vector<16xi32>
    tpu.vector_store %arg12[%swap3A_330], %swap3A_333 {strides = array<i32>} : memref<96xi32, #tpu.memory_space<vmem>>, vector<16xi32>,
    %get3A_334 = arith.constant 272 : index
    %get3A_335 = tpu.vector_load %arg6[%get3A_334] {strides = array<i32>} : memref<10080xi32, #tpu.memory_space<vmem>>, vector<16xi32>,
    %get3A_336 = vector.shape_cast %get3A_335 : vector<16xi32> to vector<16xi32>
    %shift_right_arithmetic3A_337 = arith.constant 14 : i32
    %shift_right_arithmetic3A_338 = vector.broadcast %shift_right_arithmetic3A_337 : i32 to vector<16xi32>
    %shift_right_arithmetic3A_339 = arith.shrsi %get3A_336, %shift_right_arithmetic3A_338 : vector<16xi32>
    %add3A_340 = vector.broadcast %mul3A_0 : i32 to vector<16xi32>
    %add3A_341 = arith.addi %shift_right_arithmetic3A_339, %add3A_340 : vector<16xi32>
    %swap3A_342 = arith.constant 80 : index
    %swap3A_343 = tpu.vector_load %arg11[%swap3A_342] {strides = array<i32>} : memref<96xi32, #tpu.memory_space<vmem>>, vector<16xi32>,
    %swap3A_344 = vector.shape_cast %swap3A_343 : vector<16xi32> to vector<16xi32>
    %swap3A_345 = vector.shape_cast %add3A_341 : vector<16xi32> to vector<16xi32>
    tpu.vector_store %arg11[%swap3A_342], %swap3A_345 {strides = array<i32>} : memref<96xi32, #tpu.memory_space<vmem>>, vector<16xi32>,
    %and3A_346 = arith.constant 16383 : i32
    %and3A_347 = vector.broadcast %and3A_346 : i32 to vector<16xi32>
    %and3A_348 = arith.andi %get3A_336, %and3A_347 : vector<16xi32>
    %swap3A_349 = arith.constant 80 : index
    %swap3A_350 = tpu.vector_load %arg12[%swap3A_349] {strides = array<i32>} : memref<96xi32, #tpu.memory_space<vmem>>, vector<16xi32>,
    %swap3A_351 = vector.shape_cast %swap3A_350 : vector<16xi32> to vector<16xi32>
    %swap3A_352 = vector.shape_cast %and3A_348 : vector<16xi32> to vector<16xi32>
    tpu.vector_store %arg12[%swap3A_349], %swap3A_352 {strides = array<i32>} : memref<96xi32, #tpu.memory_space<vmem>>, vector<16xi32>,
    %dma_start3A_353 = arith.constant 0 : i32
    %dma_start3A_354 = arith.constant 0 : i32
    %dma_start3A_355 = tpu.memref_slice %arg2[%dma_start3A_353, %dma_start3A_354] : memref<20000x128xf32, #tpu.memory_space<hbm>> -> memref<20000x128xf32, #tpu.memory_space<hbm>>
    tpu.enqueue_indirect_dma source(%dma_start3A_355 : memref<20000x128xf32, #tpu.memory_space<hbm>>) target(%arg15 : memref<96x128xf32, #tpu.memory_space<vmem>>) offsets(%arg11 : memref<96xi32, #tpu.memory_space<vmem>>) semaphore(%arg18 : memref<!tpu.dma_semaphore, #tpu.memory_space<semaphore_mem>>)
    %scan3A = arith.constant 0 : i32
    %scan3A_356 = arith.constant 34 : i32
    %scan3A_357 = arith.addi %scan3A, %scan3A_356 : i32
    %scan3A_358 = arith.constant 1 : i32
    scf.for %scan3A_388 = %scan3A to %scan3A_357 step %scan3A_358  : i32 {
      %mul3A_389 = arith.constant 3 : i32
      %mul3A_390 = arith.muli %scan3A_388, %mul3A_389 : i32
      %add3A_391 = arith.constant 1 : i32
      %add3A_392 = arith.addi %add3A_391, %mul3A_390 : i32
      %add3A_393 = arith.constant 0 : i32
      %add3A_394 = arith.addi %add3A_392, %add3A_393 : i32
      %dma_wait3A_395 = arith.constant 0 : i32
      %dma_wait3A_396 = arith.constant 0 : i32
      %dma_wait3A_397 = tpu.memref_slice %arg2[%dma_wait3A_395, %dma_wait3A_396] : memref<20000x128xf32, #tpu.memory_space<hbm>> -> memref<20000x128xf32, #tpu.memory_space<hbm>>
      tpu.wait_indirect_dma semaphore(%arg17 : memref<!tpu.dma_semaphore, #tpu.memory_space<semaphore_mem>>) src(%dma_wait3A_397 : memref<20000x128xf32, #tpu.memory_space<hbm>>) dst(%arg14 : memref<96x128xf32, #tpu.memory_space<vmem>>)
      %dma_start3A_398 = arith.constant 0 : i32
      %dma_start3A_399 = arith.constant 0 : i32
      %dma_start3A_400 = tpu.memref_slice %arg5[%dma_start3A_398, %dma_start3A_399] : memref<10016x128xf32, #tpu.memory_space<vmem_shared>> -> memref<10016x128xf32, #tpu.memory_space<vmem_shared>>
      tpu.enqueue_indirect_dma source(%arg14 : memref<96x128xf32, #tpu.memory_space<vmem>>) target(%dma_start3A_400 : memref<10016x128xf32, #tpu.memory_space<vmem_shared>>) offsets(%arg10 : memref<96xi32, #tpu.memory_space<vmem>>) semaphore(%arg20 : memref<!tpu.dma_semaphore, #tpu.memory_space<semaphore_mem>>) {add = true}
      %dma_wait3A_401 = arith.constant 0 : i32
      %dma_wait3A_402 = arith.constant 0 : i32
      %dma_wait3A_403 = tpu.memref_slice %arg5[%dma_wait3A_401, %dma_wait3A_402] : memref<10016x128xf32, #tpu.memory_space<vmem_shared>> -> memref<10016x128xf32, #tpu.memory_space<vmem_shared>>
      tpu.wait_indirect_dma semaphore(%arg19 : memref<!tpu.dma_semaphore, #tpu.memory_space<semaphore_mem>>) src(%arg13 : memref<96x128xf32, #tpu.memory_space<vmem>>) dst(%dma_wait3A_403 : memref<10016x128xf32, #tpu.memory_space<vmem_shared>>)
      %add3A_404 = arith.constant 3 : i32
      %add3A_405 = arith.addi %add3A_394, %add3A_404 : i32
      %sub3A = arith.constant 1 : i32
      %sub3A_406 = arith.subi %add3A_405, %sub3A : i32
      %mul3A_407 = arith.constant 96 : i32
      %mul3A_408 = arith.muli %sub3A_406, %mul3A_407 : i32
      %add3A_409 = arith.constant 0 : i32
      %add3A_410 = arith.addi %mul3A_408, %add3A_409 : i32
      %get3A_411 = arith.index_cast %add3A_410 : i32 to index
      %get3A_412 = tpu.vector_load %arg6[%get3A_411] {strides = array<i32>} : memref<10080xi32, #tpu.memory_space<vmem>>, vector<16xi32>,
      %get3A_413 = vector.shape_cast %get3A_412 : vector<16xi32> to vector<16xi32>
      %shift_right_arithmetic3A_414 = arith.constant 14 : i32
      %shift_right_arithmetic3A_415 = vector.broadcast %shift_right_arithmetic3A_414 : i32 to vector<16xi32>
      %shift_right_arithmetic3A_416 = arith.shrsi %get3A_413, %shift_right_arithmetic3A_415 : vector<16xi32>
      %add3A_417 = vector.broadcast %mul3A_0 : i32 to vector<16xi32>
      %add3A_418 = arith.addi %shift_right_arithmetic3A_416, %add3A_417 : vector<16xi32>
      %swap3A_419 = arith.constant 0 : index
      %swap3A_420 = tpu.vector_load %arg7[%swap3A_419] {strides = array<i32>} : memref<96xi32, #tpu.memory_space<vmem>>, vector<16xi32>,
      %swap3A_421 = vector.shape_cast %swap3A_420 : vector<16xi32> to vector<16xi32>
      %swap3A_422 = vector.shape_cast %add3A_418 : vector<16xi32> to vector<16xi32>
      tpu.vector_store %arg7[%swap3A_419], %swap3A_422 {strides = array<i32>} : memref<96xi32, #tpu.memory_space<vmem>>, vector<16xi32>,
      %and3A_423 = arith.constant 16383 : i32
      %and3A_424 = vector.broadcast %and3A_423 : i32 to vector<16xi32>
      %and3A_425 = arith.andi %get3A_413, %and3A_424 : vector<16xi32>
      %swap3A_426 = arith.constant 0 : index
      %swap3A_427 = tpu.vector_load %arg8[%swap3A_426] {strides = array<i32>} : memref<96xi32, #tpu.memory_space<vmem>>, vector<16xi32>,
      %swap3A_428 = vector.shape_cast %swap3A_427 : vector<16xi32> to vector<16xi32>
      %swap3A_429 = vector.shape_cast %and3A_425 : vector<16xi32> to vector<16xi32>
      tpu.vector_store %arg8[%swap3A_426], %swap3A_429 {strides = array<i32>} : memref<96xi32, #tpu.memory_space<vmem>>, vector<16xi32>,
      %mul3A_430 = arith.constant 96 : i32
      %mul3A_431 = arith.muli %sub3A_406, %mul3A_430 : i32
      %add3A_432 = arith.constant 16 : i32
      %add3A_433 = arith.addi %mul3A_431, %add3A_432 : i32
      %get3A_434 = arith.index_cast %add3A_433 : i32 to index
      %get3A_435 = tpu.vector_load %arg6[%get3A_434] {strides = array<i32>} : memref<10080xi32, #tpu.memory_space<vmem>>, vector<16xi32>,
      %get3A_436 = vector.shape_cast %get3A_435 : vector<16xi32> to vector<16xi32>
      %shift_right_arithmetic3A_437 = arith.constant 14 : i32
      %shift_right_arithmetic3A_438 = vector.broadcast %shift_right_arithmetic3A_437 : i32 to vector<16xi32>
      %shift_right_arithmetic3A_439 = arith.shrsi %get3A_436, %shift_right_arithmetic3A_438 : vector<16xi32>
      %add3A_440 = vector.broadcast %mul3A_0 : i32 to vector<16xi32>
      %add3A_441 = arith.addi %shift_right_arithmetic3A_439, %add3A_440 : vector<16xi32>
      %swap3A_442 = arith.constant 16 : index
      %swap3A_443 = tpu.vector_load %arg7[%swap3A_442] {strides = array<i32>} : memref<96xi32, #tpu.memory_space<vmem>>, vector<16xi32>,
      %swap3A_444 = vector.shape_cast %swap3A_443 : vector<16xi32> to vector<16xi32>
      %swap3A_445 = vector.shape_cast %add3A_441 : vector<16xi32> to vector<16xi32>
      tpu.vector_store %arg7[%swap3A_442], %swap3A_445 {strides = array<i32>} : memref<96xi32, #tpu.memory_space<vmem>>, vector<16xi32>,
      %and3A_446 = arith.constant 16383 : i32
      %and3A_447 = vector.broadcast %and3A_446 : i32 to vector<16xi32>
      %and3A_448 = arith.andi %get3A_436, %and3A_447 : vector<16xi32>
      %swap3A_449 = arith.constant 16 : index
      %swap3A_450 = tpu.vector_load %arg8[%swap3A_449] {strides = array<i32>} : memref<96xi32, #tpu.memory_space<vmem>>, vector<16xi32>,
      %swap3A_451 = vector.shape_cast %swap3A_450 : vector<16xi32> to vector<16xi32>
      %swap3A_452 = vector.shape_cast %and3A_448 : vector<16xi32> to vector<16xi32>
      tpu.vector_store %arg8[%swap3A_449], %swap3A_452 {strides = array<i32>} : memref<96xi32, #tpu.memory_space<vmem>>, vector<16xi32>,
      %mul3A_453 = arith.constant 96 : i32
      %mul3A_454 = arith.muli %sub3A_406, %mul3A_453 : i32
      %add3A_455 = arith.constant 32 : i32
      %add3A_456 = arith.addi %mul3A_454, %add3A_455 : i32
      %get3A_457 = arith.index_cast %add3A_456 : i32 to index
      %get3A_458 = tpu.vector_load %arg6[%get3A_457] {strides = array<i32>} : memref<10080xi32, #tpu.memory_space<vmem>>, vector<16xi32>,
      %get3A_459 = vector.shape_cast %get3A_458 : vector<16xi32> to vector<16xi32>
      %shift_right_arithmetic3A_460 = arith.constant 14 : i32
      %shift_right_arithmetic3A_461 = vector.broadcast %shift_right_arithmetic3A_460 : i32 to vector<16xi32>
      %shift_right_arithmetic3A_462 = arith.shrsi %get3A_459, %shift_right_arithmetic3A_461 : vector<16xi32>
      %add3A_463 = vector.broadcast %mul3A_0 : i32 to vector<16xi32>
      %add3A_464 = arith.addi %shift_right_arithmetic3A_462, %add3A_463 : vector<16xi32>
      %swap3A_465 = arith.constant 32 : index
      %swap3A_466 = tpu.vector_load %arg7[%swap3A_465] {strides = array<i32>} : memref<96xi32, #tpu.memory_space<vmem>>, vector<16xi32>,
      %swap3A_467 = vector.shape_cast %swap3A_466 : vector<16xi32> to vector<16xi32>
      %swap3A_468 = vector.shape_cast %add3A_464 : vector<16xi32> to vector<16xi32>
      tpu.vector_store %arg7[%swap3A_465], %swap3A_468 {strides = array<i32>} : memref<96xi32, #tpu.memory_space<vmem>>, vector<16xi32>,
      %and3A_469 = arith.constant 16383 : i32
      %and3A_470 = vector.broadcast %and3A_469 : i32 to vector<16xi32>
      %and3A_471 = arith.andi %get3A_459, %and3A_470 : vector<16xi32>
      %swap3A_472 = arith.constant 32 : index
      %swap3A_473 = tpu.vector_load %arg8[%swap3A_472] {strides = array<i32>} : memref<96xi32, #tpu.memory_space<vmem>>, vector<16xi32>,
      %swap3A_474 = vector.shape_cast %swap3A_473 : vector<16xi32> to vector<16xi32>
      %swap3A_475 = vector.shape_cast %and3A_471 : vector<16xi32> to vector<16xi32>
      tpu.vector_store %arg8[%swap3A_472], %swap3A_475 {strides = array<i32>} : memref<96xi32, #tpu.memory_space<vmem>>, vector<16xi32>,
      %mul3A_476 = arith.constant 96 : i32
      %mul3A_477 = arith.muli %sub3A_406, %mul3A_476 : i32
      %add3A_478 = arith.constant 48 : i32
      %add3A_479 = arith.addi %mul3A_477, %add3A_478 : i32
      %get3A_480 = arith.index_cast %add3A_479 : i32 to index
      %get3A_481 = tpu.vector_load %arg6[%get3A_480] {strides = array<i32>} : memref<10080xi32, #tpu.memory_space<vmem>>, vector<16xi32>,
      %get3A_482 = vector.shape_cast %get3A_481 : vector<16xi32> to vector<16xi32>
      %shift_right_arithmetic3A_483 = arith.constant 14 : i32
      %shift_right_arithmetic3A_484 = vector.broadcast %shift_right_arithmetic3A_483 : i32 to vector<16xi32>
      %shift_right_arithmetic3A_485 = arith.shrsi %get3A_482, %shift_right_arithmetic3A_484 : vector<16xi32>
      %add3A_486 = vector.broadcast %mul3A_0 : i32 to vector<16xi32>
      %add3A_487 = arith.addi %shift_right_arithmetic3A_485, %add3A_486 : vector<16xi32>
      %swap3A_488 = arith.constant 48 : index
      %swap3A_489 = tpu.vector_load %arg7[%swap3A_488] {strides = array<i32>} : memref<96xi32, #tpu.memory_space<vmem>>, vector<16xi32>,
      %swap3A_490 = vector.shape_cast %swap3A_489 : vector<16xi32> to vector<16xi32>
      %swap3A_491 = vector.shape_cast %add3A_487 : vector<16xi32> to vector<16xi32>
      tpu.vector_store %arg7[%swap3A_488], %swap3A_491 {strides = array<i32>} : memref<96xi32, #tpu.memory_space<vmem>>, vector<16xi32>,
      %and3A_492 = arith.constant 16383 : i32
      %and3A_493 = vector.broadcast %and3A_492 : i32 to vector<16xi32>
      %and3A_494 = arith.andi %get3A_482, %and3A_493 : vector<16xi32>
      %swap3A_495 = arith.constant 48 : index
      %swap3A_496 = tpu.vector_load %arg8[%swap3A_495] {strides = array<i32>} : memref<96xi32, #tpu.memory_space<vmem>>, vector<16xi32>,
      %swap3A_497 = vector.shape_cast %swap3A_496 : vector<16xi32> to vector<16xi32>
      %swap3A_498 = vector.shape_cast %and3A_494 : vector<16xi32> to vector<16xi32>
      tpu.vector_store %arg8[%swap3A_495], %swap3A_498 {strides = array<i32>} : memref<96xi32, #tpu.memory_space<vmem>>, vector<16xi32>,
      %mul3A_499 = arith.constant 96 : i32
      %mul3A_500 = arith.muli %sub3A_406, %mul3A_499 : i32
      %add3A_501 = arith.constant 64 : i32
      %add3A_502 = arith.addi %mul3A_500, %add3A_501 : i32
      %get3A_503 = arith.index_cast %add3A_502 : i32 to index
      %get3A_504 = tpu.vector_load %arg6[%get3A_503] {strides = array<i32>} : memref<10080xi32, #tpu.memory_space<vmem>>, vector<16xi32>,
      %get3A_505 = vector.shape_cast %get3A_504 : vector<16xi32> to vector<16xi32>
      %shift_right_arithmetic3A_506 = arith.constant 14 : i32
      %shift_right_arithmetic3A_507 = vector.broadcast %shift_right_arithmetic3A_506 : i32 to vector<16xi32>
      %shift_right_arithmetic3A_508 = arith.shrsi %get3A_505, %shift_right_arithmetic3A_507 : vector<16xi32>
      %add3A_509 = vector.broadcast %mul3A_0 : i32 to vector<16xi32>
      %add3A_510 = arith.addi %shift_right_arithmetic3A_508, %add3A_509 : vector<16xi32>
      %swap3A_511 = arith.constant 64 : index
      %swap3A_512 = tpu.vector_load %arg7[%swap3A_511] {strides = array<i32>} : memref<96xi32, #tpu.memory_space<vmem>>, vector<16xi32>,
      %swap3A_513 = vector.shape_cast %swap3A_512 : vector<16xi32> to vector<16xi32>
      %swap3A_514 = vector.shape_cast %add3A_510 : vector<16xi32> to vector<16xi32>
      tpu.vector_store %arg7[%swap3A_511], %swap3A_514 {strides = array<i32>} : memref<96xi32, #tpu.memory_space<vmem>>, vector<16xi32>,
      %and3A_515 = arith.constant 16383 : i32
      %and3A_516 = vector.broadcast %and3A_515 : i32 to vector<16xi32>
      %and3A_517 = arith.andi %get3A_505, %and3A_516 : vector<16xi32>
      %swap3A_518 = arith.constant 64 : index
      %swap3A_519 = tpu.vector_load %arg8[%swap3A_518] {strides = array<i32>} : memref<96xi32, #tpu.memory_space<vmem>>, vector<16xi32>,
      %swap3A_520 = vector.shape_cast %swap3A_519 : vector<16xi32> to vector<16xi32>
      %swap3A_521 = vector.shape_cast %and3A_517 : vector<16xi32> to vector<16xi32>
      tpu.vector_store %arg8[%swap3A_518], %swap3A_521 {strides = array<i32>} : memref<96xi32, #tpu.memory_space<vmem>>, vector<16xi32>,
      %mul3A_522 = arith.constant 96 : i32
      %mul3A_523 = arith.muli %sub3A_406, %mul3A_522 : i32
      %add3A_524 = arith.constant 80 : i32
      %add3A_525 = arith.addi %mul3A_523, %add3A_524 : i32
      %get3A_526 = arith.index_cast %add3A_525 : i32 to index
      %get3A_527 = tpu.vector_load %arg6[%get3A_526] {strides = array<i32>} : memref<10080xi32, #tpu.memory_space<vmem>>, vector<16xi32>,
      %get3A_528 = vector.shape_cast %get3A_527 : vector<16xi32> to vector<16xi32>
      %shift_right_arithmetic3A_529 = arith.constant 14 : i32
      %shift_right_arithmetic3A_530 = vector.broadcast %shift_right_arithmetic3A_529 : i32 to vector<16xi32>
      %shift_right_arithmetic3A_531 = arith.shrsi %get3A_528, %shift_right_arithmetic3A_530 : vector<16xi32>
      %add3A_532 = vector.broadcast %mul3A_0 : i32 to vector<16xi32>
      %add3A_533 = arith.addi %shift_right_arithmetic3A_531, %add3A_532 : vector<16xi32>
      %swap3A_534 = arith.constant 80 : index
      %swap3A_535 = tpu.vector_load %arg7[%swap3A_534] {strides = array<i32>} : memref<96xi32, #tpu.memory_space<vmem>>, vector<16xi32>,
      %swap3A_536 = vector.shape_cast %swap3A_535 : vector<16xi32> to vector<16xi32>
      %swap3A_537 = vector.shape_cast %add3A_533 : vector<16xi32> to vector<16xi32>
      tpu.vector_store %arg7[%swap3A_534], %swap3A_537 {strides = array<i32>} : memref<96xi32, #tpu.memory_space<vmem>>, vector<16xi32>,
      %and3A_538 = arith.constant 16383 : i32
      %and3A_539 = vector.broadcast %and3A_538 : i32 to vector<16xi32>
      %and3A_540 = arith.andi %get3A_528, %and3A_539 : vector<16xi32>
      %swap3A_541 = arith.constant 80 : index
      %swap3A_542 = tpu.vector_load %arg8[%swap3A_541] {strides = array<i32>} : memref<96xi32, #tpu.memory_space<vmem>>, vector<16xi32>,
      %swap3A_543 = vector.shape_cast %swap3A_542 : vector<16xi32> to vector<16xi32>
      %swap3A_544 = vector.shape_cast %and3A_540 : vector<16xi32> to vector<16xi32>
      tpu.vector_store %arg8[%swap3A_541], %swap3A_544 {strides = array<i32>} : memref<96xi32, #tpu.memory_space<vmem>>, vector<16xi32>,
      %dma_start3A_545 = arith.constant 0 : i32
      %dma_start3A_546 = arith.constant 0 : i32
      %dma_start3A_547 = tpu.memref_slice %arg2[%dma_start3A_545, %dma_start3A_546] : memref<20000x128xf32, #tpu.memory_space<hbm>> -> memref<20000x128xf32, #tpu.memory_space<hbm>>
      tpu.enqueue_indirect_dma source(%dma_start3A_547 : memref<20000x128xf32, #tpu.memory_space<hbm>>) target(%arg13 : memref<96x128xf32, #tpu.memory_space<vmem>>) offsets(%arg7 : memref<96xi32, #tpu.memory_space<vmem>>) semaphore(%arg16 : memref<!tpu.dma_semaphore, #tpu.memory_space<semaphore_mem>>)
      %add3A_548 = arith.constant 1 : i32
      %add3A_549 = arith.addi %add3A_392, %add3A_548 : i32
      %dma_wait3A_550 = arith.constant 0 : i32
      %dma_wait3A_551 = arith.constant 0 : i32
      %dma_wait3A_552 = tpu.memref_slice %arg2[%dma_wait3A_550, %dma_wait3A_551] : memref<20000x128xf32, #tpu.memory_space<hbm>> -> memref<20000x128xf32, #tpu.memory_space<hbm>>
      tpu.wait_indirect_dma semaphore(%arg18 : memref<!tpu.dma_semaphore, #tpu.memory_space<semaphore_mem>>) src(%dma_wait3A_552 : memref<20000x128xf32, #tpu.memory_space<hbm>>) dst(%arg15 : memref<96x128xf32, #tpu.memory_space<vmem>>)
      %dma_start3A_553 = arith.constant 0 : i32
      %dma_start3A_554 = arith.constant 0 : i32
      %dma_start3A_555 = tpu.memref_slice %arg5[%dma_start3A_553, %dma_start3A_554] : memref<10016x128xf32, #tpu.memory_space<vmem_shared>> -> memref<10016x128xf32, #tpu.memory_space<vmem_shared>>
      tpu.enqueue_indirect_dma source(%arg15 : memref<96x128xf32, #tpu.memory_space<vmem>>) target(%dma_start3A_555 : memref<10016x128xf32, #tpu.memory_space<vmem_shared>>) offsets(%arg12 : memref<96xi32, #tpu.memory_space<vmem>>) semaphore(%arg21 : memref<!tpu.dma_semaphore, #tpu.memory_space<semaphore_mem>>) {add = true}
      %dma_wait3A_556 = arith.constant 0 : i32
      %dma_wait3A_557 = arith.constant 0 : i32
      %dma_wait3A_558 = tpu.memref_slice %arg5[%dma_wait3A_556, %dma_wait3A_557] : memref<10016x128xf32, #tpu.memory_space<vmem_shared>> -> memref<10016x128xf32, #tpu.memory_space<vmem_shared>>
      tpu.wait_indirect_dma semaphore(%arg20 : memref<!tpu.dma_semaphore, #tpu.memory_space<semaphore_mem>>) src(%arg14 : memref<96x128xf32, #tpu.memory_space<vmem>>) dst(%dma_wait3A_558 : memref<10016x128xf32, #tpu.memory_space<vmem_shared>>)
      %add3A_559 = arith.constant 3 : i32
      %add3A_560 = arith.addi %add3A_549, %add3A_559 : i32
      %sub3A_561 = arith.constant 1 : i32
      %sub3A_562 = arith.subi %add3A_560, %sub3A_561 : i32
      %mul3A_563 = arith.constant 96 : i32
      %mul3A_564 = arith.muli %sub3A_562, %mul3A_563 : i32
      %add3A_565 = arith.constant 0 : i32
      %add3A_566 = arith.addi %mul3A_564, %add3A_565 : i32
      %get3A_567 = arith.index_cast %add3A_566 : i32 to index
      %get3A_568 = tpu.vector_load %arg6[%get3A_567] {strides = array<i32>} : memref<10080xi32, #tpu.memory_space<vmem>>, vector<16xi32>,
      %get3A_569 = vector.shape_cast %get3A_568 : vector<16xi32> to vector<16xi32>
      %shift_right_arithmetic3A_570 = arith.constant 14 : i32
      %shift_right_arithmetic3A_571 = vector.broadcast %shift_right_arithmetic3A_570 : i32 to vector<16xi32>
      %shift_right_arithmetic3A_572 = arith.shrsi %get3A_569, %shift_right_arithmetic3A_571 : vector<16xi32>
      %add3A_573 = vector.broadcast %mul3A_0 : i32 to vector<16xi32>
      %add3A_574 = arith.addi %shift_right_arithmetic3A_572, %add3A_573 : vector<16xi32>
      %swap3A_575 = arith.constant 0 : index
      %swap3A_576 = tpu.vector_load %arg9[%swap3A_575] {strides = array<i32>} : memref<96xi32, #tpu.memory_space<vmem>>, vector<16xi32>,
      %swap3A_577 = vector.shape_cast %swap3A_576 : vector<16xi32> to vector<16xi32>
      %swap3A_578 = vector.shape_cast %add3A_574 : vector<16xi32> to vector<16xi32>
      tpu.vector_store %arg9[%swap3A_575], %swap3A_578 {strides = array<i32>} : memref<96xi32, #tpu.memory_space<vmem>>, vector<16xi32>,
      %and3A_579 = arith.constant 16383 : i32
      %and3A_580 = vector.broadcast %and3A_579 : i32 to vector<16xi32>
      %and3A_581 = arith.andi %get3A_569, %and3A_580 : vector<16xi32>
      %swap3A_582 = arith.constant 0 : index
      %swap3A_583 = tpu.vector_load %arg10[%swap3A_582] {strides = array<i32>} : memref<96xi32, #tpu.memory_space<vmem>>, vector<16xi32>,
      %swap3A_584 = vector.shape_cast %swap3A_583 : vector<16xi32> to vector<16xi32>
      %swap3A_585 = vector.shape_cast %and3A_581 : vector<16xi32> to vector<16xi32>
      tpu.vector_store %arg10[%swap3A_582], %swap3A_585 {strides = array<i32>} : memref<96xi32, #tpu.memory_space<vmem>>, vector<16xi32>,
      %mul3A_586 = arith.constant 96 : i32
      %mul3A_587 = arith.muli %sub3A_562, %mul3A_586 : i32
      %add3A_588 = arith.constant 16 : i32
      %add3A_589 = arith.addi %mul3A_587, %add3A_588 : i32
      %get3A_590 = arith.index_cast %add3A_589 : i32 to index
      %get3A_591 = tpu.vector_load %arg6[%get3A_590] {strides = array<i32>} : memref<10080xi32, #tpu.memory_space<vmem>>, vector<16xi32>,
      %get3A_592 = vector.shape_cast %get3A_591 : vector<16xi32> to vector<16xi32>
      %shift_right_arithmetic3A_593 = arith.constant 14 : i32
      %shift_right_arithmetic3A_594 = vector.broadcast %shift_right_arithmetic3A_593 : i32 to vector<16xi32>
      %shift_right_arithmetic3A_595 = arith.shrsi %get3A_592, %shift_right_arithmetic3A_594 : vector<16xi32>
      %add3A_596 = vector.broadcast %mul3A_0 : i32 to vector<16xi32>
      %add3A_597 = arith.addi %shift_right_arithmetic3A_595, %add3A_596 : vector<16xi32>
      %swap3A_598 = arith.constant 16 : index
      %swap3A_599 = tpu.vector_load %arg9[%swap3A_598] {strides = array<i32>} : memref<96xi32, #tpu.memory_space<vmem>>, vector<16xi32>,
      %swap3A_600 = vector.shape_cast %swap3A_599 : vector<16xi32> to vector<16xi32>
      %swap3A_601 = vector.shape_cast %add3A_597 : vector<16xi32> to vector<16xi32>
      tpu.vector_store %arg9[%swap3A_598], %swap3A_601 {strides = array<i32>} : memref<96xi32, #tpu.memory_space<vmem>>, vector<16xi32>,
      %and3A_602 = arith.constant 16383 : i32
      %and3A_603 = vector.broadcast %and3A_602 : i32 to vector<16xi32>
      %and3A_604 = arith.andi %get3A_592, %and3A_603 : vector<16xi32>
      %swap3A_605 = arith.constant 16 : index
      %swap3A_606 = tpu.vector_load %arg10[%swap3A_605] {strides = array<i32>} : memref<96xi32, #tpu.memory_space<vmem>>, vector<16xi32>,
      %swap3A_607 = vector.shape_cast %swap3A_606 : vector<16xi32> to vector<16xi32>
      %swap3A_608 = vector.shape_cast %and3A_604 : vector<16xi32> to vector<16xi32>
      tpu.vector_store %arg10[%swap3A_605], %swap3A_608 {strides = array<i32>} : memref<96xi32, #tpu.memory_space<vmem>>, vector<16xi32>,
      %mul3A_609 = arith.constant 96 : i32
      %mul3A_610 = arith.muli %sub3A_562, %mul3A_609 : i32
      %add3A_611 = arith.constant 32 : i32
      %add3A_612 = arith.addi %mul3A_610, %add3A_611 : i32
      %get3A_613 = arith.index_cast %add3A_612 : i32 to index
      %get3A_614 = tpu.vector_load %arg6[%get3A_613] {strides = array<i32>} : memref<10080xi32, #tpu.memory_space<vmem>>, vector<16xi32>,
      %get3A_615 = vector.shape_cast %get3A_614 : vector<16xi32> to vector<16xi32>
      %shift_right_arithmetic3A_616 = arith.constant 14 : i32
      %shift_right_arithmetic3A_617 = vector.broadcast %shift_right_arithmetic3A_616 : i32 to vector<16xi32>
      %shift_right_arithmetic3A_618 = arith.shrsi %get3A_615, %shift_right_arithmetic3A_617 : vector<16xi32>
      %add3A_619 = vector.broadcast %mul3A_0 : i32 to vector<16xi32>
      %add3A_620 = arith.addi %shift_right_arithmetic3A_618, %add3A_619 : vector<16xi32>
      %swap3A_621 = arith.constant 32 : index
      %swap3A_622 = tpu.vector_load %arg9[%swap3A_621] {strides = array<i32>} : memref<96xi32, #tpu.memory_space<vmem>>, vector<16xi32>,
      %swap3A_623 = vector.shape_cast %swap3A_622 : vector<16xi32> to vector<16xi32>
      %swap3A_624 = vector.shape_cast %add3A_620 : vector<16xi32> to vector<16xi32>
      tpu.vector_store %arg9[%swap3A_621], %swap3A_624 {strides = array<i32>} : memref<96xi32, #tpu.memory_space<vmem>>, vector<16xi32>,
      %and3A_625 = arith.constant 16383 : i32
      %and3A_626 = vector.broadcast %and3A_625 : i32 to vector<16xi32>
      %and3A_627 = arith.andi %get3A_615, %and3A_626 : vector<16xi32>
      %swap3A_628 = arith.constant 32 : index
      %swap3A_629 = tpu.vector_load %arg10[%swap3A_628] {strides = array<i32>} : memref<96xi32, #tpu.memory_space<vmem>>, vector<16xi32>,
      %swap3A_630 = vector.shape_cast %swap3A_629 : vector<16xi32> to vector<16xi32>
      %swap3A_631 = vector.shape_cast %and3A_627 : vector<16xi32> to vector<16xi32>
      tpu.vector_store %arg10[%swap3A_628], %swap3A_631 {strides = array<i32>} : memref<96xi32, #tpu.memory_space<vmem>>, vector<16xi32>,
      %mul3A_632 = arith.constant 96 : i32
      %mul3A_633 = arith.muli %sub3A_562, %mul3A_632 : i32
      %add3A_634 = arith.constant 48 : i32
      %add3A_635 = arith.addi %mul3A_633, %add3A_634 : i32
      %get3A_636 = arith.index_cast %add3A_635 : i32 to index
      %get3A_637 = tpu.vector_load %arg6[%get3A_636] {strides = array<i32>} : memref<10080xi32, #tpu.memory_space<vmem>>, vector<16xi32>,
      %get3A_638 = vector.shape_cast %get3A_637 : vector<16xi32> to vector<16xi32>
      %shift_right_arithmetic3A_639 = arith.constant 14 : i32
      %shift_right_arithmetic3A_640 = vector.broadcast %shift_right_arithmetic3A_639 : i32 to vector<16xi32>
      %shift_right_arithmetic3A_641 = arith.shrsi %get3A_638, %shift_right_arithmetic3A_640 : vector<16xi32>
      %add3A_642 = vector.broadcast %mul3A_0 : i32 to vector<16xi32>
      %add3A_643 = arith.addi %shift_right_arithmetic3A_641, %add3A_642 : vector<16xi32>
      %swap3A_644 = arith.constant 48 : index
      %swap3A_645 = tpu.vector_load %arg9[%swap3A_644] {strides = array<i32>} : memref<96xi32, #tpu.memory_space<vmem>>, vector<16xi32>,
      %swap3A_646 = vector.shape_cast %swap3A_645 : vector<16xi32> to vector<16xi32>
      %swap3A_647 = vector.shape_cast %add3A_643 : vector<16xi32> to vector<16xi32>
      tpu.vector_store %arg9[%swap3A_644], %swap3A_647 {strides = array<i32>} : memref<96xi32, #tpu.memory_space<vmem>>, vector<16xi32>,
      %and3A_648 = arith.constant 16383 : i32
      %and3A_649 = vector.broadcast %and3A_648 : i32 to vector<16xi32>
      %and3A_650 = arith.andi %get3A_638, %and3A_649 : vector<16xi32>
      %swap3A_651 = arith.constant 48 : index
      %swap3A_652 = tpu.vector_load %arg10[%swap3A_651] {strides = array<i32>} : memref<96xi32, #tpu.memory_space<vmem>>, vector<16xi32>,
      %swap3A_653 = vector.shape_cast %swap3A_652 : vector<16xi32> to vector<16xi32>
      %swap3A_654 = vector.shape_cast %and3A_650 : vector<16xi32> to vector<16xi32>
      tpu.vector_store %arg10[%swap3A_651], %swap3A_654 {strides = array<i32>} : memref<96xi32, #tpu.memory_space<vmem>>, vector<16xi32>,
      %mul3A_655 = arith.constant 96 : i32
      %mul3A_656 = arith.muli %sub3A_562, %mul3A_655 : i32
      %add3A_657 = arith.constant 64 : i32
      %add3A_658 = arith.addi %mul3A_656, %add3A_657 : i32
      %get3A_659 = arith.index_cast %add3A_658 : i32 to index
      %get3A_660 = tpu.vector_load %arg6[%get3A_659] {strides = array<i32>} : memref<10080xi32, #tpu.memory_space<vmem>>, vector<16xi32>,
      %get3A_661 = vector.shape_cast %get3A_660 : vector<16xi32> to vector<16xi32>
      %shift_right_arithmetic3A_662 = arith.constant 14 : i32
      %shift_right_arithmetic3A_663 = vector.broadcast %shift_right_arithmetic3A_662 : i32 to vector<16xi32>
      %shift_right_arithmetic3A_664 = arith.shrsi %get3A_661, %shift_right_arithmetic3A_663 : vector<16xi32>
      %add3A_665 = vector.broadcast %mul3A_0 : i32 to vector<16xi32>
      %add3A_666 = arith.addi %shift_right_arithmetic3A_664, %add3A_665 : vector<16xi32>
      %swap3A_667 = arith.constant 64 : index
      %swap3A_668 = tpu.vector_load %arg9[%swap3A_667] {strides = array<i32>} : memref<96xi32, #tpu.memory_space<vmem>>, vector<16xi32>,
      %swap3A_669 = vector.shape_cast %swap3A_668 : vector<16xi32> to vector<16xi32>
      %swap3A_670 = vector.shape_cast %add3A_666 : vector<16xi32> to vector<16xi32>
      tpu.vector_store %arg9[%swap3A_667], %swap3A_670 {strides = array<i32>} : memref<96xi32, #tpu.memory_space<vmem>>, vector<16xi32>,
      %and3A_671 = arith.constant 16383 : i32
      %and3A_672 = vector.broadcast %and3A_671 : i32 to vector<16xi32>
      %and3A_673 = arith.andi %get3A_661, %and3A_672 : vector<16xi32>
      %swap3A_674 = arith.constant 64 : index
      %swap3A_675 = tpu.vector_load %arg10[%swap3A_674] {strides = array<i32>} : memref<96xi32, #tpu.memory_space<vmem>>, vector<16xi32>,
      %swap3A_676 = vector.shape_cast %swap3A_675 : vector<16xi32> to vector<16xi32>
      %swap3A_677 = vector.shape_cast %and3A_673 : vector<16xi32> to vector<16xi32>
      tpu.vector_store %arg10[%swap3A_674], %swap3A_677 {strides = array<i32>} : memref<96xi32, #tpu.memory_space<vmem>>, vector<16xi32>,
      %mul3A_678 = arith.constant 96 : i32
      %mul3A_679 = arith.muli %sub3A_562, %mul3A_678 : i32
      %add3A_680 = arith.constant 80 : i32
      %add3A_681 = arith.addi %mul3A_679, %add3A_680 : i32
      %get3A_682 = arith.index_cast %add3A_681 : i32 to index
      %get3A_683 = tpu.vector_load %arg6[%get3A_682] {strides = array<i32>} : memref<10080xi32, #tpu.memory_space<vmem>>, vector<16xi32>,
      %get3A_684 = vector.shape_cast %get3A_683 : vector<16xi32> to vector<16xi32>
      %shift_right_arithmetic3A_685 = arith.constant 14 : i32
      %shift_right_arithmetic3A_686 = vector.broadcast %shift_right_arithmetic3A_685 : i32 to vector<16xi32>
      %shift_right_arithmetic3A_687 = arith.shrsi %get3A_684, %shift_right_arithmetic3A_686 : vector<16xi32>
      %add3A_688 = vector.broadcast %mul3A_0 : i32 to vector<16xi32>
      %add3A_689 = arith.addi %shift_right_arithmetic3A_687, %add3A_688 : vector<16xi32>
      %swap3A_690 = arith.constant 80 : index
      %swap3A_691 = tpu.vector_load %arg9[%swap3A_690] {strides = array<i32>} : memref<96xi32, #tpu.memory_space<vmem>>, vector<16xi32>,
      %swap3A_692 = vector.shape_cast %swap3A_691 : vector<16xi32> to vector<16xi32>
      %swap3A_693 = vector.shape_cast %add3A_689 : vector<16xi32> to vector<16xi32>
      tpu.vector_store %arg9[%swap3A_690], %swap3A_693 {strides = array<i32>} : memref<96xi32, #tpu.memory_space<vmem>>, vector<16xi32>,
      %and3A_694 = arith.constant 16383 : i32
      %and3A_695 = vector.broadcast %and3A_694 : i32 to vector<16xi32>
      %and3A_696 = arith.andi %get3A_684, %and3A_695 : vector<16xi32>
      %swap3A_697 = arith.constant 80 : index
      %swap3A_698 = tpu.vector_load %arg10[%swap3A_697] {strides = array<i32>} : memref<96xi32, #tpu.memory_space<vmem>>, vector<16xi32>,
      %swap3A_699 = vector.shape_cast %swap3A_698 : vector<16xi32> to vector<16xi32>
      %swap3A_700 = vector.shape_cast %and3A_696 : vector<16xi32> to vector<16xi32>
      tpu.vector_store %arg10[%swap3A_697], %swap3A_700 {strides = array<i32>} : memref<96xi32, #tpu.memory_space<vmem>>, vector<16xi32>,
      %dma_start3A_701 = arith.constant 0 : i32
      %dma_start3A_702 = arith.constant 0 : i32
      %dma_start3A_703 = tpu.memref_slice %arg2[%dma_start3A_701, %dma_start3A_702] : memref<20000x128xf32, #tpu.memory_space<hbm>> -> memref<20000x128xf32, #tpu.memory_space<hbm>>
      tpu.enqueue_indirect_dma source(%dma_start3A_703 : memref<20000x128xf32, #tpu.memory_space<hbm>>) target(%arg14 : memref<96x128xf32, #tpu.memory_space<vmem>>) offsets(%arg9 : memref<96xi32, #tpu.memory_space<vmem>>) semaphore(%arg17 : memref<!tpu.dma_semaphore, #tpu.memory_space<semaphore_mem>>)
      %add3A_704 = arith.constant 2 : i32
      %add3A_705 = arith.addi %add3A_392, %add3A_704 : i32
      %dma_wait3A_706 = arith.constant 0 : i32
      %dma_wait3A_707 = arith.constant 0 : i32
      %dma_wait3A_708 = tpu.memref_slice %arg2[%dma_wait3A_706, %dma_wait3A_707] : memref<20000x128xf32, #tpu.memory_space<hbm>> -> memref<20000x128xf32, #tpu.memory_space<hbm>>
      tpu.wait_indirect_dma semaphore(%arg16 : memref<!tpu.dma_semaphore, #tpu.memory_space<semaphore_mem>>) src(%dma_wait3A_708 : memref<20000x128xf32, #tpu.memory_space<hbm>>) dst(%arg13 : memref<96x128xf32, #tpu.memory_space<vmem>>)
      %dma_start3A_709 = arith.constant 0 : i32
      %dma_start3A_710 = arith.constant 0 : i32
      %dma_start3A_711 = tpu.memref_slice %arg5[%dma_start3A_709, %dma_start3A_710] : memref<10016x128xf32, #tpu.memory_space<vmem_shared>> -> memref<10016x128xf32, #tpu.memory_space<vmem_shared>>
      tpu.enqueue_indirect_dma source(%arg13 : memref<96x128xf32, #tpu.memory_space<vmem>>) target(%dma_start3A_711 : memref<10016x128xf32, #tpu.memory_space<vmem_shared>>) offsets(%arg8 : memref<96xi32, #tpu.memory_space<vmem>>) semaphore(%arg19 : memref<!tpu.dma_semaphore, #tpu.memory_space<semaphore_mem>>) {add = true}
      %dma_wait3A_712 = arith.constant 0 : i32
      %dma_wait3A_713 = arith.constant 0 : i32
      %dma_wait3A_714 = tpu.memref_slice %arg5[%dma_wait3A_712, %dma_wait3A_713] : memref<10016x128xf32, #tpu.memory_space<vmem_shared>> -> memref<10016x128xf32, #tpu.memory_space<vmem_shared>>
      tpu.wait_indirect_dma semaphore(%arg21 : memref<!tpu.dma_semaphore, #tpu.memory_space<semaphore_mem>>) src(%arg15 : memref<96x128xf32, #tpu.memory_space<vmem>>) dst(%dma_wait3A_714 : memref<10016x128xf32, #tpu.memory_space<vmem_shared>>)
      %add3A_715 = arith.constant 3 : i32
      %add3A_716 = arith.addi %add3A_705, %add3A_715 : i32
      %sub3A_717 = arith.constant 1 : i32
      %sub3A_718 = arith.subi %add3A_716, %sub3A_717 : i32
      %mul3A_719 = arith.constant 96 : i32
      %mul3A_720 = arith.muli %sub3A_718, %mul3A_719 : i32
      %add3A_721 = arith.constant 0 : i32
      %add3A_722 = arith.addi %mul3A_720, %add3A_721 : i32
      %get3A_723 = arith.index_cast %add3A_722 : i32 to index
      %get3A_724 = tpu.vector_load %arg6[%get3A_723] {strides = array<i32>} : memref<10080xi32, #tpu.memory_space<vmem>>, vector<16xi32>,
      %get3A_725 = vector.shape_cast %get3A_724 : vector<16xi32> to vector<16xi32>
      %shift_right_arithmetic3A_726 = arith.constant 14 : i32
      %shift_right_arithmetic3A_727 = vector.broadcast %shift_right_arithmetic3A_726 : i32 to vector<16xi32>
      %shift_right_arithmetic3A_728 = arith.shrsi %get3A_725, %shift_right_arithmetic3A_727 : vector<16xi32>
      %add3A_729 = vector.broadcast %mul3A_0 : i32 to vector<16xi32>
      %add3A_730 = arith.addi %shift_right_arithmetic3A_728, %add3A_729 : vector<16xi32>
      %swap3A_731 = arith.constant 0 : index
      %swap3A_732 = tpu.vector_load %arg11[%swap3A_731] {strides = array<i32>} : memref<96xi32, #tpu.memory_space<vmem>>, vector<16xi32>,
      %swap3A_733 = vector.shape_cast %swap3A_732 : vector<16xi32> to vector<16xi32>
      %swap3A_734 = vector.shape_cast %add3A_730 : vector<16xi32> to vector<16xi32>
      tpu.vector_store %arg11[%swap3A_731], %swap3A_734 {strides = array<i32>} : memref<96xi32, #tpu.memory_space<vmem>>, vector<16xi32>,
      %and3A_735 = arith.constant 16383 : i32
      %and3A_736 = vector.broadcast %and3A_735 : i32 to vector<16xi32>
      %and3A_737 = arith.andi %get3A_725, %and3A_736 : vector<16xi32>
      %swap3A_738 = arith.constant 0 : index
      %swap3A_739 = tpu.vector_load %arg12[%swap3A_738] {strides = array<i32>} : memref<96xi32, #tpu.memory_space<vmem>>, vector<16xi32>,
      %swap3A_740 = vector.shape_cast %swap3A_739 : vector<16xi32> to vector<16xi32>
      %swap3A_741 = vector.shape_cast %and3A_737 : vector<16xi32> to vector<16xi32>
      tpu.vector_store %arg12[%swap3A_738], %swap3A_741 {strides = array<i32>} : memref<96xi32, #tpu.memory_space<vmem>>, vector<16xi32>,
      %mul3A_742 = arith.constant 96 : i32
      %mul3A_743 = arith.muli %sub3A_718, %mul3A_742 : i32
      %add3A_744 = arith.constant 16 : i32
      %add3A_745 = arith.addi %mul3A_743, %add3A_744 : i32
      %get3A_746 = arith.index_cast %add3A_745 : i32 to index
      %get3A_747 = tpu.vector_load %arg6[%get3A_746] {strides = array<i32>} : memref<10080xi32, #tpu.memory_space<vmem>>, vector<16xi32>,
      %get3A_748 = vector.shape_cast %get3A_747 : vector<16xi32> to vector<16xi32>
      %shift_right_arithmetic3A_749 = arith.constant 14 : i32
      %shift_right_arithmetic3A_750 = vector.broadcast %shift_right_arithmetic3A_749 : i32 to vector<16xi32>
      %shift_right_arithmetic3A_751 = arith.shrsi %get3A_748, %shift_right_arithmetic3A_750 : vector<16xi32>
      %add3A_752 = vector.broadcast %mul3A_0 : i32 to vector<16xi32>
      %add3A_753 = arith.addi %shift_right_arithmetic3A_751, %add3A_752 : vector<16xi32>
      %swap3A_754 = arith.constant 16 : index
      %swap3A_755 = tpu.vector_load %arg11[%swap3A_754] {strides = array<i32>} : memref<96xi32, #tpu.memory_space<vmem>>, vector<16xi32>,
      %swap3A_756 = vector.shape_cast %swap3A_755 : vector<16xi32> to vector<16xi32>
      %swap3A_757 = vector.shape_cast %add3A_753 : vector<16xi32> to vector<16xi32>
      tpu.vector_store %arg11[%swap3A_754], %swap3A_757 {strides = array<i32>} : memref<96xi32, #tpu.memory_space<vmem>>, vector<16xi32>,
      %and3A_758 = arith.constant 16383 : i32
      %and3A_759 = vector.broadcast %and3A_758 : i32 to vector<16xi32>
      %and3A_760 = arith.andi %get3A_748, %and3A_759 : vector<16xi32>
      %swap3A_761 = arith.constant 16 : index
      %swap3A_762 = tpu.vector_load %arg12[%swap3A_761] {strides = array<i32>} : memref<96xi32, #tpu.memory_space<vmem>>, vector<16xi32>,
      %swap3A_763 = vector.shape_cast %swap3A_762 : vector<16xi32> to vector<16xi32>
      %swap3A_764 = vector.shape_cast %and3A_760 : vector<16xi32> to vector<16xi32>
      tpu.vector_store %arg12[%swap3A_761], %swap3A_764 {strides = array<i32>} : memref<96xi32, #tpu.memory_space<vmem>>, vector<16xi32>,
      %mul3A_765 = arith.constant 96 : i32
      %mul3A_766 = arith.muli %sub3A_718, %mul3A_765 : i32
      %add3A_767 = arith.constant 32 : i32
      %add3A_768 = arith.addi %mul3A_766, %add3A_767 : i32
      %get3A_769 = arith.index_cast %add3A_768 : i32 to index
      %get3A_770 = tpu.vector_load %arg6[%get3A_769] {strides = array<i32>} : memref<10080xi32, #tpu.memory_space<vmem>>, vector<16xi32>,
      %get3A_771 = vector.shape_cast %get3A_770 : vector<16xi32> to vector<16xi32>
      %shift_right_arithmetic3A_772 = arith.constant 14 : i32
      %shift_right_arithmetic3A_773 = vector.broadcast %shift_right_arithmetic3A_772 : i32 to vector<16xi32>
      %shift_right_arithmetic3A_774 = arith.shrsi %get3A_771, %shift_right_arithmetic3A_773 : vector<16xi32>
      %add3A_775 = vector.broadcast %mul3A_0 : i32 to vector<16xi32>
      %add3A_776 = arith.addi %shift_right_arithmetic3A_774, %add3A_775 : vector<16xi32>
      %swap3A_777 = arith.constant 32 : index
      %swap3A_778 = tpu.vector_load %arg11[%swap3A_777] {strides = array<i32>} : memref<96xi32, #tpu.memory_space<vmem>>, vector<16xi32>,
      %swap3A_779 = vector.shape_cast %swap3A_778 : vector<16xi32> to vector<16xi32>
      %swap3A_780 = vector.shape_cast %add3A_776 : vector<16xi32> to vector<16xi32>
      tpu.vector_store %arg11[%swap3A_777], %swap3A_780 {strides = array<i32>} : memref<96xi32, #tpu.memory_space<vmem>>, vector<16xi32>,
      %and3A_781 = arith.constant 16383 : i32
      %and3A_782 = vector.broadcast %and3A_781 : i32 to vector<16xi32>
      %and3A_783 = arith.andi %get3A_771, %and3A_782 : vector<16xi32>
      %swap3A_784 = arith.constant 32 : index
      %swap3A_785 = tpu.vector_load %arg12[%swap3A_784] {strides = array<i32>} : memref<96xi32, #tpu.memory_space<vmem>>, vector<16xi32>,
      %swap3A_786 = vector.shape_cast %swap3A_785 : vector<16xi32> to vector<16xi32>
      %swap3A_787 = vector.shape_cast %and3A_783 : vector<16xi32> to vector<16xi32>
      tpu.vector_store %arg12[%swap3A_784], %swap3A_787 {strides = array<i32>} : memref<96xi32, #tpu.memory_space<vmem>>, vector<16xi32>,
      %mul3A_788 = arith.constant 96 : i32
      %mul3A_789 = arith.muli %sub3A_718, %mul3A_788 : i32
      %add3A_790 = arith.constant 48 : i32
      %add3A_791 = arith.addi %mul3A_789, %add3A_790 : i32
      %get3A_792 = arith.index_cast %add3A_791 : i32 to index
      %get3A_793 = tpu.vector_load %arg6[%get3A_792] {strides = array<i32>} : memref<10080xi32, #tpu.memory_space<vmem>>, vector<16xi32>,
      %get3A_794 = vector.shape_cast %get3A_793 : vector<16xi32> to vector<16xi32>
      %shift_right_arithmetic3A_795 = arith.constant 14 : i32
      %shift_right_arithmetic3A_796 = vector.broadcast %shift_right_arithmetic3A_795 : i32 to vector<16xi32>
      %shift_right_arithmetic3A_797 = arith.shrsi %get3A_794, %shift_right_arithmetic3A_796 : vector<16xi32>
      %add3A_798 = vector.broadcast %mul3A_0 : i32 to vector<16xi32>
      %add3A_799 = arith.addi %shift_right_arithmetic3A_797, %add3A_798 : vector<16xi32>
      %swap3A_800 = arith.constant 48 : index
      %swap3A_801 = tpu.vector_load %arg11[%swap3A_800] {strides = array<i32>} : memref<96xi32, #tpu.memory_space<vmem>>, vector<16xi32>,
      %swap3A_802 = vector.shape_cast %swap3A_801 : vector<16xi32> to vector<16xi32>
      %swap3A_803 = vector.shape_cast %add3A_799 : vector<16xi32> to vector<16xi32>
      tpu.vector_store %arg11[%swap3A_800], %swap3A_803 {strides = array<i32>} : memref<96xi32, #tpu.memory_space<vmem>>, vector<16xi32>,
      %and3A_804 = arith.constant 16383 : i32
      %and3A_805 = vector.broadcast %and3A_804 : i32 to vector<16xi32>
      %and3A_806 = arith.andi %get3A_794, %and3A_805 : vector<16xi32>
      %swap3A_807 = arith.constant 48 : index
      %swap3A_808 = tpu.vector_load %arg12[%swap3A_807] {strides = array<i32>} : memref<96xi32, #tpu.memory_space<vmem>>, vector<16xi32>,
      %swap3A_809 = vector.shape_cast %swap3A_808 : vector<16xi32> to vector<16xi32>
      %swap3A_810 = vector.shape_cast %and3A_806 : vector<16xi32> to vector<16xi32>
      tpu.vector_store %arg12[%swap3A_807], %swap3A_810 {strides = array<i32>} : memref<96xi32, #tpu.memory_space<vmem>>, vector<16xi32>,
      %mul3A_811 = arith.constant 96 : i32
      %mul3A_812 = arith.muli %sub3A_718, %mul3A_811 : i32
      %add3A_813 = arith.constant 64 : i32
      %add3A_814 = arith.addi %mul3A_812, %add3A_813 : i32
      %get3A_815 = arith.index_cast %add3A_814 : i32 to index
      %get3A_816 = tpu.vector_load %arg6[%get3A_815] {strides = array<i32>} : memref<10080xi32, #tpu.memory_space<vmem>>, vector<16xi32>,
      %get3A_817 = vector.shape_cast %get3A_816 : vector<16xi32> to vector<16xi32>
      %shift_right_arithmetic3A_818 = arith.constant 14 : i32
      %shift_right_arithmetic3A_819 = vector.broadcast %shift_right_arithmetic3A_818 : i32 to vector<16xi32>
      %shift_right_arithmetic3A_820 = arith.shrsi %get3A_817, %shift_right_arithmetic3A_819 : vector<16xi32>
      %add3A_821 = vector.broadcast %mul3A_0 : i32 to vector<16xi32>
      %add3A_822 = arith.addi %shift_right_arithmetic3A_820, %add3A_821 : vector<16xi32>
      %swap3A_823 = arith.constant 64 : index
      %swap3A_824 = tpu.vector_load %arg11[%swap3A_823] {strides = array<i32>} : memref<96xi32, #tpu.memory_space<vmem>>, vector<16xi32>,
      %swap3A_825 = vector.shape_cast %swap3A_824 : vector<16xi32> to vector<16xi32>
      %swap3A_826 = vector.shape_cast %add3A_822 : vector<16xi32> to vector<16xi32>
      tpu.vector_store %arg11[%swap3A_823], %swap3A_826 {strides = array<i32>} : memref<96xi32, #tpu.memory_space<vmem>>, vector<16xi32>,
      %and3A_827 = arith.constant 16383 : i32
      %and3A_828 = vector.broadcast %and3A_827 : i32 to vector<16xi32>
      %and3A_829 = arith.andi %get3A_817, %and3A_828 : vector<16xi32>
      %swap3A_830 = arith.constant 64 : index
      %swap3A_831 = tpu.vector_load %arg12[%swap3A_830] {strides = array<i32>} : memref<96xi32, #tpu.memory_space<vmem>>, vector<16xi32>,
      %swap3A_832 = vector.shape_cast %swap3A_831 : vector<16xi32> to vector<16xi32>
      %swap3A_833 = vector.shape_cast %and3A_829 : vector<16xi32> to vector<16xi32>
      tpu.vector_store %arg12[%swap3A_830], %swap3A_833 {strides = array<i32>} : memref<96xi32, #tpu.memory_space<vmem>>, vector<16xi32>,
      %mul3A_834 = arith.constant 96 : i32
      %mul3A_835 = arith.muli %sub3A_718, %mul3A_834 : i32
      %add3A_836 = arith.constant 80 : i32
      %add3A_837 = arith.addi %mul3A_835, %add3A_836 : i32
      %get3A_838 = arith.index_cast %add3A_837 : i32 to index
      %get3A_839 = tpu.vector_load %arg6[%get3A_838] {strides = array<i32>} : memref<10080xi32, #tpu.memory_space<vmem>>, vector<16xi32>,
      %get3A_840 = vector.shape_cast %get3A_839 : vector<16xi32> to vector<16xi32>
      %shift_right_arithmetic3A_841 = arith.constant 14 : i32
      %shift_right_arithmetic3A_842 = vector.broadcast %shift_right_arithmetic3A_841 : i32 to vector<16xi32>
      %shift_right_arithmetic3A_843 = arith.shrsi %get3A_840, %shift_right_arithmetic3A_842 : vector<16xi32>
      %add3A_844 = vector.broadcast %mul3A_0 : i32 to vector<16xi32>
      %add3A_845 = arith.addi %shift_right_arithmetic3A_843, %add3A_844 : vector<16xi32>
      %swap3A_846 = arith.constant 80 : index
      %swap3A_847 = tpu.vector_load %arg11[%swap3A_846] {strides = array<i32>} : memref<96xi32, #tpu.memory_space<vmem>>, vector<16xi32>,
      %swap3A_848 = vector.shape_cast %swap3A_847 : vector<16xi32> to vector<16xi32>
      %swap3A_849 = vector.shape_cast %add3A_845 : vector<16xi32> to vector<16xi32>
      tpu.vector_store %arg11[%swap3A_846], %swap3A_849 {strides = array<i32>} : memref<96xi32, #tpu.memory_space<vmem>>, vector<16xi32>,
      %and3A_850 = arith.constant 16383 : i32
      %and3A_851 = vector.broadcast %and3A_850 : i32 to vector<16xi32>
      %and3A_852 = arith.andi %get3A_840, %and3A_851 : vector<16xi32>
      %swap3A_853 = arith.constant 80 : index
      %swap3A_854 = tpu.vector_load %arg12[%swap3A_853] {strides = array<i32>} : memref<96xi32, #tpu.memory_space<vmem>>, vector<16xi32>,
      %swap3A_855 = vector.shape_cast %swap3A_854 : vector<16xi32> to vector<16xi32>
      %swap3A_856 = vector.shape_cast %and3A_852 : vector<16xi32> to vector<16xi32>
      tpu.vector_store %arg12[%swap3A_853], %swap3A_856 {strides = array<i32>} : memref<96xi32, #tpu.memory_space<vmem>>, vector<16xi32>,
      %dma_start3A_857 = arith.constant 0 : i32
      %dma_start3A_858 = arith.constant 0 : i32
      %dma_start3A_859 = tpu.memref_slice %arg2[%dma_start3A_857, %dma_start3A_858] : memref<20000x128xf32, #tpu.memory_space<hbm>> -> memref<20000x128xf32, #tpu.memory_space<hbm>>
      tpu.enqueue_indirect_dma source(%dma_start3A_859 : memref<20000x128xf32, #tpu.memory_space<hbm>>) target(%arg15 : memref<96x128xf32, #tpu.memory_space<vmem>>) offsets(%arg11 : memref<96xi32, #tpu.memory_space<vmem>>) semaphore(%arg18 : memref<!tpu.dma_semaphore, #tpu.memory_space<semaphore_mem>>)
    }
    %scan3A_359 = arith.constant 34 : i32
    %dma_wait3A_360 = arith.constant 0 : i32
    %dma_wait3A_361 = arith.constant 0 : i32
    %dma_wait3A_362 = tpu.memref_slice %arg2[%dma_wait3A_360, %dma_wait3A_361] : memref<20000x128xf32, #tpu.memory_space<hbm>> -> memref<20000x128xf32, #tpu.memory_space<hbm>>
    tpu.wait_indirect_dma semaphore(%arg17 : memref<!tpu.dma_semaphore, #tpu.memory_space<semaphore_mem>>) src(%dma_wait3A_362 : memref<20000x128xf32, #tpu.memory_space<hbm>>) dst(%arg14 : memref<96x128xf32, #tpu.memory_space<vmem>>)
    %dma_start3A_363 = arith.constant 0 : i32
    %dma_start3A_364 = arith.constant 0 : i32
    %dma_start3A_365 = tpu.memref_slice %arg5[%dma_start3A_363, %dma_start3A_364] : memref<10016x128xf32, #tpu.memory_space<vmem_shared>> -> memref<10016x128xf32, #tpu.memory_space<vmem_shared>>
    tpu.enqueue_indirect_dma source(%arg14 : memref<96x128xf32, #tpu.memory_space<vmem>>) target(%dma_start3A_365 : memref<10016x128xf32, #tpu.memory_space<vmem_shared>>) offsets(%arg10 : memref<96xi32, #tpu.memory_space<vmem>>) semaphore(%arg20 : memref<!tpu.dma_semaphore, #tpu.memory_space<semaphore_mem>>) {add = true}
    %dma_wait3A_366 = arith.constant 0 : i32
    %dma_wait3A_367 = arith.constant 0 : i32
    %dma_wait3A_368 = tpu.memref_slice %arg2[%dma_wait3A_366, %dma_wait3A_367] : memref<20000x128xf32, #tpu.memory_space<hbm>> -> memref<20000x128xf32, #tpu.memory_space<hbm>>
    tpu.wait_indirect_dma semaphore(%arg18 : memref<!tpu.dma_semaphore, #tpu.memory_space<semaphore_mem>>) src(%dma_wait3A_368 : memref<20000x128xf32, #tpu.memory_space<hbm>>) dst(%arg15 : memref<96x128xf32, #tpu.memory_space<vmem>>)
    %dma_start3A_369 = arith.constant 0 : i32
    %dma_start3A_370 = arith.constant 0 : i32
    %dma_start3A_371 = tpu.memref_slice %arg5[%dma_start3A_369, %dma_start3A_370] : memref<10016x128xf32, #tpu.memory_space<vmem_shared>> -> memref<10016x128xf32, #tpu.memory_space<vmem_shared>>
    tpu.enqueue_indirect_dma source(%arg15 : memref<96x128xf32, #tpu.memory_space<vmem>>) target(%dma_start3A_371 : memref<10016x128xf32, #tpu.memory_space<vmem_shared>>) offsets(%arg12 : memref<96xi32, #tpu.memory_space<vmem>>) semaphore(%arg21 : memref<!tpu.dma_semaphore, #tpu.memory_space<semaphore_mem>>) {add = true}
    %dma_wait3A_372 = arith.constant 0 : i32
    %dma_wait3A_373 = arith.constant 0 : i32
    %dma_wait3A_374 = tpu.memref_slice %arg5[%dma_wait3A_372, %dma_wait3A_373] : memref<10016x128xf32, #tpu.memory_space<vmem_shared>> -> memref<10016x128xf32, #tpu.memory_space<vmem_shared>>
    tpu.wait_indirect_dma semaphore(%arg19 : memref<!tpu.dma_semaphore, #tpu.memory_space<semaphore_mem>>) src(%arg13 : memref<96x128xf32, #tpu.memory_space<vmem>>) dst(%dma_wait3A_374 : memref<10016x128xf32, #tpu.memory_space<vmem_shared>>)
    %dma_wait3A_375 = arith.constant 0 : i32
    %dma_wait3A_376 = arith.constant 0 : i32
    %dma_wait3A_377 = tpu.memref_slice %arg5[%dma_wait3A_375, %dma_wait3A_376] : memref<10016x128xf32, #tpu.memory_space<vmem_shared>> -> memref<10016x128xf32, #tpu.memory_space<vmem_shared>>
    tpu.wait_indirect_dma semaphore(%arg20 : memref<!tpu.dma_semaphore, #tpu.memory_space<semaphore_mem>>) src(%arg14 : memref<96x128xf32, #tpu.memory_space<vmem>>) dst(%dma_wait3A_377 : memref<10016x128xf32, #tpu.memory_space<vmem_shared>>)
    %dma_wait3A_378 = arith.constant 0 : i32
    %dma_wait3A_379 = arith.constant 0 : i32
    %dma_wait3A_380 = tpu.memref_slice %arg5[%dma_wait3A_378, %dma_wait3A_379] : memref<10016x128xf32, #tpu.memory_space<vmem_shared>> -> memref<10016x128xf32, #tpu.memory_space<vmem_shared>>
    tpu.wait_indirect_dma semaphore(%arg21 : memref<!tpu.dma_semaphore, #tpu.memory_space<semaphore_mem>>) src(%arg15 : memref<96x128xf32, #tpu.memory_space<vmem>>) dst(%dma_wait3A_380 : memref<10016x128xf32, #tpu.memory_space<vmem_shared>>)
    %barrier3A_381 = arith.constant 0 : index
    tpu.barrier barrier_id(%barrier3A_381)
    %add3A_382 = arith.addi %mul3A_0, %mul3A_2 : i32
    "tpu.region"() ({
      %run_scoped3A = tpu.sem_alloc : memref<!tpu.dma_semaphore, #tpu.memory_space<semaphore_mem>>
      %dma_start3A_388 = arith.constant 0 : i32
      %dma_start3A_389 = tpu.memref_slice %arg4[%add3A_382, %dma_start3A_388] : memref<20000x128xf32, #tpu.memory_space<hbm>> -> memref<624x128xf32, #tpu.memory_space<hbm>>
      %dma_start3A_390 = arith.constant 0 : i32
      %dma_start3A_391 = tpu.memref_slice %arg5[%mul3A_2, %dma_start3A_390] : memref<10016x128xf32, #tpu.memory_space<vmem_shared>> -> memref<624x128xf32, #tpu.memory_space<vmem_shared>>
      tpu.enqueue_dma source(%dma_start3A_391 : memref<624x128xf32, #tpu.memory_space<vmem_shared>>) target(%dma_start3A_389 : memref<624x128xf32, #tpu.memory_space<hbm>>) target_semaphore(%run_scoped3A : memref<!tpu.dma_semaphore, #tpu.memory_space<semaphore_mem>>)
      %dma_wait3A_392 = arith.constant 0 : i32
      %dma_wait3A_393 = tpu.memref_slice %arg4[%add3A_382, %dma_wait3A_392] : memref<20000x128xf32, #tpu.memory_space<hbm>> -> memref<624x128xf32, #tpu.memory_space<hbm>>
      %dma_wait3A_394 = arith.constant 0 : i32
      %dma_wait3A_395 = tpu.memref_slice %arg5[%mul3A_2, %dma_wait3A_394] : memref<10016x128xf32, #tpu.memory_space<vmem_shared>> -> memref<624x128xf32, #tpu.memory_space<vmem_shared>>
      tpu.wait_dma2 semaphore(%run_scoped3A : memref<!tpu.dma_semaphore, #tpu.memory_space<semaphore_mem>>) src(%dma_wait3A_395 : memref<624x128xf32, #tpu.memory_space<vmem_shared>>) dst(%dma_wait3A_393 : memref<624x128xf32, #tpu.memory_space<hbm>>)
      tpu.yield
    }) : () -> ()
    %eq3A_383 = arith.constant 15 : i32
    %eq3A_384 = arith.cmpi eq, %arg1, %eq3A_383 : i32
    %convert_element_type3A_385 = arith.extui %eq3A_384 : i1 to i32
    %cond3A_386 = arith.constant 0 : i32
    %cond3A_387 = arith.cmpi ne, %convert_element_type3A_385, %cond3A_386 : i32
    scf.if %cond3A_387 {
      %add3A_388 = arith.constant 9984 : i32
      %add3A_389 = arith.addi %mul3A_0, %add3A_388 : i32
      "tpu.region"() ({
        %run_scoped3A = tpu.sem_alloc : memref<!tpu.dma_semaphore, #tpu.memory_space<semaphore_mem>>
        %dma_start3A_390 = arith.constant 0 : i32
        %dma_start3A_391 = tpu.memref_slice %arg4[%add3A_389, %dma_start3A_390] : memref<20000x128xf32, #tpu.memory_space<hbm>> -> memref<16x128xf32, #tpu.memory_space<hbm>>
        %dma_start3A_392 = arith.constant 9984 : i32
        %dma_start3A_393 = arith.constant 0 : i32
        %dma_start3A_394 = tpu.memref_slice %arg5[%dma_start3A_392, %dma_start3A_393] : memref<10016x128xf32, #tpu.memory_space<vmem_shared>> -> memref<16x128xf32, #tpu.memory_space<vmem_shared>>
        tpu.enqueue_dma source(%dma_start3A_394 : memref<16x128xf32, #tpu.memory_space<vmem_shared>>) target(%dma_start3A_391 : memref<16x128xf32, #tpu.memory_space<hbm>>) target_semaphore(%run_scoped3A : memref<!tpu.dma_semaphore, #tpu.memory_space<semaphore_mem>>)
        %dma_wait3A_395 = arith.constant 0 : i32
        %dma_wait3A_396 = tpu.memref_slice %arg4[%add3A_389, %dma_wait3A_395] : memref<20000x128xf32, #tpu.memory_space<hbm>> -> memref<16x128xf32, #tpu.memory_space<hbm>>
        %dma_wait3A_397 = arith.constant 9984 : i32
        %dma_wait3A_398 = arith.constant 0 : i32
        %dma_wait3A_399 = tpu.memref_slice %arg5[%dma_wait3A_397, %dma_wait3A_398] : memref<10016x128xf32, #tpu.memory_space<vmem_shared>> -> memref<16x128xf32, #tpu.memory_space<vmem_shared>>
        tpu.wait_dma2 semaphore(%run_scoped3A : memref<!tpu.dma_semaphore, #tpu.memory_space<semaphore_mem>>) src(%dma_wait3A_399 : memref<16x128xf32, #tpu.memory_space<vmem_shared>>) dst(%dma_wait3A_396 : memref<16x128xf32, #tpu.memory_space<hbm>>)
        tpu.yield
      }) : () -> ()
    } else {
    }
    return
  }
}

#map = affine_map<(d0, d1) -> (0, 0)>
module attributes {stable_mosaic.version = 14 : i64} {
  func.func @agg(%arg0: i32, %arg1: i32, %arg2: memref<20000x128xf32, #tpu.memory_space<hbm>>, %arg3: memref<16x10080xi32, #tpu.memory_space<hbm>>, %arg4: memref<20000x128xf32, #tpu.memory_space<hbm>>, %arg5: memref<10016x128xf32, #tpu.memory_space<vmem_shared>>, %arg6: memref<10080xi32, #tpu.memory_space<vmem>>, %arg7: memref<96xi32, #tpu.memory_space<vmem>>, %arg8: memref<96xi32, #tpu.memory_space<vmem>>, %arg9: memref<96xi32, #tpu.memory_space<vmem>>, %arg10: memref<96xi32, #tpu.memory_space<vmem>>, %arg11: memref<96xi32, #tpu.memory_space<vmem>>, %arg12: memref<96xi32, #tpu.memory_space<vmem>>, %arg13: memref<96x128xf32, #tpu.memory_space<vmem>>, %arg14: memref<96x128xf32, #tpu.memory_space<vmem>>, %arg15: memref<96x128xf32, #tpu.memory_space<vmem>>, %arg16: memref<!tpu.dma_semaphore, #tpu.memory_space<semaphore_mem>>, %arg17: memref<!tpu.dma_semaphore, #tpu.memory_space<semaphore_mem>>, %arg18: memref<!tpu.dma_semaphore, #tpu.memory_space<semaphore_mem>>, %arg19: memref<!tpu.dma_semaphore, #tpu.memory_space<semaphore_mem>>, %arg20: memref<!tpu.dma_semaphore, #tpu.memory_space<semaphore_mem>>, %arg21: memref<!tpu.dma_semaphore, #tpu.memory_space<semaphore_mem>>) attributes {dimension_semantics = [#tpu.dimension_semantics<core_parallel>, #tpu.dimension_semantics<subcore_parallel>], iteration_bounds = array<i64: 2, 16>, scalar_prefetch = 0 : i64, scratch_operands = 17 : i64, tpu.core_type = #tpu.core_type<sc_vector_subcore>, window_params = [{transform_indices = #map}, {transform_indices = #map}, {transform_indices = #map}]} {
    %mul3A = arith.constant 10000 : i32
    %mul3A_0 = arith.muli %arg0, %mul3A : i32
    %mul3A_1 = arith.constant 624 : i32
    %mul3A_2 = arith.muli %arg1, %mul3A_1 : i32
    %add3A = arith.addi %mul3A_0, %mul3A_2 : i32
    "tpu.region"() ({
      %run_scoped3A = tpu.sem_alloc : memref<!tpu.dma_semaphore, #tpu.memory_space<semaphore_mem>>
      %dma_start3A_388 = arith.constant 0 : i32
      %dma_start3A_389 = tpu.memref_slice %arg5[%mul3A_2, %dma_start3A_388] : memref<10016x128xf32, #tpu.memory_space<vmem_shared>> -> memref<624x128xf32, #tpu.memory_space<vmem_shared>>
      %dma_start3A_390 = arith.constant 0 : i32
      %dma_start3A_391 = tpu.memref_slice %arg2[%add3A, %dma_start3A_390] : memref<20000x128xf32, #tpu.memory_space<hbm>> -> memref<624x128xf32, #tpu.memory_space<hbm>>
      tpu.enqueue_dma source(%dma_start3A_391 : memref<624x128xf32, #tpu.memory_space<hbm>>) target(%dma_start3A_389 : memref<624x128xf32, #tpu.memory_space<vmem_shared>>) target_semaphore(%run_scoped3A : memref<!tpu.dma_semaphore, #tpu.memory_space<semaphore_mem>>)
      %dma_wait3A_392 = arith.constant 0 : i32
      %dma_wait3A_393 = tpu.memref_slice %arg5[%mul3A_2, %dma_wait3A_392] : memref<10016x128xf32, #tpu.memory_space<vmem_shared>> -> memref<624x128xf32, #tpu.memory_space<vmem_shared>>
      %dma_wait3A_394 = arith.constant 0 : i32
      %dma_wait3A_395 = tpu.memref_slice %arg2[%add3A, %dma_wait3A_394] : memref<20000x128xf32, #tpu.memory_space<hbm>> -> memref<624x128xf32, #tpu.memory_space<hbm>>
      tpu.wait_dma2 semaphore(%run_scoped3A : memref<!tpu.dma_semaphore, #tpu.memory_space<semaphore_mem>>) src(%dma_wait3A_395 : memref<624x128xf32, #tpu.memory_space<hbm>>) dst(%dma_wait3A_393 : memref<624x128xf32, #tpu.memory_space<vmem_shared>>)
      tpu.yield
    }) : () -> ()
    %eq3A = arith.constant 15 : i32
    %eq3A_3 = arith.cmpi eq, %arg1, %eq3A : i32
    %convert_element_type3A = arith.extui %eq3A_3 : i1 to i32
    %cond3A = arith.constant 0 : i32
    %cond3A_4 = arith.cmpi ne, %convert_element_type3A, %cond3A : i32
    scf.if %cond3A_4 {
      %add3A_388 = arith.constant 9984 : i32
      %add3A_389 = arith.addi %mul3A_0, %add3A_388 : i32
      "tpu.region"() ({
        %run_scoped3A = tpu.sem_alloc : memref<!tpu.dma_semaphore, #tpu.memory_space<semaphore_mem>>
        %dma_start3A_390 = arith.constant 9984 : i32
        %dma_start3A_391 = arith.constant 0 : i32
        %dma_start3A_392 = tpu.memref_slice %arg5[%dma_start3A_390, %dma_start3A_391] : memref<10016x128xf32, #tpu.memory_space<vmem_shared>> -> memref<16x128xf32, #tpu.memory_space<vmem_shared>>
        %dma_start3A_393 = arith.constant 0 : i32
        %dma_start3A_394 = tpu.memref_slice %arg2[%add3A_389, %dma_start3A_393] : memref<20000x128xf32, #tpu.memory_space<hbm>> -> memref<16x128xf32, #tpu.memory_space<hbm>>
        tpu.enqueue_dma source(%dma_start3A_394 : memref<16x128xf32, #tpu.memory_space<hbm>>) target(%dma_start3A_392 : memref<16x128xf32, #tpu.memory_space<vmem_shared>>) target_semaphore(%run_scoped3A : memref<!tpu.dma_semaphore, #tpu.memory_space<semaphore_mem>>)
        %dma_wait3A_395 = arith.constant 9984 : i32
        %dma_wait3A_396 = arith.constant 0 : i32
        %dma_wait3A_397 = tpu.memref_slice %arg5[%dma_wait3A_395, %dma_wait3A_396] : memref<10016x128xf32, #tpu.memory_space<vmem_shared>> -> memref<16x128xf32, #tpu.memory_space<vmem_shared>>
        %dma_wait3A_398 = arith.constant 0 : i32
        %dma_wait3A_399 = tpu.memref_slice %arg2[%add3A_389, %dma_wait3A_398] : memref<20000x128xf32, #tpu.memory_space<hbm>> -> memref<16x128xf32, #tpu.memory_space<hbm>>
        tpu.wait_dma2 semaphore(%run_scoped3A : memref<!tpu.dma_semaphore, #tpu.memory_space<semaphore_mem>>) src(%dma_wait3A_399 : memref<16x128xf32, #tpu.memory_space<hbm>>) dst(%dma_wait3A_397 : memref<16x128xf32, #tpu.memory_space<vmem_shared>>)
        tpu.yield
      }) : () -> ()
    } else {
    }
    "tpu.region"() ({
      %run_scoped3A = tpu.sem_alloc : memref<!tpu.dma_semaphore, #tpu.memory_space<semaphore_mem>>
      %dma_start3A_388 = arith.constant 0 : i32
      %dma_start3A_389 = tpu.memref_slice %arg3[%arg1, %dma_start3A_388] : memref<16x10080xi32, #tpu.memory_space<hbm>> -> memref<1x10080xi32, #tpu.memory_space<hbm>>
      %dma_start3A_390 = tpu.memref_squeeze %dma_start3A_389 : memref<1x10080xi32, #tpu.memory_space<hbm>> -> memref<10080xi32, #tpu.memory_space<hbm>>
      %dma_start3A_391 = arith.constant 0 : i32
      %dma_start3A_392 = tpu.memref_slice %arg3[%arg1, %dma_start3A_391] : memref<16x10080xi32, #tpu.memory_space<hbm>> -> memref<1x10080xi32, #tpu.memory_space<hbm>>
      %dma_start3A_393 = tpu.memref_squeeze %dma_start3A_392 : memref<1x10080xi32, #tpu.memory_space<hbm>> -> memref<10080xi32, #tpu.memory_space<hbm>>
      tpu.enqueue_dma source(%dma_start3A_393 : memref<10080xi32, #tpu.memory_space<hbm>>) target(%arg6 : memref<10080xi32, #tpu.memory_space<vmem>>) target_semaphore(%run_scoped3A : memref<!tpu.dma_semaphore, #tpu.memory_space<semaphore_mem>>)
      %dma_wait3A_394 = arith.constant 0 : i32
      %dma_wait3A_395 = tpu.memref_slice %arg3[%arg1, %dma_wait3A_394] : memref<16x10080xi32, #tpu.memory_space<hbm>> -> memref<1x10080xi32, #tpu.memory_space<hbm>>
      %dma_wait3A_396 = tpu.memref_squeeze %dma_wait3A_395 : memref<1x10080xi32, #tpu.memory_space<hbm>> -> memref<10080xi32, #tpu.memory_space<hbm>>
      %dma_wait3A_397 = arith.constant 0 : i32
      %dma_wait3A_398 = tpu.memref_slice %arg3[%arg1, %dma_wait3A_397] : memref<16x10080xi32, #tpu.memory_space<hbm>> -> memref<1x10080xi32, #tpu.memory_space<hbm>>
      %dma_wait3A_399 = tpu.memref_squeeze %dma_wait3A_398 : memref<1x10080xi32, #tpu.memory_space<hbm>> -> memref<10080xi32, #tpu.memory_space<hbm>>
      tpu.wait_dma2 semaphore(%run_scoped3A : memref<!tpu.dma_semaphore, #tpu.memory_space<semaphore_mem>>) src(%dma_wait3A_399 : memref<10080xi32, #tpu.memory_space<hbm>>) dst(%arg6 : memref<10080xi32, #tpu.memory_space<vmem>>)
      tpu.yield
    }) : () -> ()
    %barrier3A = arith.constant 0 : index
    tpu.barrier barrier_id(%barrier3A)
    %get3A = arith.constant 0 : index
    %get3A_5 = tpu.vector_load %arg6[%get3A] {strides = array<i32>} : memref<10080xi32, #tpu.memory_space<vmem>>, vector<16xi32>,
    %get3A_6 = vector.shape_cast %get3A_5 : vector<16xi32> to vector<16xi32>
    %shift_right_arithmetic3A = arith.constant 14 : i32
    %shift_right_arithmetic3A_7 = vector.broadcast %shift_right_arithmetic3A : i32 to vector<16xi32>
    %shift_right_arithmetic3A_8 = arith.shrsi %get3A_6, %shift_right_arithmetic3A_7 : vector<16xi32>
    %add3A_9 = vector.broadcast %mul3A_0 : i32 to vector<16xi32>
    %add3A_10 = arith.addi %shift_right_arithmetic3A_8, %add3A_9 : vector<16xi32>
    %swap3A = arith.constant 0 : index
    %swap3A_11 = tpu.vector_load %arg7[%swap3A] {strides = array<i32>} : memref<96xi32, #tpu.memory_space<vmem>>, vector<16xi32>,
    %swap3A_12 = vector.shape_cast %swap3A_11 : vector<16xi32> to vector<16xi32>
    %swap3A_13 = vector.shape_cast %add3A_10 : vector<16xi32> to vector<16xi32>
    tpu.vector_store %arg7[%swap3A], %swap3A_13 {strides = array<i32>} : memref<96xi32, #tpu.memory_space<vmem>>, vector<16xi32>,
    %and3A = arith.constant 16383 : i32
    %and3A_14 = vector.broadcast %and3A : i32 to vector<16xi32>
    %and3A_15 = arith.andi %get3A_6, %and3A_14 : vector<16xi32>
    %swap3A_16 = arith.constant 0 : index
    %swap3A_17 = tpu.vector_load %arg8[%swap3A_16] {strides = array<i32>} : memref<96xi32, #tpu.memory_space<vmem>>, vector<16xi32>,
    %swap3A_18 = vector.shape_cast %swap3A_17 : vector<16xi32> to vector<16xi32>
    %swap3A_19 = vector.shape_cast %and3A_15 : vector<16xi32> to vector<16xi32>
    tpu.vector_store %arg8[%swap3A_16], %swap3A_19 {strides = array<i32>} : memref<96xi32, #tpu.memory_space<vmem>>, vector<16xi32>,
    %get3A_20 = arith.constant 16 : index
    %get3A_21 = tpu.vector_load %arg6[%get3A_20] {strides = array<i32>} : memref<10080xi32, #tpu.memory_space<vmem>>, vector<16xi32>,
    %get3A_22 = vector.shape_cast %get3A_21 : vector<16xi32> to vector<16xi32>
    %shift_right_arithmetic3A_23 = arith.constant 14 : i32
    %shift_right_arithmetic3A_24 = vector.broadcast %shift_right_arithmetic3A_23 : i32 to vector<16xi32>
    %shift_right_arithmetic3A_25 = arith.shrsi %get3A_22, %shift_right_arithmetic3A_24 : vector<16xi32>
    %add3A_26 = vector.broadcast %mul3A_0 : i32 to vector<16xi32>
    %add3A_27 = arith.addi %shift_right_arithmetic3A_25, %add3A_26 : vector<16xi32>
    %swap3A_28 = arith.constant 16 : index
    %swap3A_29 = tpu.vector_load %arg7[%swap3A_28] {strides = array<i32>} : memref<96xi32, #tpu.memory_space<vmem>>, vector<16xi32>,
    %swap3A_30 = vector.shape_cast %swap3A_29 : vector<16xi32> to vector<16xi32>
    %swap3A_31 = vector.shape_cast %add3A_27 : vector<16xi32> to vector<16xi32>
    tpu.vector_store %arg7[%swap3A_28], %swap3A_31 {strides = array<i32>} : memref<96xi32, #tpu.memory_space<vmem>>, vector<16xi32>,
    %and3A_32 = arith.constant 16383 : i32
    %and3A_33 = vector.broadcast %and3A_32 : i32 to vector<16xi32>
    %and3A_34 = arith.andi %get3A_22, %and3A_33 : vector<16xi32>
    %swap3A_35 = arith.constant 16 : index
    %swap3A_36 = tpu.vector_load %arg8[%swap3A_35] {strides = array<i32>} : memref<96xi32, #tpu.memory_space<vmem>>, vector<16xi32>,
    %swap3A_37 = vector.shape_cast %swap3A_36 : vector<16xi32> to vector<16xi32>
    %swap3A_38 = vector.shape_cast %and3A_34 : vector<16xi32> to vector<16xi32>
    tpu.vector_store %arg8[%swap3A_35], %swap3A_38 {strides = array<i32>} : memref<96xi32, #tpu.memory_space<vmem>>, vector<16xi32>,
    %get3A_39 = arith.constant 32 : index
    %get3A_40 = tpu.vector_load %arg6[%get3A_39] {strides = array<i32>} : memref<10080xi32, #tpu.memory_space<vmem>>, vector<16xi32>,
    %get3A_41 = vector.shape_cast %get3A_40 : vector<16xi32> to vector<16xi32>
    %shift_right_arithmetic3A_42 = arith.constant 14 : i32
    %shift_right_arithmetic3A_43 = vector.broadcast %shift_right_arithmetic3A_42 : i32 to vector<16xi32>
    %shift_right_arithmetic3A_44 = arith.shrsi %get3A_41, %shift_right_arithmetic3A_43 : vector<16xi32>
    %add3A_45 = vector.broadcast %mul3A_0 : i32 to vector<16xi32>
    %add3A_46 = arith.addi %shift_right_arithmetic3A_44, %add3A_45 : vector<16xi32>
    %swap3A_47 = arith.constant 32 : index
    %swap3A_48 = tpu.vector_load %arg7[%swap3A_47] {strides = array<i32>} : memref<96xi32, #tpu.memory_space<vmem>>, vector<16xi32>,
    %swap3A_49 = vector.shape_cast %swap3A_48 : vector<16xi32> to vector<16xi32>
    %swap3A_50 = vector.shape_cast %add3A_46 : vector<16xi32> to vector<16xi32>
    tpu.vector_store %arg7[%swap3A_47], %swap3A_50 {strides = array<i32>} : memref<96xi32, #tpu.memory_space<vmem>>, vector<16xi32>,
    %and3A_51 = arith.constant 16383 : i32
    %and3A_52 = vector.broadcast %and3A_51 : i32 to vector<16xi32>
    %and3A_53 = arith.andi %get3A_41, %and3A_52 : vector<16xi32>
    %swap3A_54 = arith.constant 32 : index
    %swap3A_55 = tpu.vector_load %arg8[%swap3A_54] {strides = array<i32>} : memref<96xi32, #tpu.memory_space<vmem>>, vector<16xi32>,
    %swap3A_56 = vector.shape_cast %swap3A_55 : vector<16xi32> to vector<16xi32>
    %swap3A_57 = vector.shape_cast %and3A_53 : vector<16xi32> to vector<16xi32>
    tpu.vector_store %arg8[%swap3A_54], %swap3A_57 {strides = array<i32>} : memref<96xi32, #tpu.memory_space<vmem>>, vector<16xi32>,
    %get3A_58 = arith.constant 48 : index
    %get3A_59 = tpu.vector_load %arg6[%get3A_58] {strides = array<i32>} : memref<10080xi32, #tpu.memory_space<vmem>>, vector<16xi32>,
    %get3A_60 = vector.shape_cast %get3A_59 : vector<16xi32> to vector<16xi32>
    %shift_right_arithmetic3A_61 = arith.constant 14 : i32
    %shift_right_arithmetic3A_62 = vector.broadcast %shift_right_arithmetic3A_61 : i32 to vector<16xi32>
    %shift_right_arithmetic3A_63 = arith.shrsi %get3A_60, %shift_right_arithmetic3A_62 : vector<16xi32>
    %add3A_64 = vector.broadcast %mul3A_0 : i32 to vector<16xi32>
    %add3A_65 = arith.addi %shift_right_arithmetic3A_63, %add3A_64 : vector<16xi32>
    %swap3A_66 = arith.constant 48 : index
    %swap3A_67 = tpu.vector_load %arg7[%swap3A_66] {strides = array<i32>} : memref<96xi32, #tpu.memory_space<vmem>>, vector<16xi32>,
    %swap3A_68 = vector.shape_cast %swap3A_67 : vector<16xi32> to vector<16xi32>
    %swap3A_69 = vector.shape_cast %add3A_65 : vector<16xi32> to vector<16xi32>
    tpu.vector_store %arg7[%swap3A_66], %swap3A_69 {strides = array<i32>} : memref<96xi32, #tpu.memory_space<vmem>>, vector<16xi32>,
    %and3A_70 = arith.constant 16383 : i32
    %and3A_71 = vector.broadcast %and3A_70 : i32 to vector<16xi32>
    %and3A_72 = arith.andi %get3A_60, %and3A_71 : vector<16xi32>
    %swap3A_73 = arith.constant 48 : index
    %swap3A_74 = tpu.vector_load %arg8[%swap3A_73] {strides = array<i32>} : memref<96xi32, #tpu.memory_space<vmem>>, vector<16xi32>,
    %swap3A_75 = vector.shape_cast %swap3A_74 : vector<16xi32> to vector<16xi32>
    %swap3A_76 = vector.shape_cast %and3A_72 : vector<16xi32> to vector<16xi32>
    tpu.vector_store %arg8[%swap3A_73], %swap3A_76 {strides = array<i32>} : memref<96xi32, #tpu.memory_space<vmem>>, vector<16xi32>,
    %get3A_77 = arith.constant 64 : index
    %get3A_78 = tpu.vector_load %arg6[%get3A_77] {strides = array<i32>} : memref<10080xi32, #tpu.memory_space<vmem>>, vector<16xi32>,
    %get3A_79 = vector.shape_cast %get3A_78 : vector<16xi32> to vector<16xi32>
    %shift_right_arithmetic3A_80 = arith.constant 14 : i32
    %shift_right_arithmetic3A_81 = vector.broadcast %shift_right_arithmetic3A_80 : i32 to vector<16xi32>
    %shift_right_arithmetic3A_82 = arith.shrsi %get3A_79, %shift_right_arithmetic3A_81 : vector<16xi32>
    %add3A_83 = vector.broadcast %mul3A_0 : i32 to vector<16xi32>
    %add3A_84 = arith.addi %shift_right_arithmetic3A_82, %add3A_83 : vector<16xi32>
    %swap3A_85 = arith.constant 64 : index
    %swap3A_86 = tpu.vector_load %arg7[%swap3A_85] {strides = array<i32>} : memref<96xi32, #tpu.memory_space<vmem>>, vector<16xi32>,
    %swap3A_87 = vector.shape_cast %swap3A_86 : vector<16xi32> to vector<16xi32>
    %swap3A_88 = vector.shape_cast %add3A_84 : vector<16xi32> to vector<16xi32>
    tpu.vector_store %arg7[%swap3A_85], %swap3A_88 {strides = array<i32>} : memref<96xi32, #tpu.memory_space<vmem>>, vector<16xi32>,
    %and3A_89 = arith.constant 16383 : i32
    %and3A_90 = vector.broadcast %and3A_89 : i32 to vector<16xi32>
    %and3A_91 = arith.andi %get3A_79, %and3A_90 : vector<16xi32>
    %swap3A_92 = arith.constant 64 : index
    %swap3A_93 = tpu.vector_load %arg8[%swap3A_92] {strides = array<i32>} : memref<96xi32, #tpu.memory_space<vmem>>, vector<16xi32>,
    %swap3A_94 = vector.shape_cast %swap3A_93 : vector<16xi32> to vector<16xi32>
    %swap3A_95 = vector.shape_cast %and3A_91 : vector<16xi32> to vector<16xi32>
    tpu.vector_store %arg8[%swap3A_92], %swap3A_95 {strides = array<i32>} : memref<96xi32, #tpu.memory_space<vmem>>, vector<16xi32>,
    %get3A_96 = arith.constant 80 : index
    %get3A_97 = tpu.vector_load %arg6[%get3A_96] {strides = array<i32>} : memref<10080xi32, #tpu.memory_space<vmem>>, vector<16xi32>,
    %get3A_98 = vector.shape_cast %get3A_97 : vector<16xi32> to vector<16xi32>
    %shift_right_arithmetic3A_99 = arith.constant 14 : i32
    %shift_right_arithmetic3A_100 = vector.broadcast %shift_right_arithmetic3A_99 : i32 to vector<16xi32>
    %shift_right_arithmetic3A_101 = arith.shrsi %get3A_98, %shift_right_arithmetic3A_100 : vector<16xi32>
    %add3A_102 = vector.broadcast %mul3A_0 : i32 to vector<16xi32>
    %add3A_103 = arith.addi %shift_right_arithmetic3A_101, %add3A_102 : vector<16xi32>
    %swap3A_104 = arith.constant 80 : index
    %swap3A_105 = tpu.vector_load %arg7[%swap3A_104] {strides = array<i32>} : memref<96xi32, #tpu.memory_space<vmem>>, vector<16xi32>,
    %swap3A_106 = vector.shape_cast %swap3A_105 : vector<16xi32> to vector<16xi32>
    %swap3A_107 = vector.shape_cast %add3A_103 : vector<16xi32> to vector<16xi32>
    tpu.vector_store %arg7[%swap3A_104], %swap3A_107 {strides = array<i32>} : memref<96xi32, #tpu.memory_space<vmem>>, vector<16xi32>,
    %and3A_108 = arith.constant 16383 : i32
    %and3A_109 = vector.broadcast %and3A_108 : i32 to vector<16xi32>
    %and3A_110 = arith.andi %get3A_98, %and3A_109 : vector<16xi32>
    %swap3A_111 = arith.constant 80 : index
    %swap3A_112 = tpu.vector_load %arg8[%swap3A_111] {strides = array<i32>} : memref<96xi32, #tpu.memory_space<vmem>>, vector<16xi32>,
    %swap3A_113 = vector.shape_cast %swap3A_112 : vector<16xi32> to vector<16xi32>
    %swap3A_114 = vector.shape_cast %and3A_110 : vector<16xi32> to vector<16xi32>
    tpu.vector_store %arg8[%swap3A_111], %swap3A_114 {strides = array<i32>} : memref<96xi32, #tpu.memory_space<vmem>>, vector<16xi32>,
    %dma_start3A = arith.constant 0 : i32
    %dma_start3A_115 = arith.constant 0 : i32
    %dma_start3A_116 = tpu.memref_slice %arg2[%dma_start3A, %dma_start3A_115] : memref<20000x128xf32, #tpu.memory_space<hbm>> -> memref<20000x128xf32, #tpu.memory_space<hbm>>
    tpu.enqueue_indirect_dma source(%dma_start3A_116 : memref<20000x128xf32, #tpu.memory_space<hbm>>) target(%arg13 : memref<96x128xf32, #tpu.memory_space<vmem>>) offsets(%arg7 : memref<96xi32, #tpu.memory_space<vmem>>) semaphore(%arg16 : memref<!tpu.dma_semaphore, #tpu.memory_space<semaphore_mem>>)
    %get3A_117 = arith.constant 96 : index
    %get3A_118 = tpu.vector_load %arg6[%get3A_117] {strides = array<i32>} : memref<10080xi32, #tpu.memory_space<vmem>>, vector<16xi32>,
    %get3A_119 = vector.shape_cast %get3A_118 : vector<16xi32> to vector<16xi32>
    %shift_right_arithmetic3A_120 = arith.constant 14 : i32
    %shift_right_arithmetic3A_121 = vector.broadcast %shift_right_arithmetic3A_120 : i32 to vector<16xi32>
    %shift_right_arithmetic3A_122 = arith.shrsi %get3A_119, %shift_right_arithmetic3A_121 : vector<16xi32>
    %add3A_123 = vector.broadcast %mul3A_0 : i32 to vector<16xi32>
    %add3A_124 = arith.addi %shift_right_arithmetic3A_122, %add3A_123 : vector<16xi32>
    %swap3A_125 = arith.constant 0 : index
    %swap3A_126 = tpu.vector_load %arg9[%swap3A_125] {strides = array<i32>} : memref<96xi32, #tpu.memory_space<vmem>>, vector<16xi32>,
    %swap3A_127 = vector.shape_cast %swap3A_126 : vector<16xi32> to vector<16xi32>
    %swap3A_128 = vector.shape_cast %add3A_124 : vector<16xi32> to vector<16xi32>
    tpu.vector_store %arg9[%swap3A_125], %swap3A_128 {strides = array<i32>} : memref<96xi32, #tpu.memory_space<vmem>>, vector<16xi32>,
    %and3A_129 = arith.constant 16383 : i32
    %and3A_130 = vector.broadcast %and3A_129 : i32 to vector<16xi32>
    %and3A_131 = arith.andi %get3A_119, %and3A_130 : vector<16xi32>
    %swap3A_132 = arith.constant 0 : index
    %swap3A_133 = tpu.vector_load %arg10[%swap3A_132] {strides = array<i32>} : memref<96xi32, #tpu.memory_space<vmem>>, vector<16xi32>,
    %swap3A_134 = vector.shape_cast %swap3A_133 : vector<16xi32> to vector<16xi32>
    %swap3A_135 = vector.shape_cast %and3A_131 : vector<16xi32> to vector<16xi32>
    tpu.vector_store %arg10[%swap3A_132], %swap3A_135 {strides = array<i32>} : memref<96xi32, #tpu.memory_space<vmem>>, vector<16xi32>,
    %get3A_136 = arith.constant 112 : index
    %get3A_137 = tpu.vector_load %arg6[%get3A_136] {strides = array<i32>} : memref<10080xi32, #tpu.memory_space<vmem>>, vector<16xi32>,
    %get3A_138 = vector.shape_cast %get3A_137 : vector<16xi32> to vector<16xi32>
    %shift_right_arithmetic3A_139 = arith.constant 14 : i32
    %shift_right_arithmetic3A_140 = vector.broadcast %shift_right_arithmetic3A_139 : i32 to vector<16xi32>
    %shift_right_arithmetic3A_141 = arith.shrsi %get3A_138, %shift_right_arithmetic3A_140 : vector<16xi32>
    %add3A_142 = vector.broadcast %mul3A_0 : i32 to vector<16xi32>
    %add3A_143 = arith.addi %shift_right_arithmetic3A_141, %add3A_142 : vector<16xi32>
    %swap3A_144 = arith.constant 16 : index
    %swap3A_145 = tpu.vector_load %arg9[%swap3A_144] {strides = array<i32>} : memref<96xi32, #tpu.memory_space<vmem>>, vector<16xi32>,
    %swap3A_146 = vector.shape_cast %swap3A_145 : vector<16xi32> to vector<16xi32>
    %swap3A_147 = vector.shape_cast %add3A_143 : vector<16xi32> to vector<16xi32>
    tpu.vector_store %arg9[%swap3A_144], %swap3A_147 {strides = array<i32>} : memref<96xi32, #tpu.memory_space<vmem>>, vector<16xi32>,
    %and3A_148 = arith.constant 16383 : i32
    %and3A_149 = vector.broadcast %and3A_148 : i32 to vector<16xi32>
    %and3A_150 = arith.andi %get3A_138, %and3A_149 : vector<16xi32>
    %swap3A_151 = arith.constant 16 : index
    %swap3A_152 = tpu.vector_load %arg10[%swap3A_151] {strides = array<i32>} : memref<96xi32, #tpu.memory_space<vmem>>, vector<16xi32>,
    %swap3A_153 = vector.shape_cast %swap3A_152 : vector<16xi32> to vector<16xi32>
    %swap3A_154 = vector.shape_cast %and3A_150 : vector<16xi32> to vector<16xi32>
    tpu.vector_store %arg10[%swap3A_151], %swap3A_154 {strides = array<i32>} : memref<96xi32, #tpu.memory_space<vmem>>, vector<16xi32>,
    %get3A_155 = arith.constant 128 : index
    %get3A_156 = tpu.vector_load %arg6[%get3A_155] {strides = array<i32>} : memref<10080xi32, #tpu.memory_space<vmem>>, vector<16xi32>,
    %get3A_157 = vector.shape_cast %get3A_156 : vector<16xi32> to vector<16xi32>
    %shift_right_arithmetic3A_158 = arith.constant 14 : i32
    %shift_right_arithmetic3A_159 = vector.broadcast %shift_right_arithmetic3A_158 : i32 to vector<16xi32>
    %shift_right_arithmetic3A_160 = arith.shrsi %get3A_157, %shift_right_arithmetic3A_159 : vector<16xi32>
    %add3A_161 = vector.broadcast %mul3A_0 : i32 to vector<16xi32>
    %add3A_162 = arith.addi %shift_right_arithmetic3A_160, %add3A_161 : vector<16xi32>
    %swap3A_163 = arith.constant 32 : index
    %swap3A_164 = tpu.vector_load %arg9[%swap3A_163] {strides = array<i32>} : memref<96xi32, #tpu.memory_space<vmem>>, vector<16xi32>,
    %swap3A_165 = vector.shape_cast %swap3A_164 : vector<16xi32> to vector<16xi32>
    %swap3A_166 = vector.shape_cast %add3A_162 : vector<16xi32> to vector<16xi32>
    tpu.vector_store %arg9[%swap3A_163], %swap3A_166 {strides = array<i32>} : memref<96xi32, #tpu.memory_space<vmem>>, vector<16xi32>,
    %and3A_167 = arith.constant 16383 : i32
    %and3A_168 = vector.broadcast %and3A_167 : i32 to vector<16xi32>
    %and3A_169 = arith.andi %get3A_157, %and3A_168 : vector<16xi32>
    %swap3A_170 = arith.constant 32 : index
    %swap3A_171 = tpu.vector_load %arg10[%swap3A_170] {strides = array<i32>} : memref<96xi32, #tpu.memory_space<vmem>>, vector<16xi32>,
    %swap3A_172 = vector.shape_cast %swap3A_171 : vector<16xi32> to vector<16xi32>
    %swap3A_173 = vector.shape_cast %and3A_169 : vector<16xi32> to vector<16xi32>
    tpu.vector_store %arg10[%swap3A_170], %swap3A_173 {strides = array<i32>} : memref<96xi32, #tpu.memory_space<vmem>>, vector<16xi32>,
    %get3A_174 = arith.constant 144 : index
    %get3A_175 = tpu.vector_load %arg6[%get3A_174] {strides = array<i32>} : memref<10080xi32, #tpu.memory_space<vmem>>, vector<16xi32>,
    %get3A_176 = vector.shape_cast %get3A_175 : vector<16xi32> to vector<16xi32>
    %shift_right_arithmetic3A_177 = arith.constant 14 : i32
    %shift_right_arithmetic3A_178 = vector.broadcast %shift_right_arithmetic3A_177 : i32 to vector<16xi32>
    %shift_right_arithmetic3A_179 = arith.shrsi %get3A_176, %shift_right_arithmetic3A_178 : vector<16xi32>
    %add3A_180 = vector.broadcast %mul3A_0 : i32 to vector<16xi32>
    %add3A_181 = arith.addi %shift_right_arithmetic3A_179, %add3A_180 : vector<16xi32>
    %swap3A_182 = arith.constant 48 : index
    %swap3A_183 = tpu.vector_load %arg9[%swap3A_182] {strides = array<i32>} : memref<96xi32, #tpu.memory_space<vmem>>, vector<16xi32>,
    %swap3A_184 = vector.shape_cast %swap3A_183 : vector<16xi32> to vector<16xi32>
    %swap3A_185 = vector.shape_cast %add3A_181 : vector<16xi32> to vector<16xi32>
    tpu.vector_store %arg9[%swap3A_182], %swap3A_185 {strides = array<i32>} : memref<96xi32, #tpu.memory_space<vmem>>, vector<16xi32>,
    %and3A_186 = arith.constant 16383 : i32
    %and3A_187 = vector.broadcast %and3A_186 : i32 to vector<16xi32>
    %and3A_188 = arith.andi %get3A_176, %and3A_187 : vector<16xi32>
    %swap3A_189 = arith.constant 48 : index
    %swap3A_190 = tpu.vector_load %arg10[%swap3A_189] {strides = array<i32>} : memref<96xi32, #tpu.memory_space<vmem>>, vector<16xi32>,
    %swap3A_191 = vector.shape_cast %swap3A_190 : vector<16xi32> to vector<16xi32>
    %swap3A_192 = vector.shape_cast %and3A_188 : vector<16xi32> to vector<16xi32>
    tpu.vector_store %arg10[%swap3A_189], %swap3A_192 {strides = array<i32>} : memref<96xi32, #tpu.memory_space<vmem>>, vector<16xi32>,
    %get3A_193 = arith.constant 160 : index
    %get3A_194 = tpu.vector_load %arg6[%get3A_193] {strides = array<i32>} : memref<10080xi32, #tpu.memory_space<vmem>>, vector<16xi32>,
    %get3A_195 = vector.shape_cast %get3A_194 : vector<16xi32> to vector<16xi32>
    %shift_right_arithmetic3A_196 = arith.constant 14 : i32
    %shift_right_arithmetic3A_197 = vector.broadcast %shift_right_arithmetic3A_196 : i32 to vector<16xi32>
    %shift_right_arithmetic3A_198 = arith.shrsi %get3A_195, %shift_right_arithmetic3A_197 : vector<16xi32>
    %add3A_199 = vector.broadcast %mul3A_0 : i32 to vector<16xi32>
    %add3A_200 = arith.addi %shift_right_arithmetic3A_198, %add3A_199 : vector<16xi32>
    %swap3A_201 = arith.constant 64 : index
    %swap3A_202 = tpu.vector_load %arg9[%swap3A_201] {strides = array<i32>} : memref<96xi32, #tpu.memory_space<vmem>>, vector<16xi32>,
    %swap3A_203 = vector.shape_cast %swap3A_202 : vector<16xi32> to vector<16xi32>
    %swap3A_204 = vector.shape_cast %add3A_200 : vector<16xi32> to vector<16xi32>
    tpu.vector_store %arg9[%swap3A_201], %swap3A_204 {strides = array<i32>} : memref<96xi32, #tpu.memory_space<vmem>>, vector<16xi32>,
    %and3A_205 = arith.constant 16383 : i32
    %and3A_206 = vector.broadcast %and3A_205 : i32 to vector<16xi32>
    %and3A_207 = arith.andi %get3A_195, %and3A_206 : vector<16xi32>
    %swap3A_208 = arith.constant 64 : index
    %swap3A_209 = tpu.vector_load %arg10[%swap3A_208] {strides = array<i32>} : memref<96xi32, #tpu.memory_space<vmem>>, vector<16xi32>,
    %swap3A_210 = vector.shape_cast %swap3A_209 : vector<16xi32> to vector<16xi32>
    %swap3A_211 = vector.shape_cast %and3A_207 : vector<16xi32> to vector<16xi32>
    tpu.vector_store %arg10[%swap3A_208], %swap3A_211 {strides = array<i32>} : memref<96xi32, #tpu.memory_space<vmem>>, vector<16xi32>,
    %get3A_212 = arith.constant 176 : index
    %get3A_213 = tpu.vector_load %arg6[%get3A_212] {strides = array<i32>} : memref<10080xi32, #tpu.memory_space<vmem>>, vector<16xi32>,
    %get3A_214 = vector.shape_cast %get3A_213 : vector<16xi32> to vector<16xi32>
    %shift_right_arithmetic3A_215 = arith.constant 14 : i32
    %shift_right_arithmetic3A_216 = vector.broadcast %shift_right_arithmetic3A_215 : i32 to vector<16xi32>
    %shift_right_arithmetic3A_217 = arith.shrsi %get3A_214, %shift_right_arithmetic3A_216 : vector<16xi32>
    %add3A_218 = vector.broadcast %mul3A_0 : i32 to vector<16xi32>
    %add3A_219 = arith.addi %shift_right_arithmetic3A_217, %add3A_218 : vector<16xi32>
    %swap3A_220 = arith.constant 80 : index
    %swap3A_221 = tpu.vector_load %arg9[%swap3A_220] {strides = array<i32>} : memref<96xi32, #tpu.memory_space<vmem>>, vector<16xi32>,
    %swap3A_222 = vector.shape_cast %swap3A_221 : vector<16xi32> to vector<16xi32>
    %swap3A_223 = vector.shape_cast %add3A_219 : vector<16xi32> to vector<16xi32>
    tpu.vector_store %arg9[%swap3A_220], %swap3A_223 {strides = array<i32>} : memref<96xi32, #tpu.memory_space<vmem>>, vector<16xi32>,
    %and3A_224 = arith.constant 16383 : i32
    %and3A_225 = vector.broadcast %and3A_224 : i32 to vector<16xi32>
    %and3A_226 = arith.andi %get3A_214, %and3A_225 : vector<16xi32>
    %swap3A_227 = arith.constant 80 : index
    %swap3A_228 = tpu.vector_load %arg10[%swap3A_227] {strides = array<i32>} : memref<96xi32, #tpu.memory_space<vmem>>, vector<16xi32>,
    %swap3A_229 = vector.shape_cast %swap3A_228 : vector<16xi32> to vector<16xi32>
    %swap3A_230 = vector.shape_cast %and3A_226 : vector<16xi32> to vector<16xi32>
    tpu.vector_store %arg10[%swap3A_227], %swap3A_230 {strides = array<i32>} : memref<96xi32, #tpu.memory_space<vmem>>, vector<16xi32>,
    %dma_start3A_231 = arith.constant 0 : i32
    %dma_start3A_232 = arith.constant 0 : i32
    %dma_start3A_233 = tpu.memref_slice %arg2[%dma_start3A_231, %dma_start3A_232] : memref<20000x128xf32, #tpu.memory_space<hbm>> -> memref<20000x128xf32, #tpu.memory_space<hbm>>
    tpu.enqueue_indirect_dma source(%dma_start3A_233 : memref<20000x128xf32, #tpu.memory_space<hbm>>) target(%arg14 : memref<96x128xf32, #tpu.memory_space<vmem>>) offsets(%arg9 : memref<96xi32, #tpu.memory_space<vmem>>) semaphore(%arg17 : memref<!tpu.dma_semaphore, #tpu.memory_space<semaphore_mem>>)
    %dma_wait3A = arith.constant 0 : i32
    %dma_wait3A_234 = arith.constant 0 : i32
    %dma_wait3A_235 = tpu.memref_slice %arg2[%dma_wait3A, %dma_wait3A_234] : memref<20000x128xf32, #tpu.memory_space<hbm>> -> memref<20000x128xf32, #tpu.memory_space<hbm>>
    tpu.wait_indirect_dma semaphore(%arg16 : memref<!tpu.dma_semaphore, #tpu.memory_space<semaphore_mem>>) src(%dma_wait3A_235 : memref<20000x128xf32, #tpu.memory_space<hbm>>) dst(%arg13 : memref<96x128xf32, #tpu.memory_space<vmem>>)
    %dma_start3A_236 = arith.constant 0 : i32
    %dma_start3A_237 = arith.constant 0 : i32
    %dma_start3A_238 = tpu.memref_slice %arg5[%dma_start3A_236, %dma_start3A_237] : memref<10016x128xf32, #tpu.memory_space<vmem_shared>> -> memref<10016x128xf32, #tpu.memory_space<vmem_shared>>
    tpu.enqueue_indirect_dma source(%arg13 : memref<96x128xf32, #tpu.memory_space<vmem>>) target(%dma_start3A_238 : memref<10016x128xf32, #tpu.memory_space<vmem_shared>>) offsets(%arg8 : memref<96xi32, #tpu.memory_space<vmem>>) semaphore(%arg19 : memref<!tpu.dma_semaphore, #tpu.memory_space<semaphore_mem>>) {add = true}
    %get3A_239 = arith.constant 192 : index
    %get3A_240 = tpu.vector_load %arg6[%get3A_239] {strides = array<i32>} : memref<10080xi32, #tpu.memory_space<vmem>>, vector<16xi32>,
    %get3A_241 = vector.shape_cast %get3A_240 : vector<16xi32> to vector<16xi32>
    %shift_right_arithmetic3A_242 = arith.constant 14 : i32
    %shift_right_arithmetic3A_243 = vector.broadcast %shift_right_arithmetic3A_242 : i32 to vector<16xi32>
    %shift_right_arithmetic3A_244 = arith.shrsi %get3A_241, %shift_right_arithmetic3A_243 : vector<16xi32>
    %add3A_245 = vector.broadcast %mul3A_0 : i32 to vector<16xi32>
    %add3A_246 = arith.addi %shift_right_arithmetic3A_244, %add3A_245 : vector<16xi32>
    %swap3A_247 = arith.constant 0 : index
    %swap3A_248 = tpu.vector_load %arg11[%swap3A_247] {strides = array<i32>} : memref<96xi32, #tpu.memory_space<vmem>>, vector<16xi32>,
    %swap3A_249 = vector.shape_cast %swap3A_248 : vector<16xi32> to vector<16xi32>
    %swap3A_250 = vector.shape_cast %add3A_246 : vector<16xi32> to vector<16xi32>
    tpu.vector_store %arg11[%swap3A_247], %swap3A_250 {strides = array<i32>} : memref<96xi32, #tpu.memory_space<vmem>>, vector<16xi32>,
    %and3A_251 = arith.constant 16383 : i32
    %and3A_252 = vector.broadcast %and3A_251 : i32 to vector<16xi32>
    %and3A_253 = arith.andi %get3A_241, %and3A_252 : vector<16xi32>
    %swap3A_254 = arith.constant 0 : index
    %swap3A_255 = tpu.vector_load %arg12[%swap3A_254] {strides = array<i32>} : memref<96xi32, #tpu.memory_space<vmem>>, vector<16xi32>,
    %swap3A_256 = vector.shape_cast %swap3A_255 : vector<16xi32> to vector<16xi32>
    %swap3A_257 = vector.shape_cast %and3A_253 : vector<16xi32> to vector<16xi32>
    tpu.vector_store %arg12[%swap3A_254], %swap3A_257 {strides = array<i32>} : memref<96xi32, #tpu.memory_space<vmem>>, vector<16xi32>,
    %get3A_258 = arith.constant 208 : index
    %get3A_259 = tpu.vector_load %arg6[%get3A_258] {strides = array<i32>} : memref<10080xi32, #tpu.memory_space<vmem>>, vector<16xi32>,
    %get3A_260 = vector.shape_cast %get3A_259 : vector<16xi32> to vector<16xi32>
    %shift_right_arithmetic3A_261 = arith.constant 14 : i32
    %shift_right_arithmetic3A_262 = vector.broadcast %shift_right_arithmetic3A_261 : i32 to vector<16xi32>
    %shift_right_arithmetic3A_263 = arith.shrsi %get3A_260, %shift_right_arithmetic3A_262 : vector<16xi32>
    %add3A_264 = vector.broadcast %mul3A_0 : i32 to vector<16xi32>
    %add3A_265 = arith.addi %shift_right_arithmetic3A_263, %add3A_264 : vector<16xi32>
    %swap3A_266 = arith.constant 16 : index
    %swap3A_267 = tpu.vector_load %arg11[%swap3A_266] {strides = array<i32>} : memref<96xi32, #tpu.memory_space<vmem>>, vector<16xi32>,
    %swap3A_268 = vector.shape_cast %swap3A_267 : vector<16xi32> to vector<16xi32>
    %swap3A_269 = vector.shape_cast %add3A_265 : vector<16xi32> to vector<16xi32>
    tpu.vector_store %arg11[%swap3A_266], %swap3A_269 {strides = array<i32>} : memref<96xi32, #tpu.memory_space<vmem>>, vector<16xi32>,
    %and3A_270 = arith.constant 16383 : i32
    %and3A_271 = vector.broadcast %and3A_270 : i32 to vector<16xi32>
    %and3A_272 = arith.andi %get3A_260, %and3A_271 : vector<16xi32>
    %swap3A_273 = arith.constant 16 : index
    %swap3A_274 = tpu.vector_load %arg12[%swap3A_273] {strides = array<i32>} : memref<96xi32, #tpu.memory_space<vmem>>, vector<16xi32>,
    %swap3A_275 = vector.shape_cast %swap3A_274 : vector<16xi32> to vector<16xi32>
    %swap3A_276 = vector.shape_cast %and3A_272 : vector<16xi32> to vector<16xi32>
    tpu.vector_store %arg12[%swap3A_273], %swap3A_276 {strides = array<i32>} : memref<96xi32, #tpu.memory_space<vmem>>, vector<16xi32>,
    %get3A_277 = arith.constant 224 : index
    %get3A_278 = tpu.vector_load %arg6[%get3A_277] {strides = array<i32>} : memref<10080xi32, #tpu.memory_space<vmem>>, vector<16xi32>,
    %get3A_279 = vector.shape_cast %get3A_278 : vector<16xi32> to vector<16xi32>
    %shift_right_arithmetic3A_280 = arith.constant 14 : i32
    %shift_right_arithmetic3A_281 = vector.broadcast %shift_right_arithmetic3A_280 : i32 to vector<16xi32>
    %shift_right_arithmetic3A_282 = arith.shrsi %get3A_279, %shift_right_arithmetic3A_281 : vector<16xi32>
    %add3A_283 = vector.broadcast %mul3A_0 : i32 to vector<16xi32>
    %add3A_284 = arith.addi %shift_right_arithmetic3A_282, %add3A_283 : vector<16xi32>
    %swap3A_285 = arith.constant 32 : index
    %swap3A_286 = tpu.vector_load %arg11[%swap3A_285] {strides = array<i32>} : memref<96xi32, #tpu.memory_space<vmem>>, vector<16xi32>,
    %swap3A_287 = vector.shape_cast %swap3A_286 : vector<16xi32> to vector<16xi32>
    %swap3A_288 = vector.shape_cast %add3A_284 : vector<16xi32> to vector<16xi32>
    tpu.vector_store %arg11[%swap3A_285], %swap3A_288 {strides = array<i32>} : memref<96xi32, #tpu.memory_space<vmem>>, vector<16xi32>,
    %and3A_289 = arith.constant 16383 : i32
    %and3A_290 = vector.broadcast %and3A_289 : i32 to vector<16xi32>
    %and3A_291 = arith.andi %get3A_279, %and3A_290 : vector<16xi32>
    %swap3A_292 = arith.constant 32 : index
    %swap3A_293 = tpu.vector_load %arg12[%swap3A_292] {strides = array<i32>} : memref<96xi32, #tpu.memory_space<vmem>>, vector<16xi32>,
    %swap3A_294 = vector.shape_cast %swap3A_293 : vector<16xi32> to vector<16xi32>
    %swap3A_295 = vector.shape_cast %and3A_291 : vector<16xi32> to vector<16xi32>
    tpu.vector_store %arg12[%swap3A_292], %swap3A_295 {strides = array<i32>} : memref<96xi32, #tpu.memory_space<vmem>>, vector<16xi32>,
    %get3A_296 = arith.constant 240 : index
    %get3A_297 = tpu.vector_load %arg6[%get3A_296] {strides = array<i32>} : memref<10080xi32, #tpu.memory_space<vmem>>, vector<16xi32>,
    %get3A_298 = vector.shape_cast %get3A_297 : vector<16xi32> to vector<16xi32>
    %shift_right_arithmetic3A_299 = arith.constant 14 : i32
    %shift_right_arithmetic3A_300 = vector.broadcast %shift_right_arithmetic3A_299 : i32 to vector<16xi32>
    %shift_right_arithmetic3A_301 = arith.shrsi %get3A_298, %shift_right_arithmetic3A_300 : vector<16xi32>
    %add3A_302 = vector.broadcast %mul3A_0 : i32 to vector<16xi32>
    %add3A_303 = arith.addi %shift_right_arithmetic3A_301, %add3A_302 : vector<16xi32>
    %swap3A_304 = arith.constant 48 : index
    %swap3A_305 = tpu.vector_load %arg11[%swap3A_304] {strides = array<i32>} : memref<96xi32, #tpu.memory_space<vmem>>, vector<16xi32>,
    %swap3A_306 = vector.shape_cast %swap3A_305 : vector<16xi32> to vector<16xi32>
    %swap3A_307 = vector.shape_cast %add3A_303 : vector<16xi32> to vector<16xi32>
    tpu.vector_store %arg11[%swap3A_304], %swap3A_307 {strides = array<i32>} : memref<96xi32, #tpu.memory_space<vmem>>, vector<16xi32>,
    %and3A_308 = arith.constant 16383 : i32
    %and3A_309 = vector.broadcast %and3A_308 : i32 to vector<16xi32>
    %and3A_310 = arith.andi %get3A_298, %and3A_309 : vector<16xi32>
    %swap3A_311 = arith.constant 48 : index
    %swap3A_312 = tpu.vector_load %arg12[%swap3A_311] {strides = array<i32>} : memref<96xi32, #tpu.memory_space<vmem>>, vector<16xi32>,
    %swap3A_313 = vector.shape_cast %swap3A_312 : vector<16xi32> to vector<16xi32>
    %swap3A_314 = vector.shape_cast %and3A_310 : vector<16xi32> to vector<16xi32>
    tpu.vector_store %arg12[%swap3A_311], %swap3A_314 {strides = array<i32>} : memref<96xi32, #tpu.memory_space<vmem>>, vector<16xi32>,
    %get3A_315 = arith.constant 256 : index
    %get3A_316 = tpu.vector_load %arg6[%get3A_315] {strides = array<i32>} : memref<10080xi32, #tpu.memory_space<vmem>>, vector<16xi32>,
    %get3A_317 = vector.shape_cast %get3A_316 : vector<16xi32> to vector<16xi32>
    %shift_right_arithmetic3A_318 = arith.constant 14 : i32
    %shift_right_arithmetic3A_319 = vector.broadcast %shift_right_arithmetic3A_318 : i32 to vector<16xi32>
    %shift_right_arithmetic3A_320 = arith.shrsi %get3A_317, %shift_right_arithmetic3A_319 : vector<16xi32>
    %add3A_321 = vector.broadcast %mul3A_0 : i32 to vector<16xi32>
    %add3A_322 = arith.addi %shift_right_arithmetic3A_320, %add3A_321 : vector<16xi32>
    %swap3A_323 = arith.constant 64 : index
    %swap3A_324 = tpu.vector_load %arg11[%swap3A_323] {strides = array<i32>} : memref<96xi32, #tpu.memory_space<vmem>>, vector<16xi32>,
    %swap3A_325 = vector.shape_cast %swap3A_324 : vector<16xi32> to vector<16xi32>
    %swap3A_326 = vector.shape_cast %add3A_322 : vector<16xi32> to vector<16xi32>
    tpu.vector_store %arg11[%swap3A_323], %swap3A_326 {strides = array<i32>} : memref<96xi32, #tpu.memory_space<vmem>>, vector<16xi32>,
    %and3A_327 = arith.constant 16383 : i32
    %and3A_328 = vector.broadcast %and3A_327 : i32 to vector<16xi32>
    %and3A_329 = arith.andi %get3A_317, %and3A_328 : vector<16xi32>
    %swap3A_330 = arith.constant 64 : index
    %swap3A_331 = tpu.vector_load %arg12[%swap3A_330] {strides = array<i32>} : memref<96xi32, #tpu.memory_space<vmem>>, vector<16xi32>,
    %swap3A_332 = vector.shape_cast %swap3A_331 : vector<16xi32> to vector<16xi32>
    %swap3A_333 = vector.shape_cast %and3A_329 : vector<16xi32> to vector<16xi32>
    tpu.vector_store %arg12[%swap3A_330], %swap3A_333 {strides = array<i32>} : memref<96xi32, #tpu.memory_space<vmem>>, vector<16xi32>,
    %get3A_334 = arith.constant 272 : index
    %get3A_335 = tpu.vector_load %arg6[%get3A_334] {strides = array<i32>} : memref<10080xi32, #tpu.memory_space<vmem>>, vector<16xi32>,
    %get3A_336 = vector.shape_cast %get3A_335 : vector<16xi32> to vector<16xi32>
    %shift_right_arithmetic3A_337 = arith.constant 14 : i32
    %shift_right_arithmetic3A_338 = vector.broadcast %shift_right_arithmetic3A_337 : i32 to vector<16xi32>
    %shift_right_arithmetic3A_339 = arith.shrsi %get3A_336, %shift_right_arithmetic3A_338 : vector<16xi32>
    %add3A_340 = vector.broadcast %mul3A_0 : i32 to vector<16xi32>
    %add3A_341 = arith.addi %shift_right_arithmetic3A_339, %add3A_340 : vector<16xi32>
    %swap3A_342 = arith.constant 80 : index
    %swap3A_343 = tpu.vector_load %arg11[%swap3A_342] {strides = array<i32>} : memref<96xi32, #tpu.memory_space<vmem>>, vector<16xi32>,
    %swap3A_344 = vector.shape_cast %swap3A_343 : vector<16xi32> to vector<16xi32>
    %swap3A_345 = vector.shape_cast %add3A_341 : vector<16xi32> to vector<16xi32>
    tpu.vector_store %arg11[%swap3A_342], %swap3A_345 {strides = array<i32>} : memref<96xi32, #tpu.memory_space<vmem>>, vector<16xi32>,
    %and3A_346 = arith.constant 16383 : i32
    %and3A_347 = vector.broadcast %and3A_346 : i32 to vector<16xi32>
    %and3A_348 = arith.andi %get3A_336, %and3A_347 : vector<16xi32>
    %swap3A_349 = arith.constant 80 : index
    %swap3A_350 = tpu.vector_load %arg12[%swap3A_349] {strides = array<i32>} : memref<96xi32, #tpu.memory_space<vmem>>, vector<16xi32>,
    %swap3A_351 = vector.shape_cast %swap3A_350 : vector<16xi32> to vector<16xi32>
    %swap3A_352 = vector.shape_cast %and3A_348 : vector<16xi32> to vector<16xi32>
    tpu.vector_store %arg12[%swap3A_349], %swap3A_352 {strides = array<i32>} : memref<96xi32, #tpu.memory_space<vmem>>, vector<16xi32>,
    %dma_start3A_353 = arith.constant 0 : i32
    %dma_start3A_354 = arith.constant 0 : i32
    %dma_start3A_355 = tpu.memref_slice %arg2[%dma_start3A_353, %dma_start3A_354] : memref<20000x128xf32, #tpu.memory_space<hbm>> -> memref<20000x128xf32, #tpu.memory_space<hbm>>
    tpu.enqueue_indirect_dma source(%dma_start3A_355 : memref<20000x128xf32, #tpu.memory_space<hbm>>) target(%arg15 : memref<96x128xf32, #tpu.memory_space<vmem>>) offsets(%arg11 : memref<96xi32, #tpu.memory_space<vmem>>) semaphore(%arg18 : memref<!tpu.dma_semaphore, #tpu.memory_space<semaphore_mem>>)
    %scan3A = arith.constant 0 : i32
    %scan3A_356 = arith.constant 34 : i32
    %scan3A_357 = arith.addi %scan3A, %scan3A_356 : i32
    %scan3A_358 = arith.constant 1 : i32
    scf.for %scan3A_388 = %scan3A to %scan3A_357 step %scan3A_358  : i32 {
      %mul3A_389 = arith.constant 3 : i32
      %mul3A_390 = arith.muli %scan3A_388, %mul3A_389 : i32
      %add3A_391 = arith.constant 1 : i32
      %add3A_392 = arith.addi %add3A_391, %mul3A_390 : i32
      %add3A_393 = arith.constant 0 : i32
      %add3A_394 = arith.addi %add3A_392, %add3A_393 : i32
      %dma_wait3A_395 = arith.constant 0 : i32
      %dma_wait3A_396 = arith.constant 0 : i32
      %dma_wait3A_397 = tpu.memref_slice %arg2[%dma_wait3A_395, %dma_wait3A_396] : memref<20000x128xf32, #tpu.memory_space<hbm>> -> memref<20000x128xf32, #tpu.memory_space<hbm>>
      tpu.wait_indirect_dma semaphore(%arg17 : memref<!tpu.dma_semaphore, #tpu.memory_space<semaphore_mem>>) src(%dma_wait3A_397 : memref<20000x128xf32, #tpu.memory_space<hbm>>) dst(%arg14 : memref<96x128xf32, #tpu.memory_space<vmem>>)
      %dma_start3A_398 = arith.constant 0 : i32
      %dma_start3A_399 = arith.constant 0 : i32
      %dma_start3A_400 = tpu.memref_slice %arg5[%dma_start3A_398, %dma_start3A_399] : memref<10016x128xf32, #tpu.memory_space<vmem_shared>> -> memref<10016x128xf32, #tpu.memory_space<vmem_shared>>
      tpu.enqueue_indirect_dma source(%arg14 : memref<96x128xf32, #tpu.memory_space<vmem>>) target(%dma_start3A_400 : memref<10016x128xf32, #tpu.memory_space<vmem_shared>>) offsets(%arg10 : memref<96xi32, #tpu.memory_space<vmem>>) semaphore(%arg20 : memref<!tpu.dma_semaphore, #tpu.memory_space<semaphore_mem>>) {add = true}
      %dma_wait3A_401 = arith.constant 0 : i32
      %dma_wait3A_402 = arith.constant 0 : i32
      %dma_wait3A_403 = tpu.memref_slice %arg5[%dma_wait3A_401, %dma_wait3A_402] : memref<10016x128xf32, #tpu.memory_space<vmem_shared>> -> memref<10016x128xf32, #tpu.memory_space<vmem_shared>>
      tpu.wait_indirect_dma semaphore(%arg19 : memref<!tpu.dma_semaphore, #tpu.memory_space<semaphore_mem>>) src(%arg13 : memref<96x128xf32, #tpu.memory_space<vmem>>) dst(%dma_wait3A_403 : memref<10016x128xf32, #tpu.memory_space<vmem_shared>>)
      %add3A_404 = arith.constant 3 : i32
      %add3A_405 = arith.addi %add3A_394, %add3A_404 : i32
      %sub3A = arith.constant 1 : i32
      %sub3A_406 = arith.subi %add3A_405, %sub3A : i32
      %mul3A_407 = arith.constant 96 : i32
      %mul3A_408 = arith.muli %sub3A_406, %mul3A_407 : i32
      %add3A_409 = arith.constant 0 : i32
      %add3A_410 = arith.addi %mul3A_408, %add3A_409 : i32
      %get3A_411 = arith.index_cast %add3A_410 : i32 to index
      %get3A_412 = tpu.vector_load %arg6[%get3A_411] {strides = array<i32>} : memref<10080xi32, #tpu.memory_space<vmem>>, vector<16xi32>,
      %get3A_413 = vector.shape_cast %get3A_412 : vector<16xi32> to vector<16xi32>
      %shift_right_arithmetic3A_414 = arith.constant 14 : i32
      %shift_right_arithmetic3A_415 = vector.broadcast %shift_right_arithmetic3A_414 : i32 to vector<16xi32>
      %shift_right_arithmetic3A_416 = arith.shrsi %get3A_413, %shift_right_arithmetic3A_415 : vector<16xi32>
      %add3A_417 = vector.broadcast %mul3A_0 : i32 to vector<16xi32>
      %add3A_418 = arith.addi %shift_right_arithmetic3A_416, %add3A_417 : vector<16xi32>
      %swap3A_419 = arith.constant 0 : index
      %swap3A_420 = tpu.vector_load %arg7[%swap3A_419] {strides = array<i32>} : memref<96xi32, #tpu.memory_space<vmem>>, vector<16xi32>,
      %swap3A_421 = vector.shape_cast %swap3A_420 : vector<16xi32> to vector<16xi32>
      %swap3A_422 = vector.shape_cast %add3A_418 : vector<16xi32> to vector<16xi32>
      tpu.vector_store %arg7[%swap3A_419], %swap3A_422 {strides = array<i32>} : memref<96xi32, #tpu.memory_space<vmem>>, vector<16xi32>,
      %and3A_423 = arith.constant 16383 : i32
      %and3A_424 = vector.broadcast %and3A_423 : i32 to vector<16xi32>
      %and3A_425 = arith.andi %get3A_413, %and3A_424 : vector<16xi32>
      %swap3A_426 = arith.constant 0 : index
      %swap3A_427 = tpu.vector_load %arg8[%swap3A_426] {strides = array<i32>} : memref<96xi32, #tpu.memory_space<vmem>>, vector<16xi32>,
      %swap3A_428 = vector.shape_cast %swap3A_427 : vector<16xi32> to vector<16xi32>
      %swap3A_429 = vector.shape_cast %and3A_425 : vector<16xi32> to vector<16xi32>
      tpu.vector_store %arg8[%swap3A_426], %swap3A_429 {strides = array<i32>} : memref<96xi32, #tpu.memory_space<vmem>>, vector<16xi32>,
      %mul3A_430 = arith.constant 96 : i32
      %mul3A_431 = arith.muli %sub3A_406, %mul3A_430 : i32
      %add3A_432 = arith.constant 16 : i32
      %add3A_433 = arith.addi %mul3A_431, %add3A_432 : i32
      %get3A_434 = arith.index_cast %add3A_433 : i32 to index
      %get3A_435 = tpu.vector_load %arg6[%get3A_434] {strides = array<i32>} : memref<10080xi32, #tpu.memory_space<vmem>>, vector<16xi32>,
      %get3A_436 = vector.shape_cast %get3A_435 : vector<16xi32> to vector<16xi32>
      %shift_right_arithmetic3A_437 = arith.constant 14 : i32
      %shift_right_arithmetic3A_438 = vector.broadcast %shift_right_arithmetic3A_437 : i32 to vector<16xi32>
      %shift_right_arithmetic3A_439 = arith.shrsi %get3A_436, %shift_right_arithmetic3A_438 : vector<16xi32>
      %add3A_440 = vector.broadcast %mul3A_0 : i32 to vector<16xi32>
      %add3A_441 = arith.addi %shift_right_arithmetic3A_439, %add3A_440 : vector<16xi32>
      %swap3A_442 = arith.constant 16 : index
      %swap3A_443 = tpu.vector_load %arg7[%swap3A_442] {strides = array<i32>} : memref<96xi32, #tpu.memory_space<vmem>>, vector<16xi32>,
      %swap3A_444 = vector.shape_cast %swap3A_443 : vector<16xi32> to vector<16xi32>
      %swap3A_445 = vector.shape_cast %add3A_441 : vector<16xi32> to vector<16xi32>
      tpu.vector_store %arg7[%swap3A_442], %swap3A_445 {strides = array<i32>} : memref<96xi32, #tpu.memory_space<vmem>>, vector<16xi32>,
      %and3A_446 = arith.constant 16383 : i32
      %and3A_447 = vector.broadcast %and3A_446 : i32 to vector<16xi32>
      %and3A_448 = arith.andi %get3A_436, %and3A_447 : vector<16xi32>
      %swap3A_449 = arith.constant 16 : index
      %swap3A_450 = tpu.vector_load %arg8[%swap3A_449] {strides = array<i32>} : memref<96xi32, #tpu.memory_space<vmem>>, vector<16xi32>,
      %swap3A_451 = vector.shape_cast %swap3A_450 : vector<16xi32> to vector<16xi32>
      %swap3A_452 = vector.shape_cast %and3A_448 : vector<16xi32> to vector<16xi32>
      tpu.vector_store %arg8[%swap3A_449], %swap3A_452 {strides = array<i32>} : memref<96xi32, #tpu.memory_space<vmem>>, vector<16xi32>,
      %mul3A_453 = arith.constant 96 : i32
      %mul3A_454 = arith.muli %sub3A_406, %mul3A_453 : i32
      %add3A_455 = arith.constant 32 : i32
      %add3A_456 = arith.addi %mul3A_454, %add3A_455 : i32
      %get3A_457 = arith.index_cast %add3A_456 : i32 to index
      %get3A_458 = tpu.vector_load %arg6[%get3A_457] {strides = array<i32>} : memref<10080xi32, #tpu.memory_space<vmem>>, vector<16xi32>,
      %get3A_459 = vector.shape_cast %get3A_458 : vector<16xi32> to vector<16xi32>
      %shift_right_arithmetic3A_460 = arith.constant 14 : i32
      %shift_right_arithmetic3A_461 = vector.broadcast %shift_right_arithmetic3A_460 : i32 to vector<16xi32>
      %shift_right_arithmetic3A_462 = arith.shrsi %get3A_459, %shift_right_arithmetic3A_461 : vector<16xi32>
      %add3A_463 = vector.broadcast %mul3A_0 : i32 to vector<16xi32>
      %add3A_464 = arith.addi %shift_right_arithmetic3A_462, %add3A_463 : vector<16xi32>
      %swap3A_465 = arith.constant 32 : index
      %swap3A_466 = tpu.vector_load %arg7[%swap3A_465] {strides = array<i32>} : memref<96xi32, #tpu.memory_space<vmem>>, vector<16xi32>,
      %swap3A_467 = vector.shape_cast %swap3A_466 : vector<16xi32> to vector<16xi32>
      %swap3A_468 = vector.shape_cast %add3A_464 : vector<16xi32> to vector<16xi32>
      tpu.vector_store %arg7[%swap3A_465], %swap3A_468 {strides = array<i32>} : memref<96xi32, #tpu.memory_space<vmem>>, vector<16xi32>,
      %and3A_469 = arith.constant 16383 : i32
      %and3A_470 = vector.broadcast %and3A_469 : i32 to vector<16xi32>
      %and3A_471 = arith.andi %get3A_459, %and3A_470 : vector<16xi32>
      %swap3A_472 = arith.constant 32 : index
      %swap3A_473 = tpu.vector_load %arg8[%swap3A_472] {strides = array<i32>} : memref<96xi32, #tpu.memory_space<vmem>>, vector<16xi32>,
      %swap3A_474 = vector.shape_cast %swap3A_473 : vector<16xi32> to vector<16xi32>
      %swap3A_475 = vector.shape_cast %and3A_471 : vector<16xi32> to vector<16xi32>
      tpu.vector_store %arg8[%swap3A_472], %swap3A_475 {strides = array<i32>} : memref<96xi32, #tpu.memory_space<vmem>>, vector<16xi32>,
      %mul3A_476 = arith.constant 96 : i32
      %mul3A_477 = arith.muli %sub3A_406, %mul3A_476 : i32
      %add3A_478 = arith.constant 48 : i32
      %add3A_479 = arith.addi %mul3A_477, %add3A_478 : i32
      %get3A_480 = arith.index_cast %add3A_479 : i32 to index
      %get3A_481 = tpu.vector_load %arg6[%get3A_480] {strides = array<i32>} : memref<10080xi32, #tpu.memory_space<vmem>>, vector<16xi32>,
      %get3A_482 = vector.shape_cast %get3A_481 : vector<16xi32> to vector<16xi32>
      %shift_right_arithmetic3A_483 = arith.constant 14 : i32
      %shift_right_arithmetic3A_484 = vector.broadcast %shift_right_arithmetic3A_483 : i32 to vector<16xi32>
      %shift_right_arithmetic3A_485 = arith.shrsi %get3A_482, %shift_right_arithmetic3A_484 : vector<16xi32>
      %add3A_486 = vector.broadcast %mul3A_0 : i32 to vector<16xi32>
      %add3A_487 = arith.addi %shift_right_arithmetic3A_485, %add3A_486 : vector<16xi32>
      %swap3A_488 = arith.constant 48 : index
      %swap3A_489 = tpu.vector_load %arg7[%swap3A_488] {strides = array<i32>} : memref<96xi32, #tpu.memory_space<vmem>>, vector<16xi32>,
      %swap3A_490 = vector.shape_cast %swap3A_489 : vector<16xi32> to vector<16xi32>
      %swap3A_491 = vector.shape_cast %add3A_487 : vector<16xi32> to vector<16xi32>
      tpu.vector_store %arg7[%swap3A_488], %swap3A_491 {strides = array<i32>} : memref<96xi32, #tpu.memory_space<vmem>>, vector<16xi32>,
      %and3A_492 = arith.constant 16383 : i32
      %and3A_493 = vector.broadcast %and3A_492 : i32 to vector<16xi32>
      %and3A_494 = arith.andi %get3A_482, %and3A_493 : vector<16xi32>
      %swap3A_495 = arith.constant 48 : index
      %swap3A_496 = tpu.vector_load %arg8[%swap3A_495] {strides = array<i32>} : memref<96xi32, #tpu.memory_space<vmem>>, vector<16xi32>,
      %swap3A_497 = vector.shape_cast %swap3A_496 : vector<16xi32> to vector<16xi32>
      %swap3A_498 = vector.shape_cast %and3A_494 : vector<16xi32> to vector<16xi32>
      tpu.vector_store %arg8[%swap3A_495], %swap3A_498 {strides = array<i32>} : memref<96xi32, #tpu.memory_space<vmem>>, vector<16xi32>,
      %mul3A_499 = arith.constant 96 : i32
      %mul3A_500 = arith.muli %sub3A_406, %mul3A_499 : i32
      %add3A_501 = arith.constant 64 : i32
      %add3A_502 = arith.addi %mul3A_500, %add3A_501 : i32
      %get3A_503 = arith.index_cast %add3A_502 : i32 to index
      %get3A_504 = tpu.vector_load %arg6[%get3A_503] {strides = array<i32>} : memref<10080xi32, #tpu.memory_space<vmem>>, vector<16xi32>,
      %get3A_505 = vector.shape_cast %get3A_504 : vector<16xi32> to vector<16xi32>
      %shift_right_arithmetic3A_506 = arith.constant 14 : i32
      %shift_right_arithmetic3A_507 = vector.broadcast %shift_right_arithmetic3A_506 : i32 to vector<16xi32>
      %shift_right_arithmetic3A_508 = arith.shrsi %get3A_505, %shift_right_arithmetic3A_507 : vector<16xi32>
      %add3A_509 = vector.broadcast %mul3A_0 : i32 to vector<16xi32>
      %add3A_510 = arith.addi %shift_right_arithmetic3A_508, %add3A_509 : vector<16xi32>
      %swap3A_511 = arith.constant 64 : index
      %swap3A_512 = tpu.vector_load %arg7[%swap3A_511] {strides = array<i32>} : memref<96xi32, #tpu.memory_space<vmem>>, vector<16xi32>,
      %swap3A_513 = vector.shape_cast %swap3A_512 : vector<16xi32> to vector<16xi32>
      %swap3A_514 = vector.shape_cast %add3A_510 : vector<16xi32> to vector<16xi32>
      tpu.vector_store %arg7[%swap3A_511], %swap3A_514 {strides = array<i32>} : memref<96xi32, #tpu.memory_space<vmem>>, vector<16xi32>,
      %and3A_515 = arith.constant 16383 : i32
      %and3A_516 = vector.broadcast %and3A_515 : i32 to vector<16xi32>
      %and3A_517 = arith.andi %get3A_505, %and3A_516 : vector<16xi32>
      %swap3A_518 = arith.constant 64 : index
      %swap3A_519 = tpu.vector_load %arg8[%swap3A_518] {strides = array<i32>} : memref<96xi32, #tpu.memory_space<vmem>>, vector<16xi32>,
      %swap3A_520 = vector.shape_cast %swap3A_519 : vector<16xi32> to vector<16xi32>
      %swap3A_521 = vector.shape_cast %and3A_517 : vector<16xi32> to vector<16xi32>
      tpu.vector_store %arg8[%swap3A_518], %swap3A_521 {strides = array<i32>} : memref<96xi32, #tpu.memory_space<vmem>>, vector<16xi32>,
      %mul3A_522 = arith.constant 96 : i32
      %mul3A_523 = arith.muli %sub3A_406, %mul3A_522 : i32
      %add3A_524 = arith.constant 80 : i32
      %add3A_525 = arith.addi %mul3A_523, %add3A_524 : i32
      %get3A_526 = arith.index_cast %add3A_525 : i32 to index
      %get3A_527 = tpu.vector_load %arg6[%get3A_526] {strides = array<i32>} : memref<10080xi32, #tpu.memory_space<vmem>>, vector<16xi32>,
      %get3A_528 = vector.shape_cast %get3A_527 : vector<16xi32> to vector<16xi32>
      %shift_right_arithmetic3A_529 = arith.constant 14 : i32
      %shift_right_arithmetic3A_530 = vector.broadcast %shift_right_arithmetic3A_529 : i32 to vector<16xi32>
      %shift_right_arithmetic3A_531 = arith.shrsi %get3A_528, %shift_right_arithmetic3A_530 : vector<16xi32>
      %add3A_532 = vector.broadcast %mul3A_0 : i32 to vector<16xi32>
      %add3A_533 = arith.addi %shift_right_arithmetic3A_531, %add3A_532 : vector<16xi32>
      %swap3A_534 = arith.constant 80 : index
      %swap3A_535 = tpu.vector_load %arg7[%swap3A_534] {strides = array<i32>} : memref<96xi32, #tpu.memory_space<vmem>>, vector<16xi32>,
      %swap3A_536 = vector.shape_cast %swap3A_535 : vector<16xi32> to vector<16xi32>
      %swap3A_537 = vector.shape_cast %add3A_533 : vector<16xi32> to vector<16xi32>
      tpu.vector_store %arg7[%swap3A_534], %swap3A_537 {strides = array<i32>} : memref<96xi32, #tpu.memory_space<vmem>>, vector<16xi32>,
      %and3A_538 = arith.constant 16383 : i32
      %and3A_539 = vector.broadcast %and3A_538 : i32 to vector<16xi32>
      %and3A_540 = arith.andi %get3A_528, %and3A_539 : vector<16xi32>
      %swap3A_541 = arith.constant 80 : index
      %swap3A_542 = tpu.vector_load %arg8[%swap3A_541] {strides = array<i32>} : memref<96xi32, #tpu.memory_space<vmem>>, vector<16xi32>,
      %swap3A_543 = vector.shape_cast %swap3A_542 : vector<16xi32> to vector<16xi32>
      %swap3A_544 = vector.shape_cast %and3A_540 : vector<16xi32> to vector<16xi32>
      tpu.vector_store %arg8[%swap3A_541], %swap3A_544 {strides = array<i32>} : memref<96xi32, #tpu.memory_space<vmem>>, vector<16xi32>,
      %dma_start3A_545 = arith.constant 0 : i32
      %dma_start3A_546 = arith.constant 0 : i32
      %dma_start3A_547 = tpu.memref_slice %arg2[%dma_start3A_545, %dma_start3A_546] : memref<20000x128xf32, #tpu.memory_space<hbm>> -> memref<20000x128xf32, #tpu.memory_space<hbm>>
      tpu.enqueue_indirect_dma source(%dma_start3A_547 : memref<20000x128xf32, #tpu.memory_space<hbm>>) target(%arg13 : memref<96x128xf32, #tpu.memory_space<vmem>>) offsets(%arg7 : memref<96xi32, #tpu.memory_space<vmem>>) semaphore(%arg16 : memref<!tpu.dma_semaphore, #tpu.memory_space<semaphore_mem>>)
      %add3A_548 = arith.constant 1 : i32
      %add3A_549 = arith.addi %add3A_392, %add3A_548 : i32
      %dma_wait3A_550 = arith.constant 0 : i32
      %dma_wait3A_551 = arith.constant 0 : i32
      %dma_wait3A_552 = tpu.memref_slice %arg2[%dma_wait3A_550, %dma_wait3A_551] : memref<20000x128xf32, #tpu.memory_space<hbm>> -> memref<20000x128xf32, #tpu.memory_space<hbm>>
      tpu.wait_indirect_dma semaphore(%arg18 : memref<!tpu.dma_semaphore, #tpu.memory_space<semaphore_mem>>) src(%dma_wait3A_552 : memref<20000x128xf32, #tpu.memory_space<hbm>>) dst(%arg15 : memref<96x128xf32, #tpu.memory_space<vmem>>)
      %dma_start3A_553 = arith.constant 0 : i32
      %dma_start3A_554 = arith.constant 0 : i32
      %dma_start3A_555 = tpu.memref_slice %arg5[%dma_start3A_553, %dma_start3A_554] : memref<10016x128xf32, #tpu.memory_space<vmem_shared>> -> memref<10016x128xf32, #tpu.memory_space<vmem_shared>>
      tpu.enqueue_indirect_dma source(%arg15 : memref<96x128xf32, #tpu.memory_space<vmem>>) target(%dma_start3A_555 : memref<10016x128xf32, #tpu.memory_space<vmem_shared>>) offsets(%arg12 : memref<96xi32, #tpu.memory_space<vmem>>) semaphore(%arg21 : memref<!tpu.dma_semaphore, #tpu.memory_space<semaphore_mem>>) {add = true}
      %dma_wait3A_556 = arith.constant 0 : i32
      %dma_wait3A_557 = arith.constant 0 : i32
      %dma_wait3A_558 = tpu.memref_slice %arg5[%dma_wait3A_556, %dma_wait3A_557] : memref<10016x128xf32, #tpu.memory_space<vmem_shared>> -> memref<10016x128xf32, #tpu.memory_space<vmem_shared>>
      tpu.wait_indirect_dma semaphore(%arg20 : memref<!tpu.dma_semaphore, #tpu.memory_space<semaphore_mem>>) src(%arg14 : memref<96x128xf32, #tpu.memory_space<vmem>>) dst(%dma_wait3A_558 : memref<10016x128xf32, #tpu.memory_space<vmem_shared>>)
      %add3A_559 = arith.constant 3 : i32
      %add3A_560 = arith.addi %add3A_549, %add3A_559 : i32
      %sub3A_561 = arith.constant 1 : i32
      %sub3A_562 = arith.subi %add3A_560, %sub3A_561 : i32
      %mul3A_563 = arith.constant 96 : i32
      %mul3A_564 = arith.muli %sub3A_562, %mul3A_563 : i32
      %add3A_565 = arith.constant 0 : i32
      %add3A_566 = arith.addi %mul3A_564, %add3A_565 : i32
      %get3A_567 = arith.index_cast %add3A_566 : i32 to index
      %get3A_568 = tpu.vector_load %arg6[%get3A_567] {strides = array<i32>} : memref<10080xi32, #tpu.memory_space<vmem>>, vector<16xi32>,
      %get3A_569 = vector.shape_cast %get3A_568 : vector<16xi32> to vector<16xi32>
      %shift_right_arithmetic3A_570 = arith.constant 14 : i32
      %shift_right_arithmetic3A_571 = vector.broadcast %shift_right_arithmetic3A_570 : i32 to vector<16xi32>
      %shift_right_arithmetic3A_572 = arith.shrsi %get3A_569, %shift_right_arithmetic3A_571 : vector<16xi32>
      %add3A_573 = vector.broadcast %mul3A_0 : i32 to vector<16xi32>
      %add3A_574 = arith.addi %shift_right_arithmetic3A_572, %add3A_573 : vector<16xi32>
      %swap3A_575 = arith.constant 0 : index
      %swap3A_576 = tpu.vector_load %arg9[%swap3A_575] {strides = array<i32>} : memref<96xi32, #tpu.memory_space<vmem>>, vector<16xi32>,
      %swap3A_577 = vector.shape_cast %swap3A_576 : vector<16xi32> to vector<16xi32>
      %swap3A_578 = vector.shape_cast %add3A_574 : vector<16xi32> to vector<16xi32>
      tpu.vector_store %arg9[%swap3A_575], %swap3A_578 {strides = array<i32>} : memref<96xi32, #tpu.memory_space<vmem>>, vector<16xi32>,
      %and3A_579 = arith.constant 16383 : i32
      %and3A_580 = vector.broadcast %and3A_579 : i32 to vector<16xi32>
      %and3A_581 = arith.andi %get3A_569, %and3A_580 : vector<16xi32>
      %swap3A_582 = arith.constant 0 : index
      %swap3A_583 = tpu.vector_load %arg10[%swap3A_582] {strides = array<i32>} : memref<96xi32, #tpu.memory_space<vmem>>, vector<16xi32>,
      %swap3A_584 = vector.shape_cast %swap3A_583 : vector<16xi32> to vector<16xi32>
      %swap3A_585 = vector.shape_cast %and3A_581 : vector<16xi32> to vector<16xi32>
      tpu.vector_store %arg10[%swap3A_582], %swap3A_585 {strides = array<i32>} : memref<96xi32, #tpu.memory_space<vmem>>, vector<16xi32>,
      %mul3A_586 = arith.constant 96 : i32
      %mul3A_587 = arith.muli %sub3A_562, %mul3A_586 : i32
      %add3A_588 = arith.constant 16 : i32
      %add3A_589 = arith.addi %mul3A_587, %add3A_588 : i32
      %get3A_590 = arith.index_cast %add3A_589 : i32 to index
      %get3A_591 = tpu.vector_load %arg6[%get3A_590] {strides = array<i32>} : memref<10080xi32, #tpu.memory_space<vmem>>, vector<16xi32>,
      %get3A_592 = vector.shape_cast %get3A_591 : vector<16xi32> to vector<16xi32>
      %shift_right_arithmetic3A_593 = arith.constant 14 : i32
      %shift_right_arithmetic3A_594 = vector.broadcast %shift_right_arithmetic3A_593 : i32 to vector<16xi32>
      %shift_right_arithmetic3A_595 = arith.shrsi %get3A_592, %shift_right_arithmetic3A_594 : vector<16xi32>
      %add3A_596 = vector.broadcast %mul3A_0 : i32 to vector<16xi32>
      %add3A_597 = arith.addi %shift_right_arithmetic3A_595, %add3A_596 : vector<16xi32>
      %swap3A_598 = arith.constant 16 : index
      %swap3A_599 = tpu.vector_load %arg9[%swap3A_598] {strides = array<i32>} : memref<96xi32, #tpu.memory_space<vmem>>, vector<16xi32>,
      %swap3A_600 = vector.shape_cast %swap3A_599 : vector<16xi32> to vector<16xi32>
      %swap3A_601 = vector.shape_cast %add3A_597 : vector<16xi32> to vector<16xi32>
      tpu.vector_store %arg9[%swap3A_598], %swap3A_601 {strides = array<i32>} : memref<96xi32, #tpu.memory_space<vmem>>, vector<16xi32>,
      %and3A_602 = arith.constant 16383 : i32
      %and3A_603 = vector.broadcast %and3A_602 : i32 to vector<16xi32>
      %and3A_604 = arith.andi %get3A_592, %and3A_603 : vector<16xi32>
      %swap3A_605 = arith.constant 16 : index
      %swap3A_606 = tpu.vector_load %arg10[%swap3A_605] {strides = array<i32>} : memref<96xi32, #tpu.memory_space<vmem>>, vector<16xi32>,
      %swap3A_607 = vector.shape_cast %swap3A_606 : vector<16xi32> to vector<16xi32>
      %swap3A_608 = vector.shape_cast %and3A_604 : vector<16xi32> to vector<16xi32>
      tpu.vector_store %arg10[%swap3A_605], %swap3A_608 {strides = array<i32>} : memref<96xi32, #tpu.memory_space<vmem>>, vector<16xi32>,
      %mul3A_609 = arith.constant 96 : i32
      %mul3A_610 = arith.muli %sub3A_562, %mul3A_609 : i32
      %add3A_611 = arith.constant 32 : i32
      %add3A_612 = arith.addi %mul3A_610, %add3A_611 : i32
      %get3A_613 = arith.index_cast %add3A_612 : i32 to index
      %get3A_614 = tpu.vector_load %arg6[%get3A_613] {strides = array<i32>} : memref<10080xi32, #tpu.memory_space<vmem>>, vector<16xi32>,
      %get3A_615 = vector.shape_cast %get3A_614 : vector<16xi32> to vector<16xi32>
      %shift_right_arithmetic3A_616 = arith.constant 14 : i32
      %shift_right_arithmetic3A_617 = vector.broadcast %shift_right_arithmetic3A_616 : i32 to vector<16xi32>
      %shift_right_arithmetic3A_618 = arith.shrsi %get3A_615, %shift_right_arithmetic3A_617 : vector<16xi32>
      %add3A_619 = vector.broadcast %mul3A_0 : i32 to vector<16xi32>
      %add3A_620 = arith.addi %shift_right_arithmetic3A_618, %add3A_619 : vector<16xi32>
      %swap3A_621 = arith.constant 32 : index
      %swap3A_622 = tpu.vector_load %arg9[%swap3A_621] {strides = array<i32>} : memref<96xi32, #tpu.memory_space<vmem>>, vector<16xi32>,
      %swap3A_623 = vector.shape_cast %swap3A_622 : vector<16xi32> to vector<16xi32>
      %swap3A_624 = vector.shape_cast %add3A_620 : vector<16xi32> to vector<16xi32>
      tpu.vector_store %arg9[%swap3A_621], %swap3A_624 {strides = array<i32>} : memref<96xi32, #tpu.memory_space<vmem>>, vector<16xi32>,
      %and3A_625 = arith.constant 16383 : i32
      %and3A_626 = vector.broadcast %and3A_625 : i32 to vector<16xi32>
      %and3A_627 = arith.andi %get3A_615, %and3A_626 : vector<16xi32>
      %swap3A_628 = arith.constant 32 : index
      %swap3A_629 = tpu.vector_load %arg10[%swap3A_628] {strides = array<i32>} : memref<96xi32, #tpu.memory_space<vmem>>, vector<16xi32>,
      %swap3A_630 = vector.shape_cast %swap3A_629 : vector<16xi32> to vector<16xi32>
      %swap3A_631 = vector.shape_cast %and3A_627 : vector<16xi32> to vector<16xi32>
      tpu.vector_store %arg10[%swap3A_628], %swap3A_631 {strides = array<i32>} : memref<96xi32, #tpu.memory_space<vmem>>, vector<16xi32>,
      %mul3A_632 = arith.constant 96 : i32
      %mul3A_633 = arith.muli %sub3A_562, %mul3A_632 : i32
      %add3A_634 = arith.constant 48 : i32
      %add3A_635 = arith.addi %mul3A_633, %add3A_634 : i32
      %get3A_636 = arith.index_cast %add3A_635 : i32 to index
      %get3A_637 = tpu.vector_load %arg6[%get3A_636] {strides = array<i32>} : memref<10080xi32, #tpu.memory_space<vmem>>, vector<16xi32>,
      %get3A_638 = vector.shape_cast %get3A_637 : vector<16xi32> to vector<16xi32>
      %shift_right_arithmetic3A_639 = arith.constant 14 : i32
      %shift_right_arithmetic3A_640 = vector.broadcast %shift_right_arithmetic3A_639 : i32 to vector<16xi32>
      %shift_right_arithmetic3A_641 = arith.shrsi %get3A_638, %shift_right_arithmetic3A_640 : vector<16xi32>
      %add3A_642 = vector.broadcast %mul3A_0 : i32 to vector<16xi32>
      %add3A_643 = arith.addi %shift_right_arithmetic3A_641, %add3A_642 : vector<16xi32>
      %swap3A_644 = arith.constant 48 : index
      %swap3A_645 = tpu.vector_load %arg9[%swap3A_644] {strides = array<i32>} : memref<96xi32, #tpu.memory_space<vmem>>, vector<16xi32>,
      %swap3A_646 = vector.shape_cast %swap3A_645 : vector<16xi32> to vector<16xi32>
      %swap3A_647 = vector.shape_cast %add3A_643 : vector<16xi32> to vector<16xi32>
      tpu.vector_store %arg9[%swap3A_644], %swap3A_647 {strides = array<i32>} : memref<96xi32, #tpu.memory_space<vmem>>, vector<16xi32>,
      %and3A_648 = arith.constant 16383 : i32
      %and3A_649 = vector.broadcast %and3A_648 : i32 to vector<16xi32>
      %and3A_650 = arith.andi %get3A_638, %and3A_649 : vector<16xi32>
      %swap3A_651 = arith.constant 48 : index
      %swap3A_652 = tpu.vector_load %arg10[%swap3A_651] {strides = array<i32>} : memref<96xi32, #tpu.memory_space<vmem>>, vector<16xi32>,
      %swap3A_653 = vector.shape_cast %swap3A_652 : vector<16xi32> to vector<16xi32>
      %swap3A_654 = vector.shape_cast %and3A_650 : vector<16xi32> to vector<16xi32>
      tpu.vector_store %arg10[%swap3A_651], %swap3A_654 {strides = array<i32>} : memref<96xi32, #tpu.memory_space<vmem>>, vector<16xi32>,
      %mul3A_655 = arith.constant 96 : i32
      %mul3A_656 = arith.muli %sub3A_562, %mul3A_655 : i32
      %add3A_657 = arith.constant 64 : i32
      %add3A_658 = arith.addi %mul3A_656, %add3A_657 : i32
      %get3A_659 = arith.index_cast %add3A_658 : i32 to index
      %get3A_660 = tpu.vector_load %arg6[%get3A_659] {strides = array<i32>} : memref<10080xi32, #tpu.memory_space<vmem>>, vector<16xi32>,
      %get3A_661 = vector.shape_cast %get3A_660 : vector<16xi32> to vector<16xi32>
      %shift_right_arithmetic3A_662 = arith.constant 14 : i32
      %shift_right_arithmetic3A_663 = vector.broadcast %shift_right_arithmetic3A_662 : i32 to vector<16xi32>
      %shift_right_arithmetic3A_664 = arith.shrsi %get3A_661, %shift_right_arithmetic3A_663 : vector<16xi32>
      %add3A_665 = vector.broadcast %mul3A_0 : i32 to vector<16xi32>
      %add3A_666 = arith.addi %shift_right_arithmetic3A_664, %add3A_665 : vector<16xi32>
      %swap3A_667 = arith.constant 64 : index
      %swap3A_668 = tpu.vector_load %arg9[%swap3A_667] {strides = array<i32>} : memref<96xi32, #tpu.memory_space<vmem>>, vector<16xi32>,
      %swap3A_669 = vector.shape_cast %swap3A_668 : vector<16xi32> to vector<16xi32>
      %swap3A_670 = vector.shape_cast %add3A_666 : vector<16xi32> to vector<16xi32>
      tpu.vector_store %arg9[%swap3A_667], %swap3A_670 {strides = array<i32>} : memref<96xi32, #tpu.memory_space<vmem>>, vector<16xi32>,
      %and3A_671 = arith.constant 16383 : i32
      %and3A_672 = vector.broadcast %and3A_671 : i32 to vector<16xi32>
      %and3A_673 = arith.andi %get3A_661, %and3A_672 : vector<16xi32>
      %swap3A_674 = arith.constant 64 : index
      %swap3A_675 = tpu.vector_load %arg10[%swap3A_674] {strides = array<i32>} : memref<96xi32, #tpu.memory_space<vmem>>, vector<16xi32>,
      %swap3A_676 = vector.shape_cast %swap3A_675 : vector<16xi32> to vector<16xi32>
      %swap3A_677 = vector.shape_cast %and3A_673 : vector<16xi32> to vector<16xi32>
      tpu.vector_store %arg10[%swap3A_674], %swap3A_677 {strides = array<i32>} : memref<96xi32, #tpu.memory_space<vmem>>, vector<16xi32>,
      %mul3A_678 = arith.constant 96 : i32
      %mul3A_679 = arith.muli %sub3A_562, %mul3A_678 : i32
      %add3A_680 = arith.constant 80 : i32
      %add3A_681 = arith.addi %mul3A_679, %add3A_680 : i32
      %get3A_682 = arith.index_cast %add3A_681 : i32 to index
      %get3A_683 = tpu.vector_load %arg6[%get3A_682] {strides = array<i32>} : memref<10080xi32, #tpu.memory_space<vmem>>, vector<16xi32>,
      %get3A_684 = vector.shape_cast %get3A_683 : vector<16xi32> to vector<16xi32>
      %shift_right_arithmetic3A_685 = arith.constant 14 : i32
      %shift_right_arithmetic3A_686 = vector.broadcast %shift_right_arithmetic3A_685 : i32 to vector<16xi32>
      %shift_right_arithmetic3A_687 = arith.shrsi %get3A_684, %shift_right_arithmetic3A_686 : vector<16xi32>
      %add3A_688 = vector.broadcast %mul3A_0 : i32 to vector<16xi32>
      %add3A_689 = arith.addi %shift_right_arithmetic3A_687, %add3A_688 : vector<16xi32>
      %swap3A_690 = arith.constant 80 : index
      %swap3A_691 = tpu.vector_load %arg9[%swap3A_690] {strides = array<i32>} : memref<96xi32, #tpu.memory_space<vmem>>, vector<16xi32>,
      %swap3A_692 = vector.shape_cast %swap3A_691 : vector<16xi32> to vector<16xi32>
      %swap3A_693 = vector.shape_cast %add3A_689 : vector<16xi32> to vector<16xi32>
      tpu.vector_store %arg9[%swap3A_690], %swap3A_693 {strides = array<i32>} : memref<96xi32, #tpu.memory_space<vmem>>, vector<16xi32>,
      %and3A_694 = arith.constant 16383 : i32
      %and3A_695 = vector.broadcast %and3A_694 : i32 to vector<16xi32>
      %and3A_696 = arith.andi %get3A_684, %and3A_695 : vector<16xi32>
      %swap3A_697 = arith.constant 80 : index
      %swap3A_698 = tpu.vector_load %arg10[%swap3A_697] {strides = array<i32>} : memref<96xi32, #tpu.memory_space<vmem>>, vector<16xi32>,
      %swap3A_699 = vector.shape_cast %swap3A_698 : vector<16xi32> to vector<16xi32>
      %swap3A_700 = vector.shape_cast %and3A_696 : vector<16xi32> to vector<16xi32>
      tpu.vector_store %arg10[%swap3A_697], %swap3A_700 {strides = array<i32>} : memref<96xi32, #tpu.memory_space<vmem>>, vector<16xi32>,
      %dma_start3A_701 = arith.constant 0 : i32
      %dma_start3A_702 = arith.constant 0 : i32
      %dma_start3A_703 = tpu.memref_slice %arg2[%dma_start3A_701, %dma_start3A_702] : memref<20000x128xf32, #tpu.memory_space<hbm>> -> memref<20000x128xf32, #tpu.memory_space<hbm>>
      tpu.enqueue_indirect_dma source(%dma_start3A_703 : memref<20000x128xf32, #tpu.memory_space<hbm>>) target(%arg14 : memref<96x128xf32, #tpu.memory_space<vmem>>) offsets(%arg9 : memref<96xi32, #tpu.memory_space<vmem>>) semaphore(%arg17 : memref<!tpu.dma_semaphore, #tpu.memory_space<semaphore_mem>>)
      %add3A_704 = arith.constant 2 : i32
      %add3A_705 = arith.addi %add3A_392, %add3A_704 : i32
      %dma_wait3A_706 = arith.constant 0 : i32
      %dma_wait3A_707 = arith.constant 0 : i32
      %dma_wait3A_708 = tpu.memref_slice %arg2[%dma_wait3A_706, %dma_wait3A_707] : memref<20000x128xf32, #tpu.memory_space<hbm>> -> memref<20000x128xf32, #tpu.memory_space<hbm>>
      tpu.wait_indirect_dma semaphore(%arg16 : memref<!tpu.dma_semaphore, #tpu.memory_space<semaphore_mem>>) src(%dma_wait3A_708 : memref<20000x128xf32, #tpu.memory_space<hbm>>) dst(%arg13 : memref<96x128xf32, #tpu.memory_space<vmem>>)
      %dma_start3A_709 = arith.constant 0 : i32
      %dma_start3A_710 = arith.constant 0 : i32
      %dma_start3A_711 = tpu.memref_slice %arg5[%dma_start3A_709, %dma_start3A_710] : memref<10016x128xf32, #tpu.memory_space<vmem_shared>> -> memref<10016x128xf32, #tpu.memory_space<vmem_shared>>
      tpu.enqueue_indirect_dma source(%arg13 : memref<96x128xf32, #tpu.memory_space<vmem>>) target(%dma_start3A_711 : memref<10016x128xf32, #tpu.memory_space<vmem_shared>>) offsets(%arg8 : memref<96xi32, #tpu.memory_space<vmem>>) semaphore(%arg19 : memref<!tpu.dma_semaphore, #tpu.memory_space<semaphore_mem>>) {add = true}
      %dma_wait3A_712 = arith.constant 0 : i32
      %dma_wait3A_713 = arith.constant 0 : i32
      %dma_wait3A_714 = tpu.memref_slice %arg5[%dma_wait3A_712, %dma_wait3A_713] : memref<10016x128xf32, #tpu.memory_space<vmem_shared>> -> memref<10016x128xf32, #tpu.memory_space<vmem_shared>>
      tpu.wait_indirect_dma semaphore(%arg21 : memref<!tpu.dma_semaphore, #tpu.memory_space<semaphore_mem>>) src(%arg15 : memref<96x128xf32, #tpu.memory_space<vmem>>) dst(%dma_wait3A_714 : memref<10016x128xf32, #tpu.memory_space<vmem_shared>>)
      %add3A_715 = arith.constant 3 : i32
      %add3A_716 = arith.addi %add3A_705, %add3A_715 : i32
      %sub3A_717 = arith.constant 1 : i32
      %sub3A_718 = arith.subi %add3A_716, %sub3A_717 : i32
      %mul3A_719 = arith.constant 96 : i32
      %mul3A_720 = arith.muli %sub3A_718, %mul3A_719 : i32
      %add3A_721 = arith.constant 0 : i32
      %add3A_722 = arith.addi %mul3A_720, %add3A_721 : i32
      %get3A_723 = arith.index_cast %add3A_722 : i32 to index
      %get3A_724 = tpu.vector_load %arg6[%get3A_723] {strides = array<i32>} : memref<10080xi32, #tpu.memory_space<vmem>>, vector<16xi32>,
      %get3A_725 = vector.shape_cast %get3A_724 : vector<16xi32> to vector<16xi32>
      %shift_right_arithmetic3A_726 = arith.constant 14 : i32
      %shift_right_arithmetic3A_727 = vector.broadcast %shift_right_arithmetic3A_726 : i32 to vector<16xi32>
      %shift_right_arithmetic3A_728 = arith.shrsi %get3A_725, %shift_right_arithmetic3A_727 : vector<16xi32>
      %add3A_729 = vector.broadcast %mul3A_0 : i32 to vector<16xi32>
      %add3A_730 = arith.addi %shift_right_arithmetic3A_728, %add3A_729 : vector<16xi32>
      %swap3A_731 = arith.constant 0 : index
      %swap3A_732 = tpu.vector_load %arg11[%swap3A_731] {strides = array<i32>} : memref<96xi32, #tpu.memory_space<vmem>>, vector<16xi32>,
      %swap3A_733 = vector.shape_cast %swap3A_732 : vector<16xi32> to vector<16xi32>
      %swap3A_734 = vector.shape_cast %add3A_730 : vector<16xi32> to vector<16xi32>
      tpu.vector_store %arg11[%swap3A_731], %swap3A_734 {strides = array<i32>} : memref<96xi32, #tpu.memory_space<vmem>>, vector<16xi32>,
      %and3A_735 = arith.constant 16383 : i32
      %and3A_736 = vector.broadcast %and3A_735 : i32 to vector<16xi32>
      %and3A_737 = arith.andi %get3A_725, %and3A_736 : vector<16xi32>
      %swap3A_738 = arith.constant 0 : index
      %swap3A_739 = tpu.vector_load %arg12[%swap3A_738] {strides = array<i32>} : memref<96xi32, #tpu.memory_space<vmem>>, vector<16xi32>,
      %swap3A_740 = vector.shape_cast %swap3A_739 : vector<16xi32> to vector<16xi32>
      %swap3A_741 = vector.shape_cast %and3A_737 : vector<16xi32> to vector<16xi32>
      tpu.vector_store %arg12[%swap3A_738], %swap3A_741 {strides = array<i32>} : memref<96xi32, #tpu.memory_space<vmem>>, vector<16xi32>,
      %mul3A_742 = arith.constant 96 : i32
      %mul3A_743 = arith.muli %sub3A_718, %mul3A_742 : i32
      %add3A_744 = arith.constant 16 : i32
      %add3A_745 = arith.addi %mul3A_743, %add3A_744 : i32
      %get3A_746 = arith.index_cast %add3A_745 : i32 to index
      %get3A_747 = tpu.vector_load %arg6[%get3A_746] {strides = array<i32>} : memref<10080xi32, #tpu.memory_space<vmem>>, vector<16xi32>,
      %get3A_748 = vector.shape_cast %get3A_747 : vector<16xi32> to vector<16xi32>
      %shift_right_arithmetic3A_749 = arith.constant 14 : i32
      %shift_right_arithmetic3A_750 = vector.broadcast %shift_right_arithmetic3A_749 : i32 to vector<16xi32>
      %shift_right_arithmetic3A_751 = arith.shrsi %get3A_748, %shift_right_arithmetic3A_750 : vector<16xi32>
      %add3A_752 = vector.broadcast %mul3A_0 : i32 to vector<16xi32>
      %add3A_753 = arith.addi %shift_right_arithmetic3A_751, %add3A_752 : vector<16xi32>
      %swap3A_754 = arith.constant 16 : index
      %swap3A_755 = tpu.vector_load %arg11[%swap3A_754] {strides = array<i32>} : memref<96xi32, #tpu.memory_space<vmem>>, vector<16xi32>,
      %swap3A_756 = vector.shape_cast %swap3A_755 : vector<16xi32> to vector<16xi32>
      %swap3A_757 = vector.shape_cast %add3A_753 : vector<16xi32> to vector<16xi32>
      tpu.vector_store %arg11[%swap3A_754], %swap3A_757 {strides = array<i32>} : memref<96xi32, #tpu.memory_space<vmem>>, vector<16xi32>,
      %and3A_758 = arith.constant 16383 : i32
      %and3A_759 = vector.broadcast %and3A_758 : i32 to vector<16xi32>
      %and3A_760 = arith.andi %get3A_748, %and3A_759 : vector<16xi32>
      %swap3A_761 = arith.constant 16 : index
      %swap3A_762 = tpu.vector_load %arg12[%swap3A_761] {strides = array<i32>} : memref<96xi32, #tpu.memory_space<vmem>>, vector<16xi32>,
      %swap3A_763 = vector.shape_cast %swap3A_762 : vector<16xi32> to vector<16xi32>
      %swap3A_764 = vector.shape_cast %and3A_760 : vector<16xi32> to vector<16xi32>
      tpu.vector_store %arg12[%swap3A_761], %swap3A_764 {strides = array<i32>} : memref<96xi32, #tpu.memory_space<vmem>>, vector<16xi32>,
      %mul3A_765 = arith.constant 96 : i32
      %mul3A_766 = arith.muli %sub3A_718, %mul3A_765 : i32
      %add3A_767 = arith.constant 32 : i32
      %add3A_768 = arith.addi %mul3A_766, %add3A_767 : i32
      %get3A_769 = arith.index_cast %add3A_768 : i32 to index
      %get3A_770 = tpu.vector_load %arg6[%get3A_769] {strides = array<i32>} : memref<10080xi32, #tpu.memory_space<vmem>>, vector<16xi32>,
      %get3A_771 = vector.shape_cast %get3A_770 : vector<16xi32> to vector<16xi32>
      %shift_right_arithmetic3A_772 = arith.constant 14 : i32
      %shift_right_arithmetic3A_773 = vector.broadcast %shift_right_arithmetic3A_772 : i32 to vector<16xi32>
      %shift_right_arithmetic3A_774 = arith.shrsi %get3A_771, %shift_right_arithmetic3A_773 : vector<16xi32>
      %add3A_775 = vector.broadcast %mul3A_0 : i32 to vector<16xi32>
      %add3A_776 = arith.addi %shift_right_arithmetic3A_774, %add3A_775 : vector<16xi32>
      %swap3A_777 = arith.constant 32 : index
      %swap3A_778 = tpu.vector_load %arg11[%swap3A_777] {strides = array<i32>} : memref<96xi32, #tpu.memory_space<vmem>>, vector<16xi32>,
      %swap3A_779 = vector.shape_cast %swap3A_778 : vector<16xi32> to vector<16xi32>
      %swap3A_780 = vector.shape_cast %add3A_776 : vector<16xi32> to vector<16xi32>
      tpu.vector_store %arg11[%swap3A_777], %swap3A_780 {strides = array<i32>} : memref<96xi32, #tpu.memory_space<vmem>>, vector<16xi32>,
      %and3A_781 = arith.constant 16383 : i32
      %and3A_782 = vector.broadcast %and3A_781 : i32 to vector<16xi32>
      %and3A_783 = arith.andi %get3A_771, %and3A_782 : vector<16xi32>
      %swap3A_784 = arith.constant 32 : index
      %swap3A_785 = tpu.vector_load %arg12[%swap3A_784] {strides = array<i32>} : memref<96xi32, #tpu.memory_space<vmem>>, vector<16xi32>,
      %swap3A_786 = vector.shape_cast %swap3A_785 : vector<16xi32> to vector<16xi32>
      %swap3A_787 = vector.shape_cast %and3A_783 : vector<16xi32> to vector<16xi32>
      tpu.vector_store %arg12[%swap3A_784], %swap3A_787 {strides = array<i32>} : memref<96xi32, #tpu.memory_space<vmem>>, vector<16xi32>,
      %mul3A_788 = arith.constant 96 : i32
      %mul3A_789 = arith.muli %sub3A_718, %mul3A_788 : i32
      %add3A_790 = arith.constant 48 : i32
      %add3A_791 = arith.addi %mul3A_789, %add3A_790 : i32
      %get3A_792 = arith.index_cast %add3A_791 : i32 to index
      %get3A_793 = tpu.vector_load %arg6[%get3A_792] {strides = array<i32>} : memref<10080xi32, #tpu.memory_space<vmem>>, vector<16xi32>,
      %get3A_794 = vector.shape_cast %get3A_793 : vector<16xi32> to vector<16xi32>
      %shift_right_arithmetic3A_795 = arith.constant 14 : i32
      %shift_right_arithmetic3A_796 = vector.broadcast %shift_right_arithmetic3A_795 : i32 to vector<16xi32>
      %shift_right_arithmetic3A_797 = arith.shrsi %get3A_794, %shift_right_arithmetic3A_796 : vector<16xi32>
      %add3A_798 = vector.broadcast %mul3A_0 : i32 to vector<16xi32>
      %add3A_799 = arith.addi %shift_right_arithmetic3A_797, %add3A_798 : vector<16xi32>
      %swap3A_800 = arith.constant 48 : index
      %swap3A_801 = tpu.vector_load %arg11[%swap3A_800] {strides = array<i32>} : memref<96xi32, #tpu.memory_space<vmem>>, vector<16xi32>,
      %swap3A_802 = vector.shape_cast %swap3A_801 : vector<16xi32> to vector<16xi32>
      %swap3A_803 = vector.shape_cast %add3A_799 : vector<16xi32> to vector<16xi32>
      tpu.vector_store %arg11[%swap3A_800], %swap3A_803 {strides = array<i32>} : memref<96xi32, #tpu.memory_space<vmem>>, vector<16xi32>,
      %and3A_804 = arith.constant 16383 : i32
      %and3A_805 = vector.broadcast %and3A_804 : i32 to vector<16xi32>
      %and3A_806 = arith.andi %get3A_794, %and3A_805 : vector<16xi32>
      %swap3A_807 = arith.constant 48 : index
      %swap3A_808 = tpu.vector_load %arg12[%swap3A_807] {strides = array<i32>} : memref<96xi32, #tpu.memory_space<vmem>>, vector<16xi32>,
      %swap3A_809 = vector.shape_cast %swap3A_808 : vector<16xi32> to vector<16xi32>
      %swap3A_810 = vector.shape_cast %and3A_806 : vector<16xi32> to vector<16xi32>
      tpu.vector_store %arg12[%swap3A_807], %swap3A_810 {strides = array<i32>} : memref<96xi32, #tpu.memory_space<vmem>>, vector<16xi32>,
      %mul3A_811 = arith.constant 96 : i32
      %mul3A_812 = arith.muli %sub3A_718, %mul3A_811 : i32
      %add3A_813 = arith.constant 64 : i32
      %add3A_814 = arith.addi %mul3A_812, %add3A_813 : i32
      %get3A_815 = arith.index_cast %add3A_814 : i32 to index
      %get3A_816 = tpu.vector_load %arg6[%get3A_815] {strides = array<i32>} : memref<10080xi32, #tpu.memory_space<vmem>>, vector<16xi32>,
      %get3A_817 = vector.shape_cast %get3A_816 : vector<16xi32> to vector<16xi32>
      %shift_right_arithmetic3A_818 = arith.constant 14 : i32
      %shift_right_arithmetic3A_819 = vector.broadcast %shift_right_arithmetic3A_818 : i32 to vector<16xi32>
      %shift_right_arithmetic3A_820 = arith.shrsi %get3A_817, %shift_right_arithmetic3A_819 : vector<16xi32>
      %add3A_821 = vector.broadcast %mul3A_0 : i32 to vector<16xi32>
      %add3A_822 = arith.addi %shift_right_arithmetic3A_820, %add3A_821 : vector<16xi32>
      %swap3A_823 = arith.constant 64 : index
      %swap3A_824 = tpu.vector_load %arg11[%swap3A_823] {strides = array<i32>} : memref<96xi32, #tpu.memory_space<vmem>>, vector<16xi32>,
      %swap3A_825 = vector.shape_cast %swap3A_824 : vector<16xi32> to vector<16xi32>
      %swap3A_826 = vector.shape_cast %add3A_822 : vector<16xi32> to vector<16xi32>
      tpu.vector_store %arg11[%swap3A_823], %swap3A_826 {strides = array<i32>} : memref<96xi32, #tpu.memory_space<vmem>>, vector<16xi32>,
      %and3A_827 = arith.constant 16383 : i32
      %and3A_828 = vector.broadcast %and3A_827 : i32 to vector<16xi32>
      %and3A_829 = arith.andi %get3A_817, %and3A_828 : vector<16xi32>
      %swap3A_830 = arith.constant 64 : index
      %swap3A_831 = tpu.vector_load %arg12[%swap3A_830] {strides = array<i32>} : memref<96xi32, #tpu.memory_space<vmem>>, vector<16xi32>,
      %swap3A_832 = vector.shape_cast %swap3A_831 : vector<16xi32> to vector<16xi32>
      %swap3A_833 = vector.shape_cast %and3A_829 : vector<16xi32> to vector<16xi32>
      tpu.vector_store %arg12[%swap3A_830], %swap3A_833 {strides = array<i32>} : memref<96xi32, #tpu.memory_space<vmem>>, vector<16xi32>,
      %mul3A_834 = arith.constant 96 : i32
      %mul3A_835 = arith.muli %sub3A_718, %mul3A_834 : i32
      %add3A_836 = arith.constant 80 : i32
      %add3A_837 = arith.addi %mul3A_835, %add3A_836 : i32
      %get3A_838 = arith.index_cast %add3A_837 : i32 to index
      %get3A_839 = tpu.vector_load %arg6[%get3A_838] {strides = array<i32>} : memref<10080xi32, #tpu.memory_space<vmem>>, vector<16xi32>,
      %get3A_840 = vector.shape_cast %get3A_839 : vector<16xi32> to vector<16xi32>
      %shift_right_arithmetic3A_841 = arith.constant 14 : i32
      %shift_right_arithmetic3A_842 = vector.broadcast %shift_right_arithmetic3A_841 : i32 to vector<16xi32>
      %shift_right_arithmetic3A_843 = arith.shrsi %get3A_840, %shift_right_arithmetic3A_842 : vector<16xi32>
      %add3A_844 = vector.broadcast %mul3A_0 : i32 to vector<16xi32>
      %add3A_845 = arith.addi %shift_right_arithmetic3A_843, %add3A_844 : vector<16xi32>
      %swap3A_846 = arith.constant 80 : index
      %swap3A_847 = tpu.vector_load %arg11[%swap3A_846] {strides = array<i32>} : memref<96xi32, #tpu.memory_space<vmem>>, vector<16xi32>,
      %swap3A_848 = vector.shape_cast %swap3A_847 : vector<16xi32> to vector<16xi32>
      %swap3A_849 = vector.shape_cast %add3A_845 : vector<16xi32> to vector<16xi32>
      tpu.vector_store %arg11[%swap3A_846], %swap3A_849 {strides = array<i32>} : memref<96xi32, #tpu.memory_space<vmem>>, vector<16xi32>,
      %and3A_850 = arith.constant 16383 : i32
      %and3A_851 = vector.broadcast %and3A_850 : i32 to vector<16xi32>
      %and3A_852 = arith.andi %get3A_840, %and3A_851 : vector<16xi32>
      %swap3A_853 = arith.constant 80 : index
      %swap3A_854 = tpu.vector_load %arg12[%swap3A_853] {strides = array<i32>} : memref<96xi32, #tpu.memory_space<vmem>>, vector<16xi32>,
      %swap3A_855 = vector.shape_cast %swap3A_854 : vector<16xi32> to vector<16xi32>
      %swap3A_856 = vector.shape_cast %and3A_852 : vector<16xi32> to vector<16xi32>
      tpu.vector_store %arg12[%swap3A_853], %swap3A_856 {strides = array<i32>} : memref<96xi32, #tpu.memory_space<vmem>>, vector<16xi32>,
      %dma_start3A_857 = arith.constant 0 : i32
      %dma_start3A_858 = arith.constant 0 : i32
      %dma_start3A_859 = tpu.memref_slice %arg2[%dma_start3A_857, %dma_start3A_858] : memref<20000x128xf32, #tpu.memory_space<hbm>> -> memref<20000x128xf32, #tpu.memory_space<hbm>>
      tpu.enqueue_indirect_dma source(%dma_start3A_859 : memref<20000x128xf32, #tpu.memory_space<hbm>>) target(%arg15 : memref<96x128xf32, #tpu.memory_space<vmem>>) offsets(%arg11 : memref<96xi32, #tpu.memory_space<vmem>>) semaphore(%arg18 : memref<!tpu.dma_semaphore, #tpu.memory_space<semaphore_mem>>)
    }
    %scan3A_359 = arith.constant 34 : i32
    %dma_wait3A_360 = arith.constant 0 : i32
    %dma_wait3A_361 = arith.constant 0 : i32
    %dma_wait3A_362 = tpu.memref_slice %arg2[%dma_wait3A_360, %dma_wait3A_361] : memref<20000x128xf32, #tpu.memory_space<hbm>> -> memref<20000x128xf32, #tpu.memory_space<hbm>>
    tpu.wait_indirect_dma semaphore(%arg17 : memref<!tpu.dma_semaphore, #tpu.memory_space<semaphore_mem>>) src(%dma_wait3A_362 : memref<20000x128xf32, #tpu.memory_space<hbm>>) dst(%arg14 : memref<96x128xf32, #tpu.memory_space<vmem>>)
    %dma_start3A_363 = arith.constant 0 : i32
    %dma_start3A_364 = arith.constant 0 : i32
    %dma_start3A_365 = tpu.memref_slice %arg5[%dma_start3A_363, %dma_start3A_364] : memref<10016x128xf32, #tpu.memory_space<vmem_shared>> -> memref<10016x128xf32, #tpu.memory_space<vmem_shared>>
    tpu.enqueue_indirect_dma source(%arg14 : memref<96x128xf32, #tpu.memory_space<vmem>>) target(%dma_start3A_365 : memref<10016x128xf32, #tpu.memory_space<vmem_shared>>) offsets(%arg10 : memref<96xi32, #tpu.memory_space<vmem>>) semaphore(%arg20 : memref<!tpu.dma_semaphore, #tpu.memory_space<semaphore_mem>>) {add = true}
    %dma_wait3A_366 = arith.constant 0 : i32
    %dma_wait3A_367 = arith.constant 0 : i32
    %dma_wait3A_368 = tpu.memref_slice %arg2[%dma_wait3A_366, %dma_wait3A_367] : memref<20000x128xf32, #tpu.memory_space<hbm>> -> memref<20000x128xf32, #tpu.memory_space<hbm>>
    tpu.wait_indirect_dma semaphore(%arg18 : memref<!tpu.dma_semaphore, #tpu.memory_space<semaphore_mem>>) src(%dma_wait3A_368 : memref<20000x128xf32, #tpu.memory_space<hbm>>) dst(%arg15 : memref<96x128xf32, #tpu.memory_space<vmem>>)
    %dma_start3A_369 = arith.constant 0 : i32
    %dma_start3A_370 = arith.constant 0 : i32
    %dma_start3A_371 = tpu.memref_slice %arg5[%dma_start3A_369, %dma_start3A_370] : memref<10016x128xf32, #tpu.memory_space<vmem_shared>> -> memref<10016x128xf32, #tpu.memory_space<vmem_shared>>
    tpu.enqueue_indirect_dma source(%arg15 : memref<96x128xf32, #tpu.memory_space<vmem>>) target(%dma_start3A_371 : memref<10016x128xf32, #tpu.memory_space<vmem_shared>>) offsets(%arg12 : memref<96xi32, #tpu.memory_space<vmem>>) semaphore(%arg21 : memref<!tpu.dma_semaphore, #tpu.memory_space<semaphore_mem>>) {add = true}
    %dma_wait3A_372 = arith.constant 0 : i32
    %dma_wait3A_373 = arith.constant 0 : i32
    %dma_wait3A_374 = tpu.memref_slice %arg5[%dma_wait3A_372, %dma_wait3A_373] : memref<10016x128xf32, #tpu.memory_space<vmem_shared>> -> memref<10016x128xf32, #tpu.memory_space<vmem_shared>>
    tpu.wait_indirect_dma semaphore(%arg19 : memref<!tpu.dma_semaphore, #tpu.memory_space<semaphore_mem>>) src(%arg13 : memref<96x128xf32, #tpu.memory_space<vmem>>) dst(%dma_wait3A_374 : memref<10016x128xf32, #tpu.memory_space<vmem_shared>>)
    %dma_wait3A_375 = arith.constant 0 : i32
    %dma_wait3A_376 = arith.constant 0 : i32
    %dma_wait3A_377 = tpu.memref_slice %arg5[%dma_wait3A_375, %dma_wait3A_376] : memref<10016x128xf32, #tpu.memory_space<vmem_shared>> -> memref<10016x128xf32, #tpu.memory_space<vmem_shared>>
    tpu.wait_indirect_dma semaphore(%arg20 : memref<!tpu.dma_semaphore, #tpu.memory_space<semaphore_mem>>) src(%arg14 : memref<96x128xf32, #tpu.memory_space<vmem>>) dst(%dma_wait3A_377 : memref<10016x128xf32, #tpu.memory_space<vmem_shared>>)
    %dma_wait3A_378 = arith.constant 0 : i32
    %dma_wait3A_379 = arith.constant 0 : i32
    %dma_wait3A_380 = tpu.memref_slice %arg5[%dma_wait3A_378, %dma_wait3A_379] : memref<10016x128xf32, #tpu.memory_space<vmem_shared>> -> memref<10016x128xf32, #tpu.memory_space<vmem_shared>>
    tpu.wait_indirect_dma semaphore(%arg21 : memref<!tpu.dma_semaphore, #tpu.memory_space<semaphore_mem>>) src(%arg15 : memref<96x128xf32, #tpu.memory_space<vmem>>) dst(%dma_wait3A_380 : memref<10016x128xf32, #tpu.memory_space<vmem_shared>>)
    %barrier3A_381 = arith.constant 0 : index
    tpu.barrier barrier_id(%barrier3A_381)
    %add3A_382 = arith.addi %mul3A_0, %mul3A_2 : i32
    "tpu.region"() ({
      %run_scoped3A = tpu.sem_alloc : memref<!tpu.dma_semaphore, #tpu.memory_space<semaphore_mem>>
      %dma_start3A_388 = arith.constant 0 : i32
      %dma_start3A_389 = tpu.memref_slice %arg4[%add3A_382, %dma_start3A_388] : memref<20000x128xf32, #tpu.memory_space<hbm>> -> memref<624x128xf32, #tpu.memory_space<hbm>>
      %dma_start3A_390 = arith.constant 0 : i32
      %dma_start3A_391 = tpu.memref_slice %arg5[%mul3A_2, %dma_start3A_390] : memref<10016x128xf32, #tpu.memory_space<vmem_shared>> -> memref<624x128xf32, #tpu.memory_space<vmem_shared>>
      tpu.enqueue_dma source(%dma_start3A_391 : memref<624x128xf32, #tpu.memory_space<vmem_shared>>) target(%dma_start3A_389 : memref<624x128xf32, #tpu.memory_space<hbm>>) target_semaphore(%run_scoped3A : memref<!tpu.dma_semaphore, #tpu.memory_space<semaphore_mem>>)
      %dma_wait3A_392 = arith.constant 0 : i32
      %dma_wait3A_393 = tpu.memref_slice %arg4[%add3A_382, %dma_wait3A_392] : memref<20000x128xf32, #tpu.memory_space<hbm>> -> memref<624x128xf32, #tpu.memory_space<hbm>>
      %dma_wait3A_394 = arith.constant 0 : i32
      %dma_wait3A_395 = tpu.memref_slice %arg5[%mul3A_2, %dma_wait3A_394] : memref<10016x128xf32, #tpu.memory_space<vmem_shared>> -> memref<624x128xf32, #tpu.memory_space<vmem_shared>>
      tpu.wait_dma2 semaphore(%run_scoped3A : memref<!tpu.dma_semaphore, #tpu.memory_space<semaphore_mem>>) src(%dma_wait3A_395 : memref<624x128xf32, #tpu.memory_space<vmem_shared>>) dst(%dma_wait3A_393 : memref<624x128xf32, #tpu.memory_space<hbm>>)
      tpu.yield
    }) : () -> ()
    %eq3A_383 = arith.constant 15 : i32
    %eq3A_384 = arith.cmpi eq, %arg1, %eq3A_383 : i32
    %convert_element_type3A_385 = arith.extui %eq3A_384 : i1 to i32
    %cond3A_386 = arith.constant 0 : i32
    %cond3A_387 = arith.cmpi ne, %convert_element_type3A_385, %cond3A_386 : i32
    scf.if %cond3A_387 {
      %add3A_388 = arith.constant 9984 : i32
      %add3A_389 = arith.addi %mul3A_0, %add3A_388 : i32
      "tpu.region"() ({
        %run_scoped3A = tpu.sem_alloc : memref<!tpu.dma_semaphore, #tpu.memory_space<semaphore_mem>>
        %dma_start3A_390 = arith.constant 0 : i32
        %dma_start3A_391 = tpu.memref_slice %arg4[%add3A_389, %dma_start3A_390] : memref<20000x128xf32, #tpu.memory_space<hbm>> -> memref<16x128xf32, #tpu.memory_space<hbm>>
        %dma_start3A_392 = arith.constant 9984 : i32
        %dma_start3A_393 = arith.constant 0 : i32
        %dma_start3A_394 = tpu.memref_slice %arg5[%dma_start3A_392, %dma_start3A_393] : memref<10016x128xf32, #tpu.memory_space<vmem_shared>> -> memref<16x128xf32, #tpu.memory_space<vmem_shared>>
        tpu.enqueue_dma source(%dma_start3A_394 : memref<16x128xf32, #tpu.memory_space<vmem_shared>>) target(%dma_start3A_391 : memref<16x128xf32, #tpu.memory_space<hbm>>) target_semaphore(%run_scoped3A : memref<!tpu.dma_semaphore, #tpu.memory_space<semaphore_mem>>)
        %dma_wait3A_395 = arith.constant 0 : i32
        %dma_wait3A_396 = tpu.memref_slice %arg4[%add3A_389, %dma_wait3A_395] : memref<20000x128xf32, #tpu.memory_space<hbm>> -> memref<16x128xf32, #tpu.memory_space<hbm>>
        %dma_wait3A_397 = arith.constant 9984 : i32
        %dma_wait3A_398 = arith.constant 0 : i32
        %dma_wait3A_399 = tpu.memref_slice %arg5[%dma_wait3A_397, %dma_wait3A_398] : memref<10016x128xf32, #tpu.memory_space<vmem_shared>> -> memref<16x128xf32, #tpu.memory_space<vmem_shared>>
        tpu.wait_dma2 semaphore(%run_scoped3A : memref<!tpu.dma_semaphore, #tpu.memory_space<semaphore_mem>>) src(%dma_wait3A_399 : memref<16x128xf32, #tpu.memory_space<vmem_shared>>) dst(%dma_wait3A_396 : memref<16x128xf32, #tpu.memory_space<hbm>>)
        tpu.yield
      }) : () -> ()
    } else {
    }
    return
  }
}

#map = affine_map<(d0, d1) -> (0, 0)>
module attributes {stable_mosaic.version = 14 : i64} {
  func.func @agg(%arg0: i32, %arg1: i32, %arg2: memref<20000x128xf32, #tpu.memory_space<hbm>>, %arg3: memref<16x10080xi32, #tpu.memory_space<hbm>>, %arg4: memref<20000x128xf32, #tpu.memory_space<hbm>>, %arg5: memref<10016x128xf32, #tpu.memory_space<vmem_shared>>, %arg6: memref<10080xi32, #tpu.memory_space<vmem>>, %arg7: memref<96xi32, #tpu.memory_space<vmem>>, %arg8: memref<96xi32, #tpu.memory_space<vmem>>, %arg9: memref<96xi32, #tpu.memory_space<vmem>>, %arg10: memref<96xi32, #tpu.memory_space<vmem>>, %arg11: memref<96xi32, #tpu.memory_space<vmem>>, %arg12: memref<96xi32, #tpu.memory_space<vmem>>, %arg13: memref<96x128xf32, #tpu.memory_space<vmem>>, %arg14: memref<96x128xf32, #tpu.memory_space<vmem>>, %arg15: memref<96x128xf32, #tpu.memory_space<vmem>>, %arg16: memref<!tpu.dma_semaphore, #tpu.memory_space<semaphore_mem>>, %arg17: memref<!tpu.dma_semaphore, #tpu.memory_space<semaphore_mem>>, %arg18: memref<!tpu.dma_semaphore, #tpu.memory_space<semaphore_mem>>, %arg19: memref<!tpu.dma_semaphore, #tpu.memory_space<semaphore_mem>>, %arg20: memref<!tpu.dma_semaphore, #tpu.memory_space<semaphore_mem>>, %arg21: memref<!tpu.dma_semaphore, #tpu.memory_space<semaphore_mem>>) attributes {dimension_semantics = [#tpu.dimension_semantics<core_parallel>, #tpu.dimension_semantics<subcore_parallel>], iteration_bounds = array<i64: 2, 16>, scalar_prefetch = 0 : i64, scratch_operands = 17 : i64, tpu.core_type = #tpu.core_type<sc_vector_subcore>, window_params = [{transform_indices = #map}, {transform_indices = #map}, {transform_indices = #map}]} {
    %mul3A = arith.constant 10000 : i32
    %mul3A_0 = arith.muli %arg0, %mul3A : i32
    %mul3A_1 = arith.constant 624 : i32
    %mul3A_2 = arith.muli %arg1, %mul3A_1 : i32
    %add3A = arith.addi %mul3A_0, %mul3A_2 : i32
    "tpu.region"() ({
      %run_scoped3A = tpu.sem_alloc : memref<!tpu.dma_semaphore, #tpu.memory_space<semaphore_mem>>
      %dma_start3A_388 = arith.constant 0 : i32
      %dma_start3A_389 = tpu.memref_slice %arg5[%mul3A_2, %dma_start3A_388] : memref<10016x128xf32, #tpu.memory_space<vmem_shared>> -> memref<624x128xf32, #tpu.memory_space<vmem_shared>>
      %dma_start3A_390 = arith.constant 0 : i32
      %dma_start3A_391 = tpu.memref_slice %arg2[%add3A, %dma_start3A_390] : memref<20000x128xf32, #tpu.memory_space<hbm>> -> memref<624x128xf32, #tpu.memory_space<hbm>>
      tpu.enqueue_dma source(%dma_start3A_391 : memref<624x128xf32, #tpu.memory_space<hbm>>) target(%dma_start3A_389 : memref<624x128xf32, #tpu.memory_space<vmem_shared>>) target_semaphore(%run_scoped3A : memref<!tpu.dma_semaphore, #tpu.memory_space<semaphore_mem>>)
      %dma_wait3A_392 = arith.constant 0 : i32
      %dma_wait3A_393 = tpu.memref_slice %arg5[%mul3A_2, %dma_wait3A_392] : memref<10016x128xf32, #tpu.memory_space<vmem_shared>> -> memref<624x128xf32, #tpu.memory_space<vmem_shared>>
      %dma_wait3A_394 = arith.constant 0 : i32
      %dma_wait3A_395 = tpu.memref_slice %arg2[%add3A, %dma_wait3A_394] : memref<20000x128xf32, #tpu.memory_space<hbm>> -> memref<624x128xf32, #tpu.memory_space<hbm>>
      tpu.wait_dma2 semaphore(%run_scoped3A : memref<!tpu.dma_semaphore, #tpu.memory_space<semaphore_mem>>) src(%dma_wait3A_395 : memref<624x128xf32, #tpu.memory_space<hbm>>) dst(%dma_wait3A_393 : memref<624x128xf32, #tpu.memory_space<vmem_shared>>)
      tpu.yield
    }) : () -> ()
    %eq3A = arith.constant 15 : i32
    %eq3A_3 = arith.cmpi eq, %arg1, %eq3A : i32
    %convert_element_type3A = arith.extui %eq3A_3 : i1 to i32
    %cond3A = arith.constant 0 : i32
    %cond3A_4 = arith.cmpi ne, %convert_element_type3A, %cond3A : i32
    scf.if %cond3A_4 {
      %add3A_388 = arith.constant 9984 : i32
      %add3A_389 = arith.addi %mul3A_0, %add3A_388 : i32
      "tpu.region"() ({
        %run_scoped3A = tpu.sem_alloc : memref<!tpu.dma_semaphore, #tpu.memory_space<semaphore_mem>>
        %dma_start3A_390 = arith.constant 9984 : i32
        %dma_start3A_391 = arith.constant 0 : i32
        %dma_start3A_392 = tpu.memref_slice %arg5[%dma_start3A_390, %dma_start3A_391] : memref<10016x128xf32, #tpu.memory_space<vmem_shared>> -> memref<16x128xf32, #tpu.memory_space<vmem_shared>>
        %dma_start3A_393 = arith.constant 0 : i32
        %dma_start3A_394 = tpu.memref_slice %arg2[%add3A_389, %dma_start3A_393] : memref<20000x128xf32, #tpu.memory_space<hbm>> -> memref<16x128xf32, #tpu.memory_space<hbm>>
        tpu.enqueue_dma source(%dma_start3A_394 : memref<16x128xf32, #tpu.memory_space<hbm>>) target(%dma_start3A_392 : memref<16x128xf32, #tpu.memory_space<vmem_shared>>) target_semaphore(%run_scoped3A : memref<!tpu.dma_semaphore, #tpu.memory_space<semaphore_mem>>)
        %dma_wait3A_395 = arith.constant 9984 : i32
        %dma_wait3A_396 = arith.constant 0 : i32
        %dma_wait3A_397 = tpu.memref_slice %arg5[%dma_wait3A_395, %dma_wait3A_396] : memref<10016x128xf32, #tpu.memory_space<vmem_shared>> -> memref<16x128xf32, #tpu.memory_space<vmem_shared>>
        %dma_wait3A_398 = arith.constant 0 : i32
        %dma_wait3A_399 = tpu.memref_slice %arg2[%add3A_389, %dma_wait3A_398] : memref<20000x128xf32, #tpu.memory_space<hbm>> -> memref<16x128xf32, #tpu.memory_space<hbm>>
        tpu.wait_dma2 semaphore(%run_scoped3A : memref<!tpu.dma_semaphore, #tpu.memory_space<semaphore_mem>>) src(%dma_wait3A_399 : memref<16x128xf32, #tpu.memory_space<hbm>>) dst(%dma_wait3A_397 : memref<16x128xf32, #tpu.memory_space<vmem_shared>>)
        tpu.yield
      }) : () -> ()
    } else {
    }
    "tpu.region"() ({
      %run_scoped3A = tpu.sem_alloc : memref<!tpu.dma_semaphore, #tpu.memory_space<semaphore_mem>>
      %dma_start3A_388 = arith.constant 0 : i32
      %dma_start3A_389 = tpu.memref_slice %arg3[%arg1, %dma_start3A_388] : memref<16x10080xi32, #tpu.memory_space<hbm>> -> memref<1x10080xi32, #tpu.memory_space<hbm>>
      %dma_start3A_390 = tpu.memref_squeeze %dma_start3A_389 : memref<1x10080xi32, #tpu.memory_space<hbm>> -> memref<10080xi32, #tpu.memory_space<hbm>>
      %dma_start3A_391 = arith.constant 0 : i32
      %dma_start3A_392 = tpu.memref_slice %arg3[%arg1, %dma_start3A_391] : memref<16x10080xi32, #tpu.memory_space<hbm>> -> memref<1x10080xi32, #tpu.memory_space<hbm>>
      %dma_start3A_393 = tpu.memref_squeeze %dma_start3A_392 : memref<1x10080xi32, #tpu.memory_space<hbm>> -> memref<10080xi32, #tpu.memory_space<hbm>>
      tpu.enqueue_dma source(%dma_start3A_393 : memref<10080xi32, #tpu.memory_space<hbm>>) target(%arg6 : memref<10080xi32, #tpu.memory_space<vmem>>) target_semaphore(%run_scoped3A : memref<!tpu.dma_semaphore, #tpu.memory_space<semaphore_mem>>)
      %dma_wait3A_394 = arith.constant 0 : i32
      %dma_wait3A_395 = tpu.memref_slice %arg3[%arg1, %dma_wait3A_394] : memref<16x10080xi32, #tpu.memory_space<hbm>> -> memref<1x10080xi32, #tpu.memory_space<hbm>>
      %dma_wait3A_396 = tpu.memref_squeeze %dma_wait3A_395 : memref<1x10080xi32, #tpu.memory_space<hbm>> -> memref<10080xi32, #tpu.memory_space<hbm>>
      %dma_wait3A_397 = arith.constant 0 : i32
      %dma_wait3A_398 = tpu.memref_slice %arg3[%arg1, %dma_wait3A_397] : memref<16x10080xi32, #tpu.memory_space<hbm>> -> memref<1x10080xi32, #tpu.memory_space<hbm>>
      %dma_wait3A_399 = tpu.memref_squeeze %dma_wait3A_398 : memref<1x10080xi32, #tpu.memory_space<hbm>> -> memref<10080xi32, #tpu.memory_space<hbm>>
      tpu.wait_dma2 semaphore(%run_scoped3A : memref<!tpu.dma_semaphore, #tpu.memory_space<semaphore_mem>>) src(%dma_wait3A_399 : memref<10080xi32, #tpu.memory_space<hbm>>) dst(%arg6 : memref<10080xi32, #tpu.memory_space<vmem>>)
      tpu.yield
    }) : () -> ()
    %barrier3A = arith.constant 0 : index
    tpu.barrier barrier_id(%barrier3A)
    %get3A = arith.constant 0 : index
    %get3A_5 = tpu.vector_load %arg6[%get3A] {strides = array<i32>} : memref<10080xi32, #tpu.memory_space<vmem>>, vector<16xi32>,
    %get3A_6 = vector.shape_cast %get3A_5 : vector<16xi32> to vector<16xi32>
    %shift_right_arithmetic3A = arith.constant 14 : i32
    %shift_right_arithmetic3A_7 = vector.broadcast %shift_right_arithmetic3A : i32 to vector<16xi32>
    %shift_right_arithmetic3A_8 = arith.shrsi %get3A_6, %shift_right_arithmetic3A_7 : vector<16xi32>
    %add3A_9 = vector.broadcast %mul3A_0 : i32 to vector<16xi32>
    %add3A_10 = arith.addi %shift_right_arithmetic3A_8, %add3A_9 : vector<16xi32>
    %swap3A = arith.constant 0 : index
    %swap3A_11 = tpu.vector_load %arg7[%swap3A] {strides = array<i32>} : memref<96xi32, #tpu.memory_space<vmem>>, vector<16xi32>,
    %swap3A_12 = vector.shape_cast %swap3A_11 : vector<16xi32> to vector<16xi32>
    %swap3A_13 = vector.shape_cast %add3A_10 : vector<16xi32> to vector<16xi32>
    tpu.vector_store %arg7[%swap3A], %swap3A_13 {strides = array<i32>} : memref<96xi32, #tpu.memory_space<vmem>>, vector<16xi32>,
    %and3A = arith.constant 16383 : i32
    %and3A_14 = vector.broadcast %and3A : i32 to vector<16xi32>
    %and3A_15 = arith.andi %get3A_6, %and3A_14 : vector<16xi32>
    %swap3A_16 = arith.constant 0 : index
    %swap3A_17 = tpu.vector_load %arg8[%swap3A_16] {strides = array<i32>} : memref<96xi32, #tpu.memory_space<vmem>>, vector<16xi32>,
    %swap3A_18 = vector.shape_cast %swap3A_17 : vector<16xi32> to vector<16xi32>
    %swap3A_19 = vector.shape_cast %and3A_15 : vector<16xi32> to vector<16xi32>
    tpu.vector_store %arg8[%swap3A_16], %swap3A_19 {strides = array<i32>} : memref<96xi32, #tpu.memory_space<vmem>>, vector<16xi32>,
    %get3A_20 = arith.constant 16 : index
    %get3A_21 = tpu.vector_load %arg6[%get3A_20] {strides = array<i32>} : memref<10080xi32, #tpu.memory_space<vmem>>, vector<16xi32>,
    %get3A_22 = vector.shape_cast %get3A_21 : vector<16xi32> to vector<16xi32>
    %shift_right_arithmetic3A_23 = arith.constant 14 : i32
    %shift_right_arithmetic3A_24 = vector.broadcast %shift_right_arithmetic3A_23 : i32 to vector<16xi32>
    %shift_right_arithmetic3A_25 = arith.shrsi %get3A_22, %shift_right_arithmetic3A_24 : vector<16xi32>
    %add3A_26 = vector.broadcast %mul3A_0 : i32 to vector<16xi32>
    %add3A_27 = arith.addi %shift_right_arithmetic3A_25, %add3A_26 : vector<16xi32>
    %swap3A_28 = arith.constant 16 : index
    %swap3A_29 = tpu.vector_load %arg7[%swap3A_28] {strides = array<i32>} : memref<96xi32, #tpu.memory_space<vmem>>, vector<16xi32>,
    %swap3A_30 = vector.shape_cast %swap3A_29 : vector<16xi32> to vector<16xi32>
    %swap3A_31 = vector.shape_cast %add3A_27 : vector<16xi32> to vector<16xi32>
    tpu.vector_store %arg7[%swap3A_28], %swap3A_31 {strides = array<i32>} : memref<96xi32, #tpu.memory_space<vmem>>, vector<16xi32>,
    %and3A_32 = arith.constant 16383 : i32
    %and3A_33 = vector.broadcast %and3A_32 : i32 to vector<16xi32>
    %and3A_34 = arith.andi %get3A_22, %and3A_33 : vector<16xi32>
    %swap3A_35 = arith.constant 16 : index
    %swap3A_36 = tpu.vector_load %arg8[%swap3A_35] {strides = array<i32>} : memref<96xi32, #tpu.memory_space<vmem>>, vector<16xi32>,
    %swap3A_37 = vector.shape_cast %swap3A_36 : vector<16xi32> to vector<16xi32>
    %swap3A_38 = vector.shape_cast %and3A_34 : vector<16xi32> to vector<16xi32>
    tpu.vector_store %arg8[%swap3A_35], %swap3A_38 {strides = array<i32>} : memref<96xi32, #tpu.memory_space<vmem>>, vector<16xi32>,
    %get3A_39 = arith.constant 32 : index
    %get3A_40 = tpu.vector_load %arg6[%get3A_39] {strides = array<i32>} : memref<10080xi32, #tpu.memory_space<vmem>>, vector<16xi32>,
    %get3A_41 = vector.shape_cast %get3A_40 : vector<16xi32> to vector<16xi32>
    %shift_right_arithmetic3A_42 = arith.constant 14 : i32
    %shift_right_arithmetic3A_43 = vector.broadcast %shift_right_arithmetic3A_42 : i32 to vector<16xi32>
    %shift_right_arithmetic3A_44 = arith.shrsi %get3A_41, %shift_right_arithmetic3A_43 : vector<16xi32>
    %add3A_45 = vector.broadcast %mul3A_0 : i32 to vector<16xi32>
    %add3A_46 = arith.addi %shift_right_arithmetic3A_44, %add3A_45 : vector<16xi32>
    %swap3A_47 = arith.constant 32 : index
    %swap3A_48 = tpu.vector_load %arg7[%swap3A_47] {strides = array<i32>} : memref<96xi32, #tpu.memory_space<vmem>>, vector<16xi32>,
    %swap3A_49 = vector.shape_cast %swap3A_48 : vector<16xi32> to vector<16xi32>
    %swap3A_50 = vector.shape_cast %add3A_46 : vector<16xi32> to vector<16xi32>
    tpu.vector_store %arg7[%swap3A_47], %swap3A_50 {strides = array<i32>} : memref<96xi32, #tpu.memory_space<vmem>>, vector<16xi32>,
    %and3A_51 = arith.constant 16383 : i32
    %and3A_52 = vector.broadcast %and3A_51 : i32 to vector<16xi32>
    %and3A_53 = arith.andi %get3A_41, %and3A_52 : vector<16xi32>
    %swap3A_54 = arith.constant 32 : index
    %swap3A_55 = tpu.vector_load %arg8[%swap3A_54] {strides = array<i32>} : memref<96xi32, #tpu.memory_space<vmem>>, vector<16xi32>,
    %swap3A_56 = vector.shape_cast %swap3A_55 : vector<16xi32> to vector<16xi32>
    %swap3A_57 = vector.shape_cast %and3A_53 : vector<16xi32> to vector<16xi32>
    tpu.vector_store %arg8[%swap3A_54], %swap3A_57 {strides = array<i32>} : memref<96xi32, #tpu.memory_space<vmem>>, vector<16xi32>,
    %get3A_58 = arith.constant 48 : index
    %get3A_59 = tpu.vector_load %arg6[%get3A_58] {strides = array<i32>} : memref<10080xi32, #tpu.memory_space<vmem>>, vector<16xi32>,
    %get3A_60 = vector.shape_cast %get3A_59 : vector<16xi32> to vector<16xi32>
    %shift_right_arithmetic3A_61 = arith.constant 14 : i32
    %shift_right_arithmetic3A_62 = vector.broadcast %shift_right_arithmetic3A_61 : i32 to vector<16xi32>
    %shift_right_arithmetic3A_63 = arith.shrsi %get3A_60, %shift_right_arithmetic3A_62 : vector<16xi32>
    %add3A_64 = vector.broadcast %mul3A_0 : i32 to vector<16xi32>
    %add3A_65 = arith.addi %shift_right_arithmetic3A_63, %add3A_64 : vector<16xi32>
    %swap3A_66 = arith.constant 48 : index
    %swap3A_67 = tpu.vector_load %arg7[%swap3A_66] {strides = array<i32>} : memref<96xi32, #tpu.memory_space<vmem>>, vector<16xi32>,
    %swap3A_68 = vector.shape_cast %swap3A_67 : vector<16xi32> to vector<16xi32>
    %swap3A_69 = vector.shape_cast %add3A_65 : vector<16xi32> to vector<16xi32>
    tpu.vector_store %arg7[%swap3A_66], %swap3A_69 {strides = array<i32>} : memref<96xi32, #tpu.memory_space<vmem>>, vector<16xi32>,
    %and3A_70 = arith.constant 16383 : i32
    %and3A_71 = vector.broadcast %and3A_70 : i32 to vector<16xi32>
    %and3A_72 = arith.andi %get3A_60, %and3A_71 : vector<16xi32>
    %swap3A_73 = arith.constant 48 : index
    %swap3A_74 = tpu.vector_load %arg8[%swap3A_73] {strides = array<i32>} : memref<96xi32, #tpu.memory_space<vmem>>, vector<16xi32>,
    %swap3A_75 = vector.shape_cast %swap3A_74 : vector<16xi32> to vector<16xi32>
    %swap3A_76 = vector.shape_cast %and3A_72 : vector<16xi32> to vector<16xi32>
    tpu.vector_store %arg8[%swap3A_73], %swap3A_76 {strides = array<i32>} : memref<96xi32, #tpu.memory_space<vmem>>, vector<16xi32>,
    %get3A_77 = arith.constant 64 : index
    %get3A_78 = tpu.vector_load %arg6[%get3A_77] {strides = array<i32>} : memref<10080xi32, #tpu.memory_space<vmem>>, vector<16xi32>,
    %get3A_79 = vector.shape_cast %get3A_78 : vector<16xi32> to vector<16xi32>
    %shift_right_arithmetic3A_80 = arith.constant 14 : i32
    %shift_right_arithmetic3A_81 = vector.broadcast %shift_right_arithmetic3A_80 : i32 to vector<16xi32>
    %shift_right_arithmetic3A_82 = arith.shrsi %get3A_79, %shift_right_arithmetic3A_81 : vector<16xi32>
    %add3A_83 = vector.broadcast %mul3A_0 : i32 to vector<16xi32>
    %add3A_84 = arith.addi %shift_right_arithmetic3A_82, %add3A_83 : vector<16xi32>
    %swap3A_85 = arith.constant 64 : index
    %swap3A_86 = tpu.vector_load %arg7[%swap3A_85] {strides = array<i32>} : memref<96xi32, #tpu.memory_space<vmem>>, vector<16xi32>,
    %swap3A_87 = vector.shape_cast %swap3A_86 : vector<16xi32> to vector<16xi32>
    %swap3A_88 = vector.shape_cast %add3A_84 : vector<16xi32> to vector<16xi32>
    tpu.vector_store %arg7[%swap3A_85], %swap3A_88 {strides = array<i32>} : memref<96xi32, #tpu.memory_space<vmem>>, vector<16xi32>,
    %and3A_89 = arith.constant 16383 : i32
    %and3A_90 = vector.broadcast %and3A_89 : i32 to vector<16xi32>
    %and3A_91 = arith.andi %get3A_79, %and3A_90 : vector<16xi32>
    %swap3A_92 = arith.constant 64 : index
    %swap3A_93 = tpu.vector_load %arg8[%swap3A_92] {strides = array<i32>} : memref<96xi32, #tpu.memory_space<vmem>>, vector<16xi32>,
    %swap3A_94 = vector.shape_cast %swap3A_93 : vector<16xi32> to vector<16xi32>
    %swap3A_95 = vector.shape_cast %and3A_91 : vector<16xi32> to vector<16xi32>
    tpu.vector_store %arg8[%swap3A_92], %swap3A_95 {strides = array<i32>} : memref<96xi32, #tpu.memory_space<vmem>>, vector<16xi32>,
    %get3A_96 = arith.constant 80 : index
    %get3A_97 = tpu.vector_load %arg6[%get3A_96] {strides = array<i32>} : memref<10080xi32, #tpu.memory_space<vmem>>, vector<16xi32>,
    %get3A_98 = vector.shape_cast %get3A_97 : vector<16xi32> to vector<16xi32>
    %shift_right_arithmetic3A_99 = arith.constant 14 : i32
    %shift_right_arithmetic3A_100 = vector.broadcast %shift_right_arithmetic3A_99 : i32 to vector<16xi32>
    %shift_right_arithmetic3A_101 = arith.shrsi %get3A_98, %shift_right_arithmetic3A_100 : vector<16xi32>
    %add3A_102 = vector.broadcast %mul3A_0 : i32 to vector<16xi32>
    %add3A_103 = arith.addi %shift_right_arithmetic3A_101, %add3A_102 : vector<16xi32>
    %swap3A_104 = arith.constant 80 : index
    %swap3A_105 = tpu.vector_load %arg7[%swap3A_104] {strides = array<i32>} : memref<96xi32, #tpu.memory_space<vmem>>, vector<16xi32>,
    %swap3A_106 = vector.shape_cast %swap3A_105 : vector<16xi32> to vector<16xi32>
    %swap3A_107 = vector.shape_cast %add3A_103 : vector<16xi32> to vector<16xi32>
    tpu.vector_store %arg7[%swap3A_104], %swap3A_107 {strides = array<i32>} : memref<96xi32, #tpu.memory_space<vmem>>, vector<16xi32>,
    %and3A_108 = arith.constant 16383 : i32
    %and3A_109 = vector.broadcast %and3A_108 : i32 to vector<16xi32>
    %and3A_110 = arith.andi %get3A_98, %and3A_109 : vector<16xi32>
    %swap3A_111 = arith.constant 80 : index
    %swap3A_112 = tpu.vector_load %arg8[%swap3A_111] {strides = array<i32>} : memref<96xi32, #tpu.memory_space<vmem>>, vector<16xi32>,
    %swap3A_113 = vector.shape_cast %swap3A_112 : vector<16xi32> to vector<16xi32>
    %swap3A_114 = vector.shape_cast %and3A_110 : vector<16xi32> to vector<16xi32>
    tpu.vector_store %arg8[%swap3A_111], %swap3A_114 {strides = array<i32>} : memref<96xi32, #tpu.memory_space<vmem>>, vector<16xi32>,
    %dma_start3A = arith.constant 0 : i32
    %dma_start3A_115 = arith.constant 0 : i32
    %dma_start3A_116 = tpu.memref_slice %arg2[%dma_start3A, %dma_start3A_115] : memref<20000x128xf32, #tpu.memory_space<hbm>> -> memref<20000x128xf32, #tpu.memory_space<hbm>>
    tpu.enqueue_indirect_dma source(%dma_start3A_116 : memref<20000x128xf32, #tpu.memory_space<hbm>>) target(%arg13 : memref<96x128xf32, #tpu.memory_space<vmem>>) offsets(%arg7 : memref<96xi32, #tpu.memory_space<vmem>>) semaphore(%arg16 : memref<!tpu.dma_semaphore, #tpu.memory_space<semaphore_mem>>)
    %get3A_117 = arith.constant 96 : index
    %get3A_118 = tpu.vector_load %arg6[%get3A_117] {strides = array<i32>} : memref<10080xi32, #tpu.memory_space<vmem>>, vector<16xi32>,
    %get3A_119 = vector.shape_cast %get3A_118 : vector<16xi32> to vector<16xi32>
    %shift_right_arithmetic3A_120 = arith.constant 14 : i32
    %shift_right_arithmetic3A_121 = vector.broadcast %shift_right_arithmetic3A_120 : i32 to vector<16xi32>
    %shift_right_arithmetic3A_122 = arith.shrsi %get3A_119, %shift_right_arithmetic3A_121 : vector<16xi32>
    %add3A_123 = vector.broadcast %mul3A_0 : i32 to vector<16xi32>
    %add3A_124 = arith.addi %shift_right_arithmetic3A_122, %add3A_123 : vector<16xi32>
    %swap3A_125 = arith.constant 0 : index
    %swap3A_126 = tpu.vector_load %arg9[%swap3A_125] {strides = array<i32>} : memref<96xi32, #tpu.memory_space<vmem>>, vector<16xi32>,
    %swap3A_127 = vector.shape_cast %swap3A_126 : vector<16xi32> to vector<16xi32>
    %swap3A_128 = vector.shape_cast %add3A_124 : vector<16xi32> to vector<16xi32>
    tpu.vector_store %arg9[%swap3A_125], %swap3A_128 {strides = array<i32>} : memref<96xi32, #tpu.memory_space<vmem>>, vector<16xi32>,
    %and3A_129 = arith.constant 16383 : i32
    %and3A_130 = vector.broadcast %and3A_129 : i32 to vector<16xi32>
    %and3A_131 = arith.andi %get3A_119, %and3A_130 : vector<16xi32>
    %swap3A_132 = arith.constant 0 : index
    %swap3A_133 = tpu.vector_load %arg10[%swap3A_132] {strides = array<i32>} : memref<96xi32, #tpu.memory_space<vmem>>, vector<16xi32>,
    %swap3A_134 = vector.shape_cast %swap3A_133 : vector<16xi32> to vector<16xi32>
    %swap3A_135 = vector.shape_cast %and3A_131 : vector<16xi32> to vector<16xi32>
    tpu.vector_store %arg10[%swap3A_132], %swap3A_135 {strides = array<i32>} : memref<96xi32, #tpu.memory_space<vmem>>, vector<16xi32>,
    %get3A_136 = arith.constant 112 : index
    %get3A_137 = tpu.vector_load %arg6[%get3A_136] {strides = array<i32>} : memref<10080xi32, #tpu.memory_space<vmem>>, vector<16xi32>,
    %get3A_138 = vector.shape_cast %get3A_137 : vector<16xi32> to vector<16xi32>
    %shift_right_arithmetic3A_139 = arith.constant 14 : i32
    %shift_right_arithmetic3A_140 = vector.broadcast %shift_right_arithmetic3A_139 : i32 to vector<16xi32>
    %shift_right_arithmetic3A_141 = arith.shrsi %get3A_138, %shift_right_arithmetic3A_140 : vector<16xi32>
    %add3A_142 = vector.broadcast %mul3A_0 : i32 to vector<16xi32>
    %add3A_143 = arith.addi %shift_right_arithmetic3A_141, %add3A_142 : vector<16xi32>
    %swap3A_144 = arith.constant 16 : index
    %swap3A_145 = tpu.vector_load %arg9[%swap3A_144] {strides = array<i32>} : memref<96xi32, #tpu.memory_space<vmem>>, vector<16xi32>,
    %swap3A_146 = vector.shape_cast %swap3A_145 : vector<16xi32> to vector<16xi32>
    %swap3A_147 = vector.shape_cast %add3A_143 : vector<16xi32> to vector<16xi32>
    tpu.vector_store %arg9[%swap3A_144], %swap3A_147 {strides = array<i32>} : memref<96xi32, #tpu.memory_space<vmem>>, vector<16xi32>,
    %and3A_148 = arith.constant 16383 : i32
    %and3A_149 = vector.broadcast %and3A_148 : i32 to vector<16xi32>
    %and3A_150 = arith.andi %get3A_138, %and3A_149 : vector<16xi32>
    %swap3A_151 = arith.constant 16 : index
    %swap3A_152 = tpu.vector_load %arg10[%swap3A_151] {strides = array<i32>} : memref<96xi32, #tpu.memory_space<vmem>>, vector<16xi32>,
    %swap3A_153 = vector.shape_cast %swap3A_152 : vector<16xi32> to vector<16xi32>
    %swap3A_154 = vector.shape_cast %and3A_150 : vector<16xi32> to vector<16xi32>
    tpu.vector_store %arg10[%swap3A_151], %swap3A_154 {strides = array<i32>} : memref<96xi32, #tpu.memory_space<vmem>>, vector<16xi32>,
    %get3A_155 = arith.constant 128 : index
    %get3A_156 = tpu.vector_load %arg6[%get3A_155] {strides = array<i32>} : memref<10080xi32, #tpu.memory_space<vmem>>, vector<16xi32>,
    %get3A_157 = vector.shape_cast %get3A_156 : vector<16xi32> to vector<16xi32>
    %shift_right_arithmetic3A_158 = arith.constant 14 : i32
    %shift_right_arithmetic3A_159 = vector.broadcast %shift_right_arithmetic3A_158 : i32 to vector<16xi32>
    %shift_right_arithmetic3A_160 = arith.shrsi %get3A_157, %shift_right_arithmetic3A_159 : vector<16xi32>
    %add3A_161 = vector.broadcast %mul3A_0 : i32 to vector<16xi32>
    %add3A_162 = arith.addi %shift_right_arithmetic3A_160, %add3A_161 : vector<16xi32>
    %swap3A_163 = arith.constant 32 : index
    %swap3A_164 = tpu.vector_load %arg9[%swap3A_163] {strides = array<i32>} : memref<96xi32, #tpu.memory_space<vmem>>, vector<16xi32>,
    %swap3A_165 = vector.shape_cast %swap3A_164 : vector<16xi32> to vector<16xi32>
    %swap3A_166 = vector.shape_cast %add3A_162 : vector<16xi32> to vector<16xi32>
    tpu.vector_store %arg9[%swap3A_163], %swap3A_166 {strides = array<i32>} : memref<96xi32, #tpu.memory_space<vmem>>, vector<16xi32>,
    %and3A_167 = arith.constant 16383 : i32
    %and3A_168 = vector.broadcast %and3A_167 : i32 to vector<16xi32>
    %and3A_169 = arith.andi %get3A_157, %and3A_168 : vector<16xi32>
    %swap3A_170 = arith.constant 32 : index
    %swap3A_171 = tpu.vector_load %arg10[%swap3A_170] {strides = array<i32>} : memref<96xi32, #tpu.memory_space<vmem>>, vector<16xi32>,
    %swap3A_172 = vector.shape_cast %swap3A_171 : vector<16xi32> to vector<16xi32>
    %swap3A_173 = vector.shape_cast %and3A_169 : vector<16xi32> to vector<16xi32>
    tpu.vector_store %arg10[%swap3A_170], %swap3A_173 {strides = array<i32>} : memref<96xi32, #tpu.memory_space<vmem>>, vector<16xi32>,
    %get3A_174 = arith.constant 144 : index
    %get3A_175 = tpu.vector_load %arg6[%get3A_174] {strides = array<i32>} : memref<10080xi32, #tpu.memory_space<vmem>>, vector<16xi32>,
    %get3A_176 = vector.shape_cast %get3A_175 : vector<16xi32> to vector<16xi32>
    %shift_right_arithmetic3A_177 = arith.constant 14 : i32
    %shift_right_arithmetic3A_178 = vector.broadcast %shift_right_arithmetic3A_177 : i32 to vector<16xi32>
    %shift_right_arithmetic3A_179 = arith.shrsi %get3A_176, %shift_right_arithmetic3A_178 : vector<16xi32>
    %add3A_180 = vector.broadcast %mul3A_0 : i32 to vector<16xi32>
    %add3A_181 = arith.addi %shift_right_arithmetic3A_179, %add3A_180 : vector<16xi32>
    %swap3A_182 = arith.constant 48 : index
    %swap3A_183 = tpu.vector_load %arg9[%swap3A_182] {strides = array<i32>} : memref<96xi32, #tpu.memory_space<vmem>>, vector<16xi32>,
    %swap3A_184 = vector.shape_cast %swap3A_183 : vector<16xi32> to vector<16xi32>
    %swap3A_185 = vector.shape_cast %add3A_181 : vector<16xi32> to vector<16xi32>
    tpu.vector_store %arg9[%swap3A_182], %swap3A_185 {strides = array<i32>} : memref<96xi32, #tpu.memory_space<vmem>>, vector<16xi32>,
    %and3A_186 = arith.constant 16383 : i32
    %and3A_187 = vector.broadcast %and3A_186 : i32 to vector<16xi32>
    %and3A_188 = arith.andi %get3A_176, %and3A_187 : vector<16xi32>
    %swap3A_189 = arith.constant 48 : index
    %swap3A_190 = tpu.vector_load %arg10[%swap3A_189] {strides = array<i32>} : memref<96xi32, #tpu.memory_space<vmem>>, vector<16xi32>,
    %swap3A_191 = vector.shape_cast %swap3A_190 : vector<16xi32> to vector<16xi32>
    %swap3A_192 = vector.shape_cast %and3A_188 : vector<16xi32> to vector<16xi32>
    tpu.vector_store %arg10[%swap3A_189], %swap3A_192 {strides = array<i32>} : memref<96xi32, #tpu.memory_space<vmem>>, vector<16xi32>,
    %get3A_193 = arith.constant 160 : index
    %get3A_194 = tpu.vector_load %arg6[%get3A_193] {strides = array<i32>} : memref<10080xi32, #tpu.memory_space<vmem>>, vector<16xi32>,
    %get3A_195 = vector.shape_cast %get3A_194 : vector<16xi32> to vector<16xi32>
    %shift_right_arithmetic3A_196 = arith.constant 14 : i32
    %shift_right_arithmetic3A_197 = vector.broadcast %shift_right_arithmetic3A_196 : i32 to vector<16xi32>
    %shift_right_arithmetic3A_198 = arith.shrsi %get3A_195, %shift_right_arithmetic3A_197 : vector<16xi32>
    %add3A_199 = vector.broadcast %mul3A_0 : i32 to vector<16xi32>
    %add3A_200 = arith.addi %shift_right_arithmetic3A_198, %add3A_199 : vector<16xi32>
    %swap3A_201 = arith.constant 64 : index
    %swap3A_202 = tpu.vector_load %arg9[%swap3A_201] {strides = array<i32>} : memref<96xi32, #tpu.memory_space<vmem>>, vector<16xi32>,
    %swap3A_203 = vector.shape_cast %swap3A_202 : vector<16xi32> to vector<16xi32>
    %swap3A_204 = vector.shape_cast %add3A_200 : vector<16xi32> to vector<16xi32>
    tpu.vector_store %arg9[%swap3A_201], %swap3A_204 {strides = array<i32>} : memref<96xi32, #tpu.memory_space<vmem>>, vector<16xi32>,
    %and3A_205 = arith.constant 16383 : i32
    %and3A_206 = vector.broadcast %and3A_205 : i32 to vector<16xi32>
    %and3A_207 = arith.andi %get3A_195, %and3A_206 : vector<16xi32>
    %swap3A_208 = arith.constant 64 : index
    %swap3A_209 = tpu.vector_load %arg10[%swap3A_208] {strides = array<i32>} : memref<96xi32, #tpu.memory_space<vmem>>, vector<16xi32>,
    %swap3A_210 = vector.shape_cast %swap3A_209 : vector<16xi32> to vector<16xi32>
    %swap3A_211 = vector.shape_cast %and3A_207 : vector<16xi32> to vector<16xi32>
    tpu.vector_store %arg10[%swap3A_208], %swap3A_211 {strides = array<i32>} : memref<96xi32, #tpu.memory_space<vmem>>, vector<16xi32>,
    %get3A_212 = arith.constant 176 : index
    %get3A_213 = tpu.vector_load %arg6[%get3A_212] {strides = array<i32>} : memref<10080xi32, #tpu.memory_space<vmem>>, vector<16xi32>,
    %get3A_214 = vector.shape_cast %get3A_213 : vector<16xi32> to vector<16xi32>
    %shift_right_arithmetic3A_215 = arith.constant 14 : i32
    %shift_right_arithmetic3A_216 = vector.broadcast %shift_right_arithmetic3A_215 : i32 to vector<16xi32>
    %shift_right_arithmetic3A_217 = arith.shrsi %get3A_214, %shift_right_arithmetic3A_216 : vector<16xi32>
    %add3A_218 = vector.broadcast %mul3A_0 : i32 to vector<16xi32>
    %add3A_219 = arith.addi %shift_right_arithmetic3A_217, %add3A_218 : vector<16xi32>
    %swap3A_220 = arith.constant 80 : index
    %swap3A_221 = tpu.vector_load %arg9[%swap3A_220] {strides = array<i32>} : memref<96xi32, #tpu.memory_space<vmem>>, vector<16xi32>,
    %swap3A_222 = vector.shape_cast %swap3A_221 : vector<16xi32> to vector<16xi32>
    %swap3A_223 = vector.shape_cast %add3A_219 : vector<16xi32> to vector<16xi32>
    tpu.vector_store %arg9[%swap3A_220], %swap3A_223 {strides = array<i32>} : memref<96xi32, #tpu.memory_space<vmem>>, vector<16xi32>,
    %and3A_224 = arith.constant 16383 : i32
    %and3A_225 = vector.broadcast %and3A_224 : i32 to vector<16xi32>
    %and3A_226 = arith.andi %get3A_214, %and3A_225 : vector<16xi32>
    %swap3A_227 = arith.constant 80 : index
    %swap3A_228 = tpu.vector_load %arg10[%swap3A_227] {strides = array<i32>} : memref<96xi32, #tpu.memory_space<vmem>>, vector<16xi32>,
    %swap3A_229 = vector.shape_cast %swap3A_228 : vector<16xi32> to vector<16xi32>
    %swap3A_230 = vector.shape_cast %and3A_226 : vector<16xi32> to vector<16xi32>
    tpu.vector_store %arg10[%swap3A_227], %swap3A_230 {strides = array<i32>} : memref<96xi32, #tpu.memory_space<vmem>>, vector<16xi32>,
    %dma_start3A_231 = arith.constant 0 : i32
    %dma_start3A_232 = arith.constant 0 : i32
    %dma_start3A_233 = tpu.memref_slice %arg2[%dma_start3A_231, %dma_start3A_232] : memref<20000x128xf32, #tpu.memory_space<hbm>> -> memref<20000x128xf32, #tpu.memory_space<hbm>>
    tpu.enqueue_indirect_dma source(%dma_start3A_233 : memref<20000x128xf32, #tpu.memory_space<hbm>>) target(%arg14 : memref<96x128xf32, #tpu.memory_space<vmem>>) offsets(%arg9 : memref<96xi32, #tpu.memory_space<vmem>>) semaphore(%arg17 : memref<!tpu.dma_semaphore, #tpu.memory_space<semaphore_mem>>)
    %dma_wait3A = arith.constant 0 : i32
    %dma_wait3A_234 = arith.constant 0 : i32
    %dma_wait3A_235 = tpu.memref_slice %arg2[%dma_wait3A, %dma_wait3A_234] : memref<20000x128xf32, #tpu.memory_space<hbm>> -> memref<20000x128xf32, #tpu.memory_space<hbm>>
    tpu.wait_indirect_dma semaphore(%arg16 : memref<!tpu.dma_semaphore, #tpu.memory_space<semaphore_mem>>) src(%dma_wait3A_235 : memref<20000x128xf32, #tpu.memory_space<hbm>>) dst(%arg13 : memref<96x128xf32, #tpu.memory_space<vmem>>)
    %dma_start3A_236 = arith.constant 0 : i32
    %dma_start3A_237 = arith.constant 0 : i32
    %dma_start3A_238 = tpu.memref_slice %arg5[%dma_start3A_236, %dma_start3A_237] : memref<10016x128xf32, #tpu.memory_space<vmem_shared>> -> memref<10016x128xf32, #tpu.memory_space<vmem_shared>>
    tpu.enqueue_indirect_dma source(%arg13 : memref<96x128xf32, #tpu.memory_space<vmem>>) target(%dma_start3A_238 : memref<10016x128xf32, #tpu.memory_space<vmem_shared>>) offsets(%arg8 : memref<96xi32, #tpu.memory_space<vmem>>) semaphore(%arg19 : memref<!tpu.dma_semaphore, #tpu.memory_space<semaphore_mem>>) {add = true}
    %get3A_239 = arith.constant 192 : index
    %get3A_240 = tpu.vector_load %arg6[%get3A_239] {strides = array<i32>} : memref<10080xi32, #tpu.memory_space<vmem>>, vector<16xi32>,
    %get3A_241 = vector.shape_cast %get3A_240 : vector<16xi32> to vector<16xi32>
    %shift_right_arithmetic3A_242 = arith.constant 14 : i32
    %shift_right_arithmetic3A_243 = vector.broadcast %shift_right_arithmetic3A_242 : i32 to vector<16xi32>
    %shift_right_arithmetic3A_244 = arith.shrsi %get3A_241, %shift_right_arithmetic3A_243 : vector<16xi32>
    %add3A_245 = vector.broadcast %mul3A_0 : i32 to vector<16xi32>
    %add3A_246 = arith.addi %shift_right_arithmetic3A_244, %add3A_245 : vector<16xi32>
    %swap3A_247 = arith.constant 0 : index
    %swap3A_248 = tpu.vector_load %arg11[%swap3A_247] {strides = array<i32>} : memref<96xi32, #tpu.memory_space<vmem>>, vector<16xi32>,
    %swap3A_249 = vector.shape_cast %swap3A_248 : vector<16xi32> to vector<16xi32>
    %swap3A_250 = vector.shape_cast %add3A_246 : vector<16xi32> to vector<16xi32>
    tpu.vector_store %arg11[%swap3A_247], %swap3A_250 {strides = array<i32>} : memref<96xi32, #tpu.memory_space<vmem>>, vector<16xi32>,
    %and3A_251 = arith.constant 16383 : i32
    %and3A_252 = vector.broadcast %and3A_251 : i32 to vector<16xi32>
    %and3A_253 = arith.andi %get3A_241, %and3A_252 : vector<16xi32>
    %swap3A_254 = arith.constant 0 : index
    %swap3A_255 = tpu.vector_load %arg12[%swap3A_254] {strides = array<i32>} : memref<96xi32, #tpu.memory_space<vmem>>, vector<16xi32>,
    %swap3A_256 = vector.shape_cast %swap3A_255 : vector<16xi32> to vector<16xi32>
    %swap3A_257 = vector.shape_cast %and3A_253 : vector<16xi32> to vector<16xi32>
    tpu.vector_store %arg12[%swap3A_254], %swap3A_257 {strides = array<i32>} : memref<96xi32, #tpu.memory_space<vmem>>, vector<16xi32>,
    %get3A_258 = arith.constant 208 : index
    %get3A_259 = tpu.vector_load %arg6[%get3A_258] {strides = array<i32>} : memref<10080xi32, #tpu.memory_space<vmem>>, vector<16xi32>,
    %get3A_260 = vector.shape_cast %get3A_259 : vector<16xi32> to vector<16xi32>
    %shift_right_arithmetic3A_261 = arith.constant 14 : i32
    %shift_right_arithmetic3A_262 = vector.broadcast %shift_right_arithmetic3A_261 : i32 to vector<16xi32>
    %shift_right_arithmetic3A_263 = arith.shrsi %get3A_260, %shift_right_arithmetic3A_262 : vector<16xi32>
    %add3A_264 = vector.broadcast %mul3A_0 : i32 to vector<16xi32>
    %add3A_265 = arith.addi %shift_right_arithmetic3A_263, %add3A_264 : vector<16xi32>
    %swap3A_266 = arith.constant 16 : index
    %swap3A_267 = tpu.vector_load %arg11[%swap3A_266] {strides = array<i32>} : memref<96xi32, #tpu.memory_space<vmem>>, vector<16xi32>,
    %swap3A_268 = vector.shape_cast %swap3A_267 : vector<16xi32> to vector<16xi32>
    %swap3A_269 = vector.shape_cast %add3A_265 : vector<16xi32> to vector<16xi32>
    tpu.vector_store %arg11[%swap3A_266], %swap3A_269 {strides = array<i32>} : memref<96xi32, #tpu.memory_space<vmem>>, vector<16xi32>,
    %and3A_270 = arith.constant 16383 : i32
    %and3A_271 = vector.broadcast %and3A_270 : i32 to vector<16xi32>
    %and3A_272 = arith.andi %get3A_260, %and3A_271 : vector<16xi32>
    %swap3A_273 = arith.constant 16 : index
    %swap3A_274 = tpu.vector_load %arg12[%swap3A_273] {strides = array<i32>} : memref<96xi32, #tpu.memory_space<vmem>>, vector<16xi32>,
    %swap3A_275 = vector.shape_cast %swap3A_274 : vector<16xi32> to vector<16xi32>
    %swap3A_276 = vector.shape_cast %and3A_272 : vector<16xi32> to vector<16xi32>
    tpu.vector_store %arg12[%swap3A_273], %swap3A_276 {strides = array<i32>} : memref<96xi32, #tpu.memory_space<vmem>>, vector<16xi32>,
    %get3A_277 = arith.constant 224 : index
    %get3A_278 = tpu.vector_load %arg6[%get3A_277] {strides = array<i32>} : memref<10080xi32, #tpu.memory_space<vmem>>, vector<16xi32>,
    %get3A_279 = vector.shape_cast %get3A_278 : vector<16xi32> to vector<16xi32>
    %shift_right_arithmetic3A_280 = arith.constant 14 : i32
    %shift_right_arithmetic3A_281 = vector.broadcast %shift_right_arithmetic3A_280 : i32 to vector<16xi32>
    %shift_right_arithmetic3A_282 = arith.shrsi %get3A_279, %shift_right_arithmetic3A_281 : vector<16xi32>
    %add3A_283 = vector.broadcast %mul3A_0 : i32 to vector<16xi32>
    %add3A_284 = arith.addi %shift_right_arithmetic3A_282, %add3A_283 : vector<16xi32>
    %swap3A_285 = arith.constant 32 : index
    %swap3A_286 = tpu.vector_load %arg11[%swap3A_285] {strides = array<i32>} : memref<96xi32, #tpu.memory_space<vmem>>, vector<16xi32>,
    %swap3A_287 = vector.shape_cast %swap3A_286 : vector<16xi32> to vector<16xi32>
    %swap3A_288 = vector.shape_cast %add3A_284 : vector<16xi32> to vector<16xi32>
    tpu.vector_store %arg11[%swap3A_285], %swap3A_288 {strides = array<i32>} : memref<96xi32, #tpu.memory_space<vmem>>, vector<16xi32>,
    %and3A_289 = arith.constant 16383 : i32
    %and3A_290 = vector.broadcast %and3A_289 : i32 to vector<16xi32>
    %and3A_291 = arith.andi %get3A_279, %and3A_290 : vector<16xi32>
    %swap3A_292 = arith.constant 32 : index
    %swap3A_293 = tpu.vector_load %arg12[%swap3A_292] {strides = array<i32>} : memref<96xi32, #tpu.memory_space<vmem>>, vector<16xi32>,
    %swap3A_294 = vector.shape_cast %swap3A_293 : vector<16xi32> to vector<16xi32>
    %swap3A_295 = vector.shape_cast %and3A_291 : vector<16xi32> to vector<16xi32>
    tpu.vector_store %arg12[%swap3A_292], %swap3A_295 {strides = array<i32>} : memref<96xi32, #tpu.memory_space<vmem>>, vector<16xi32>,
    %get3A_296 = arith.constant 240 : index
    %get3A_297 = tpu.vector_load %arg6[%get3A_296] {strides = array<i32>} : memref<10080xi32, #tpu.memory_space<vmem>>, vector<16xi32>,
    %get3A_298 = vector.shape_cast %get3A_297 : vector<16xi32> to vector<16xi32>
    %shift_right_arithmetic3A_299 = arith.constant 14 : i32
    %shift_right_arithmetic3A_300 = vector.broadcast %shift_right_arithmetic3A_299 : i32 to vector<16xi32>
    %shift_right_arithmetic3A_301 = arith.shrsi %get3A_298, %shift_right_arithmetic3A_300 : vector<16xi32>
    %add3A_302 = vector.broadcast %mul3A_0 : i32 to vector<16xi32>
    %add3A_303 = arith.addi %shift_right_arithmetic3A_301, %add3A_302 : vector<16xi32>
    %swap3A_304 = arith.constant 48 : index
    %swap3A_305 = tpu.vector_load %arg11[%swap3A_304] {strides = array<i32>} : memref<96xi32, #tpu.memory_space<vmem>>, vector<16xi32>,
    %swap3A_306 = vector.shape_cast %swap3A_305 : vector<16xi32> to vector<16xi32>
    %swap3A_307 = vector.shape_cast %add3A_303 : vector<16xi32> to vector<16xi32>
    tpu.vector_store %arg11[%swap3A_304], %swap3A_307 {strides = array<i32>} : memref<96xi32, #tpu.memory_space<vmem>>, vector<16xi32>,
    %and3A_308 = arith.constant 16383 : i32
    %and3A_309 = vector.broadcast %and3A_308 : i32 to vector<16xi32>
    %and3A_310 = arith.andi %get3A_298, %and3A_309 : vector<16xi32>
    %swap3A_311 = arith.constant 48 : index
    %swap3A_312 = tpu.vector_load %arg12[%swap3A_311] {strides = array<i32>} : memref<96xi32, #tpu.memory_space<vmem>>, vector<16xi32>,
    %swap3A_313 = vector.shape_cast %swap3A_312 : vector<16xi32> to vector<16xi32>
    %swap3A_314 = vector.shape_cast %and3A_310 : vector<16xi32> to vector<16xi32>
    tpu.vector_store %arg12[%swap3A_311], %swap3A_314 {strides = array<i32>} : memref<96xi32, #tpu.memory_space<vmem>>, vector<16xi32>,
    %get3A_315 = arith.constant 256 : index
    %get3A_316 = tpu.vector_load %arg6[%get3A_315] {strides = array<i32>} : memref<10080xi32, #tpu.memory_space<vmem>>, vector<16xi32>,
    %get3A_317 = vector.shape_cast %get3A_316 : vector<16xi32> to vector<16xi32>
    %shift_right_arithmetic3A_318 = arith.constant 14 : i32
    %shift_right_arithmetic3A_319 = vector.broadcast %shift_right_arithmetic3A_318 : i32 to vector<16xi32>
    %shift_right_arithmetic3A_320 = arith.shrsi %get3A_317, %shift_right_arithmetic3A_319 : vector<16xi32>
    %add3A_321 = vector.broadcast %mul3A_0 : i32 to vector<16xi32>
    %add3A_322 = arith.addi %shift_right_arithmetic3A_320, %add3A_321 : vector<16xi32>
    %swap3A_323 = arith.constant 64 : index
    %swap3A_324 = tpu.vector_load %arg11[%swap3A_323] {strides = array<i32>} : memref<96xi32, #tpu.memory_space<vmem>>, vector<16xi32>,
    %swap3A_325 = vector.shape_cast %swap3A_324 : vector<16xi32> to vector<16xi32>
    %swap3A_326 = vector.shape_cast %add3A_322 : vector<16xi32> to vector<16xi32>
    tpu.vector_store %arg11[%swap3A_323], %swap3A_326 {strides = array<i32>} : memref<96xi32, #tpu.memory_space<vmem>>, vector<16xi32>,
    %and3A_327 = arith.constant 16383 : i32
    %and3A_328 = vector.broadcast %and3A_327 : i32 to vector<16xi32>
    %and3A_329 = arith.andi %get3A_317, %and3A_328 : vector<16xi32>
    %swap3A_330 = arith.constant 64 : index
    %swap3A_331 = tpu.vector_load %arg12[%swap3A_330] {strides = array<i32>} : memref<96xi32, #tpu.memory_space<vmem>>, vector<16xi32>,
    %swap3A_332 = vector.shape_cast %swap3A_331 : vector<16xi32> to vector<16xi32>
    %swap3A_333 = vector.shape_cast %and3A_329 : vector<16xi32> to vector<16xi32>
    tpu.vector_store %arg12[%swap3A_330], %swap3A_333 {strides = array<i32>} : memref<96xi32, #tpu.memory_space<vmem>>, vector<16xi32>,
    %get3A_334 = arith.constant 272 : index
    %get3A_335 = tpu.vector_load %arg6[%get3A_334] {strides = array<i32>} : memref<10080xi32, #tpu.memory_space<vmem>>, vector<16xi32>,
    %get3A_336 = vector.shape_cast %get3A_335 : vector<16xi32> to vector<16xi32>
    %shift_right_arithmetic3A_337 = arith.constant 14 : i32
    %shift_right_arithmetic3A_338 = vector.broadcast %shift_right_arithmetic3A_337 : i32 to vector<16xi32>
    %shift_right_arithmetic3A_339 = arith.shrsi %get3A_336, %shift_right_arithmetic3A_338 : vector<16xi32>
    %add3A_340 = vector.broadcast %mul3A_0 : i32 to vector<16xi32>
    %add3A_341 = arith.addi %shift_right_arithmetic3A_339, %add3A_340 : vector<16xi32>
    %swap3A_342 = arith.constant 80 : index
    %swap3A_343 = tpu.vector_load %arg11[%swap3A_342] {strides = array<i32>} : memref<96xi32, #tpu.memory_space<vmem>>, vector<16xi32>,
    %swap3A_344 = vector.shape_cast %swap3A_343 : vector<16xi32> to vector<16xi32>
    %swap3A_345 = vector.shape_cast %add3A_341 : vector<16xi32> to vector<16xi32>
    tpu.vector_store %arg11[%swap3A_342], %swap3A_345 {strides = array<i32>} : memref<96xi32, #tpu.memory_space<vmem>>, vector<16xi32>,
    %and3A_346 = arith.constant 16383 : i32
    %and3A_347 = vector.broadcast %and3A_346 : i32 to vector<16xi32>
    %and3A_348 = arith.andi %get3A_336, %and3A_347 : vector<16xi32>
    %swap3A_349 = arith.constant 80 : index
    %swap3A_350 = tpu.vector_load %arg12[%swap3A_349] {strides = array<i32>} : memref<96xi32, #tpu.memory_space<vmem>>, vector<16xi32>,
    %swap3A_351 = vector.shape_cast %swap3A_350 : vector<16xi32> to vector<16xi32>
    %swap3A_352 = vector.shape_cast %and3A_348 : vector<16xi32> to vector<16xi32>
    tpu.vector_store %arg12[%swap3A_349], %swap3A_352 {strides = array<i32>} : memref<96xi32, #tpu.memory_space<vmem>>, vector<16xi32>,
    %dma_start3A_353 = arith.constant 0 : i32
    %dma_start3A_354 = arith.constant 0 : i32
    %dma_start3A_355 = tpu.memref_slice %arg2[%dma_start3A_353, %dma_start3A_354] : memref<20000x128xf32, #tpu.memory_space<hbm>> -> memref<20000x128xf32, #tpu.memory_space<hbm>>
    tpu.enqueue_indirect_dma source(%dma_start3A_355 : memref<20000x128xf32, #tpu.memory_space<hbm>>) target(%arg15 : memref<96x128xf32, #tpu.memory_space<vmem>>) offsets(%arg11 : memref<96xi32, #tpu.memory_space<vmem>>) semaphore(%arg18 : memref<!tpu.dma_semaphore, #tpu.memory_space<semaphore_mem>>)
    %scan3A = arith.constant 0 : i32
    %scan3A_356 = arith.constant 34 : i32
    %scan3A_357 = arith.addi %scan3A, %scan3A_356 : i32
    %scan3A_358 = arith.constant 1 : i32
    scf.for %scan3A_388 = %scan3A to %scan3A_357 step %scan3A_358  : i32 {
      %mul3A_389 = arith.constant 3 : i32
      %mul3A_390 = arith.muli %scan3A_388, %mul3A_389 : i32
      %add3A_391 = arith.constant 1 : i32
      %add3A_392 = arith.addi %add3A_391, %mul3A_390 : i32
      %add3A_393 = arith.constant 0 : i32
      %add3A_394 = arith.addi %add3A_392, %add3A_393 : i32
      %dma_wait3A_395 = arith.constant 0 : i32
      %dma_wait3A_396 = arith.constant 0 : i32
      %dma_wait3A_397 = tpu.memref_slice %arg2[%dma_wait3A_395, %dma_wait3A_396] : memref<20000x128xf32, #tpu.memory_space<hbm>> -> memref<20000x128xf32, #tpu.memory_space<hbm>>
      tpu.wait_indirect_dma semaphore(%arg17 : memref<!tpu.dma_semaphore, #tpu.memory_space<semaphore_mem>>) src(%dma_wait3A_397 : memref<20000x128xf32, #tpu.memory_space<hbm>>) dst(%arg14 : memref<96x128xf32, #tpu.memory_space<vmem>>)
      %dma_start3A_398 = arith.constant 0 : i32
      %dma_start3A_399 = arith.constant 0 : i32
      %dma_start3A_400 = tpu.memref_slice %arg5[%dma_start3A_398, %dma_start3A_399] : memref<10016x128xf32, #tpu.memory_space<vmem_shared>> -> memref<10016x128xf32, #tpu.memory_space<vmem_shared>>
      tpu.enqueue_indirect_dma source(%arg14 : memref<96x128xf32, #tpu.memory_space<vmem>>) target(%dma_start3A_400 : memref<10016x128xf32, #tpu.memory_space<vmem_shared>>) offsets(%arg10 : memref<96xi32, #tpu.memory_space<vmem>>) semaphore(%arg20 : memref<!tpu.dma_semaphore, #tpu.memory_space<semaphore_mem>>) {add = true}
      %dma_wait3A_401 = arith.constant 0 : i32
      %dma_wait3A_402 = arith.constant 0 : i32
      %dma_wait3A_403 = tpu.memref_slice %arg5[%dma_wait3A_401, %dma_wait3A_402] : memref<10016x128xf32, #tpu.memory_space<vmem_shared>> -> memref<10016x128xf32, #tpu.memory_space<vmem_shared>>
      tpu.wait_indirect_dma semaphore(%arg19 : memref<!tpu.dma_semaphore, #tpu.memory_space<semaphore_mem>>) src(%arg13 : memref<96x128xf32, #tpu.memory_space<vmem>>) dst(%dma_wait3A_403 : memref<10016x128xf32, #tpu.memory_space<vmem_shared>>)
      %add3A_404 = arith.constant 3 : i32
      %add3A_405 = arith.addi %add3A_394, %add3A_404 : i32
      %sub3A = arith.constant 1 : i32
      %sub3A_406 = arith.subi %add3A_405, %sub3A : i32
      %mul3A_407 = arith.constant 96 : i32
      %mul3A_408 = arith.muli %sub3A_406, %mul3A_407 : i32
      %add3A_409 = arith.constant 0 : i32
      %add3A_410 = arith.addi %mul3A_408, %add3A_409 : i32
      %get3A_411 = arith.index_cast %add3A_410 : i32 to index
      %get3A_412 = tpu.vector_load %arg6[%get3A_411] {strides = array<i32>} : memref<10080xi32, #tpu.memory_space<vmem>>, vector<16xi32>,
      %get3A_413 = vector.shape_cast %get3A_412 : vector<16xi32> to vector<16xi32>
      %shift_right_arithmetic3A_414 = arith.constant 14 : i32
      %shift_right_arithmetic3A_415 = vector.broadcast %shift_right_arithmetic3A_414 : i32 to vector<16xi32>
      %shift_right_arithmetic3A_416 = arith.shrsi %get3A_413, %shift_right_arithmetic3A_415 : vector<16xi32>
      %add3A_417 = vector.broadcast %mul3A_0 : i32 to vector<16xi32>
      %add3A_418 = arith.addi %shift_right_arithmetic3A_416, %add3A_417 : vector<16xi32>
      %swap3A_419 = arith.constant 0 : index
      %swap3A_420 = tpu.vector_load %arg7[%swap3A_419] {strides = array<i32>} : memref<96xi32, #tpu.memory_space<vmem>>, vector<16xi32>,
      %swap3A_421 = vector.shape_cast %swap3A_420 : vector<16xi32> to vector<16xi32>
      %swap3A_422 = vector.shape_cast %add3A_418 : vector<16xi32> to vector<16xi32>
      tpu.vector_store %arg7[%swap3A_419], %swap3A_422 {strides = array<i32>} : memref<96xi32, #tpu.memory_space<vmem>>, vector<16xi32>,
      %and3A_423 = arith.constant 16383 : i32
      %and3A_424 = vector.broadcast %and3A_423 : i32 to vector<16xi32>
      %and3A_425 = arith.andi %get3A_413, %and3A_424 : vector<16xi32>
      %swap3A_426 = arith.constant 0 : index
      %swap3A_427 = tpu.vector_load %arg8[%swap3A_426] {strides = array<i32>} : memref<96xi32, #tpu.memory_space<vmem>>, vector<16xi32>,
      %swap3A_428 = vector.shape_cast %swap3A_427 : vector<16xi32> to vector<16xi32>
      %swap3A_429 = vector.shape_cast %and3A_425 : vector<16xi32> to vector<16xi32>
      tpu.vector_store %arg8[%swap3A_426], %swap3A_429 {strides = array<i32>} : memref<96xi32, #tpu.memory_space<vmem>>, vector<16xi32>,
      %mul3A_430 = arith.constant 96 : i32
      %mul3A_431 = arith.muli %sub3A_406, %mul3A_430 : i32
      %add3A_432 = arith.constant 16 : i32
      %add3A_433 = arith.addi %mul3A_431, %add3A_432 : i32
      %get3A_434 = arith.index_cast %add3A_433 : i32 to index
      %get3A_435 = tpu.vector_load %arg6[%get3A_434] {strides = array<i32>} : memref<10080xi32, #tpu.memory_space<vmem>>, vector<16xi32>,
      %get3A_436 = vector.shape_cast %get3A_435 : vector<16xi32> to vector<16xi32>
      %shift_right_arithmetic3A_437 = arith.constant 14 : i32
      %shift_right_arithmetic3A_438 = vector.broadcast %shift_right_arithmetic3A_437 : i32 to vector<16xi32>
      %shift_right_arithmetic3A_439 = arith.shrsi %get3A_436, %shift_right_arithmetic3A_438 : vector<16xi32>
      %add3A_440 = vector.broadcast %mul3A_0 : i32 to vector<16xi32>
      %add3A_441 = arith.addi %shift_right_arithmetic3A_439, %add3A_440 : vector<16xi32>
      %swap3A_442 = arith.constant 16 : index
      %swap3A_443 = tpu.vector_load %arg7[%swap3A_442] {strides = array<i32>} : memref<96xi32, #tpu.memory_space<vmem>>, vector<16xi32>,
      %swap3A_444 = vector.shape_cast %swap3A_443 : vector<16xi32> to vector<16xi32>
      %swap3A_445 = vector.shape_cast %add3A_441 : vector<16xi32> to vector<16xi32>
      tpu.vector_store %arg7[%swap3A_442], %swap3A_445 {strides = array<i32>} : memref<96xi32, #tpu.memory_space<vmem>>, vector<16xi32>,
      %and3A_446 = arith.constant 16383 : i32
      %and3A_447 = vector.broadcast %and3A_446 : i32 to vector<16xi32>
      %and3A_448 = arith.andi %get3A_436, %and3A_447 : vector<16xi32>
      %swap3A_449 = arith.constant 16 : index
      %swap3A_450 = tpu.vector_load %arg8[%swap3A_449] {strides = array<i32>} : memref<96xi32, #tpu.memory_space<vmem>>, vector<16xi32>,
      %swap3A_451 = vector.shape_cast %swap3A_450 : vector<16xi32> to vector<16xi32>
      %swap3A_452 = vector.shape_cast %and3A_448 : vector<16xi32> to vector<16xi32>
      tpu.vector_store %arg8[%swap3A_449], %swap3A_452 {strides = array<i32>} : memref<96xi32, #tpu.memory_space<vmem>>, vector<16xi32>,
      %mul3A_453 = arith.constant 96 : i32
      %mul3A_454 = arith.muli %sub3A_406, %mul3A_453 : i32
      %add3A_455 = arith.constant 32 : i32
      %add3A_456 = arith.addi %mul3A_454, %add3A_455 : i32
      %get3A_457 = arith.index_cast %add3A_456 : i32 to index
      %get3A_458 = tpu.vector_load %arg6[%get3A_457] {strides = array<i32>} : memref<10080xi32, #tpu.memory_space<vmem>>, vector<16xi32>,
      %get3A_459 = vector.shape_cast %get3A_458 : vector<16xi32> to vector<16xi32>
      %shift_right_arithmetic3A_460 = arith.constant 14 : i32
      %shift_right_arithmetic3A_461 = vector.broadcast %shift_right_arithmetic3A_460 : i32 to vector<16xi32>
      %shift_right_arithmetic3A_462 = arith.shrsi %get3A_459, %shift_right_arithmetic3A_461 : vector<16xi32>
      %add3A_463 = vector.broadcast %mul3A_0 : i32 to vector<16xi32>
      %add3A_464 = arith.addi %shift_right_arithmetic3A_462, %add3A_463 : vector<16xi32>
      %swap3A_465 = arith.constant 32 : index
      %swap3A_466 = tpu.vector_load %arg7[%swap3A_465] {strides = array<i32>} : memref<96xi32, #tpu.memory_space<vmem>>, vector<16xi32>,
      %swap3A_467 = vector.shape_cast %swap3A_466 : vector<16xi32> to vector<16xi32>
      %swap3A_468 = vector.shape_cast %add3A_464 : vector<16xi32> to vector<16xi32>
      tpu.vector_store %arg7[%swap3A_465], %swap3A_468 {strides = array<i32>} : memref<96xi32, #tpu.memory_space<vmem>>, vector<16xi32>,
      %and3A_469 = arith.constant 16383 : i32
      %and3A_470 = vector.broadcast %and3A_469 : i32 to vector<16xi32>
      %and3A_471 = arith.andi %get3A_459, %and3A_470 : vector<16xi32>
      %swap3A_472 = arith.constant 32 : index
      %swap3A_473 = tpu.vector_load %arg8[%swap3A_472] {strides = array<i32>} : memref<96xi32, #tpu.memory_space<vmem>>, vector<16xi32>,
      %swap3A_474 = vector.shape_cast %swap3A_473 : vector<16xi32> to vector<16xi32>
      %swap3A_475 = vector.shape_cast %and3A_471 : vector<16xi32> to vector<16xi32>
      tpu.vector_store %arg8[%swap3A_472], %swap3A_475 {strides = array<i32>} : memref<96xi32, #tpu.memory_space<vmem>>, vector<16xi32>,
      %mul3A_476 = arith.constant 96 : i32
      %mul3A_477 = arith.muli %sub3A_406, %mul3A_476 : i32
      %add3A_478 = arith.constant 48 : i32
      %add3A_479 = arith.addi %mul3A_477, %add3A_478 : i32
      %get3A_480 = arith.index_cast %add3A_479 : i32 to index
      %get3A_481 = tpu.vector_load %arg6[%get3A_480] {strides = array<i32>} : memref<10080xi32, #tpu.memory_space<vmem>>, vector<16xi32>,
      %get3A_482 = vector.shape_cast %get3A_481 : vector<16xi32> to vector<16xi32>
      %shift_right_arithmetic3A_483 = arith.constant 14 : i32
      %shift_right_arithmetic3A_484 = vector.broadcast %shift_right_arithmetic3A_483 : i32 to vector<16xi32>
      %shift_right_arithmetic3A_485 = arith.shrsi %get3A_482, %shift_right_arithmetic3A_484 : vector<16xi32>
      %add3A_486 = vector.broadcast %mul3A_0 : i32 to vector<16xi32>
      %add3A_487 = arith.addi %shift_right_arithmetic3A_485, %add3A_486 : vector<16xi32>
      %swap3A_488 = arith.constant 48 : index
      %swap3A_489 = tpu.vector_load %arg7[%swap3A_488] {strides = array<i32>} : memref<96xi32, #tpu.memory_space<vmem>>, vector<16xi32>,
      %swap3A_490 = vector.shape_cast %swap3A_489 : vector<16xi32> to vector<16xi32>
      %swap3A_491 = vector.shape_cast %add3A_487 : vector<16xi32> to vector<16xi32>
      tpu.vector_store %arg7[%swap3A_488], %swap3A_491 {strides = array<i32>} : memref<96xi32, #tpu.memory_space<vmem>>, vector<16xi32>,
      %and3A_492 = arith.constant 16383 : i32
      %and3A_493 = vector.broadcast %and3A_492 : i32 to vector<16xi32>
      %and3A_494 = arith.andi %get3A_482, %and3A_493 : vector<16xi32>
      %swap3A_495 = arith.constant 48 : index
      %swap3A_496 = tpu.vector_load %arg8[%swap3A_495] {strides = array<i32>} : memref<96xi32, #tpu.memory_space<vmem>>, vector<16xi32>,
      %swap3A_497 = vector.shape_cast %swap3A_496 : vector<16xi32> to vector<16xi32>
      %swap3A_498 = vector.shape_cast %and3A_494 : vector<16xi32> to vector<16xi32>
      tpu.vector_store %arg8[%swap3A_495], %swap3A_498 {strides = array<i32>} : memref<96xi32, #tpu.memory_space<vmem>>, vector<16xi32>,
      %mul3A_499 = arith.constant 96 : i32
      %mul3A_500 = arith.muli %sub3A_406, %mul3A_499 : i32
      %add3A_501 = arith.constant 64 : i32
      %add3A_502 = arith.addi %mul3A_500, %add3A_501 : i32
      %get3A_503 = arith.index_cast %add3A_502 : i32 to index
      %get3A_504 = tpu.vector_load %arg6[%get3A_503] {strides = array<i32>} : memref<10080xi32, #tpu.memory_space<vmem>>, vector<16xi32>,
      %get3A_505 = vector.shape_cast %get3A_504 : vector<16xi32> to vector<16xi32>
      %shift_right_arithmetic3A_506 = arith.constant 14 : i32
      %shift_right_arithmetic3A_507 = vector.broadcast %shift_right_arithmetic3A_506 : i32 to vector<16xi32>
      %shift_right_arithmetic3A_508 = arith.shrsi %get3A_505, %shift_right_arithmetic3A_507 : vector<16xi32>
      %add3A_509 = vector.broadcast %mul3A_0 : i32 to vector<16xi32>
      %add3A_510 = arith.addi %shift_right_arithmetic3A_508, %add3A_509 : vector<16xi32>
      %swap3A_511 = arith.constant 64 : index
      %swap3A_512 = tpu.vector_load %arg7[%swap3A_511] {strides = array<i32>} : memref<96xi32, #tpu.memory_space<vmem>>, vector<16xi32>,
      %swap3A_513 = vector.shape_cast %swap3A_512 : vector<16xi32> to vector<16xi32>
      %swap3A_514 = vector.shape_cast %add3A_510 : vector<16xi32> to vector<16xi32>
      tpu.vector_store %arg7[%swap3A_511], %swap3A_514 {strides = array<i32>} : memref<96xi32, #tpu.memory_space<vmem>>, vector<16xi32>,
      %and3A_515 = arith.constant 16383 : i32
      %and3A_516 = vector.broadcast %and3A_515 : i32 to vector<16xi32>
      %and3A_517 = arith.andi %get3A_505, %and3A_516 : vector<16xi32>
      %swap3A_518 = arith.constant 64 : index
      %swap3A_519 = tpu.vector_load %arg8[%swap3A_518] {strides = array<i32>} : memref<96xi32, #tpu.memory_space<vmem>>, vector<16xi32>,
      %swap3A_520 = vector.shape_cast %swap3A_519 : vector<16xi32> to vector<16xi32>
      %swap3A_521 = vector.shape_cast %and3A_517 : vector<16xi32> to vector<16xi32>
      tpu.vector_store %arg8[%swap3A_518], %swap3A_521 {strides = array<i32>} : memref<96xi32, #tpu.memory_space<vmem>>, vector<16xi32>,
      %mul3A_522 = arith.constant 96 : i32
      %mul3A_523 = arith.muli %sub3A_406, %mul3A_522 : i32
      %add3A_524 = arith.constant 80 : i32
      %add3A_525 = arith.addi %mul3A_523, %add3A_524 : i32
      %get3A_526 = arith.index_cast %add3A_525 : i32 to index
      %get3A_527 = tpu.vector_load %arg6[%get3A_526] {strides = array<i32>} : memref<10080xi32, #tpu.memory_space<vmem>>, vector<16xi32>,
      %get3A_528 = vector.shape_cast %get3A_527 : vector<16xi32> to vector<16xi32>
      %shift_right_arithmetic3A_529 = arith.constant 14 : i32
      %shift_right_arithmetic3A_530 = vector.broadcast %shift_right_arithmetic3A_529 : i32 to vector<16xi32>
      %shift_right_arithmetic3A_531 = arith.shrsi %get3A_528, %shift_right_arithmetic3A_530 : vector<16xi32>
      %add3A_532 = vector.broadcast %mul3A_0 : i32 to vector<16xi32>
      %add3A_533 = arith.addi %shift_right_arithmetic3A_531, %add3A_532 : vector<16xi32>
      %swap3A_534 = arith.constant 80 : index
      %swap3A_535 = tpu.vector_load %arg7[%swap3A_534] {strides = array<i32>} : memref<96xi32, #tpu.memory_space<vmem>>, vector<16xi32>,
      %swap3A_536 = vector.shape_cast %swap3A_535 : vector<16xi32> to vector<16xi32>
      %swap3A_537 = vector.shape_cast %add3A_533 : vector<16xi32> to vector<16xi32>
      tpu.vector_store %arg7[%swap3A_534], %swap3A_537 {strides = array<i32>} : memref<96xi32, #tpu.memory_space<vmem>>, vector<16xi32>,
      %and3A_538 = arith.constant 16383 : i32
      %and3A_539 = vector.broadcast %and3A_538 : i32 to vector<16xi32>
      %and3A_540 = arith.andi %get3A_528, %and3A_539 : vector<16xi32>
      %swap3A_541 = arith.constant 80 : index
      %swap3A_542 = tpu.vector_load %arg8[%swap3A_541] {strides = array<i32>} : memref<96xi32, #tpu.memory_space<vmem>>, vector<16xi32>,
      %swap3A_543 = vector.shape_cast %swap3A_542 : vector<16xi32> to vector<16xi32>
      %swap3A_544 = vector.shape_cast %and3A_540 : vector<16xi32> to vector<16xi32>
      tpu.vector_store %arg8[%swap3A_541], %swap3A_544 {strides = array<i32>} : memref<96xi32, #tpu.memory_space<vmem>>, vector<16xi32>,
      %dma_start3A_545 = arith.constant 0 : i32
      %dma_start3A_546 = arith.constant 0 : i32
      %dma_start3A_547 = tpu.memref_slice %arg2[%dma_start3A_545, %dma_start3A_546] : memref<20000x128xf32, #tpu.memory_space<hbm>> -> memref<20000x128xf32, #tpu.memory_space<hbm>>
      tpu.enqueue_indirect_dma source(%dma_start3A_547 : memref<20000x128xf32, #tpu.memory_space<hbm>>) target(%arg13 : memref<96x128xf32, #tpu.memory_space<vmem>>) offsets(%arg7 : memref<96xi32, #tpu.memory_space<vmem>>) semaphore(%arg16 : memref<!tpu.dma_semaphore, #tpu.memory_space<semaphore_mem>>)
      %add3A_548 = arith.constant 1 : i32
      %add3A_549 = arith.addi %add3A_392, %add3A_548 : i32
      %dma_wait3A_550 = arith.constant 0 : i32
      %dma_wait3A_551 = arith.constant 0 : i32
      %dma_wait3A_552 = tpu.memref_slice %arg2[%dma_wait3A_550, %dma_wait3A_551] : memref<20000x128xf32, #tpu.memory_space<hbm>> -> memref<20000x128xf32, #tpu.memory_space<hbm>>
      tpu.wait_indirect_dma semaphore(%arg18 : memref<!tpu.dma_semaphore, #tpu.memory_space<semaphore_mem>>) src(%dma_wait3A_552 : memref<20000x128xf32, #tpu.memory_space<hbm>>) dst(%arg15 : memref<96x128xf32, #tpu.memory_space<vmem>>)
      %dma_start3A_553 = arith.constant 0 : i32
      %dma_start3A_554 = arith.constant 0 : i32
      %dma_start3A_555 = tpu.memref_slice %arg5[%dma_start3A_553, %dma_start3A_554] : memref<10016x128xf32, #tpu.memory_space<vmem_shared>> -> memref<10016x128xf32, #tpu.memory_space<vmem_shared>>
      tpu.enqueue_indirect_dma source(%arg15 : memref<96x128xf32, #tpu.memory_space<vmem>>) target(%dma_start3A_555 : memref<10016x128xf32, #tpu.memory_space<vmem_shared>>) offsets(%arg12 : memref<96xi32, #tpu.memory_space<vmem>>) semaphore(%arg21 : memref<!tpu.dma_semaphore, #tpu.memory_space<semaphore_mem>>) {add = true}
      %dma_wait3A_556 = arith.constant 0 : i32
      %dma_wait3A_557 = arith.constant 0 : i32
      %dma_wait3A_558 = tpu.memref_slice %arg5[%dma_wait3A_556, %dma_wait3A_557] : memref<10016x128xf32, #tpu.memory_space<vmem_shared>> -> memref<10016x128xf32, #tpu.memory_space<vmem_shared>>
      tpu.wait_indirect_dma semaphore(%arg20 : memref<!tpu.dma_semaphore, #tpu.memory_space<semaphore_mem>>) src(%arg14 : memref<96x128xf32, #tpu.memory_space<vmem>>) dst(%dma_wait3A_558 : memref<10016x128xf32, #tpu.memory_space<vmem_shared>>)
      %add3A_559 = arith.constant 3 : i32
      %add3A_560 = arith.addi %add3A_549, %add3A_559 : i32
      %sub3A_561 = arith.constant 1 : i32
      %sub3A_562 = arith.subi %add3A_560, %sub3A_561 : i32
      %mul3A_563 = arith.constant 96 : i32
      %mul3A_564 = arith.muli %sub3A_562, %mul3A_563 : i32
      %add3A_565 = arith.constant 0 : i32
      %add3A_566 = arith.addi %mul3A_564, %add3A_565 : i32
      %get3A_567 = arith.index_cast %add3A_566 : i32 to index
      %get3A_568 = tpu.vector_load %arg6[%get3A_567] {strides = array<i32>} : memref<10080xi32, #tpu.memory_space<vmem>>, vector<16xi32>,
      %get3A_569 = vector.shape_cast %get3A_568 : vector<16xi32> to vector<16xi32>
      %shift_right_arithmetic3A_570 = arith.constant 14 : i32
      %shift_right_arithmetic3A_571 = vector.broadcast %shift_right_arithmetic3A_570 : i32 to vector<16xi32>
      %shift_right_arithmetic3A_572 = arith.shrsi %get3A_569, %shift_right_arithmetic3A_571 : vector<16xi32>
      %add3A_573 = vector.broadcast %mul3A_0 : i32 to vector<16xi32>
      %add3A_574 = arith.addi %shift_right_arithmetic3A_572, %add3A_573 : vector<16xi32>
      %swap3A_575 = arith.constant 0 : index
      %swap3A_576 = tpu.vector_load %arg9[%swap3A_575] {strides = array<i32>} : memref<96xi32, #tpu.memory_space<vmem>>, vector<16xi32>,
      %swap3A_577 = vector.shape_cast %swap3A_576 : vector<16xi32> to vector<16xi32>
      %swap3A_578 = vector.shape_cast %add3A_574 : vector<16xi32> to vector<16xi32>
      tpu.vector_store %arg9[%swap3A_575], %swap3A_578 {strides = array<i32>} : memref<96xi32, #tpu.memory_space<vmem>>, vector<16xi32>,
      %and3A_579 = arith.constant 16383 : i32
      %and3A_580 = vector.broadcast %and3A_579 : i32 to vector<16xi32>
      %and3A_581 = arith.andi %get3A_569, %and3A_580 : vector<16xi32>
      %swap3A_582 = arith.constant 0 : index
      %swap3A_583 = tpu.vector_load %arg10[%swap3A_582] {strides = array<i32>} : memref<96xi32, #tpu.memory_space<vmem>>, vector<16xi32>,
      %swap3A_584 = vector.shape_cast %swap3A_583 : vector<16xi32> to vector<16xi32>
      %swap3A_585 = vector.shape_cast %and3A_581 : vector<16xi32> to vector<16xi32>
      tpu.vector_store %arg10[%swap3A_582], %swap3A_585 {strides = array<i32>} : memref<96xi32, #tpu.memory_space<vmem>>, vector<16xi32>,
      %mul3A_586 = arith.constant 96 : i32
      %mul3A_587 = arith.muli %sub3A_562, %mul3A_586 : i32
      %add3A_588 = arith.constant 16 : i32
      %add3A_589 = arith.addi %mul3A_587, %add3A_588 : i32
      %get3A_590 = arith.index_cast %add3A_589 : i32 to index
      %get3A_591 = tpu.vector_load %arg6[%get3A_590] {strides = array<i32>} : memref<10080xi32, #tpu.memory_space<vmem>>, vector<16xi32>,
      %get3A_592 = vector.shape_cast %get3A_591 : vector<16xi32> to vector<16xi32>
      %shift_right_arithmetic3A_593 = arith.constant 14 : i32
      %shift_right_arithmetic3A_594 = vector.broadcast %shift_right_arithmetic3A_593 : i32 to vector<16xi32>
      %shift_right_arithmetic3A_595 = arith.shrsi %get3A_592, %shift_right_arithmetic3A_594 : vector<16xi32>
      %add3A_596 = vector.broadcast %mul3A_0 : i32 to vector<16xi32>
      %add3A_597 = arith.addi %shift_right_arithmetic3A_595, %add3A_596 : vector<16xi32>
      %swap3A_598 = arith.constant 16 : index
      %swap3A_599 = tpu.vector_load %arg9[%swap3A_598] {strides = array<i32>} : memref<96xi32, #tpu.memory_space<vmem>>, vector<16xi32>,
      %swap3A_600 = vector.shape_cast %swap3A_599 : vector<16xi32> to vector<16xi32>
      %swap3A_601 = vector.shape_cast %add3A_597 : vector<16xi32> to vector<16xi32>
      tpu.vector_store %arg9[%swap3A_598], %swap3A_601 {strides = array<i32>} : memref<96xi32, #tpu.memory_space<vmem>>, vector<16xi32>,
      %and3A_602 = arith.constant 16383 : i32
      %and3A_603 = vector.broadcast %and3A_602 : i32 to vector<16xi32>
      %and3A_604 = arith.andi %get3A_592, %and3A_603 : vector<16xi32>
      %swap3A_605 = arith.constant 16 : index
      %swap3A_606 = tpu.vector_load %arg10[%swap3A_605] {strides = array<i32>} : memref<96xi32, #tpu.memory_space<vmem>>, vector<16xi32>,
      %swap3A_607 = vector.shape_cast %swap3A_606 : vector<16xi32> to vector<16xi32>
      %swap3A_608 = vector.shape_cast %and3A_604 : vector<16xi32> to vector<16xi32>
      tpu.vector_store %arg10[%swap3A_605], %swap3A_608 {strides = array<i32>} : memref<96xi32, #tpu.memory_space<vmem>>, vector<16xi32>,
      %mul3A_609 = arith.constant 96 : i32
      %mul3A_610 = arith.muli %sub3A_562, %mul3A_609 : i32
      %add3A_611 = arith.constant 32 : i32
      %add3A_612 = arith.addi %mul3A_610, %add3A_611 : i32
      %get3A_613 = arith.index_cast %add3A_612 : i32 to index
      %get3A_614 = tpu.vector_load %arg6[%get3A_613] {strides = array<i32>} : memref<10080xi32, #tpu.memory_space<vmem>>, vector<16xi32>,
      %get3A_615 = vector.shape_cast %get3A_614 : vector<16xi32> to vector<16xi32>
      %shift_right_arithmetic3A_616 = arith.constant 14 : i32
      %shift_right_arithmetic3A_617 = vector.broadcast %shift_right_arithmetic3A_616 : i32 to vector<16xi32>
      %shift_right_arithmetic3A_618 = arith.shrsi %get3A_615, %shift_right_arithmetic3A_617 : vector<16xi32>
      %add3A_619 = vector.broadcast %mul3A_0 : i32 to vector<16xi32>
      %add3A_620 = arith.addi %shift_right_arithmetic3A_618, %add3A_619 : vector<16xi32>
      %swap3A_621 = arith.constant 32 : index
      %swap3A_622 = tpu.vector_load %arg9[%swap3A_621] {strides = array<i32>} : memref<96xi32, #tpu.memory_space<vmem>>, vector<16xi32>,
      %swap3A_623 = vector.shape_cast %swap3A_622 : vector<16xi32> to vector<16xi32>
      %swap3A_624 = vector.shape_cast %add3A_620 : vector<16xi32> to vector<16xi32>
      tpu.vector_store %arg9[%swap3A_621], %swap3A_624 {strides = array<i32>} : memref<96xi32, #tpu.memory_space<vmem>>, vector<16xi32>,
      %and3A_625 = arith.constant 16383 : i32
      %and3A_626 = vector.broadcast %and3A_625 : i32 to vector<16xi32>
      %and3A_627 = arith.andi %get3A_615, %and3A_626 : vector<16xi32>
      %swap3A_628 = arith.constant 32 : index
      %swap3A_629 = tpu.vector_load %arg10[%swap3A_628] {strides = array<i32>} : memref<96xi32, #tpu.memory_space<vmem>>, vector<16xi32>,
      %swap3A_630 = vector.shape_cast %swap3A_629 : vector<16xi32> to vector<16xi32>
      %swap3A_631 = vector.shape_cast %and3A_627 : vector<16xi32> to vector<16xi32>
      tpu.vector_store %arg10[%swap3A_628], %swap3A_631 {strides = array<i32>} : memref<96xi32, #tpu.memory_space<vmem>>, vector<16xi32>,
      %mul3A_632 = arith.constant 96 : i32
      %mul3A_633 = arith.muli %sub3A_562, %mul3A_632 : i32
      %add3A_634 = arith.constant 48 : i32
      %add3A_635 = arith.addi %mul3A_633, %add3A_634 : i32
      %get3A_636 = arith.index_cast %add3A_635 : i32 to index
      %get3A_637 = tpu.vector_load %arg6[%get3A_636] {strides = array<i32>} : memref<10080xi32, #tpu.memory_space<vmem>>, vector<16xi32>,
      %get3A_638 = vector.shape_cast %get3A_637 : vector<16xi32> to vector<16xi32>
      %shift_right_arithmetic3A_639 = arith.constant 14 : i32
      %shift_right_arithmetic3A_640 = vector.broadcast %shift_right_arithmetic3A_639 : i32 to vector<16xi32>
      %shift_right_arithmetic3A_641 = arith.shrsi %get3A_638, %shift_right_arithmetic3A_640 : vector<16xi32>
      %add3A_642 = vector.broadcast %mul3A_0 : i32 to vector<16xi32>
      %add3A_643 = arith.addi %shift_right_arithmetic3A_641, %add3A_642 : vector<16xi32>
      %swap3A_644 = arith.constant 48 : index
      %swap3A_645 = tpu.vector_load %arg9[%swap3A_644] {strides = array<i32>} : memref<96xi32, #tpu.memory_space<vmem>>, vector<16xi32>,
      %swap3A_646 = vector.shape_cast %swap3A_645 : vector<16xi32> to vector<16xi32>
      %swap3A_647 = vector.shape_cast %add3A_643 : vector<16xi32> to vector<16xi32>
      tpu.vector_store %arg9[%swap3A_644], %swap3A_647 {strides = array<i32>} : memref<96xi32, #tpu.memory_space<vmem>>, vector<16xi32>,
      %and3A_648 = arith.constant 16383 : i32
      %and3A_649 = vector.broadcast %and3A_648 : i32 to vector<16xi32>
      %and3A_650 = arith.andi %get3A_638, %and3A_649 : vector<16xi32>
      %swap3A_651 = arith.constant 48 : index
      %swap3A_652 = tpu.vector_load %arg10[%swap3A_651] {strides = array<i32>} : memref<96xi32, #tpu.memory_space<vmem>>, vector<16xi32>,
      %swap3A_653 = vector.shape_cast %swap3A_652 : vector<16xi32> to vector<16xi32>
      %swap3A_654 = vector.shape_cast %and3A_650 : vector<16xi32> to vector<16xi32>
      tpu.vector_store %arg10[%swap3A_651], %swap3A_654 {strides = array<i32>} : memref<96xi32, #tpu.memory_space<vmem>>, vector<16xi32>,
      %mul3A_655 = arith.constant 96 : i32
      %mul3A_656 = arith.muli %sub3A_562, %mul3A_655 : i32
      %add3A_657 = arith.constant 64 : i32
      %add3A_658 = arith.addi %mul3A_656, %add3A_657 : i32
      %get3A_659 = arith.index_cast %add3A_658 : i32 to index
      %get3A_660 = tpu.vector_load %arg6[%get3A_659] {strides = array<i32>} : memref<10080xi32, #tpu.memory_space<vmem>>, vector<16xi32>,
      %get3A_661 = vector.shape_cast %get3A_660 : vector<16xi32> to vector<16xi32>
      %shift_right_arithmetic3A_662 = arith.constant 14 : i32
      %shift_right_arithmetic3A_663 = vector.broadcast %shift_right_arithmetic3A_662 : i32 to vector<16xi32>
      %shift_right_arithmetic3A_664 = arith.shrsi %get3A_661, %shift_right_arithmetic3A_663 : vector<16xi32>
      %add3A_665 = vector.broadcast %mul3A_0 : i32 to vector<16xi32>
      %add3A_666 = arith.addi %shift_right_arithmetic3A_664, %add3A_665 : vector<16xi32>
      %swap3A_667 = arith.constant 64 : index
      %swap3A_668 = tpu.vector_load %arg9[%swap3A_667] {strides = array<i32>} : memref<96xi32, #tpu.memory_space<vmem>>, vector<16xi32>,
      %swap3A_669 = vector.shape_cast %swap3A_668 : vector<16xi32> to vector<16xi32>
      %swap3A_670 = vector.shape_cast %add3A_666 : vector<16xi32> to vector<16xi32>
      tpu.vector_store %arg9[%swap3A_667], %swap3A_670 {strides = array<i32>} : memref<96xi32, #tpu.memory_space<vmem>>, vector<16xi32>,
      %and3A_671 = arith.constant 16383 : i32
      %and3A_672 = vector.broadcast %and3A_671 : i32 to vector<16xi32>
      %and3A_673 = arith.andi %get3A_661, %and3A_672 : vector<16xi32>
      %swap3A_674 = arith.constant 64 : index
      %swap3A_675 = tpu.vector_load %arg10[%swap3A_674] {strides = array<i32>} : memref<96xi32, #tpu.memory_space<vmem>>, vector<16xi32>,
      %swap3A_676 = vector.shape_cast %swap3A_675 : vector<16xi32> to vector<16xi32>
      %swap3A_677 = vector.shape_cast %and3A_673 : vector<16xi32> to vector<16xi32>
      tpu.vector_store %arg10[%swap3A_674], %swap3A_677 {strides = array<i32>} : memref<96xi32, #tpu.memory_space<vmem>>, vector<16xi32>,
      %mul3A_678 = arith.constant 96 : i32
      %mul3A_679 = arith.muli %sub3A_562, %mul3A_678 : i32
      %add3A_680 = arith.constant 80 : i32
      %add3A_681 = arith.addi %mul3A_679, %add3A_680 : i32
      %get3A_682 = arith.index_cast %add3A_681 : i32 to index
      %get3A_683 = tpu.vector_load %arg6[%get3A_682] {strides = array<i32>} : memref<10080xi32, #tpu.memory_space<vmem>>, vector<16xi32>,
      %get3A_684 = vector.shape_cast %get3A_683 : vector<16xi32> to vector<16xi32>
      %shift_right_arithmetic3A_685 = arith.constant 14 : i32
      %shift_right_arithmetic3A_686 = vector.broadcast %shift_right_arithmetic3A_685 : i32 to vector<16xi32>
      %shift_right_arithmetic3A_687 = arith.shrsi %get3A_684, %shift_right_arithmetic3A_686 : vector<16xi32>
      %add3A_688 = vector.broadcast %mul3A_0 : i32 to vector<16xi32>
      %add3A_689 = arith.addi %shift_right_arithmetic3A_687, %add3A_688 : vector<16xi32>
      %swap3A_690 = arith.constant 80 : index
      %swap3A_691 = tpu.vector_load %arg9[%swap3A_690] {strides = array<i32>} : memref<96xi32, #tpu.memory_space<vmem>>, vector<16xi32>,
      %swap3A_692 = vector.shape_cast %swap3A_691 : vector<16xi32> to vector<16xi32>
      %swap3A_693 = vector.shape_cast %add3A_689 : vector<16xi32> to vector<16xi32>
      tpu.vector_store %arg9[%swap3A_690], %swap3A_693 {strides = array<i32>} : memref<96xi32, #tpu.memory_space<vmem>>, vector<16xi32>,
      %and3A_694 = arith.constant 16383 : i32
      %and3A_695 = vector.broadcast %and3A_694 : i32 to vector<16xi32>
      %and3A_696 = arith.andi %get3A_684, %and3A_695 : vector<16xi32>
      %swap3A_697 = arith.constant 80 : index
      %swap3A_698 = tpu.vector_load %arg10[%swap3A_697] {strides = array<i32>} : memref<96xi32, #tpu.memory_space<vmem>>, vector<16xi32>,
      %swap3A_699 = vector.shape_cast %swap3A_698 : vector<16xi32> to vector<16xi32>
      %swap3A_700 = vector.shape_cast %and3A_696 : vector<16xi32> to vector<16xi32>
      tpu.vector_store %arg10[%swap3A_697], %swap3A_700 {strides = array<i32>} : memref<96xi32, #tpu.memory_space<vmem>>, vector<16xi32>,
      %dma_start3A_701 = arith.constant 0 : i32
      %dma_start3A_702 = arith.constant 0 : i32
      %dma_start3A_703 = tpu.memref_slice %arg2[%dma_start3A_701, %dma_start3A_702] : memref<20000x128xf32, #tpu.memory_space<hbm>> -> memref<20000x128xf32, #tpu.memory_space<hbm>>
      tpu.enqueue_indirect_dma source(%dma_start3A_703 : memref<20000x128xf32, #tpu.memory_space<hbm>>) target(%arg14 : memref<96x128xf32, #tpu.memory_space<vmem>>) offsets(%arg9 : memref<96xi32, #tpu.memory_space<vmem>>) semaphore(%arg17 : memref<!tpu.dma_semaphore, #tpu.memory_space<semaphore_mem>>)
      %add3A_704 = arith.constant 2 : i32
      %add3A_705 = arith.addi %add3A_392, %add3A_704 : i32
      %dma_wait3A_706 = arith.constant 0 : i32
      %dma_wait3A_707 = arith.constant 0 : i32
      %dma_wait3A_708 = tpu.memref_slice %arg2[%dma_wait3A_706, %dma_wait3A_707] : memref<20000x128xf32, #tpu.memory_space<hbm>> -> memref<20000x128xf32, #tpu.memory_space<hbm>>
      tpu.wait_indirect_dma semaphore(%arg16 : memref<!tpu.dma_semaphore, #tpu.memory_space<semaphore_mem>>) src(%dma_wait3A_708 : memref<20000x128xf32, #tpu.memory_space<hbm>>) dst(%arg13 : memref<96x128xf32, #tpu.memory_space<vmem>>)
      %dma_start3A_709 = arith.constant 0 : i32
      %dma_start3A_710 = arith.constant 0 : i32
      %dma_start3A_711 = tpu.memref_slice %arg5[%dma_start3A_709, %dma_start3A_710] : memref<10016x128xf32, #tpu.memory_space<vmem_shared>> -> memref<10016x128xf32, #tpu.memory_space<vmem_shared>>
      tpu.enqueue_indirect_dma source(%arg13 : memref<96x128xf32, #tpu.memory_space<vmem>>) target(%dma_start3A_711 : memref<10016x128xf32, #tpu.memory_space<vmem_shared>>) offsets(%arg8 : memref<96xi32, #tpu.memory_space<vmem>>) semaphore(%arg19 : memref<!tpu.dma_semaphore, #tpu.memory_space<semaphore_mem>>) {add = true}
      %dma_wait3A_712 = arith.constant 0 : i32
      %dma_wait3A_713 = arith.constant 0 : i32
      %dma_wait3A_714 = tpu.memref_slice %arg5[%dma_wait3A_712, %dma_wait3A_713] : memref<10016x128xf32, #tpu.memory_space<vmem_shared>> -> memref<10016x128xf32, #tpu.memory_space<vmem_shared>>
      tpu.wait_indirect_dma semaphore(%arg21 : memref<!tpu.dma_semaphore, #tpu.memory_space<semaphore_mem>>) src(%arg15 : memref<96x128xf32, #tpu.memory_space<vmem>>) dst(%dma_wait3A_714 : memref<10016x128xf32, #tpu.memory_space<vmem_shared>>)
      %add3A_715 = arith.constant 3 : i32
      %add3A_716 = arith.addi %add3A_705, %add3A_715 : i32
      %sub3A_717 = arith.constant 1 : i32
      %sub3A_718 = arith.subi %add3A_716, %sub3A_717 : i32
      %mul3A_719 = arith.constant 96 : i32
      %mul3A_720 = arith.muli %sub3A_718, %mul3A_719 : i32
      %add3A_721 = arith.constant 0 : i32
      %add3A_722 = arith.addi %mul3A_720, %add3A_721 : i32
      %get3A_723 = arith.index_cast %add3A_722 : i32 to index
      %get3A_724 = tpu.vector_load %arg6[%get3A_723] {strides = array<i32>} : memref<10080xi32, #tpu.memory_space<vmem>>, vector<16xi32>,
      %get3A_725 = vector.shape_cast %get3A_724 : vector<16xi32> to vector<16xi32>
      %shift_right_arithmetic3A_726 = arith.constant 14 : i32
      %shift_right_arithmetic3A_727 = vector.broadcast %shift_right_arithmetic3A_726 : i32 to vector<16xi32>
      %shift_right_arithmetic3A_728 = arith.shrsi %get3A_725, %shift_right_arithmetic3A_727 : vector<16xi32>
      %add3A_729 = vector.broadcast %mul3A_0 : i32 to vector<16xi32>
      %add3A_730 = arith.addi %shift_right_arithmetic3A_728, %add3A_729 : vector<16xi32>
      %swap3A_731 = arith.constant 0 : index
      %swap3A_732 = tpu.vector_load %arg11[%swap3A_731] {strides = array<i32>} : memref<96xi32, #tpu.memory_space<vmem>>, vector<16xi32>,
      %swap3A_733 = vector.shape_cast %swap3A_732 : vector<16xi32> to vector<16xi32>
      %swap3A_734 = vector.shape_cast %add3A_730 : vector<16xi32> to vector<16xi32>
      tpu.vector_store %arg11[%swap3A_731], %swap3A_734 {strides = array<i32>} : memref<96xi32, #tpu.memory_space<vmem>>, vector<16xi32>,
      %and3A_735 = arith.constant 16383 : i32
      %and3A_736 = vector.broadcast %and3A_735 : i32 to vector<16xi32>
      %and3A_737 = arith.andi %get3A_725, %and3A_736 : vector<16xi32>
      %swap3A_738 = arith.constant 0 : index
      %swap3A_739 = tpu.vector_load %arg12[%swap3A_738] {strides = array<i32>} : memref<96xi32, #tpu.memory_space<vmem>>, vector<16xi32>,
      %swap3A_740 = vector.shape_cast %swap3A_739 : vector<16xi32> to vector<16xi32>
      %swap3A_741 = vector.shape_cast %and3A_737 : vector<16xi32> to vector<16xi32>
      tpu.vector_store %arg12[%swap3A_738], %swap3A_741 {strides = array<i32>} : memref<96xi32, #tpu.memory_space<vmem>>, vector<16xi32>,
      %mul3A_742 = arith.constant 96 : i32
      %mul3A_743 = arith.muli %sub3A_718, %mul3A_742 : i32
      %add3A_744 = arith.constant 16 : i32
      %add3A_745 = arith.addi %mul3A_743, %add3A_744 : i32
      %get3A_746 = arith.index_cast %add3A_745 : i32 to index
      %get3A_747 = tpu.vector_load %arg6[%get3A_746] {strides = array<i32>} : memref<10080xi32, #tpu.memory_space<vmem>>, vector<16xi32>,
      %get3A_748 = vector.shape_cast %get3A_747 : vector<16xi32> to vector<16xi32>
      %shift_right_arithmetic3A_749 = arith.constant 14 : i32
      %shift_right_arithmetic3A_750 = vector.broadcast %shift_right_arithmetic3A_749 : i32 to vector<16xi32>
      %shift_right_arithmetic3A_751 = arith.shrsi %get3A_748, %shift_right_arithmetic3A_750 : vector<16xi32>
      %add3A_752 = vector.broadcast %mul3A_0 : i32 to vector<16xi32>
      %add3A_753 = arith.addi %shift_right_arithmetic3A_751, %add3A_752 : vector<16xi32>
      %swap3A_754 = arith.constant 16 : index
      %swap3A_755 = tpu.vector_load %arg11[%swap3A_754] {strides = array<i32>} : memref<96xi32, #tpu.memory_space<vmem>>, vector<16xi32>,
      %swap3A_756 = vector.shape_cast %swap3A_755 : vector<16xi32> to vector<16xi32>
      %swap3A_757 = vector.shape_cast %add3A_753 : vector<16xi32> to vector<16xi32>
      tpu.vector_store %arg11[%swap3A_754], %swap3A_757 {strides = array<i32>} : memref<96xi32, #tpu.memory_space<vmem>>, vector<16xi32>,
      %and3A_758 = arith.constant 16383 : i32
      %and3A_759 = vector.broadcast %and3A_758 : i32 to vector<16xi32>
      %and3A_760 = arith.andi %get3A_748, %and3A_759 : vector<16xi32>
      %swap3A_761 = arith.constant 16 : index
      %swap3A_762 = tpu.vector_load %arg12[%swap3A_761] {strides = array<i32>} : memref<96xi32, #tpu.memory_space<vmem>>, vector<16xi32>,
      %swap3A_763 = vector.shape_cast %swap3A_762 : vector<16xi32> to vector<16xi32>
      %swap3A_764 = vector.shape_cast %and3A_760 : vector<16xi32> to vector<16xi32>
      tpu.vector_store %arg12[%swap3A_761], %swap3A_764 {strides = array<i32>} : memref<96xi32, #tpu.memory_space<vmem>>, vector<16xi32>,
      %mul3A_765 = arith.constant 96 : i32
      %mul3A_766 = arith.muli %sub3A_718, %mul3A_765 : i32
      %add3A_767 = arith.constant 32 : i32
      %add3A_768 = arith.addi %mul3A_766, %add3A_767 : i32
      %get3A_769 = arith.index_cast %add3A_768 : i32 to index
      %get3A_770 = tpu.vector_load %arg6[%get3A_769] {strides = array<i32>} : memref<10080xi32, #tpu.memory_space<vmem>>, vector<16xi32>,
      %get3A_771 = vector.shape_cast %get3A_770 : vector<16xi32> to vector<16xi32>
      %shift_right_arithmetic3A_772 = arith.constant 14 : i32
      %shift_right_arithmetic3A_773 = vector.broadcast %shift_right_arithmetic3A_772 : i32 to vector<16xi32>
      %shift_right_arithmetic3A_774 = arith.shrsi %get3A_771, %shift_right_arithmetic3A_773 : vector<16xi32>
      %add3A_775 = vector.broadcast %mul3A_0 : i32 to vector<16xi32>
      %add3A_776 = arith.addi %shift_right_arithmetic3A_774, %add3A_775 : vector<16xi32>
      %swap3A_777 = arith.constant 32 : index
      %swap3A_778 = tpu.vector_load %arg11[%swap3A_777] {strides = array<i32>} : memref<96xi32, #tpu.memory_space<vmem>>, vector<16xi32>,
      %swap3A_779 = vector.shape_cast %swap3A_778 : vector<16xi32> to vector<16xi32>
      %swap3A_780 = vector.shape_cast %add3A_776 : vector<16xi32> to vector<16xi32>
      tpu.vector_store %arg11[%swap3A_777], %swap3A_780 {strides = array<i32>} : memref<96xi32, #tpu.memory_space<vmem>>, vector<16xi32>,
      %and3A_781 = arith.constant 16383 : i32
      %and3A_782 = vector.broadcast %and3A_781 : i32 to vector<16xi32>
      %and3A_783 = arith.andi %get3A_771, %and3A_782 : vector<16xi32>
      %swap3A_784 = arith.constant 32 : index
      %swap3A_785 = tpu.vector_load %arg12[%swap3A_784] {strides = array<i32>} : memref<96xi32, #tpu.memory_space<vmem>>, vector<16xi32>,
      %swap3A_786 = vector.shape_cast %swap3A_785 : vector<16xi32> to vector<16xi32>
      %swap3A_787 = vector.shape_cast %and3A_783 : vector<16xi32> to vector<16xi32>
      tpu.vector_store %arg12[%swap3A_784], %swap3A_787 {strides = array<i32>} : memref<96xi32, #tpu.memory_space<vmem>>, vector<16xi32>,
      %mul3A_788 = arith.constant 96 : i32
      %mul3A_789 = arith.muli %sub3A_718, %mul3A_788 : i32
      %add3A_790 = arith.constant 48 : i32
      %add3A_791 = arith.addi %mul3A_789, %add3A_790 : i32
      %get3A_792 = arith.index_cast %add3A_791 : i32 to index
      %get3A_793 = tpu.vector_load %arg6[%get3A_792] {strides = array<i32>} : memref<10080xi32, #tpu.memory_space<vmem>>, vector<16xi32>,
      %get3A_794 = vector.shape_cast %get3A_793 : vector<16xi32> to vector<16xi32>
      %shift_right_arithmetic3A_795 = arith.constant 14 : i32
      %shift_right_arithmetic3A_796 = vector.broadcast %shift_right_arithmetic3A_795 : i32 to vector<16xi32>
      %shift_right_arithmetic3A_797 = arith.shrsi %get3A_794, %shift_right_arithmetic3A_796 : vector<16xi32>
      %add3A_798 = vector.broadcast %mul3A_0 : i32 to vector<16xi32>
      %add3A_799 = arith.addi %shift_right_arithmetic3A_797, %add3A_798 : vector<16xi32>
      %swap3A_800 = arith.constant 48 : index
      %swap3A_801 = tpu.vector_load %arg11[%swap3A_800] {strides = array<i32>} : memref<96xi32, #tpu.memory_space<vmem>>, vector<16xi32>,
      %swap3A_802 = vector.shape_cast %swap3A_801 : vector<16xi32> to vector<16xi32>
      %swap3A_803 = vector.shape_cast %add3A_799 : vector<16xi32> to vector<16xi32>
      tpu.vector_store %arg11[%swap3A_800], %swap3A_803 {strides = array<i32>} : memref<96xi32, #tpu.memory_space<vmem>>, vector<16xi32>,
      %and3A_804 = arith.constant 16383 : i32
      %and3A_805 = vector.broadcast %and3A_804 : i32 to vector<16xi32>
      %and3A_806 = arith.andi %get3A_794, %and3A_805 : vector<16xi32>
      %swap3A_807 = arith.constant 48 : index
      %swap3A_808 = tpu.vector_load %arg12[%swap3A_807] {strides = array<i32>} : memref<96xi32, #tpu.memory_space<vmem>>, vector<16xi32>,
      %swap3A_809 = vector.shape_cast %swap3A_808 : vector<16xi32> to vector<16xi32>
      %swap3A_810 = vector.shape_cast %and3A_806 : vector<16xi32> to vector<16xi32>
      tpu.vector_store %arg12[%swap3A_807], %swap3A_810 {strides = array<i32>} : memref<96xi32, #tpu.memory_space<vmem>>, vector<16xi32>,
      %mul3A_811 = arith.constant 96 : i32
      %mul3A_812 = arith.muli %sub3A_718, %mul3A_811 : i32
      %add3A_813 = arith.constant 64 : i32
      %add3A_814 = arith.addi %mul3A_812, %add3A_813 : i32
      %get3A_815 = arith.index_cast %add3A_814 : i32 to index
      %get3A_816 = tpu.vector_load %arg6[%get3A_815] {strides = array<i32>} : memref<10080xi32, #tpu.memory_space<vmem>>, vector<16xi32>,
      %get3A_817 = vector.shape_cast %get3A_816 : vector<16xi32> to vector<16xi32>
      %shift_right_arithmetic3A_818 = arith.constant 14 : i32
      %shift_right_arithmetic3A_819 = vector.broadcast %shift_right_arithmetic3A_818 : i32 to vector<16xi32>
      %shift_right_arithmetic3A_820 = arith.shrsi %get3A_817, %shift_right_arithmetic3A_819 : vector<16xi32>
      %add3A_821 = vector.broadcast %mul3A_0 : i32 to vector<16xi32>
      %add3A_822 = arith.addi %shift_right_arithmetic3A_820, %add3A_821 : vector<16xi32>
      %swap3A_823 = arith.constant 64 : index
      %swap3A_824 = tpu.vector_load %arg11[%swap3A_823] {strides = array<i32>} : memref<96xi32, #tpu.memory_space<vmem>>, vector<16xi32>,
      %swap3A_825 = vector.shape_cast %swap3A_824 : vector<16xi32> to vector<16xi32>
      %swap3A_826 = vector.shape_cast %add3A_822 : vector<16xi32> to vector<16xi32>
      tpu.vector_store %arg11[%swap3A_823], %swap3A_826 {strides = array<i32>} : memref<96xi32, #tpu.memory_space<vmem>>, vector<16xi32>,
      %and3A_827 = arith.constant 16383 : i32
      %and3A_828 = vector.broadcast %and3A_827 : i32 to vector<16xi32>
      %and3A_829 = arith.andi %get3A_817, %and3A_828 : vector<16xi32>
      %swap3A_830 = arith.constant 64 : index
      %swap3A_831 = tpu.vector_load %arg12[%swap3A_830] {strides = array<i32>} : memref<96xi32, #tpu.memory_space<vmem>>, vector<16xi32>,
      %swap3A_832 = vector.shape_cast %swap3A_831 : vector<16xi32> to vector<16xi32>
      %swap3A_833 = vector.shape_cast %and3A_829 : vector<16xi32> to vector<16xi32>
      tpu.vector_store %arg12[%swap3A_830], %swap3A_833 {strides = array<i32>} : memref<96xi32, #tpu.memory_space<vmem>>, vector<16xi32>,
      %mul3A_834 = arith.constant 96 : i32
      %mul3A_835 = arith.muli %sub3A_718, %mul3A_834 : i32
      %add3A_836 = arith.constant 80 : i32
      %add3A_837 = arith.addi %mul3A_835, %add3A_836 : i32
      %get3A_838 = arith.index_cast %add3A_837 : i32 to index
      %get3A_839 = tpu.vector_load %arg6[%get3A_838] {strides = array<i32>} : memref<10080xi32, #tpu.memory_space<vmem>>, vector<16xi32>,
      %get3A_840 = vector.shape_cast %get3A_839 : vector<16xi32> to vector<16xi32>
      %shift_right_arithmetic3A_841 = arith.constant 14 : i32
      %shift_right_arithmetic3A_842 = vector.broadcast %shift_right_arithmetic3A_841 : i32 to vector<16xi32>
      %shift_right_arithmetic3A_843 = arith.shrsi %get3A_840, %shift_right_arithmetic3A_842 : vector<16xi32>
      %add3A_844 = vector.broadcast %mul3A_0 : i32 to vector<16xi32>
      %add3A_845 = arith.addi %shift_right_arithmetic3A_843, %add3A_844 : vector<16xi32>
      %swap3A_846 = arith.constant 80 : index
      %swap3A_847 = tpu.vector_load %arg11[%swap3A_846] {strides = array<i32>} : memref<96xi32, #tpu.memory_space<vmem>>, vector<16xi32>,
      %swap3A_848 = vector.shape_cast %swap3A_847 : vector<16xi32> to vector<16xi32>
      %swap3A_849 = vector.shape_cast %add3A_845 : vector<16xi32> to vector<16xi32>
      tpu.vector_store %arg11[%swap3A_846], %swap3A_849 {strides = array<i32>} : memref<96xi32, #tpu.memory_space<vmem>>, vector<16xi32>,
      %and3A_850 = arith.constant 16383 : i32
      %and3A_851 = vector.broadcast %and3A_850 : i32 to vector<16xi32>
      %and3A_852 = arith.andi %get3A_840, %and3A_851 : vector<16xi32>
      %swap3A_853 = arith.constant 80 : index
      %swap3A_854 = tpu.vector_load %arg12[%swap3A_853] {strides = array<i32>} : memref<96xi32, #tpu.memory_space<vmem>>, vector<16xi32>,
      %swap3A_855 = vector.shape_cast %swap3A_854 : vector<16xi32> to vector<16xi32>
      %swap3A_856 = vector.shape_cast %and3A_852 : vector<16xi32> to vector<16xi32>
      tpu.vector_store %arg12[%swap3A_853], %swap3A_856 {strides = array<i32>} : memref<96xi32, #tpu.memory_space<vmem>>, vector<16xi32>,
      %dma_start3A_857 = arith.constant 0 : i32
      %dma_start3A_858 = arith.constant 0 : i32
      %dma_start3A_859 = tpu.memref_slice %arg2[%dma_start3A_857, %dma_start3A_858] : memref<20000x128xf32, #tpu.memory_space<hbm>> -> memref<20000x128xf32, #tpu.memory_space<hbm>>
      tpu.enqueue_indirect_dma source(%dma_start3A_859 : memref<20000x128xf32, #tpu.memory_space<hbm>>) target(%arg15 : memref<96x128xf32, #tpu.memory_space<vmem>>) offsets(%arg11 : memref<96xi32, #tpu.memory_space<vmem>>) semaphore(%arg18 : memref<!tpu.dma_semaphore, #tpu.memory_space<semaphore_mem>>)
    }
    %scan3A_359 = arith.constant 34 : i32
    %dma_wait3A_360 = arith.constant 0 : i32
    %dma_wait3A_361 = arith.constant 0 : i32
    %dma_wait3A_362 = tpu.memref_slice %arg2[%dma_wait3A_360, %dma_wait3A_361] : memref<20000x128xf32, #tpu.memory_space<hbm>> -> memref<20000x128xf32, #tpu.memory_space<hbm>>
    tpu.wait_indirect_dma semaphore(%arg17 : memref<!tpu.dma_semaphore, #tpu.memory_space<semaphore_mem>>) src(%dma_wait3A_362 : memref<20000x128xf32, #tpu.memory_space<hbm>>) dst(%arg14 : memref<96x128xf32, #tpu.memory_space<vmem>>)
    %dma_start3A_363 = arith.constant 0 : i32
    %dma_start3A_364 = arith.constant 0 : i32
    %dma_start3A_365 = tpu.memref_slice %arg5[%dma_start3A_363, %dma_start3A_364] : memref<10016x128xf32, #tpu.memory_space<vmem_shared>> -> memref<10016x128xf32, #tpu.memory_space<vmem_shared>>
    tpu.enqueue_indirect_dma source(%arg14 : memref<96x128xf32, #tpu.memory_space<vmem>>) target(%dma_start3A_365 : memref<10016x128xf32, #tpu.memory_space<vmem_shared>>) offsets(%arg10 : memref<96xi32, #tpu.memory_space<vmem>>) semaphore(%arg20 : memref<!tpu.dma_semaphore, #tpu.memory_space<semaphore_mem>>) {add = true}
    %dma_wait3A_366 = arith.constant 0 : i32
    %dma_wait3A_367 = arith.constant 0 : i32
    %dma_wait3A_368 = tpu.memref_slice %arg2[%dma_wait3A_366, %dma_wait3A_367] : memref<20000x128xf32, #tpu.memory_space<hbm>> -> memref<20000x128xf32, #tpu.memory_space<hbm>>
    tpu.wait_indirect_dma semaphore(%arg18 : memref<!tpu.dma_semaphore, #tpu.memory_space<semaphore_mem>>) src(%dma_wait3A_368 : memref<20000x128xf32, #tpu.memory_space<hbm>>) dst(%arg15 : memref<96x128xf32, #tpu.memory_space<vmem>>)
    %dma_start3A_369 = arith.constant 0 : i32
    %dma_start3A_370 = arith.constant 0 : i32
    %dma_start3A_371 = tpu.memref_slice %arg5[%dma_start3A_369, %dma_start3A_370] : memref<10016x128xf32, #tpu.memory_space<vmem_shared>> -> memref<10016x128xf32, #tpu.memory_space<vmem_shared>>
    tpu.enqueue_indirect_dma source(%arg15 : memref<96x128xf32, #tpu.memory_space<vmem>>) target(%dma_start3A_371 : memref<10016x128xf32, #tpu.memory_space<vmem_shared>>) offsets(%arg12 : memref<96xi32, #tpu.memory_space<vmem>>) semaphore(%arg21 : memref<!tpu.dma_semaphore, #tpu.memory_space<semaphore_mem>>) {add = true}
    %dma_wait3A_372 = arith.constant 0 : i32
    %dma_wait3A_373 = arith.constant 0 : i32
    %dma_wait3A_374 = tpu.memref_slice %arg5[%dma_wait3A_372, %dma_wait3A_373] : memref<10016x128xf32, #tpu.memory_space<vmem_shared>> -> memref<10016x128xf32, #tpu.memory_space<vmem_shared>>
    tpu.wait_indirect_dma semaphore(%arg19 : memref<!tpu.dma_semaphore, #tpu.memory_space<semaphore_mem>>) src(%arg13 : memref<96x128xf32, #tpu.memory_space<vmem>>) dst(%dma_wait3A_374 : memref<10016x128xf32, #tpu.memory_space<vmem_shared>>)
    %dma_wait3A_375 = arith.constant 0 : i32
    %dma_wait3A_376 = arith.constant 0 : i32
    %dma_wait3A_377 = tpu.memref_slice %arg5[%dma_wait3A_375, %dma_wait3A_376] : memref<10016x128xf32, #tpu.memory_space<vmem_shared>> -> memref<10016x128xf32, #tpu.memory_space<vmem_shared>>
    tpu.wait_indirect_dma semaphore(%arg20 : memref<!tpu.dma_semaphore, #tpu.memory_space<semaphore_mem>>) src(%arg14 : memref<96x128xf32, #tpu.memory_space<vmem>>) dst(%dma_wait3A_377 : memref<10016x128xf32, #tpu.memory_space<vmem_shared>>)
    %dma_wait3A_378 = arith.constant 0 : i32
    %dma_wait3A_379 = arith.constant 0 : i32
    %dma_wait3A_380 = tpu.memref_slice %arg5[%dma_wait3A_378, %dma_wait3A_379] : memref<10016x128xf32, #tpu.memory_space<vmem_shared>> -> memref<10016x128xf32, #tpu.memory_space<vmem_shared>>
    tpu.wait_indirect_dma semaphore(%arg21 : memref<!tpu.dma_semaphore, #tpu.memory_space<semaphore_mem>>) src(%arg15 : memref<96x128xf32, #tpu.memory_space<vmem>>) dst(%dma_wait3A_380 : memref<10016x128xf32, #tpu.memory_space<vmem_shared>>)
    %barrier3A_381 = arith.constant 0 : index
    tpu.barrier barrier_id(%barrier3A_381)
    %add3A_382 = arith.addi %mul3A_0, %mul3A_2 : i32
    "tpu.region"() ({
      %run_scoped3A = tpu.sem_alloc : memref<!tpu.dma_semaphore, #tpu.memory_space<semaphore_mem>>
      %dma_start3A_388 = arith.constant 0 : i32
      %dma_start3A_389 = tpu.memref_slice %arg4[%add3A_382, %dma_start3A_388] : memref<20000x128xf32, #tpu.memory_space<hbm>> -> memref<624x128xf32, #tpu.memory_space<hbm>>
      %dma_start3A_390 = arith.constant 0 : i32
      %dma_start3A_391 = tpu.memref_slice %arg5[%mul3A_2, %dma_start3A_390] : memref<10016x128xf32, #tpu.memory_space<vmem_shared>> -> memref<624x128xf32, #tpu.memory_space<vmem_shared>>
      tpu.enqueue_dma source(%dma_start3A_391 : memref<624x128xf32, #tpu.memory_space<vmem_shared>>) target(%dma_start3A_389 : memref<624x128xf32, #tpu.memory_space<hbm>>) target_semaphore(%run_scoped3A : memref<!tpu.dma_semaphore, #tpu.memory_space<semaphore_mem>>)
      %dma_wait3A_392 = arith.constant 0 : i32
      %dma_wait3A_393 = tpu.memref_slice %arg4[%add3A_382, %dma_wait3A_392] : memref<20000x128xf32, #tpu.memory_space<hbm>> -> memref<624x128xf32, #tpu.memory_space<hbm>>
      %dma_wait3A_394 = arith.constant 0 : i32
      %dma_wait3A_395 = tpu.memref_slice %arg5[%mul3A_2, %dma_wait3A_394] : memref<10016x128xf32, #tpu.memory_space<vmem_shared>> -> memref<624x128xf32, #tpu.memory_space<vmem_shared>>
      tpu.wait_dma2 semaphore(%run_scoped3A : memref<!tpu.dma_semaphore, #tpu.memory_space<semaphore_mem>>) src(%dma_wait3A_395 : memref<624x128xf32, #tpu.memory_space<vmem_shared>>) dst(%dma_wait3A_393 : memref<624x128xf32, #tpu.memory_space<hbm>>)
      tpu.yield
    }) : () -> ()
    %eq3A_383 = arith.constant 15 : i32
    %eq3A_384 = arith.cmpi eq, %arg1, %eq3A_383 : i32
    %convert_element_type3A_385 = arith.extui %eq3A_384 : i1 to i32
    %cond3A_386 = arith.constant 0 : i32
    %cond3A_387 = arith.cmpi ne, %convert_element_type3A_385, %cond3A_386 : i32
    scf.if %cond3A_387 {
      %add3A_388 = arith.constant 9984 : i32
      %add3A_389 = arith.addi %mul3A_0, %add3A_388 : i32
      "tpu.region"() ({
        %run_scoped3A = tpu.sem_alloc : memref<!tpu.dma_semaphore, #tpu.memory_space<semaphore_mem>>
        %dma_start3A_390 = arith.constant 0 : i32
        %dma_start3A_391 = tpu.memref_slice %arg4[%add3A_389, %dma_start3A_390] : memref<20000x128xf32, #tpu.memory_space<hbm>> -> memref<16x128xf32, #tpu.memory_space<hbm>>
        %dma_start3A_392 = arith.constant 9984 : i32
        %dma_start3A_393 = arith.constant 0 : i32
        %dma_start3A_394 = tpu.memref_slice %arg5[%dma_start3A_392, %dma_start3A_393] : memref<10016x128xf32, #tpu.memory_space<vmem_shared>> -> memref<16x128xf32, #tpu.memory_space<vmem_shared>>
        tpu.enqueue_dma source(%dma_start3A_394 : memref<16x128xf32, #tpu.memory_space<vmem_shared>>) target(%dma_start3A_391 : memref<16x128xf32, #tpu.memory_space<hbm>>) target_semaphore(%run_scoped3A : memref<!tpu.dma_semaphore, #tpu.memory_space<semaphore_mem>>)
        %dma_wait3A_395 = arith.constant 0 : i32
        %dma_wait3A_396 = tpu.memref_slice %arg4[%add3A_389, %dma_wait3A_395] : memref<20000x128xf32, #tpu.memory_space<hbm>> -> memref<16x128xf32, #tpu.memory_space<hbm>>
        %dma_wait3A_397 = arith.constant 9984 : i32
        %dma_wait3A_398 = arith.constant 0 : i32
        %dma_wait3A_399 = tpu.memref_slice %arg5[%dma_wait3A_397, %dma_wait3A_398] : memref<10016x128xf32, #tpu.memory_space<vmem_shared>> -> memref<16x128xf32, #tpu.memory_space<vmem_shared>>
        tpu.wait_dma2 semaphore(%run_scoped3A : memref<!tpu.dma_semaphore, #tpu.memory_space<semaphore_mem>>) src(%dma_wait3A_399 : memref<16x128xf32, #tpu.memory_space<vmem_shared>>) dst(%dma_wait3A_396 : memref<16x128xf32, #tpu.memory_space<hbm>>)
        tpu.yield
      }) : () -> ()
    } else {
    }
    return
  }
}

module attributes {stable_mosaic.version = 14 : i64} {
  func.func @body(%arg0: i32, %arg1: memref<2x1000x128xf32, #tpu.memory_space<vmem>>, %arg2: memref<256x256xbf16, #tpu.memory_space<vmem>>, %arg3: memref<1x256xf32, #tpu.memory_space<vmem>>, %arg4: memref<256x256xbf16, #tpu.memory_space<vmem>>, %arg5: memref<1x256xf32, #tpu.memory_space<vmem>>, %arg6: memref<1x256xf32, #tpu.memory_space<vmem>>, %arg7: memref<1x256xf32, #tpu.memory_space<vmem>>, %arg8: memref<2x1000x128xf32, #tpu.memory_space<vmem>>, %arg9: memref<1x256xf32, #tpu.memory_space<vmem>>) attributes {dimension_semantics = [#tpu.dimension_semantics<arbitrary>], iteration_bounds = array<i64: 10>, scalar_prefetch = 0 : i64, scratch_operands = 0 : i64, tpu.core_type = #tpu.core_type<tc>, window_params = [{transform_indices = @transform_0, window_bounds = array<i64: 2, 1000, 128>}, {pipeline_mode = #tpu.pipeline_mode<synchronous>, transform_indices = @transform_1, window_bounds = array<i64: 256, 256>}, {pipeline_mode = #tpu.pipeline_mode<synchronous>, transform_indices = @transform_2, window_bounds = array<i64: 1, 256>}, {pipeline_mode = #tpu.pipeline_mode<synchronous>, transform_indices = @transform_3, window_bounds = array<i64: 256, 256>}, {pipeline_mode = #tpu.pipeline_mode<synchronous>, transform_indices = @transform_4, window_bounds = array<i64: 1, 256>}, {pipeline_mode = #tpu.pipeline_mode<synchronous>, transform_indices = @transform_5, window_bounds = array<i64: 1, 256>}, {pipeline_mode = #tpu.pipeline_mode<synchronous>, transform_indices = @transform_6, window_bounds = array<i64: 1, 256>}, {transform_indices = @transform_7, window_bounds = array<i64: 2, 1000, 128>}, {pipeline_mode = #tpu.pipeline_mode<synchronous>, transform_indices = @transform_8, window_bounds = array<i64: 1, 256>}]} {
    %get3A = arith.constant 0 : index
    %get3A_0 = arith.constant 0 : index
    %get3A_1 = arith.constant 0 : index
    %get3A_2 = vector.load %arg1[%get3A, %get3A_0, %get3A_1] : memref<2x1000x128xf32, #tpu.memory_space<vmem>>, vector<1x1000x128xf32>
    %get3A_3 = vector.shape_cast %get3A_2 : vector<1x1000x128xf32> to vector<1000x128xf32>
    %get3A_4 = arith.constant 1 : index
    %get3A_5 = arith.constant 0 : index
    %get3A_6 = arith.constant 0 : index
    %get3A_7 = vector.load %arg1[%get3A_4, %get3A_5, %get3A_6] : memref<2x1000x128xf32, #tpu.memory_space<vmem>>, vector<1x1000x128xf32>
    %get3A_8 = vector.shape_cast %get3A_7 : vector<1x1000x128xf32> to vector<1000x128xf32>
    %concatenate3A = tpu.concatenate %get3A_3, %get3A_8 in 1 : vector<1000x128xf32>, vector<1000x128xf32> -> vector<1000x256xf32>
    %convert_element_type3A = arith.truncf %concatenate3A : vector<1000x256xf32> to vector<1000x256xbf16>
    %get3A_9 = arith.constant 0 : index
    %get3A_10 = arith.constant 0 : index
    %get3A_11 = vector.load %arg2[%get3A_9, %get3A_10] : memref<256x256xbf16, #tpu.memory_space<vmem>>, vector<256x256xbf16>
    %dot_general3A = arith.constant dense<0.000000e+00> : vector<1000x256xf32>
    %dot_general3A_12 = tpu.matmul %convert_element_type3A, %get3A_11, %dot_general3A {dimension_numbers = #tpu.dot_dimension_numbers<[1], [0], [0], [1], [0, 0, 1, 1], [], []>, transpose_lhs_hint = false} : vector<1000x256xbf16>, vector<256x256xbf16>, vector<1000x256xf32> -> vector<1000x256xf32>
    %get3A_13 = arith.constant 0 : index
    %get3A_14 = arith.constant 0 : index
    %get3A_15 = vector.load %arg3[%get3A_13, %get3A_14] : memref<1x256xf32, #tpu.memory_space<vmem>>, vector<1x256xf32>
    %add3A = vector.broadcast %get3A_15 : vector<1x256xf32> to vector<1000x256xf32>
    %add3A_16 = arith.addf %dot_general3A_12, %add3A : vector<1000x256xf32>
    %max3A = arith.constant 0.000000e+00 : f32
    %max3A_17 = vector.broadcast %max3A : f32 to vector<1000x256xf32>
    %max3A_18 = arith.maximumf %add3A_16, %max3A_17 : vector<1000x256xf32>
    %convert_element_type3A_19 = arith.truncf %max3A_18 : vector<1000x256xf32> to vector<1000x256xbf16>
    %get3A_20 = arith.constant 0 : index
    %get3A_21 = arith.constant 0 : index
    %get3A_22 = vector.load %arg4[%get3A_20, %get3A_21] : memref<256x256xbf16, #tpu.memory_space<vmem>>, vector<256x256xbf16>
    %dot_general3A_23 = arith.constant dense<0.000000e+00> : vector<1000x256xf32>
    %dot_general3A_24 = tpu.matmul %convert_element_type3A_19, %get3A_22, %dot_general3A_23 {dimension_numbers = #tpu.dot_dimension_numbers<[1], [0], [0], [1], [0, 0, 1, 1], [], []>, transpose_lhs_hint = false} : vector<1000x256xbf16>, vector<256x256xbf16>, vector<1000x256xf32> -> vector<1000x256xf32>
    %get3A_25 = arith.constant 0 : index
    %get3A_26 = arith.constant 0 : index
    %get3A_27 = vector.load %arg5[%get3A_25, %get3A_26] : memref<1x256xf32, #tpu.memory_space<vmem>>, vector<1x256xf32>
    %add3A_28 = vector.broadcast %get3A_27 : vector<1x256xf32> to vector<1000x256xf32>
    %add3A_29 = arith.addf %dot_general3A_24, %add3A_28 : vector<1000x256xf32>
    %max3A_30 = arith.constant 0.000000e+00 : f32
    %max3A_31 = vector.broadcast %max3A_30 : f32 to vector<1000x256xf32>
    %max3A_32 = arith.maximumf %add3A_29, %max3A_31 : vector<1000x256xf32>
    %get3A_33 = arith.constant 0 : index
    %get3A_34 = arith.constant 0 : index
    %get3A_35 = vector.load %arg6[%get3A_33, %get3A_34] : memref<1x256xf32, #tpu.memory_space<vmem>>, vector<1x256xf32>
    %mul3A = vector.broadcast %get3A_35 : vector<1x256xf32> to vector<1000x256xf32>
    %mul3A_36 = arith.mulf %max3A_32, %mul3A : vector<1000x256xf32>
    %get3A_37 = arith.constant 0 : index
    %get3A_38 = arith.constant 0 : index
    %get3A_39 = vector.load %arg7[%get3A_37, %get3A_38] : memref<1x256xf32, #tpu.memory_space<vmem>>, vector<1x256xf32>
    %add3A_40 = vector.broadcast %get3A_39 : vector<1x256xf32> to vector<1000x256xf32>
    %add3A_41 = arith.addf %mul3A_36, %add3A_40 : vector<1000x256xf32>
    %max3A_42 = arith.constant 0.000000e+00 : f32
    %max3A_43 = vector.broadcast %max3A_42 : f32 to vector<1000x256xf32>
    %max3A_44 = arith.maximumf %add3A_41, %max3A_43 : vector<1000x256xf32>
    %slice3A = vector.extract_strided_slice %max3A_44 {offsets = [0, 0], sizes = [1000, 128], strides = [1, 1]} : vector<1000x256xf32> to vector<1000x128xf32>
    %swap3A = arith.constant 0 : index
    %swap3A_45 = arith.constant 0 : index
    %swap3A_46 = arith.constant 0 : index
    %swap3A_47 = vector.load %arg8[%swap3A, %swap3A_45, %swap3A_46] : memref<2x1000x128xf32, #tpu.memory_space<vmem>>, vector<1x1000x128xf32>
    %swap3A_48 = vector.shape_cast %swap3A_47 : vector<1x1000x128xf32> to vector<1000x128xf32>
    %swap3A_49 = vector.shape_cast %slice3A : vector<1000x128xf32> to vector<1x1000x128xf32>
    tpu.vector_store %arg8[%swap3A, %swap3A_45, %swap3A_46], %swap3A_49 {strides = array<i32>} : memref<2x1000x128xf32, #tpu.memory_space<vmem>>, vector<1x1000x128xf32>,
    %slice3A_50 = vector.extract_strided_slice %max3A_44 {offsets = [0, 128], sizes = [1000, 128], strides = [1, 1]} : vector<1000x256xf32> to vector<1000x128xf32>
    %swap3A_51 = arith.constant 1 : index
    %swap3A_52 = arith.constant 0 : index
    %swap3A_53 = arith.constant 0 : index
    %swap3A_54 = vector.load %arg8[%swap3A_51, %swap3A_52, %swap3A_53] : memref<2x1000x128xf32, #tpu.memory_space<vmem>>, vector<1x1000x128xf32>
    %swap3A_55 = vector.shape_cast %swap3A_54 : vector<1x1000x128xf32> to vector<1000x128xf32>
    %swap3A_56 = vector.shape_cast %slice3A_50 : vector<1000x128xf32> to vector<1x1000x128xf32>
    tpu.vector_store %arg8[%swap3A_51, %swap3A_52, %swap3A_53], %swap3A_56 {strides = array<i32>} : memref<2x1000x128xf32, #tpu.memory_space<vmem>>, vector<1x1000x128xf32>,
    %eq3A = arith.constant 0 : i32
    %eq3A_57 = arith.cmpi eq, %arg0, %eq3A : i32
    %convert_element_type3A_58 = arith.extui %eq3A_57 : i1 to i32
    %cond3A = arith.constant 0 : i32
    %cond3A_59 = arith.cmpi ne, %convert_element_type3A_58, %cond3A : i32
    scf.if %cond3A_59 {
      %broadcast_in_dim3A_68 = arith.constant 0.000000e+00 : f32
      %broadcast_in_dim3A_69 = vector.broadcast %broadcast_in_dim3A_68 : f32 to vector<1x256xf32>
      %swap3A_70 = arith.constant 0 : index
      %swap3A_71 = arith.constant 0 : index
      %swap3A_72 = vector.load %arg9[%swap3A_70, %swap3A_71] : memref<1x256xf32, #tpu.memory_space<vmem>>, vector<1x256xf32>
      tpu.vector_store %arg9[%swap3A_70, %swap3A_71], %broadcast_in_dim3A_69 {strides = array<i32>} : memref<1x256xf32, #tpu.memory_space<vmem>>, vector<1x256xf32>,
    } else {
    }
    %get3A_60 = arith.constant 0 : index
    %get3A_61 = arith.constant 0 : index
    %get3A_62 = vector.load %arg9[%get3A_60, %get3A_61] : memref<1x256xf32, #tpu.memory_space<vmem>>, vector<1x256xf32>
    %reduce_sum3A = arith.constant dense<0.000000e+00> : vector<256xf32>
    %reduce_sum3A_63 = vector.multi_reduction <add>, %max3A_44, %reduce_sum3A [0] : vector<1000x256xf32> to vector<256xf32>
    %broadcast_in_dim3A = vector.shape_cast %reduce_sum3A_63 : vector<256xf32> to vector<1x256xf32>
    %add3A_64 = arith.addf %get3A_62, %broadcast_in_dim3A : vector<1x256xf32>
    %swap3A_65 = arith.constant 0 : index
    %swap3A_66 = arith.constant 0 : index
    %swap3A_67 = vector.load %arg9[%swap3A_65, %swap3A_66] : memref<1x256xf32, #tpu.memory_space<vmem>>, vector<1x256xf32>
    tpu.vector_store %arg9[%swap3A_65, %swap3A_66], %add3A_64 {strides = array<i32>} : memref<1x256xf32, #tpu.memory_space<vmem>>, vector<1x256xf32>,
    return
  }
  func.func @transform_0(%arg0: i32) -> (i32, i32, i32) {
    %c0_i32 = arith.constant 0 : i32
    %c0_i32_0 = arith.constant 0 : i32
    %c0_i32_1 = arith.constant 0 : i32
    return %c0_i32, %arg0, %c0_i32_0 : i32, i32, i32
  }
  func.func @transform_1(%arg0: i32) -> (i32, i32) {
    %c0_i32 = arith.constant 0 : i32
    %c0_i32_0 = arith.constant 0 : i32
    %c0_i32_1 = arith.constant 0 : i32
    return %c0_i32, %c0_i32_0 : i32, i32
  }
  func.func @transform_2(%arg0: i32) -> (i32, i32) {
    %c0_i32 = arith.constant 0 : i32
    %c0_i32_0 = arith.constant 0 : i32
    %c0_i32_1 = arith.constant 0 : i32
    return %c0_i32, %c0_i32_0 : i32, i32
  }
  func.func @transform_3(%arg0: i32) -> (i32, i32) {
    %c0_i32 = arith.constant 0 : i32
    %c0_i32_0 = arith.constant 0 : i32
    %c0_i32_1 = arith.constant 0 : i32
    return %c0_i32, %c0_i32_0 : i32, i32
  }
  func.func @transform_4(%arg0: i32) -> (i32, i32) {
    %c0_i32 = arith.constant 0 : i32
    %c0_i32_0 = arith.constant 0 : i32
    %c0_i32_1 = arith.constant 0 : i32
    return %c0_i32, %c0_i32_0 : i32, i32
  }
  func.func @transform_5(%arg0: i32) -> (i32, i32) {
    %c0_i32 = arith.constant 0 : i32
    %c0_i32_0 = arith.constant 0 : i32
    %c0_i32_1 = arith.constant 0 : i32
    return %c0_i32, %c0_i32_0 : i32, i32
  }
  func.func @transform_6(%arg0: i32) -> (i32, i32) {
    %c0_i32 = arith.constant 0 : i32
    %c0_i32_0 = arith.constant 0 : i32
    %c0_i32_1 = arith.constant 0 : i32
    return %c0_i32, %c0_i32_0 : i32, i32
  }
  func.func @transform_7(%arg0: i32) -> (i32, i32, i32) {
    %c0_i32 = arith.constant 0 : i32
    %c0_i32_0 = arith.constant 0 : i32
    %c0_i32_1 = arith.constant 0 : i32
    return %c0_i32, %arg0, %c0_i32_0 : i32, i32, i32
  }
  func.func @transform_8(%arg0: i32) -> (i32, i32) {
    %c0_i32 = arith.constant 0 : i32
    %c0_i32_0 = arith.constant 0 : i32
    %c0_i32_1 = arith.constant 0 : i32
    return %c0_i32, %c0_i32_0 : i32, i32
  }
}

module attributes {stable_mosaic.version = 14 : i64} {
  func.func @body(%arg0: i32, %arg1: memref<1000x256xf32, #tpu.memory_space<vmem>>, %arg2: memref<1x256xf32, #tpu.memory_space<vmem>>) attributes {dimension_semantics = [#tpu.dimension_semantics<arbitrary>], iteration_bounds = array<i64: 10>, scalar_prefetch = 0 : i64, scratch_operands = 0 : i64, tpu.core_type = #tpu.core_type<tc>, window_params = [{transform_indices = @transform_0, window_bounds = array<i64: 1000, 256>}, {pipeline_mode = #tpu.pipeline_mode<synchronous>, transform_indices = @transform_1, window_bounds = array<i64: 1, 256>}]} {
    %eq3A = arith.constant 0 : i32
    %eq3A_0 = arith.cmpi eq, %arg0, %eq3A : i32
    %convert_element_type3A = arith.extui %eq3A_0 : i1 to i32
    %cond3A = arith.constant 0 : i32
    %cond3A_1 = arith.cmpi ne, %convert_element_type3A, %cond3A : i32
    scf.if %cond3A_1 {
      %broadcast_in_dim3A_10 = arith.constant 0.000000e+00 : f32
      %broadcast_in_dim3A_11 = vector.broadcast %broadcast_in_dim3A_10 : f32 to vector<1x256xf32>
      %swap3A_12 = arith.constant 0 : index
      %swap3A_13 = arith.constant 0 : index
      %swap3A_14 = vector.load %arg2[%swap3A_12, %swap3A_13] : memref<1x256xf32, #tpu.memory_space<vmem>>, vector<1x256xf32>
      tpu.vector_store %arg2[%swap3A_12, %swap3A_13], %broadcast_in_dim3A_11 {strides = array<i32>} : memref<1x256xf32, #tpu.memory_space<vmem>>, vector<1x256xf32>,
    } else {
    }
    %get3A = arith.constant 0 : index
    %get3A_2 = arith.constant 0 : index
    %get3A_3 = vector.load %arg2[%get3A, %get3A_2] : memref<1x256xf32, #tpu.memory_space<vmem>>, vector<1x256xf32>
    %get3A_4 = arith.constant 0 : index
    %get3A_5 = arith.constant 0 : index
    %get3A_6 = vector.load %arg1[%get3A_4, %get3A_5] : memref<1000x256xf32, #tpu.memory_space<vmem>>, vector<1000x256xf32>
    %reduce_sum3A = arith.constant dense<0.000000e+00> : vector<256xf32>
    %reduce_sum3A_7 = vector.multi_reduction <add>, %get3A_6, %reduce_sum3A [0] : vector<1000x256xf32> to vector<256xf32>
    %broadcast_in_dim3A = vector.shape_cast %reduce_sum3A_7 : vector<256xf32> to vector<1x256xf32>
    %add3A = arith.addf %get3A_3, %broadcast_in_dim3A : vector<1x256xf32>
    %swap3A = arith.constant 0 : index
    %swap3A_8 = arith.constant 0 : index
    %swap3A_9 = vector.load %arg2[%swap3A, %swap3A_8] : memref<1x256xf32, #tpu.memory_space<vmem>>, vector<1x256xf32>
    tpu.vector_store %arg2[%swap3A, %swap3A_8], %add3A {strides = array<i32>} : memref<1x256xf32, #tpu.memory_space<vmem>>, vector<1x256xf32>,
    return
  }
  func.func @transform_0(%arg0: i32) -> (i32, i32) {
    %c0_i32 = arith.constant 0 : i32
    %c0_i32_0 = arith.constant 0 : i32
    return %arg0, %c0_i32 : i32, i32
  }
  func.func @transform_1(%arg0: i32) -> (i32, i32) {
    %c0_i32 = arith.constant 0 : i32
    %c0_i32_0 = arith.constant 0 : i32
    %c0_i32_1 = arith.constant 0 : i32
    return %c0_i32, %c0_i32_0 : i32, i32
  }
}

module attributes {stable_mosaic.version = 14 : i64} {
  func.func @body(%arg0: i32, %arg1: memref<2x1000x128xf32, #tpu.memory_space<vmem>>, %arg2: memref<256x256xbf16, #tpu.memory_space<vmem>>, %arg3: memref<1x256xf32, #tpu.memory_space<vmem>>, %arg4: memref<256x256xbf16, #tpu.memory_space<vmem>>, %arg5: memref<1x256xf32, #tpu.memory_space<vmem>>, %arg6: memref<1x256xf32, #tpu.memory_space<vmem>>, %arg7: memref<1x256xf32, #tpu.memory_space<vmem>>, %arg8: memref<2x1000x128xf32, #tpu.memory_space<vmem>>, %arg9: memref<1x256xf32, #tpu.memory_space<vmem>>) attributes {dimension_semantics = [#tpu.dimension_semantics<arbitrary>], iteration_bounds = array<i64: 10>, scalar_prefetch = 0 : i64, scratch_operands = 0 : i64, tpu.core_type = #tpu.core_type<tc>, window_params = [{transform_indices = @transform_0, window_bounds = array<i64: 2, 1000, 128>}, {pipeline_mode = #tpu.pipeline_mode<synchronous>, transform_indices = @transform_1, window_bounds = array<i64: 256, 256>}, {pipeline_mode = #tpu.pipeline_mode<synchronous>, transform_indices = @transform_2, window_bounds = array<i64: 1, 256>}, {pipeline_mode = #tpu.pipeline_mode<synchronous>, transform_indices = @transform_3, window_bounds = array<i64: 256, 256>}, {pipeline_mode = #tpu.pipeline_mode<synchronous>, transform_indices = @transform_4, window_bounds = array<i64: 1, 256>}, {pipeline_mode = #tpu.pipeline_mode<synchronous>, transform_indices = @transform_5, window_bounds = array<i64: 1, 256>}, {pipeline_mode = #tpu.pipeline_mode<synchronous>, transform_indices = @transform_6, window_bounds = array<i64: 1, 256>}, {transform_indices = @transform_7, window_bounds = array<i64: 2, 1000, 128>}, {pipeline_mode = #tpu.pipeline_mode<synchronous>, transform_indices = @transform_8, window_bounds = array<i64: 1, 256>}]} {
    %get3A = arith.constant 0 : index
    %get3A_0 = arith.constant 0 : index
    %get3A_1 = arith.constant 0 : index
    %get3A_2 = vector.load %arg1[%get3A, %get3A_0, %get3A_1] : memref<2x1000x128xf32, #tpu.memory_space<vmem>>, vector<1x1000x128xf32>
    %get3A_3 = vector.shape_cast %get3A_2 : vector<1x1000x128xf32> to vector<1000x128xf32>
    %get3A_4 = arith.constant 1 : index
    %get3A_5 = arith.constant 0 : index
    %get3A_6 = arith.constant 0 : index
    %get3A_7 = vector.load %arg1[%get3A_4, %get3A_5, %get3A_6] : memref<2x1000x128xf32, #tpu.memory_space<vmem>>, vector<1x1000x128xf32>
    %get3A_8 = vector.shape_cast %get3A_7 : vector<1x1000x128xf32> to vector<1000x128xf32>
    %concatenate3A = tpu.concatenate %get3A_3, %get3A_8 in 1 : vector<1000x128xf32>, vector<1000x128xf32> -> vector<1000x256xf32>
    %convert_element_type3A = arith.truncf %concatenate3A : vector<1000x256xf32> to vector<1000x256xbf16>
    %get3A_9 = arith.constant 0 : index
    %get3A_10 = arith.constant 0 : index
    %get3A_11 = vector.load %arg2[%get3A_9, %get3A_10] : memref<256x256xbf16, #tpu.memory_space<vmem>>, vector<256x256xbf16>
    %dot_general3A = arith.constant dense<0.000000e+00> : vector<1000x256xf32>
    %dot_general3A_12 = tpu.matmul %convert_element_type3A, %get3A_11, %dot_general3A {dimension_numbers = #tpu.dot_dimension_numbers<[1], [0], [0], [1], [0, 0, 1, 1], [], []>, transpose_lhs_hint = false} : vector<1000x256xbf16>, vector<256x256xbf16>, vector<1000x256xf32> -> vector<1000x256xf32>
    %get3A_13 = arith.constant 0 : index
    %get3A_14 = arith.constant 0 : index
    %get3A_15 = vector.load %arg3[%get3A_13, %get3A_14] : memref<1x256xf32, #tpu.memory_space<vmem>>, vector<1x256xf32>
    %add3A = vector.broadcast %get3A_15 : vector<1x256xf32> to vector<1000x256xf32>
    %add3A_16 = arith.addf %dot_general3A_12, %add3A : vector<1000x256xf32>
    %max3A = arith.constant 0.000000e+00 : f32
    %max3A_17 = vector.broadcast %max3A : f32 to vector<1000x256xf32>
    %max3A_18 = arith.maximumf %add3A_16, %max3A_17 : vector<1000x256xf32>
    %convert_element_type3A_19 = arith.truncf %max3A_18 : vector<1000x256xf32> to vector<1000x256xbf16>
    %get3A_20 = arith.constant 0 : index
    %get3A_21 = arith.constant 0 : index
    %get3A_22 = vector.load %arg4[%get3A_20, %get3A_21] : memref<256x256xbf16, #tpu.memory_space<vmem>>, vector<256x256xbf16>
    %dot_general3A_23 = arith.constant dense<0.000000e+00> : vector<1000x256xf32>
    %dot_general3A_24 = tpu.matmul %convert_element_type3A_19, %get3A_22, %dot_general3A_23 {dimension_numbers = #tpu.dot_dimension_numbers<[1], [0], [0], [1], [0, 0, 1, 1], [], []>, transpose_lhs_hint = false} : vector<1000x256xbf16>, vector<256x256xbf16>, vector<1000x256xf32> -> vector<1000x256xf32>
    %get3A_25 = arith.constant 0 : index
    %get3A_26 = arith.constant 0 : index
    %get3A_27 = vector.load %arg5[%get3A_25, %get3A_26] : memref<1x256xf32, #tpu.memory_space<vmem>>, vector<1x256xf32>
    %add3A_28 = vector.broadcast %get3A_27 : vector<1x256xf32> to vector<1000x256xf32>
    %add3A_29 = arith.addf %dot_general3A_24, %add3A_28 : vector<1000x256xf32>
    %max3A_30 = arith.constant 0.000000e+00 : f32
    %max3A_31 = vector.broadcast %max3A_30 : f32 to vector<1000x256xf32>
    %max3A_32 = arith.maximumf %add3A_29, %max3A_31 : vector<1000x256xf32>
    %get3A_33 = arith.constant 0 : index
    %get3A_34 = arith.constant 0 : index
    %get3A_35 = vector.load %arg6[%get3A_33, %get3A_34] : memref<1x256xf32, #tpu.memory_space<vmem>>, vector<1x256xf32>
    %mul3A = vector.broadcast %get3A_35 : vector<1x256xf32> to vector<1000x256xf32>
    %mul3A_36 = arith.mulf %max3A_32, %mul3A : vector<1000x256xf32>
    %get3A_37 = arith.constant 0 : index
    %get3A_38 = arith.constant 0 : index
    %get3A_39 = vector.load %arg7[%get3A_37, %get3A_38] : memref<1x256xf32, #tpu.memory_space<vmem>>, vector<1x256xf32>
    %add3A_40 = vector.broadcast %get3A_39 : vector<1x256xf32> to vector<1000x256xf32>
    %add3A_41 = arith.addf %mul3A_36, %add3A_40 : vector<1000x256xf32>
    %max3A_42 = arith.constant 0.000000e+00 : f32
    %max3A_43 = vector.broadcast %max3A_42 : f32 to vector<1000x256xf32>
    %max3A_44 = arith.maximumf %add3A_41, %max3A_43 : vector<1000x256xf32>
    %slice3A = vector.extract_strided_slice %max3A_44 {offsets = [0, 0], sizes = [1000, 128], strides = [1, 1]} : vector<1000x256xf32> to vector<1000x128xf32>
    %swap3A = arith.constant 0 : index
    %swap3A_45 = arith.constant 0 : index
    %swap3A_46 = arith.constant 0 : index
    %swap3A_47 = vector.load %arg8[%swap3A, %swap3A_45, %swap3A_46] : memref<2x1000x128xf32, #tpu.memory_space<vmem>>, vector<1x1000x128xf32>
    %swap3A_48 = vector.shape_cast %swap3A_47 : vector<1x1000x128xf32> to vector<1000x128xf32>
    %swap3A_49 = vector.shape_cast %slice3A : vector<1000x128xf32> to vector<1x1000x128xf32>
    tpu.vector_store %arg8[%swap3A, %swap3A_45, %swap3A_46], %swap3A_49 {strides = array<i32>} : memref<2x1000x128xf32, #tpu.memory_space<vmem>>, vector<1x1000x128xf32>,
    %slice3A_50 = vector.extract_strided_slice %max3A_44 {offsets = [0, 128], sizes = [1000, 128], strides = [1, 1]} : vector<1000x256xf32> to vector<1000x128xf32>
    %swap3A_51 = arith.constant 1 : index
    %swap3A_52 = arith.constant 0 : index
    %swap3A_53 = arith.constant 0 : index
    %swap3A_54 = vector.load %arg8[%swap3A_51, %swap3A_52, %swap3A_53] : memref<2x1000x128xf32, #tpu.memory_space<vmem>>, vector<1x1000x128xf32>
    %swap3A_55 = vector.shape_cast %swap3A_54 : vector<1x1000x128xf32> to vector<1000x128xf32>
    %swap3A_56 = vector.shape_cast %slice3A_50 : vector<1000x128xf32> to vector<1x1000x128xf32>
    tpu.vector_store %arg8[%swap3A_51, %swap3A_52, %swap3A_53], %swap3A_56 {strides = array<i32>} : memref<2x1000x128xf32, #tpu.memory_space<vmem>>, vector<1x1000x128xf32>,
    %eq3A = arith.constant 0 : i32
    %eq3A_57 = arith.cmpi eq, %arg0, %eq3A : i32
    %convert_element_type3A_58 = arith.extui %eq3A_57 : i1 to i32
    %cond3A = arith.constant 0 : i32
    %cond3A_59 = arith.cmpi ne, %convert_element_type3A_58, %cond3A : i32
    scf.if %cond3A_59 {
      %broadcast_in_dim3A_68 = arith.constant 0.000000e+00 : f32
      %broadcast_in_dim3A_69 = vector.broadcast %broadcast_in_dim3A_68 : f32 to vector<1x256xf32>
      %swap3A_70 = arith.constant 0 : index
      %swap3A_71 = arith.constant 0 : index
      %swap3A_72 = vector.load %arg9[%swap3A_70, %swap3A_71] : memref<1x256xf32, #tpu.memory_space<vmem>>, vector<1x256xf32>
      tpu.vector_store %arg9[%swap3A_70, %swap3A_71], %broadcast_in_dim3A_69 {strides = array<i32>} : memref<1x256xf32, #tpu.memory_space<vmem>>, vector<1x256xf32>,
    } else {
    }
    %get3A_60 = arith.constant 0 : index
    %get3A_61 = arith.constant 0 : index
    %get3A_62 = vector.load %arg9[%get3A_60, %get3A_61] : memref<1x256xf32, #tpu.memory_space<vmem>>, vector<1x256xf32>
    %reduce_sum3A = arith.constant dense<0.000000e+00> : vector<256xf32>
    %reduce_sum3A_63 = vector.multi_reduction <add>, %max3A_44, %reduce_sum3A [0] : vector<1000x256xf32> to vector<256xf32>
    %broadcast_in_dim3A = vector.shape_cast %reduce_sum3A_63 : vector<256xf32> to vector<1x256xf32>
    %add3A_64 = arith.addf %get3A_62, %broadcast_in_dim3A : vector<1x256xf32>
    %swap3A_65 = arith.constant 0 : index
    %swap3A_66 = arith.constant 0 : index
    %swap3A_67 = vector.load %arg9[%swap3A_65, %swap3A_66] : memref<1x256xf32, #tpu.memory_space<vmem>>, vector<1x256xf32>
    tpu.vector_store %arg9[%swap3A_65, %swap3A_66], %add3A_64 {strides = array<i32>} : memref<1x256xf32, #tpu.memory_space<vmem>>, vector<1x256xf32>,
    return
  }
  func.func @transform_0(%arg0: i32) -> (i32, i32, i32) {
    %c0_i32 = arith.constant 0 : i32
    %c0_i32_0 = arith.constant 0 : i32
    %c0_i32_1 = arith.constant 0 : i32
    return %c0_i32, %arg0, %c0_i32_0 : i32, i32, i32
  }
  func.func @transform_1(%arg0: i32) -> (i32, i32) {
    %c0_i32 = arith.constant 0 : i32
    %c0_i32_0 = arith.constant 0 : i32
    %c0_i32_1 = arith.constant 0 : i32
    return %c0_i32, %c0_i32_0 : i32, i32
  }
  func.func @transform_2(%arg0: i32) -> (i32, i32) {
    %c0_i32 = arith.constant 0 : i32
    %c0_i32_0 = arith.constant 0 : i32
    %c0_i32_1 = arith.constant 0 : i32
    return %c0_i32, %c0_i32_0 : i32, i32
  }
  func.func @transform_3(%arg0: i32) -> (i32, i32) {
    %c0_i32 = arith.constant 0 : i32
    %c0_i32_0 = arith.constant 0 : i32
    %c0_i32_1 = arith.constant 0 : i32
    return %c0_i32, %c0_i32_0 : i32, i32
  }
  func.func @transform_4(%arg0: i32) -> (i32, i32) {
    %c0_i32 = arith.constant 0 : i32
    %c0_i32_0 = arith.constant 0 : i32
    %c0_i32_1 = arith.constant 0 : i32
    return %c0_i32, %c0_i32_0 : i32, i32
  }
  func.func @transform_5(%arg0: i32) -> (i32, i32) {
    %c0_i32 = arith.constant 0 : i32
    %c0_i32_0 = arith.constant 0 : i32
    %c0_i32_1 = arith.constant 0 : i32
    return %c0_i32, %c0_i32_0 : i32, i32
  }
  func.func @transform_6(%arg0: i32) -> (i32, i32) {
    %c0_i32 = arith.constant 0 : i32
    %c0_i32_0 = arith.constant 0 : i32
    %c0_i32_1 = arith.constant 0 : i32
    return %c0_i32, %c0_i32_0 : i32, i32
  }
  func.func @transform_7(%arg0: i32) -> (i32, i32, i32) {
    %c0_i32 = arith.constant 0 : i32
    %c0_i32_0 = arith.constant 0 : i32
    %c0_i32_1 = arith.constant 0 : i32
    return %c0_i32, %arg0, %c0_i32_0 : i32, i32, i32
  }
  func.func @transform_8(%arg0: i32) -> (i32, i32) {
    %c0_i32 = arith.constant 0 : i32
    %c0_i32_0 = arith.constant 0 : i32
    %c0_i32_1 = arith.constant 0 : i32
    return %c0_i32, %c0_i32_0 : i32, i32
  }
}

module attributes {stable_mosaic.version = 14 : i64} {
  func.func @body(%arg0: memref<1x1024xf32, #tpu.memory_space<vmem>>, %arg1: memref<1024x128xf32, #tpu.memory_space<vmem>>, %arg2: memref<4x128xf32, #tpu.memory_space<vmem>>, %arg3: memref<1x128xf32, #tpu.memory_space<vmem>>) attributes {dimension_semantics = [], scalar_prefetch = 0 : i64, scratch_operands = 0 : i64, tpu.core_type = #tpu.core_type<tc>} {
    %get3A = arith.constant 0 : index
    %get3A_0 = arith.constant 0 : index
    %get3A_1 = vector.load %arg0[%get3A, %get3A_0] : memref<1x1024xf32, #tpu.memory_space<vmem>>, vector<1x1024xf32>
    %get3A_2 = arith.constant 0 : index
    %get3A_3 = arith.constant 0 : index
    %get3A_4 = vector.load %arg1[%get3A_2, %get3A_3] : memref<1024x128xf32, #tpu.memory_space<vmem>>, vector<1024x128xf32>
    %dot_general3A = arith.constant dense<0.000000e+00> : vector<1x128xf32>
    %dot_general3A_5 = tpu.matmul %get3A_1, %get3A_4, %dot_general3A {dimension_numbers = #tpu.dot_dimension_numbers<[1], [0], [0], [1], [0, 0, 1, 1], [], []>, precision = #tpu.contract_precision<fp32>, transpose_lhs_hint = false} : vector<1x1024xf32>, vector<1024x128xf32>, vector<1x128xf32> -> vector<1x128xf32>
    %get3A_6 = arith.constant 0 : index
    %get3A_7 = arith.constant 0 : index
    %get3A_8 = vector.load %arg2[%get3A_6, %get3A_7] : memref<4x128xf32, #tpu.memory_space<vmem>>, vector<4x128xf32>
    %reduce_sum3A = arith.constant dense<0.000000e+00> : vector<128xf32>
    %reduce_sum3A_9 = vector.multi_reduction <add>, %get3A_8, %reduce_sum3A [0] : vector<4x128xf32> to vector<128xf32>
    %broadcast_in_dim3A = vector.shape_cast %reduce_sum3A_9 : vector<128xf32> to vector<1x128xf32>
    %add3A = arith.addf %dot_general3A_5, %broadcast_in_dim3A : vector<1x128xf32>
    %swap3A = arith.constant 0 : index
    %swap3A_10 = arith.constant 0 : index
    %swap3A_11 = vector.load %arg3[%swap3A, %swap3A_10] : memref<1x128xf32, #tpu.memory_space<vmem>>, vector<1x128xf32>
    tpu.vector_store %arg3[%swap3A, %swap3A_10], %add3A {strides = array<i32>} : memref<1x128xf32, #tpu.memory_space<vmem>>, vector<1x128xf32>,
    return
  }
}

</mosaic_0001>

<sc_bundles>
// kernel: kernel.10.cloned.1.call-start
scs
__scs_entry_jumppad:
0x0: {  	(pc) =	sbr.rel $0x88, $3  }
0x1: {  	(tag) =	ssettag $0x0;
	lr =	simm.s32 $0x1  }
0x2: {  	[smem:$0x3F93] =	sst lr;
	_ =	strace $0xD0000000  }
0x3: {  	_ = 	snop  }
0x4: {  	_ = 	snop  }
0x5: {  	_ = 	snop  }
0x6: {  	_ = 	snop  }
0x7: {  	_ = 	snop  }
__scs_overlays_trampoline_lowered:
0x8: {  	[smem:$0x3FA2] =	sst s0  }
0x9: {  	[smem:$0x3FA3] =	sst s1  }
0xa: {  	[smem:$0x3FA4] =	sst s2  }
0xb: {  	[smem:$0x3FA5] =	sst s3  }
0xc: {  	[smem:$0x3FA6] =	sst s4  }
0xd: {  	[smem:$0x3FA7] =	sst s5  }
0xe: {  	[smem:$0x3FA8] =	sst s6  }
0xf: {  	[smem:$0x3FA9] =	sst s7  }
0x10: {  	[smem:$0x3FAA] =	sst s8  }
0x11: {  	[smem:$0x3FAB] =	sst s9;
	s0 =	simm.s32 @!p0 $0x0  }
0x12: {  	s1 =	sld [smem:$0x3F91];
	s0 =	simm.s32 @p0 $0x1  }
0x13: {  	[smem:$0x3FAC] =	sst s0;
	s0 =	simm.s32 @!p1 $0x0  }
0x14: {  	s2 =	sld [smem:$0x3F90];
	s0 =	simm.s32 @p1 $0x1  }
0x15: {  	[smem:$0x3FAD] =	sst s0;
	s0 =	simm.s32 @!p2 $0x0  }
0x16: {  	s3 =	sld [smem:$0x3FDB];
	s0 =	simm.s32 @p2 $0x1  }
0x17: {  	s4 =	simm.s32 $0x1BF5;
	[smem:$0x3FAF] =	sst s0  }
0x18: {  	s0 =	sld [smem:$0x3F92];
	_ =	swait.ge [sflag:s4], $0x0  }
0x19: {  	s7 =	sld [smem:$0x3F93]  }
0x1a: {  	s8 =	sadd.s32 $0xFFFFE003, lr  }
0x1b: {  	s9 =	sadd.s32 $0xFFFFFEF7, lr;
	s5 =	simm.s32 $0xFFFFFFFF;
	p2 =	slt.u32 s8, $0xFFFFF086  }
0x1c: {  	p1 =	slt.u32 s9, $0xF7A;
	s5 =	simm.s32 @!p2 $0x0  }
0x1d: {  	s5 =	simm.s32 @p1 $0x1;
	p0 =	seq.s32 s7, s2  }
0x1e: {  	s7 =	smul.u32 @!p0 $0xF7A, s2;
	p2 =	seq.s32 @!p0 s5, $0x0  }
0x1f: {  	s9 =	smul.u32 $0xF7A, s1;
	s8 =	simm.s32 @!p0 $0x1BF5;
	p2 =	por !p2, p0  }
0x20: {  	[sflag:s8] =	ssyncset.s32 @!p0 $0xFFFFF086;
	s6 =	sadd.s32 @!p0 s3, s7;
	s7 =	simm.s32 @!p0 $0x108  }
0x21: {  	s3 =	sadd.s32 s3, s9;
	s6 =	sadd.s32 @!p0 $0x88, s6;
	s7 =	simm.s32 @p2 $0x1082  }
0x22: {  	[simem:s7], [sflag:s8] =	dma.local @!p0 [hbm:s6], $0xF7A  }
0x23: {  	s9 =	sor.u32 $0xD0000000, s2;
	s6 =	simm.s32 $0x108;
	_ =	swait.ge @!p0 [sflag:s8], $0x0  }
0x24: {  	s3 =	sadd.s32 $0x88, s3;
	s6 =	simm.s32 @!p1 $0x1082;
	[sflag:s4] =	ssyncset.s32 $0xFFFFF086  }
0x25: {  	[simem:s6], [sflag:s4] =	dma.local [hbm:s3], $0xF7A  }
0x26: {  	[smem:$0x3F93] =	sst s1;
	(tag) =	ssettag s2;
	_ =	strace s9  }
0x27: {  	s1 =	sld [smem:$0x3FA3]  }
0x28: {  	s2 =	sld [smem:$0x3FA4]  }
0x29: {  	s4 =	sld [smem:$0x3FA6]  }
0x2a: {  	p0 =	seq.s32 s5, $0x0;
	s5 =	sld [smem:$0x3FA7]  }
0x2b: {  	s6 =	sld [smem:$0x3FA8]  }
0x2c: {  	s7 =	sld [smem:$0x3FA9]  }
0x2d: {  	s3 =	simm.s32 $0x108;
	s8 =	sld [smem:$0x3FAA]  }
0x2e: {  	s3 =	simm.s32 @!p0 $0x1082;
	s9 =	sld [smem:$0x3FAB]  }
0x2f: {  	lr =	sadd.s32 s0, s3;
	s0 =	sld [smem:$0x3FA2]  }
0x30: {  	s3 =	sld [smem:$0x3FA5]  }
0x31: {  	[smem:$0x3FAE] =	sst s10  }
0x32: {  	s10 =	sld [smem:$0x3FAC];
	_ =	sdelay $0x3  }
0x33: {  	p0 =	seq.s32 s10, $0x1;
	s10 =	sld [smem:$0x3FAE];
	_ =	sdelay $0x3  }
0x34: {  	[smem:$0x3FAE] =	sst s10  }
0x35: {  	s10 =	sld [smem:$0x3FAD];
	_ =	sdelay $0x3  }
0x36: {  	p1 =	seq.s32 s10, $0x1;
	s10 =	sld [smem:$0x3FAE];
	_ =	sdelay $0x3  }
0x37: {  	[smem:$0x3FAE] =	sst s10  }
0x38: {  	s10 =	sld [smem:$0x3FAF]  }
0x39: {  	_ = 	snop;
	(pc) =	sbr.ind lr, $3  }
0x3a: {  	_ = 	snop  }
0x3b: {  	_ = 	snop  }
0x3c: {  	p2 =	seq.s32 s10, $0x1;
	s10 =	sld [smem:$0x3FAE]  }
0x3d: {  	_ =	shalt  }
0x3e: {  	_ =	shalt  }
0x3f: {  	_ =	shalt  }
0x40: {  	_ =	shalt  }
0x41: {  	_ =	shalt  }
0x42: {  	_ =	shalt  }
0x43: {  	_ =	shalt  }
0x44: {  	_ =	shalt  }
0x45: {  	_ =	shalt  }
0x46: {  	_ =	shalt  }
0x47: {  	_ =	shalt  }
0x48: {  	_ =	shalt  }
0x49: {  	_ =	shalt  }
0x4a: {  	_ =	shalt  }
0x4b: {  	_ =	shalt  }
0x4c: {  	_ =	shalt  }
0x4d: {  	_ =	shalt  }
0x4e: {  	_ =	shalt  }
0x4f: {  	_ =	shalt  }
0x50: {  	_ =	shalt  }
0x51: {  	_ =	shalt  }
0x52: {  	_ =	shalt  }
0x53: {  	_ =	shalt  }
0x54: {  	_ =	shalt  }
0x55: {  	_ =	shalt  }
0x56: {  	_ =	shalt  }
0x57: {  	_ =	shalt  }
0x58: {  	_ =	shalt  }
0x59: {  	_ =	shalt  }
0x5a: {  	_ =	shalt  }
0x5b: {  	_ =	shalt  }
0x5c: {  	_ =	shalt  }
0x5d: {  	_ =	shalt  }
0x5e: {  	_ =	shalt  }
0x5f: {  	_ =	shalt  }
0x60: {  	_ =	shalt  }
0x61: {  	_ =	shalt  }
0x62: {  	_ =	shalt  }
0x63: {  	_ =	shalt  }
0x64: {  	_ =	shalt  }
0x65: {  	_ =	shalt  }
0x66: {  	_ =	shalt  }
0x67: {  	_ =	shalt  }
0x68: {  	_ =	shalt  }
0x69: {  	_ =	shalt  }
0x6a: {  	_ =	shalt  }
0x6b: {  	_ =	shalt  }
0x6c: {  	_ =	shalt  }
0x6d: {  	_ =	shalt  }
0x6e: {  	_ =	shalt  }
0x6f: {  	_ =	shalt  }
0x70: {  	_ =	shalt  }
0x71: {  	_ =	shalt  }
0x72: {  	_ =	shalt  }
0x73: {  	_ =	shalt  }
0x74: {  	_ =	shalt  }
0x75: {  	_ =	shalt  }
0x76: {  	_ =	shalt  }
0x77: {  	_ =	shalt  }
0x78: {  	_ =	shalt  }
0x79: {  	_ =	shalt  }
0x7a: {  	_ =	shalt  }
0x7b: {  	_ =	shalt  }
0x7c: {  	_ =	shalt  }
0x7d: {  	_ =	shalt  }
0x7e: {  	_ =	shalt  }
0x7f: {  	_ =	shalt  }
0x80: {  	_ =	shalt  }
0x81: {  	_ =	shalt  }
0x82: {  	_ =	shalt  }
0x83: {  	_ =	shalt  }
0x84: {  	_ =	shalt  }
0x85: {  	_ =	shalt  }
0x86: {  	_ =	shalt  }
0x87: {  	_ =	shalt  }
.Lfunc_end0:
.L_simem_size_0:
called_computation_lowered:
.L_overlay_start_0:
0x88: {  	s2 =	sld [smem:$0x3FD9]  }
0x89: {  	s3 =	sld [smem:$0x3FFE];
	_ =	sdelay $0x1  }
0x8a: {  	s1 =	srdreg.scid  }
0x8b: {  	s0 =	sand.u32 $0x1, s1  }
0x8c: {  	s16 =	sshll.u32 s0, $0xA;
	s2 =	sadd.s32 s3, s2  }
0x8d: {  	s2 =	sadd.s32 s2, s16  }
0x8e: {  	[smem:$0x3FBA] =	sst s2  }
0x8f: {  	_ = 	snop  }
0x90: {  	(tm) =	ssettm $0x1  }
0x91: {  	s17 =	sld [smem:$0x3FFB];
	_ =	sdelay $0x3  }
0x92: {  	_ =	strace s17  }
0x93: {  	s2 =	sld [smem:$0x3FFC];
	_ =	sdelay $0x3  }
0x94: {  	_ =	strace s2  }
0x95: {  	s2 =	sld [smem:$0x3FFD];
	_ =	sdelay $0x3  }
0x96: {  	_ =	strace s2  }
0x97: {  	_ =	strace $0x8FFFFFFF  }
0x98: {  	s18 =	sld [smem:$0x3FDB];
	_ =	sdelay $0x1  }
0x99: {  	s19 =	simm.s32 $_scs_section_size  }
0x9a: {  	s4 =	simm.s32 $_size__tile_overlayer_lowered;
	s5 =	simm.s32 $_tile_overlayer_lowered  }
0x9b: {  	s22 =	simm.s32 $0x1BFF;
	s21 =	sshll.u32 s5, $0x1;
	s2 =	sadd.s32 s19, s18  }
0x9c: {  	s6 =	simm.s32 $0x0;
	s20 =	sshll.u32 s4, $0x1;
	s4 =	sadd.s32 s21, s2  }
0x9d: {  	[timem:s6], [sflag:s22] =	dma.local [hbm:s4], s20  }
0x9e: {  	_ =	swait.ge [sflag:s22], s20  }
0x9f: {  	s3 =	ssub.s32 $0x0, s20;
	[sflag:s22] =	ssyncset.done $0x0  }
0xa0: {  	[sflag:s22] =	ssyncadd.s32 s3;
	_ =	sdelay $0x1  }
0xa1: {  	s23 =	simm.s32 $0x1B8B  }
0xa2: {  	_ =	swait.ge [sflag:s23], $0x1  }
0xa3: {  	[sflag:s23] =	ssyncset.done $0x0  }
0xa4: {  	s25 =	simm.s32 $0x1B8E;
	s24 =	sld [smem:$0x3FFE];
	[sflag:s23] =	ssyncadd.s32 $0xFFFFFFFF  }
0xa5: {  	s26 =	simm.s32 $execute0_lowered;
	[smem:$0x3FD2] =	sst s25  }
0xa6: {  	s4 =	sshll.u32 s26, $0x1;
	_ =	strace $0x80000046;
	[dreg:$0x1] =	wrdreg $0xFFFFFFFF  }
0xa7: {  	s28 =	simm.s32 $_size_execute0_lowered;
	s2 =	sadd.s32 s2, s4;
	[dreg:$0x0] =	wrdreg $0x0  }
0xa8: {  	s4 =	sshll.u32 s28, $0x1;
	[dreg:$0x2] =	wrdreg s2  }
0xa9: {  	[dreg:$0x3] =	wrdreg s4  }
0xaa: {  	[dreg:$0x4] =	wrdreg $0xC0  }
0xab: {  	_ =	task [dreg:s6], $0x5FFFF  }
0xac: {  	[dreg:$0x1] =	wrdreg $0xFFFFFFFF  }
0xad: {  	[dreg:$0x0] =	wrdreg $0x60  }
0xae: {  	[dreg:$0x2] =	wrdreg s24  }
0xaf: {  	[dreg:$0x3] =	wrdreg $0x0  }
0xb0: {  	[dreg:$0x4] =	wrdreg $0x9  }
0xb1: {  	_ =	task.clear_ibuf [dreg:s6], $0x5FFFF;
	_ =	strace $0x90000046  }
0xb2: {  	s29 =	simm.s32 $0x9;
	_ =	strace $0x80000048  }
0xb3: {  	_ =	swait.ge [sflag:s29], $0x1  }
0xb4: {  	[sflag:s29] =	ssyncadd.s32 $0xFFFFFFFF  }
0xb5: {  	_ =	strace $0x90000048  }
0xb6: {  	_ =	sfence  }
0xb7: {  	s30 =	sld [smem:$0x0];
	_ =	sdelay $0x2  }
0xb8: {  	s31 =	sshll.u32 s1, $0xD;
	s1 =	sshrl.u32 s1, $0x2  }
0xb9: {  	s3 =	sand.u32 $0x4000, s31;
	s1 =	sadd.s32 s1, s30  }
0xba: {  	s0 =	sor.u32 s3, s0;
	s1 =	sshll.u32 s1, $0x11  }
0xbb: {  	s0 =	sor.u32 s1, s0  }
0xbc: {  	s0 =	sadd.s32 $0x8F2B, s0  }
0xbd: {  	[sflag:s0] =	ssyncadd.remote.s32 $0x1  }
0xbe: {  	_ =	sfence.sel $0xFFFF  }
0xbf: {  	[dreg:$0x0] =	wrdreg $0xFFFFFFFF;
	(pc) =	sbr.abs _section_cstart, $3  }
0xc0: {  	[dreg:$0x1] =	wrdreg $0xFFFFFFFF  }
0xc1: {  	_ =	task.clear_ibuf [dreg:s6], $0x2FFFF;
	_ =	strace $0x9FFFFFFF  }
0xc2: {  	(tm) =	ssettm $0x7FFFFFFF  }
0xc3: {  	_ =	shalt  }
tec
execute0_lowered:
.L_overlay_start_1:
0x0: {  	(tag) =	ssettag $0x1  }
0x1: {  	s0 =	rddreg [dreg:$0x0]  }
0x2: {  	s13 =	stileid.u32;
	s2 =	rddreg [dreg:$0x1];
	s5 =	simm.s32 $0x0  }
0x3: {  	s4 =	srdreg.scid;
	s18 =	simm.s32 $0x60;
	s19 =	simm.s32 $0x16080  }
0x4: {  	s20 =	simm.s32 $0x16380;
	s21 =	simm.s32 $0x16180;
	s22 =	simm.s32 $0x19380  }
0x5: {  	s28 =	simm.s32 $0x2;
	s29 =	simm.s32 $0x16200;
	s30 =	simm.s32 $0x4  }
0x6: {  	s31 =	simm.s32 $0x3;
	s15 =	simm.s32 $0x0;
	s1 =	sshrl.u32 s13, $0x3  }
0x7: {  	s3 =	sshll.u32 s13, $0x7;
	[smem:$0x7FF] =	sst s5;
	s6 =	smul.u32 $0x4E000, s13  }
0x8: {  	s16 =	sand.u32 $0x1, s4;
	s4 =	sadd.s32 $0x4200, s0;
	s8 =	smul.u32 $0x270, s13  }
0x9: {  	s25 =	sshll.u32 s13, $0x6;
	s14 =	sadd.s32 $0x138000, s2;
	p0 =	sne.s32 s13, $0xF  }
0xa: {  	s13 =	simm.s32 $0x7;
	s1 =	smul.u32 $0x13C00, s1;
	s3 =	sand.u32 $0x380, s3  }
0xb: {  	_ =	strace $0x80000047;
	s17 =	smul.u32 $0x2710, s16;
	s7 =	ssub.s32 $0x2, s16  }
0xc: {  	s14 =	sshrl.u32 @!p0 s14, $0x3;
	s9 =	sshrl.u32 s7, $0x1;
	s6 =	sshrl.u32 s6, $0x2  }
0xd: {  	s1 =	sor.u32 s3, s1;
	s3 =	smul.u32 $0x138800, s16;
	s11 =	ssub.s32 s7, s9  }
0xe: {  	s12 =	sadd.s32 s6, s2;
	s23 =	sadd.s32 s8, s17;
	s6 =	sor.u32 $0x1C07, s25  }
0xf: {  	s25 =	simm.s32 $0x16280;
	s1 =	sshrl.u32 s1, $0x3;
	s24 =	sshll.u32 s23, $0x4  }
0x10: {  	s11 =	smax.u32 s11, $0x1;
	s12 =	sshrl.u32 s12, $0x3;
	s23 =	simm.s32 $0x1  }
0x11: {  	s1 =	sadd.s32 s1, s0;
	s3 =	sshrl.u32 s3, $0x3;
	s26 =	sadd.s32 s4, s24  }
0x12: {  	s0 =	sadd.s32 $0x57400, s0;
	[dreg:$0x3] =	wrdreg s26;
	s3 =	sadd.s32 $0x27000, s3  }
0x13: {  	s8 =	sadd.s32 $0x52400, s1;
	s9 =	sadd.s32 s0, s24;
	s24 =	simm.s32 $0x16100  }
0x14: {  	s26 =	simm.s32 $0x1C380;
	s1 =	simm.s32 $0x16300;
	s7 =	sadd.s32 s4, s3  }
0x15: {  	v0 =	vmov s17;
	s10 =	sadd.s32 s0, s3;
	s0 =	simm.s32 $0x5;
	s3 =	simm.s32 $0x6  }
.LBB2_1:
0x16: {  	s5 =	rddreg [dreg:$0x3]  }
0x17: {  	[spmem:s12], [sflag:s6] =	dma.local [hbm:s5], $0x2700  }
0x18: {  	_ =	swait.ge [sflag:s13], $0x2700  }
0x19: {  	[sflag:s13] =	ssyncset.done $0x0  }
0x1a: {  	s5 =	simm.s32 @!p0 $0x7;
	[sflag:s13] =	ssyncadd.s32 $0xFFFFD900  }
0x1b: {  	[spmem:s14], [sflag:s6] =	dma.local @!p0 [hbm:s7], $0x100  }
0x1c: {  	_ =	swait.ge @!p0 [sflag:s5], $0x100  }
0x1d: {  	s16 =	simm.s32 $0x400;
	[sflag:s5] =	ssyncset.done @!p0 $0x0  }
0x1e: {  	s17 =	simm.s32 $0x13900;
	[sflag:s5] =	ssyncadd.s32 @!p0 $0xFFFFFF00;
	s5 =	simm.s32 $0x80  }
0x1f: {  	[tilespmem:s17], [sflag:$0x7] =	stream.strided.gather [hbm4b:s8+s5], $0x2780, s16, s5, $0x38;
	[tilespmem:$0x1F380] =	vst v63  }
0x20: {  	_ =	swait.ge [sflag:s13], $0x2780  }
0x21: {  	[sflag:s13] =	ssyncset.done $0x0  }
0x22: {  	[sflag:s13] =	ssyncadd.s32 $0xFFFFD880  }
0x23: {  	[bflag:$0x0] =	sbarrier.arrive $0xFFFF  }
0x24: {  	v1 =	vld [tilespmem:$0x13900]  }
0x25: {  	v2 =	vld [tilespmem:$0x13910];
	_ =	sdelay $0x1  }
0x26: {  	v3 =	vld [tilespmem:$0x13920];
	_ =	sdelay $0x1  }
0x27: {  	v5 =	vld [tilespmem:$0x13930];
	v4 =	vshra.s32 v1, $0xE;
	v1 =	vand.u32 $0x3FFF, v1  }
0x28: {  	v54 =	vshra.s32 v2, $0xE;
	v4 =	vadd.s32 v0, v4;
	[tilespmem:$0x16100] =	vst v1  }
0x29: {  	v55 =	vld [tilespmem:$0x13940];
	v1 =	vadd.s32 v0, v54;
	[tilespmem:$0x16080] =	vst v4  }
0x2a: {  	[tilespmem:$0x16090] =	vst v1;
	v1 =	vand.u32 $0x3FFF, v2;
	v2 =	vshra.s32 v3, $0xE  }
0x2b: {  	[tilespmem:$0x16110] =	vst v1;
	v1 =	vadd.s32 v0, v2;
	v2 =	vld [tilespmem:$0x13950]  }
0x2c: {  	[tilespmem:$0x160A0] =	vst v1;
	v1 =	vand.u32 $0x3FFF, v3;
	v3 =	vshra.s32 v5, $0xE  }
0x2d: {  	[tilespmem:$0x16120] =	vst v1;
	v1 =	vadd.s32 v0, v3  }
0x2e: {  	v3 =	vshra.s32 v55, $0xE;
	[tilespmem:$0x160B0] =	vst v1;
	v1 =	vand.u32 $0x3FFF, v5  }
0x2f: {  	[tilespmem:$0x16130] =	vst v1;
	v1 =	vadd.s32 v0, v3  }
0x30: {  	[tilespmem:$0x160C0] =	vst v1;
	v1 =	vand.u32 $0x3FFF, v55;
	v3 =	vshra.s32 v2, $0xE  }
0x31: {  	[tilespmem:$0x16140] =	vst v1;
	v1 =	vadd.s32 v0, v3  }
0x32: {  	[tilespmem:$0x160D0] =	vst v1;
	v1 =	vand.u32 $0x3FFF, v2  }
0x33: {  	[tilespmem:$0x16150] =	vst v1  }
0x34: {  	[tilespmem:s20], [sflag:$0x1] =	stream.indirect.gather [hbm4b:s4+s18], $0x80, s19, s18, $0xb8;
	[tilespmem:$0x1F380] =	vst v63  }
0x35: {  	v1 =	vld [tilespmem:$0x13960]  }
0x36: {  	v2 =	vld [tilespmem:$0x13970];
	_ =	sdelay $0x1  }
0x37: {  	v3 =	vld [tilespmem:$0x13980];
	_ =	sdelay $0x1  }
0x38: {  	v57 =	vld [tilespmem:$0x13990];
	v56 =	vshra.s32 v1, $0xE;
	v1 =	vand.u32 $0x3FFF, v1  }
0x39: {  	v58 =	vshra.s32 v2, $0xE;
	v4 =	vadd.s32 v0, v56;
	[tilespmem:$0x16200] =	vst v1  }
0x3a: {  	v59 =	vld [tilespmem:$0x139A0];
	v1 =	vadd.s32 v0, v58;
	[tilespmem:$0x16180] =	vst v4  }
0x3b: {  	[tilespmem:$0x16190] =	vst v1;
	v1 =	vand.u32 $0x3FFF, v2;
	v2 =	vshra.s32 v3, $0xE  }
0x3c: {  	[tilespmem:$0x16210] =	vst v1;
	v1 =	vadd.s32 v0, v2;
	v2 =	vld [tilespmem:$0x139B0]  }
0x3d: {  	[tilespmem:$0x161A0] =	vst v1;
	v1 =	vand.u32 $0x3FFF, v3;
	v3 =	vshra.s32 v57, $0xE  }
0x3e: {  	[tilespmem:$0x16220] =	vst v1;
	v1 =	vadd.s32 v0, v3  }
0x3f: {  	v3 =	vshra.s32 v59, $0xE;
	[tilespmem:$0x161B0] =	vst v1;
	v1 =	vand.u32 $0x3FFF, v57  }
0x40: {  	[tilespmem:$0x16230] =	vst v1;
	v1 =	vadd.s32 v0, v3  }
0x41: {  	[tilespmem:$0x161C0] =	vst v1;
	v1 =	vand.u32 $0x3FFF, v59;
	v3 =	vshra.s32 v2, $0xE  }
0x42: {  	[tilespmem:$0x16240] =	vst v1;
	v1 =	vadd.s32 v0, v3  }
0x43: {  	[tilespmem:$0x161D0] =	vst v1;
	v1 =	vand.u32 $0x3FFF, v2  }
0x44: {  	[tilespmem:$0x16250] =	vst v1  }
0x45: {  	[tilespmem:s22], [sflag:$0x2] =	stream.indirect.gather [hbm4b:s4+s18], $0x80, s21, s18, $0xb8;
	[tilespmem:$0x1F380] =	vst v63  }
0x46: {  	_ =	swait.ge [sflag:s23], $0x3000  }
0x47: {  	[sflag:s23] =	ssyncset.done $0x0  }
0x48: {  	[sflag:s23] =	ssyncadd.s32 $0xFFFFD000  }
0x49: {  	[spmem:s2] =	stream.indirect.scatter.add.f32 [tilespmem:s20], [sflag:$0x4], $0x80, s24, s18, $0xb8;
	[tilespmem:$0x1F380] =	vst v63  }
0x4a: {  	v1 =	vld [tilespmem:$0x139C0]  }
0x4b: {  	v2 =	vld [tilespmem:$0x139D0];
	_ =	sdelay $0x1  }
0x4c: {  	v3 =	vld [tilespmem:$0x139E0];
	_ =	sdelay $0x1  }
0x4d: {  	v61 =	vld [tilespmem:$0x139F0];
	v60 =	vshra.s32 v1, $0xE;
	v1 =	vand.u32 $0x3FFF, v1  }
0x4e: {  	v62 =	vshra.s32 v2, $0xE;
	v4 =	vadd.s32 v0, v60;
	[tilespmem:$0x16300] =	vst v1  }
0x4f: {  	v63 =	vld [tilespmem:$0x13A00];
	v1 =	vadd.s32 v0, v62;
	[tilespmem:$0x16280] =	vst v4  }
0x50: {  	[tilespmem:$0x16290] =	vst v1;
	v1 =	vand.u32 $0x3FFF, v2;
	v2 =	vshra.s32 v3, $0xE  }
0x51: {  	[tilespmem:$0x16310] =	vst v1;
	v1 =	vadd.s32 v0, v2;
	v2 =	vld [tilespmem:$0x13A10]  }
0x52: {  	[tilespmem:$0x162A0] =	vst v1;
	v1 =	vand.u32 $0x3FFF, v3;
	v3 =	vshra.s32 v61, $0xE  }
0x53: {  	[tilespmem:$0x16320] =	vst v1;
	v1 =	vadd.s32 v0, v3  }
0x54: {  	v3 =	vshra.s32 v63, $0xE;
	[tilespmem:$0x162B0] =	vst v1;
	v1 =	vand.u32 $0x3FFF, v61  }
0x55: {  	[tilespmem:$0x16330] =	vst v1;
	v1 =	vadd.s32 v0, v3  }
0x56: {  	[tilespmem:$0x162C0] =	vst v1;
	v1 =	vand.u32 $0x3FFF, v63;
	v3 =	vshra.s32 v2, $0xE  }
0x57: {  	[tilespmem:$0x16340] =	vst v1;
	v1 =	vadd.s32 v0, v3  }
0x58: {  	[tilespmem:$0x162D0] =	vst v1;
	v1 =	vand.u32 $0x3FFF, v2  }
0x59: {  	[tilespmem:$0x16350] =	vst v1  }
0x5a: {  	[tilespmem:s26], [sflag:$0x3] =	stream.indirect.gather [hbm4b:s4+s18], $0x80, s25, s18, $0xb8;
	[tilespmem:$0x1F380] =	vst v63  }
0x5b: {  	_ =	swait.ge [sflag:s28], $0x3000  }
0x5c: {  	[sflag:s28] =	ssyncset.done $0x0  }
0x5d: {  	[sflag:s28] =	ssyncadd.s32 $0xFFFFD000  }
0x5e: {  	[spmem:s2] =	stream.indirect.scatter.add.f32 [tilespmem:s22], [sflag:$0x5], $0x80, s29, s18, $0xb8;
	[tilespmem:$0x1F380] =	vst v63  }
0x5f: {  	_ =	swait.ge [sflag:s30], $0x3000  }
0x60: {  	[sflag:s30] =	ssyncset.done $0x0  }
0x61: {  	s5 =	simm.s32 $0x13B30;
	[sflag:s30] =	ssyncadd.s32 $0xFFFFD000  }
0x62: {  	v1 =	vld [tilespmem:s5+$0xFFFFFEF0];
	_ =	sdelay $0x4  }
0x63: {  	v2 =	vshra.s32 v1, $0xE;
	v1 =	vand.u32 $0x3FFF, v1  }
0x64: {  	v2 =	vadd.s32 v0, v2;
	[tilespmem:$0x16100] =	vst v1  }
0x65: {  	[tilespmem:$0x16080] =	vst v2  }
0x66: {  	v1 =	vld [tilespmem:s5+$0xFFFFFF00];
	_ =	sdelay $0x4  }
0x67: {  	v2 =	vshra.s32 v1, $0xE;
	v1 =	vand.u32 $0x3FFF, v1  }
0x68: {  	v2 =	vadd.s32 v0, v2;
	[tilespmem:$0x16110] =	vst v1  }
0x69: {  	[tilespmem:$0x16090] =	vst v2  }
0x6a: {  	v1 =	vld [tilespmem:s5+$0xFFFFFF10];
	_ =	sdelay $0x4  }
0x6b: {  	v2 =	vshra.s32 v1, $0xE;
	v1 =	vand.u32 $0x3FFF, v1  }
0x6c: {  	v2 =	vadd.s32 v0, v2;
	[tilespmem:$0x16120] =	vst v1  }
0x6d: {  	[tilespmem:$0x160A0] =	vst v2  }
0x6e: {  	v1 =	vld [tilespmem:s5+$0xFFFFFF20];
	_ =	sdelay $0x4  }
0x6f: {  	v2 =	vshra.s32 v1, $0xE;
	v1 =	vand.u32 $0x3FFF, v1  }
0x70: {  	v2 =	vadd.s32 v0, v2;
	[tilespmem:$0x16130] =	vst v1  }
0x71: {  	[tilespmem:$0x160B0] =	vst v2  }
0x72: {  	v1 =	vld [tilespmem:s5+$0xFFFFFF30];
	_ =	sdelay $0x4  }
0x73: {  	v2 =	vshra.s32 v1, $0xE;
	v1 =	vand.u32 $0x3FFF, v1  }
0x74: {  	v2 =	vadd.s32 v0, v2;
	[tilespmem:$0x16140] =	vst v1  }
0x75: {  	[tilespmem:$0x160C0] =	vst v2  }
0x76: {  	v1 =	vld [tilespmem:s5+$0xFFFFFF40];
	_ =	sdelay $0x4  }
0x77: {  	v2 =	vshra.s32 v1, $0xE;
	v1 =	vand.u32 $0x3FFF, v1  }
0x78: {  	v2 =	vadd.s32 v0, v2;
	[tilespmem:$0x16150] =	vst v1  }
0x79: {  	[tilespmem:$0x160D0] =	vst v2  }
0x7a: {  	[tilespmem:s20], [sflag:$0x1] =	stream.indirect.gather [hbm4b:s4+s18], $0x80, s19, s18, $0xb8;
	[tilespmem:$0x1F380] =	vst v63  }
0x7b: {  	_ =	swait.ge [sflag:s31], $0x3000  }
0x7c: {  	[sflag:s31] =	ssyncset.done $0x0  }
0x7d: {  	[sflag:s31] =	ssyncadd.s32 $0xFFFFD000  }
0x7e: {  	[spmem:s2] =	stream.indirect.scatter.add.f32 [tilespmem:s26], [sflag:$0x6], $0x80, s1, s18, $0xb8;
	[tilespmem:$0x1F380] =	vst v63  }
0x7f: {  	_ =	swait.ge [sflag:s0], $0x3000  }
0x80: {  	s17 =	simm.s32 $0x0;
	[sflag:s0] =	ssyncset.done $0x0  }
0x81: {  	s16 =	sand.u32 $0x7FE0, s17;
	[sflag:s0] =	ssyncadd.s32 $0xFFFFD000  }
0x82: {  	v1 =	vld [tilespmem:s16+$0x13A80];
	_ =	sdelay $0x4  }
0x83: {  	v2 =	vshra.s32 v1, $0xE;
	v1 =	vand.u32 $0x3FFF, v1  }
0x84: {  	v2 =	vadd.s32 v0, v2;
	[tilespmem:$0x16200] =	vst v1  }
0x85: {  	[tilespmem:$0x16180] =	vst v2  }
0x86: {  	v1 =	vld [tilespmem:s5+$0xFFFFFF60];
	_ =	sdelay $0x4  }
0x87: {  	v2 =	vshra.s32 v1, $0xE;
	v1 =	vand.u32 $0x3FFF, v1  }
0x88: {  	v2 =	vadd.s32 v0, v2;
	[tilespmem:$0x16210] =	vst v1  }
0x89: {  	[tilespmem:$0x16190] =	vst v2  }
0x8a: {  	v1 =	vld [tilespmem:s5+$0xFFFFFF70];
	_ =	sdelay $0x4  }
0x8b: {  	v2 =	vshra.s32 v1, $0xE;
	v1 =	vand.u32 $0x3FFF, v1  }
0x8c: {  	v2 =	vadd.s32 v0, v2;
	[tilespmem:$0x16220] =	vst v1  }
0x8d: {  	[tilespmem:$0x161A0] =	vst v2  }
0x8e: {  	v1 =	vld [tilespmem:s5+$0xFFFFFF80];
	_ =	sdelay $0x4  }
0x8f: {  	v2 =	vshra.s32 v1, $0xE;
	v1 =	vand.u32 $0x3FFF, v1  }
0x90: {  	v2 =	vadd.s32 v0, v2;
	[tilespmem:$0x16230] =	vst v1  }
0x91: {  	[tilespmem:$0x161B0] =	vst v2  }
0x92: {  	v1 =	vld [tilespmem:s5+$0xFFFFFF90];
	_ =	sdelay $0x4  }
0x93: {  	v2 =	vshra.s32 v1, $0xE;
	v1 =	vand.u32 $0x3FFF, v1  }
0x94: {  	v2 =	vadd.s32 v0, v2;
	[tilespmem:$0x16240] =	vst v1  }
0x95: {  	[tilespmem:$0x161C0] =	vst v2  }
0x96: {  	v1 =	vld [tilespmem:s5+$0xFFFFFFA0];
	_ =	sdelay $0x4  }
0x97: {  	v2 =	vshra.s32 v1, $0xE;
	v1 =	vand.u32 $0x3FFF, v1  }
0x98: {  	v2 =	vadd.s32 v0, v2;
	[tilespmem:$0x16250] =	vst v1  }
0x99: {  	[tilespmem:$0x161D0] =	vst v2  }
0x9a: {  	[tilespmem:s22], [sflag:$0x2] =	stream.indirect.gather [hbm4b:s4+s18], $0x80, s21, s18, $0xb8;
	[tilespmem:$0x1F380] =	vst v63  }
0x9b: {  	_ =	swait.ge [sflag:s23], $0x3000  }
0x9c: {  	[sflag:s23] =	ssyncset.done $0x0  }
0x9d: {  	[sflag:s23] =	ssyncadd.s32 $0xFFFFD000  }
0x9e: {  	[spmem:s2] =	stream.indirect.scatter.add.f32 [tilespmem:s20], [sflag:$0x4], $0x80, s24, s18, $0xb8;
	[tilespmem:$0x1F380] =	vst v63  }
0x9f: {  	_ =	swait.ge [sflag:s3], $0x3000  }
0xa0: {  	[sflag:s3] =	ssyncset.done $0x0  }
0xa1: {  	[sflag:s3] =	ssyncadd.s32 $0xFFFFD000  }
0xa2: {  	v1 =	vld [tilespmem:s5+$0xFFFFFFB0];
	_ =	sdelay $0x4  }
0xa3: {  	v2 =	vshra.s32 v1, $0xE;
	v1 =	vand.u32 $0x3FFF, v1  }
0xa4: {  	v2 =	vadd.s32 v0, v2;
	[tilespmem:$0x16300] =	vst v1  }
0xa5: {  	[tilespmem:$0x16280] =	vst v2  }
0xa6: {  	v1 =	vld [tilespmem:s5+$0xFFFFFFC0];
	_ =	sdelay $0x4  }
0xa7: {  	v2 =	vshra.s32 v1, $0xE;
	v1 =	vand.u32 $0x3FFF, v1  }
0xa8: {  	v2 =	vadd.s32 v0, v2;
	[tilespmem:$0x16310] =	vst v1  }
0xa9: {  	[tilespmem:$0x16290] =	vst v2  }
0xaa: {  	v1 =	vld [tilespmem:s16+$0x13B00];
	_ =	sdelay $0x4  }
0xab: {  	v2 =	vshra.s32 v1, $0xE;
	v1 =	vand.u32 $0x3FFF, v1  }
0xac: {  	v2 =	vadd.s32 v0, v2;
	[tilespmem:$0x16320] =	vst v1  }
0xad: {  	[tilespmem:$0x162A0] =	vst v2  }
0xae: {  	v1 =	vld [tilespmem:s5+$0xFFFFFFE0];
	_ =	sdelay $0x4  }
0xaf: {  	v2 =	vshra.s32 v1, $0xE;
	v1 =	vand.u32 $0x3FFF, v1  }
0xb0: {  	v2 =	vadd.s32 v0, v2;
	[tilespmem:$0x16330] =	vst v1  }
0xb1: {  	[tilespmem:$0x162B0] =	vst v2  }
0xb2: {  	v1 =	vld [tilespmem:s5+$0xFFFFFFF0];
	_ =	sdelay $0x4  }
0xb3: {  	v2 =	vshra.s32 v1, $0xE;
	v1 =	vand.u32 $0x3FFF, v1  }
0xb4: {  	v2 =	vadd.s32 v0, v2;
	[tilespmem:$0x16340] =	vst v1  }
0xb5: {  	[tilespmem:$0x162C0] =	vst v2  }
0xb6: {  	v1 =	vld [tilespmem:s5+$0x0];
	_ =	sdelay $0x4  }
0xb7: {  	v2 =	vshra.s32 v1, $0xE;
	v1 =	vand.u32 $0x3FFF, v1  }
0xb8: {  	v2 =	vadd.s32 v0, v2;
	[tilespmem:$0x16350] =	vst v1  }
0xb9: {  	s17 =	simm.s32 $0x13C50;
	s16 =	simm.s32 $0x120;
	[tilespmem:$0x162D0] =	vst v2  }
.LBB2_2:
0xba: {  	[tilespmem:s26], [sflag:$0x3] =	stream.indirect.gather [hbm4b:s4+s18], $0x80, s25, s18, $0xb8;
	[tilespmem:$0x1F380] =	vst v63  }
0xbb: {  	s5 =	smov.u32 s16  }
0xbc: {  	p1 =	sne.s32 s16, $0x2520;
	s16 =	sadd.s32 $0x120, s16;
	_ =	swait.ge [sflag:s28], $0x3000  }
0xbd: {  	[sflag:s28] =	ssyncset.done $0x0  }
0xbe: {  	[sflag:s28] =	ssyncadd.s32 $0xFFFFD000  }
0xbf: {  	[spmem:s2] =	stream.indirect.scatter.add.f32 [tilespmem:s22], [sflag:$0x5], $0x80, s29, s18, $0xb8;
	[tilespmem:$0x1F380] =	vst v63  }
0xc0: {  	_ =	swait.ge [sflag:s30], $0x3000  }
0xc1: {  	[sflag:s30] =	ssyncset.done $0x0  }
0xc2: {  	[sflag:s30] =	ssyncadd.s32 $0xFFFFD000  }
0xc3: {  	v1 =	vld [tilespmem:s17+$0xFFFFFEF0];
	_ =	sdelay $0x4  }
0xc4: {  	v2 =	vshra.s32 v1, $0xE;
	v1 =	vand.u32 $0x3FFF, v1  }
0xc5: {  	v2 =	vadd.s32 v0, v2;
	[tilespmem:$0x16100] =	vst v1  }
0xc6: {  	[tilespmem:$0x16080] =	vst v2  }
0xc7: {  	v1 =	vld [tilespmem:s17+$0xFFFFFF00];
	_ =	sdelay $0x4  }
0xc8: {  	v2 =	vshra.s32 v1, $0xE;
	v1 =	vand.u32 $0x3FFF, v1  }
0xc9: {  	v2 =	vadd.s32 v0, v2;
	[tilespmem:$0x16110] =	vst v1  }
0xca: {  	[tilespmem:$0x16090] =	vst v2  }
0xcb: {  	v1 =	vld [tilespmem:s17+$0xFFFFFF10];
	_ =	sdelay $0x4  }
0xcc: {  	v2 =	vshra.s32 v1, $0xE;
	v1 =	vand.u32 $0x3FFF, v1  }
0xcd: {  	v2 =	vadd.s32 v0, v2;
	[tilespmem:$0x16120] =	vst v1  }
0xce: {  	[tilespmem:$0x160A0] =	vst v2  }
0xcf: {  	v1 =	vld [tilespmem:s17+$0xFFFFFF20];
	_ =	sdelay $0x4  }
0xd0: {  	v2 =	vshra.s32 v1, $0xE;
	v1 =	vand.u32 $0x3FFF, v1  }
0xd1: {  	v2 =	vadd.s32 v0, v2;
	[tilespmem:$0x16130] =	vst v1  }
0xd2: {  	[tilespmem:$0x160B0] =	vst v2  }
0xd3: {  	v1 =	vld [tilespmem:s17+$0xFFFFFF30];
	_ =	sdelay $0x4  }
0xd4: {  	v2 =	vshra.s32 v1, $0xE;
	v1 =	vand.u32 $0x3FFF, v1  }
0xd5: {  	v2 =	vadd.s32 v0, v2;
	[tilespmem:$0x16140] =	vst v1  }
0xd6: {  	[tilespmem:$0x160C0] =	vst v2  }
0xd7: {  	v1 =	vld [tilespmem:s17+$0xFFFFFF40];
	_ =	sdelay $0x4  }
0xd8: {  	v2 =	vshra.s32 v1, $0xE;
	v1 =	vand.u32 $0x3FFF, v1  }
0xd9: {  	v2 =	vadd.s32 v0, v2;
	[tilespmem:$0x16150] =	vst v1  }
0xda: {  	[tilespmem:$0x160D0] =	vst v2  }
0xdb: {  	[tilespmem:s20], [sflag:$0x1] =	stream.indirect.gather [hbm4b:s4+s18], $0x80, s19, s18, $0xb8;
	[tilespmem:$0x1F380] =	vst v63  }
0xdc: {  	_ =	swait.ge [sflag:s31], $0x3000  }
0xdd: {  	[sflag:s31] =	ssyncset.done $0x0  }
0xde: {  	[sflag:s31] =	ssyncadd.s32 $0xFFFFD000  }
0xdf: {  	[spmem:s2] =	stream.indirect.scatter.add.f32 [tilespmem:s26], [sflag:$0x6], $0x80, s1, s18, $0xb8;
	[tilespmem:$0x1F380] =	vst v63  }
0xe0: {  	_ =	swait.ge [sflag:s0], $0x3000  }
0xe1: {  	[sflag:s0] =	ssyncset.done $0x0  }
0xe2: {  	s5 =	sand.u32 $0x7FE0, s5;
	[sflag:s0] =	ssyncadd.s32 $0xFFFFD000  }
0xe3: {  	v1 =	vld [tilespmem:s5+$0x13A80];
	_ =	sdelay $0x4  }
0xe4: {  	v2 =	vshra.s32 v1, $0xE;
	v1 =	vand.u32 $0x3FFF, v1  }
0xe5: {  	v2 =	vadd.s32 v0, v2;
	[tilespmem:$0x16200] =	vst v1  }
0xe6: {  	[tilespmem:$0x16180] =	vst v2  }
0xe7: {  	v1 =	vld [tilespmem:s17+$0xFFFFFF60];
	_ =	sdelay $0x4  }
0xe8: {  	v2 =	vshra.s32 v1, $0xE;
	v1 =	vand.u32 $0x3FFF, v1  }
0xe9: {  	v2 =	vadd.s32 v0, v2;
	[tilespmem:$0x16210] =	vst v1  }
0xea: {  	[tilespmem:$0x16190] =	vst v2  }
0xeb: {  	v1 =	vld [tilespmem:s17+$0xFFFFFF70];
	_ =	sdelay $0x4  }
0xec: {  	v2 =	vshra.s32 v1, $0xE;
	v1 =	vand.u32 $0x3FFF, v1  }
0xed: {  	v2 =	vadd.s32 v0, v2;
	[tilespmem:$0x16220] =	vst v1  }
0xee: {  	[tilespmem:$0x161A0] =	vst v2  }
0xef: {  	v1 =	vld [tilespmem:s17+$0xFFFFFF80];
	_ =	sdelay $0x4  }
0xf0: {  	v2 =	vshra.s32 v1, $0xE;
	v1 =	vand.u32 $0x3FFF, v1  }
0xf1: {  	v2 =	vadd.s32 v0, v2;
	[tilespmem:$0x16230] =	vst v1  }
0xf2: {  	[tilespmem:$0x161B0] =	vst v2  }
0xf3: {  	v1 =	vld [tilespmem:s17+$0xFFFFFF90];
	_ =	sdelay $0x4  }
0xf4: {  	v2 =	vshra.s32 v1, $0xE;
	v1 =	vand.u32 $0x3FFF, v1  }
0xf5: {  	v2 =	vadd.s32 v0, v2;
	[tilespmem:$0x16240] =	vst v1  }
0xf6: {  	[tilespmem:$0x161C0] =	vst v2  }
0xf7: {  	v1 =	vld [tilespmem:s17+$0xFFFFFFA0];
	_ =	sdelay $0x4  }
0xf8: {  	v2 =	vshra.s32 v1, $0xE;
	v1 =	vand.u32 $0x3FFF, v1  }
0xf9: {  	v2 =	vadd.s32 v0, v2;
	[tilespmem:$0x16250] =	vst v1  }
0xfa: {  	[tilespmem:$0x161D0] =	vst v2  }
0xfb: {  	[tilespmem:s22], [sflag:$0x2] =	stream.indirect.gather [hbm4b:s4+s18], $0x80, s21, s18, $0xb8;
	[tilespmem:$0x1F380] =	vst v63  }
0xfc: {  	_ =	swait.ge [sflag:s23], $0x3000  }
0xfd: {  	[sflag:s23] =	ssyncset.done $0x0  }
0xfe: {  	[sflag:s23] =	ssyncadd.s32 $0xFFFFD000  }
0xff: {  	[spmem:s2] =	stream.indirect.scatter.add.f32 [tilespmem:s20], [sflag:$0x4], $0x80, s24, s18, $0xb8;
	[tilespmem:$0x1F380] =	vst v63  }
0x100: {  	_ =	swait.ge [sflag:s3], $0x3000  }
0x101: {  	[sflag:s3] =	ssyncset.done $0x0  }
0x102: {  	[sflag:s3] =	ssyncadd.s32 $0xFFFFD000  }
0x103: {  	v1 =	vld [tilespmem:s17+$0xFFFFFFB0];
	_ =	sdelay $0x4  }
0x104: {  	v2 =	vshra.s32 v1, $0xE;
	v1 =	vand.u32 $0x3FFF, v1  }
0x105: {  	v2 =	vadd.s32 v0, v2;
	[tilespmem:$0x16300] =	vst v1  }
0x106: {  	[tilespmem:$0x16280] =	vst v2  }
0x107: {  	v1 =	vld [tilespmem:s17+$0xFFFFFFC0];
	_ =	sdelay $0x4  }
0x108: {  	v2 =	vshra.s32 v1, $0xE;
	v1 =	vand.u32 $0x3FFF, v1  }
0x109: {  	v2 =	vadd.s32 v0, v2;
	[tilespmem:$0x16310] =	vst v1  }
0x10a: {  	[tilespmem:$0x16290] =	vst v2  }
0x10b: {  	v1 =	vld [tilespmem:s5+$0x13B00];
	_ =	sdelay $0x4  }
0x10c: {  	v2 =	vshra.s32 v1, $0xE;
	v1 =	vand.u32 $0x3FFF, v1  }
0x10d: {  	v2 =	vadd.s32 v0, v2;
	[tilespmem:$0x16320] =	vst v1  }
0x10e: {  	[tilespmem:$0x162A0] =	vst v2  }
0x10f: {  	v1 =	vld [tilespmem:s17+$0xFFFFFFE0];
	_ =	sdelay $0x4  }
0x110: {  	v2 =	vshra.s32 v1, $0xE;
	v1 =	vand.u32 $0x3FFF, v1  }
0x111: {  	v2 =	vadd.s32 v0, v2;
	[tilespmem:$0x16330] =	vst v1  }
0x112: {  	[tilespmem:$0x162B0] =	vst v2  }
0x113: {  	v1 =	vld [tilespmem:s17+$0xFFFFFFF0];
	_ =	sdelay $0x4  }
0x114: {  	v2 =	vshra.s32 v1, $0xE;
	v1 =	vand.u32 $0x3FFF, v1  }
0x115: {  	v2 =	vadd.s32 v0, v2;
	[tilespmem:$0x16340] =	vst v1  }
0x116: {  	[tilespmem:$0x162C0] =	vst v2  }
0x117: {  	v1 =	vld [tilespmem:s17+$0x0];
	_ =	sdelay $0x2  }
.Ltmp0:
0x118: {  	(pc) =	sbr.rel @p1 .LBB2_2-.Ltmp0, $4  }
0x119: {  	_ = 	snop  }
0x11a: {  	v2 =	vshra.s32 v1, $0xE;
	v1 =	vand.u32 $0x3FFF, v1  }
0x11b: {  	v2 =	vadd.s32 v0, v2;
	[tilespmem:$0x16350] =	vst v1  }
0x11c: {  	s17 =	sadd.s32 $0x120, s17;
	[tilespmem:$0x162D0] =	vst v2  }
0x11d: {  	[tilespmem:s26], [sflag:$0x3] =	stream.indirect.gather [hbm4b:s4+s18], $0x80, s25, s18, $0xb8;
	[tilespmem:$0x1F380] =	vst v63  }
0x11e: {  	_ =	swait.ge [sflag:s28], $0x3000  }
0x11f: {  	[sflag:s28] =	ssyncset.done $0x0  }
0x120: {  	[sflag:s28] =	ssyncadd.s32 $0xFFFFD000  }
0x121: {  	[spmem:s2] =	stream.indirect.scatter.add.f32 [tilespmem:s22], [sflag:$0x5], $0x80, s29, s18, $0xb8;
	[tilespmem:$0x1F380] =	vst v63  }
0x122: {  	_ =	swait.ge [sflag:s31], $0x3000  }
0x123: {  	[sflag:s31] =	ssyncset.done $0x0  }
0x124: {  	[sflag:s31] =	ssyncadd.s32 $0xFFFFD000  }
0x125: {  	[spmem:s2] =	stream.indirect.scatter.add.f32 [tilespmem:s26], [sflag:$0x6], $0x80, s1, s18, $0xb8;
	[tilespmem:$0x1F380] =	vst v63  }
0x126: {  	_ =	swait.ge [sflag:s30], $0x3000  }
0x127: {  	[sflag:s30] =	ssyncset.done $0x0  }
0x128: {  	[sflag:s30] =	ssyncadd.s32 $0xFFFFD000  }
0x129: {  	_ =	swait.ge [sflag:s0], $0x3000  }
0x12a: {  	[sflag:s0] =	ssyncset.done $0x0  }
0x12b: {  	[sflag:s0] =	ssyncadd.s32 $0xFFFFD000  }
0x12c: {  	_ =	swait.ge [sflag:s3], $0x3000  }
0x12d: {  	[sflag:s3] =	ssyncset.done $0x0  }
0x12e: {  	[sflag:s3] =	ssyncadd.s32 $0xFFFFD000  }
0x12f: {  	[bflag:$0x0] =	sbarrier.arrive $0xFFFF  }
0x130: {  	[hbm:s9], [sflag:s6] =	dma.local [spmem:s12], $0x2700  }
0x131: {  	s15 =	sadd.s32 $0x1, s15;
	_ =	swait.ge [sflag:s13], $0x2700  }
0x132: {  	p1 =	sne.s32 s15, s11;
	[sflag:s13] =	ssyncset.done $0x0  }
.Ltmp1:
0x133: {  	s5 =	simm.s32 @!p0 $0x7;
	[sflag:s13] =	ssyncadd.s32 $0xFFFFD900;
	(pc) =	sbr.rel @p1 .LBB2_1-.Ltmp1, $4  }
0x134: {  	[hbm:s10], [sflag:s6] =	dma.local @!p0 [spmem:s14], $0x100  }
0x135: {  	_ =	swait.ge @!p0 [sflag:s5], $0x100  }
0x136: {  	[sflag:s5] =	ssyncset.done @!p0 $0x0  }
0x137: {  	[sflag:s5] =	ssyncadd.s32 @!p0 $0xFFFFFF00  }
0x138: {  	_ =	sfence.sel $0x180000  }
0x139: {  	[bflag:$0x0] =	sbarrier.arrive $0xFFFF  }
0x13a: {  	_ =	strace $0x90000047  }
0x13b: {  	s0 =	stileid.u32;
	[bflag:$0x2] =	sbarrier.arrive $0xFFFF  }
0x13c: {  	p0 =	sne.s32 s0, $0x0;
	s0 =	rddreg [dreg:$0x2]  }
0x13d: {  	s0 =	sadd.s32 @!p0 $0x100000, s0  }
0x13e: {  	[sflag:s0] =	ssyncadd.tile.s32 @!p0 $0x1;
	_ =	shalt  }
.Lfunc_end2:
_tile_overlayer_lowered:
.L_overlay_start_2:
0x13f: {  	(tag) =	ssettag $0x2  }
0x140: {  	s0 =	rddreg [dreg:$0x0];
	s2 =	stileid.u32  }
0x141: {  	s1 =	rddreg [dreg:$0x1];
	p0 =	sne.s32 s2, $0x0  }
0x142: {  	s3 =	rddreg [dreg:$0x2];
	[bflag:$0x3] =	sbarrier.arrive $0xFFFF;
	s2 =	simm.s32 @!p0 $0x1C07  }
0x143: {  	[timem:s3], [sflag:s2] =	dma.local @!p0 [hbm:s0], s1  }
0x144: {  	s0 =	simm.s32 @!p0 $0x7  }
0x145: {  	_ =	swait.ge @!p0 [sflag:s0], s1  }
0x146: {  	s1 =	ssub.s32 @!p0 $0x0, s1;
	[sflag:s0] =	ssyncset.done @!p0 $0x0  }
0x147: {  	[sflag:s0] =	ssyncadd.s32 @!p0 s1  }
0x148: {  	[bflag:$0x3] =	sbarrier.arrive $0xFFFF  }
0x149: {  	_ =	shalt  }

// kernel: kernel.13.cloned.1.call-start
scs
__scs_entry_jumppad:
0x0: {  	(pc) =	sbr.rel $0x88, $3  }
0x1: {  	(tag) =	ssettag $0x0;
	lr =	simm.s32 $0x1  }
0x2: {  	[smem:$0x3F93] =	sst lr;
	_ =	strace $0xD0000000  }
0x3: {  	_ = 	snop  }
0x4: {  	_ = 	snop  }
0x5: {  	_ = 	snop  }
0x6: {  	_ = 	snop  }
0x7: {  	_ = 	snop  }
__scs_overlays_trampoline_lowered:
0x8: {  	[smem:$0x3FA2] =	sst s0  }
0x9: {  	[smem:$0x3FA3] =	sst s1  }
0xa: {  	[smem:$0x3FA4] =	sst s2  }
0xb: {  	[smem:$0x3FA5] =	sst s3  }
0xc: {  	[smem:$0x3FA6] =	sst s4  }
0xd: {  	[smem:$0x3FA7] =	sst s5  }
0xe: {  	[smem:$0x3FA8] =	sst s6  }
0xf: {  	[smem:$0x3FA9] =	sst s7  }
0x10: {  	[smem:$0x3FAA] =	sst s8  }
0x11: {  	[smem:$0x3FAB] =	sst s9;
	s0 =	simm.s32 @!p0 $0x0  }
0x12: {  	s1 =	sld [smem:$0x3F91];
	s0 =	simm.s32 @p0 $0x1  }
0x13: {  	[smem:$0x3FAC] =	sst s0;
	s0 =	simm.s32 @!p1 $0x0  }
0x14: {  	s2 =	sld [smem:$0x3F90];
	s0 =	simm.s32 @p1 $0x1  }
0x15: {  	[smem:$0x3FAD] =	sst s0;
	s0 =	simm.s32 @!p2 $0x0  }
0x16: {  	s3 =	sld [smem:$0x3FDB];
	s0 =	simm.s32 @p2 $0x1  }
0x17: {  	s4 =	simm.s32 $0x1BF5;
	[smem:$0x3FAF] =	sst s0  }
0x18: {  	s0 =	sld [smem:$0x3F92];
	_ =	swait.ge [sflag:s4], $0x0  }
0x19: {  	s7 =	sld [smem:$0x3F93]  }
0x1a: {  	s8 =	sadd.s32 $0xFFFFE003, lr  }
0x1b: {  	s9 =	sadd.s32 $0xFFFFFEF7, lr;
	s5 =	simm.s32 $0xFFFFFFFF;
	p2 =	slt.u32 s8, $0xFFFFF086  }
0x1c: {  	p1 =	slt.u32 s9, $0xF7A;
	s5 =	simm.s32 @!p2 $0x0  }
0x1d: {  	s5 =	simm.s32 @p1 $0x1;
	p0 =	seq.s32 s7, s2  }
0x1e: {  	s7 =	smul.u32 @!p0 $0xF7A, s2;
	p2 =	seq.s32 @!p0 s5, $0x0  }
0x1f: {  	s9 =	smul.u32 $0xF7A, s1;
	s8 =	simm.s32 @!p0 $0x1BF5;
	p2 =	por !p2, p0  }
0x20: {  	[sflag:s8] =	ssyncset.s32 @!p0 $0xFFFFF086;
	s6 =	sadd.s32 @!p0 s3, s7;
	s7 =	simm.s32 @!p0 $0x108  }
0x21: {  	s3 =	sadd.s32 s3, s9;
	s6 =	sadd.s32 @!p0 $0x88, s6;
	s7 =	simm.s32 @p2 $0x1082  }
0x22: {  	[simem:s7], [sflag:s8] =	dma.local @!p0 [hbm:s6], $0xF7A  }
0x23: {  	s9 =	sor.u32 $0xD0000000, s2;
	s6 =	simm.s32 $0x108;
	_ =	swait.ge @!p0 [sflag:s8], $0x0  }
0x24: {  	s3 =	sadd.s32 $0x88, s3;
	s6 =	simm.s32 @!p1 $0x1082;
	[sflag:s4] =	ssyncset.s32 $0xFFFFF086  }
0x25: {  	[simem:s6], [sflag:s4] =	dma.local [hbm:s3], $0xF7A  }
0x26: {  	[smem:$0x3F93] =	sst s1;
	(tag) =	ssettag s2;
	_ =	strace s9  }
0x27: {  	s1 =	sld [smem:$0x3FA3]  }
0x28: {  	s2 =	sld [smem:$0x3FA4]  }
0x29: {  	s4 =	sld [smem:$0x3FA6]  }
0x2a: {  	p0 =	seq.s32 s5, $0x0;
	s5 =	sld [smem:$0x3FA7]  }
0x2b: {  	s6 =	sld [smem:$0x3FA8]  }
0x2c: {  	s7 =	sld [smem:$0x3FA9]  }
0x2d: {  	s3 =	simm.s32 $0x108;
	s8 =	sld [smem:$0x3FAA]  }
0x2e: {  	s3 =	simm.s32 @!p0 $0x1082;
	s9 =	sld [smem:$0x3FAB]  }
0x2f: {  	lr =	sadd.s32 s0, s3;
	s0 =	sld [smem:$0x3FA2]  }
0x30: {  	s3 =	sld [smem:$0x3FA5]  }
0x31: {  	[smem:$0x3FAE] =	sst s10  }
0x32: {  	s10 =	sld [smem:$0x3FAC];
	_ =	sdelay $0x3  }
0x33: {  	p0 =	seq.s32 s10, $0x1;
	s10 =	sld [smem:$0x3FAE];
	_ =	sdelay $0x3  }
0x34: {  	[smem:$0x3FAE] =	sst s10  }
0x35: {  	s10 =	sld [smem:$0x3FAD];
	_ =	sdelay $0x3  }
0x36: {  	p1 =	seq.s32 s10, $0x1;
	s10 =	sld [smem:$0x3FAE];
	_ =	sdelay $0x3  }
0x37: {  	[smem:$0x3FAE] =	sst s10  }
0x38: {  	s10 =	sld [smem:$0x3FAF]  }
0x39: {  	_ = 	snop;
	(pc) =	sbr.ind lr, $3  }
0x3a: {  	_ = 	snop  }
0x3b: {  	_ = 	snop  }
0x3c: {  	p2 =	seq.s32 s10, $0x1;
	s10 =	sld [smem:$0x3FAE]  }
0x3d: {  	_ =	shalt  }
0x3e: {  	_ =	shalt  }
0x3f: {  	_ =	shalt  }
0x40: {  	_ =	shalt  }
0x41: {  	_ =	shalt  }
0x42: {  	_ =	shalt  }
0x43: {  	_ =	shalt  }
0x44: {  	_ =	shalt  }
0x45: {  	_ =	shalt  }
0x46: {  	_ =	shalt  }
0x47: {  	_ =	shalt  }
0x48: {  	_ =	shalt  }
0x49: {  	_ =	shalt  }
0x4a: {  	_ =	shalt  }
0x4b: {  	_ =	shalt  }
0x4c: {  	_ =	shalt  }
0x4d: {  	_ =	shalt  }
0x4e: {  	_ =	shalt  }
0x4f: {  	_ =	shalt  }
0x50: {  	_ =	shalt  }
0x51: {  	_ =	shalt  }
0x52: {  	_ =	shalt  }
0x53: {  	_ =	shalt  }
0x54: {  	_ =	shalt  }
0x55: {  	_ =	shalt  }
0x56: {  	_ =	shalt  }
0x57: {  	_ =	shalt  }
0x58: {  	_ =	shalt  }
0x59: {  	_ =	shalt  }
0x5a: {  	_ =	shalt  }
0x5b: {  	_ =	shalt  }
0x5c: {  	_ =	shalt  }
0x5d: {  	_ =	shalt  }
0x5e: {  	_ =	shalt  }
0x5f: {  	_ =	shalt  }
0x60: {  	_ =	shalt  }
0x61: {  	_ =	shalt  }
0x62: {  	_ =	shalt  }
0x63: {  	_ =	shalt  }
0x64: {  	_ =	shalt  }
0x65: {  	_ =	shalt  }
0x66: {  	_ =	shalt  }
0x67: {  	_ =	shalt  }
0x68: {  	_ =	shalt  }
0x69: {  	_ =	shalt  }
0x6a: {  	_ =	shalt  }
0x6b: {  	_ =	shalt  }
0x6c: {  	_ =	shalt  }
0x6d: {  	_ =	shalt  }
0x6e: {  	_ =	shalt  }
0x6f: {  	_ =	shalt  }
0x70: {  	_ =	shalt  }
0x71: {  	_ =	shalt  }
0x72: {  	_ =	shalt  }
0x73: {  	_ =	shalt  }
0x74: {  	_ =	shalt  }
0x75: {  	_ =	shalt  }
0x76: {  	_ =	shalt  }
0x77: {  	_ =	shalt  }
0x78: {  	_ =	shalt  }
0x79: {  	_ =	shalt  }
0x7a: {  	_ =	shalt  }
0x7b: {  	_ =	shalt  }
0x7c: {  	_ =	shalt  }
0x7d: {  	_ =	shalt  }
0x7e: {  	_ =	shalt  }
0x7f: {  	_ =	shalt  }
0x80: {  	_ =	shalt  }
0x81: {  	_ =	shalt  }
0x82: {  	_ =	shalt  }
0x83: {  	_ =	shalt  }
0x84: {  	_ =	shalt  }
0x85: {  	_ =	shalt  }
0x86: {  	_ =	shalt  }
0x87: {  	_ =	shalt  }
.Lfunc_end0:
.L_simem_size_0:
called_computation.1_lowered:
.L_overlay_start_0:
0x88: {  	s2 =	sld [smem:$0x3FD9]  }
0x89: {  	s3 =	sld [smem:$0x3FFE];
	_ =	sdelay $0x1  }
0x8a: {  	s1 =	srdreg.scid  }
0x8b: {  	s0 =	sand.u32 $0x1, s1  }
0x8c: {  	s16 =	sshll.u32 s0, $0xA;
	s2 =	sadd.s32 s3, s2  }
0x8d: {  	s2 =	sadd.s32 s2, s16  }
0x8e: {  	[smem:$0x3FBA] =	sst s2  }
0x8f: {  	_ = 	snop  }
0x90: {  	(tm) =	ssettm $0x1  }
0x91: {  	s17 =	sld [smem:$0x3FFB];
	_ =	sdelay $0x3  }
0x92: {  	_ =	strace s17  }
0x93: {  	s2 =	sld [smem:$0x3FFC];
	_ =	sdelay $0x3  }
0x94: {  	_ =	strace s2  }
0x95: {  	s2 =	sld [smem:$0x3FFD];
	_ =	sdelay $0x3  }
0x96: {  	_ =	strace s2  }
0x97: {  	_ =	strace $0x8FFFFFFF  }
0x98: {  	s18 =	sld [smem:$0x3FDB];
	_ =	sdelay $0x1  }
0x99: {  	s19 =	simm.s32 $_scs_section_size  }
0x9a: {  	s4 =	simm.s32 $_size__tile_overlayer_lowered;
	s5 =	simm.s32 $_tile_overlayer_lowered  }
0x9b: {  	s22 =	simm.s32 $0x1BFF;
	s21 =	sshll.u32 s5, $0x1;
	s2 =	sadd.s32 s19, s18  }
0x9c: {  	s6 =	simm.s32 $0x0;
	s20 =	sshll.u32 s4, $0x1;
	s4 =	sadd.s32 s21, s2  }
0x9d: {  	[timem:s6], [sflag:s22] =	dma.local [hbm:s4], s20  }
0x9e: {  	_ =	swait.ge [sflag:s22], s20  }
0x9f: {  	s3 =	ssub.s32 $0x0, s20;
	[sflag:s22] =	ssyncset.done $0x0  }
0xa0: {  	[sflag:s22] =	ssyncadd.s32 s3;
	_ =	sdelay $0x1  }
0xa1: {  	s23 =	simm.s32 $0x1B8B  }
0xa2: {  	_ =	swait.ge [sflag:s23], $0x1  }
0xa3: {  	[sflag:s23] =	ssyncset.done $0x0  }
0xa4: {  	s25 =	simm.s32 $0x1B8E;
	s24 =	sld [smem:$0x3FFE];
	[sflag:s23] =	ssyncadd.s32 $0xFFFFFFFF  }
0xa5: {  	s26 =	simm.s32 $execute0_lowered;
	[smem:$0x3FD2] =	sst s25  }
0xa6: {  	s4 =	sshll.u32 s26, $0x1;
	_ =	strace $0x80000049;
	[dreg:$0x1] =	wrdreg $0xFFFFFFFF  }
0xa7: {  	s28 =	simm.s32 $_size_execute0_lowered;
	s2 =	sadd.s32 s2, s4;
	[dreg:$0x0] =	wrdreg $0x0  }
0xa8: {  	s4 =	sshll.u32 s28, $0x1;
	[dreg:$0x2] =	wrdreg s2  }
0xa9: {  	[dreg:$0x3] =	wrdreg s4  }
0xaa: {  	[dreg:$0x4] =	wrdreg $0xC0  }
0xab: {  	_ =	task [dreg:s6], $0x5FFFF  }
0xac: {  	[dreg:$0x1] =	wrdreg $0xFFFFFFFF  }
0xad: {  	[dreg:$0x0] =	wrdreg $0x60  }
0xae: {  	[dreg:$0x2] =	wrdreg s24  }
0xaf: {  	[dreg:$0x3] =	wrdreg $0x0  }
0xb0: {  	[dreg:$0x4] =	wrdreg $0x9  }
0xb1: {  	_ =	task.clear_ibuf [dreg:s6], $0x5FFFF;
	_ =	strace $0x90000049  }
0xb2: {  	s29 =	simm.s32 $0x9;
	_ =	strace $0x8000004B  }
0xb3: {  	_ =	swait.ge [sflag:s29], $0x1  }
0xb4: {  	[sflag:s29] =	ssyncadd.s32 $0xFFFFFFFF  }
0xb5: {  	_ =	strace $0x9000004B  }
0xb6: {  	_ =	sfence  }
0xb7: {  	s30 =	sld [smem:$0x0];
	_ =	sdelay $0x2  }
0xb8: {  	s31 =	sshll.u32 s1, $0xD;
	s1 =	sshrl.u32 s1, $0x2  }
0xb9: {  	s3 =	sand.u32 $0x4000, s31;
	s1 =	sadd.s32 s1, s30  }
0xba: {  	s0 =	sor.u32 s3, s0;
	s1 =	sshll.u32 s1, $0x11  }
0xbb: {  	s0 =	sor.u32 s1, s0  }
0xbc: {  	s0 =	sadd.s32 $0x8F2B, s0  }
0xbd: {  	[sflag:s0] =	ssyncadd.remote.s32 $0x1  }
0xbe: {  	_ =	sfence.sel $0xFFFF  }
0xbf: {  	[dreg:$0x0] =	wrdreg $0xFFFFFFFF;
	(pc) =	sbr.abs _section_cstart, $3  }
0xc0: {  	[dreg:$0x1] =	wrdreg $0xFFFFFFFF  }
0xc1: {  	_ =	task.clear_ibuf [dreg:s6], $0x2FFFF;
	_ =	strace $0x9FFFFFFF  }
0xc2: {  	(tm) =	ssettm $0x7FFFFFFF  }
0xc3: {  	_ =	shalt  }
tec
execute0_lowered:
.L_overlay_start_1:
0x0: {  	(tag) =	ssettag $0x1  }
0x1: {  	s0 =	rddreg [dreg:$0x0]  }
0x2: {  	s13 =	stileid.u32;
	s2 =	rddreg [dreg:$0x1];
	s5 =	simm.s32 $0x0  }
0x3: {  	s4 =	srdreg.scid;
	s18 =	simm.s32 $0x60;
	s19 =	simm.s32 $0x16080  }
0x4: {  	s20 =	simm.s32 $0x16380;
	s21 =	simm.s32 $0x16180;
	s22 =	simm.s32 $0x19380  }
0x5: {  	s28 =	simm.s32 $0x2;
	s29 =	simm.s32 $0x16200;
	s30 =	simm.s32 $0x4  }
0x6: {  	s31 =	simm.s32 $0x3;
	s15 =	simm.s32 $0x0;
	s1 =	sshrl.u32 s13, $0x3  }
0x7: {  	s3 =	sshll.u32 s13, $0x7;
	[smem:$0x7FF] =	sst s5;
	s6 =	smul.u32 $0x4E000, s13  }
0x8: {  	s16 =	sand.u32 $0x1, s4;
	s4 =	sadd.s32 $0x4200, s0;
	s8 =	smul.u32 $0x270, s13  }
0x9: {  	s25 =	sshll.u32 s13, $0x6;
	s14 =	sadd.s32 $0x138000, s2;
	p0 =	sne.s32 s13, $0xF  }
0xa: {  	s13 =	simm.s32 $0x7;
	s1 =	smul.u32 $0x13C00, s1;
	s3 =	sand.u32 $0x380, s3  }
0xb: {  	_ =	strace $0x8000004A;
	s17 =	smul.u32 $0x2710, s16;
	s7 =	ssub.s32 $0x2, s16  }
0xc: {  	s14 =	sshrl.u32 @!p0 s14, $0x3;
	s9 =	sshrl.u32 s7, $0x1;
	s6 =	sshrl.u32 s6, $0x2  }
0xd: {  	s1 =	sor.u32 s3, s1;
	s3 =	smul.u32 $0x138800, s16;
	s11 =	ssub.s32 s7, s9  }
0xe: {  	s12 =	sadd.s32 s6, s2;
	s23 =	sadd.s32 s8, s17;
	s6 =	sor.u32 $0x1C07, s25  }
0xf: {  	s25 =	simm.s32 $0x16280;
	s1 =	sshrl.u32 s1, $0x3;
	s24 =	sshll.u32 s23, $0x4  }
0x10: {  	s11 =	smax.u32 s11, $0x1;
	s12 =	sshrl.u32 s12, $0x3;
	s23 =	simm.s32 $0x1  }
0x11: {  	s1 =	sadd.s32 s1, s0;
	s3 =	sshrl.u32 s3, $0x3;
	s26 =	sadd.s32 s4, s24  }
0x12: {  	s0 =	sadd.s32 $0x57400, s0;
	[dreg:$0x3] =	wrdreg s26;
	s3 =	sadd.s32 $0x27000, s3  }
0x13: {  	s8 =	sadd.s32 $0x52400, s1;
	s9 =	sadd.s32 s0, s24;
	s24 =	simm.s32 $0x16100  }
0x14: {  	s26 =	simm.s32 $0x1C380;
	s1 =	simm.s32 $0x16300;
	s7 =	sadd.s32 s4, s3  }
0x15: {  	v0 =	vmov s17;
	s10 =	sadd.s32 s0, s3;
	s0 =	simm.s32 $0x5;
	s3 =	simm.s32 $0x6  }
.LBB2_1:
0x16: {  	s5 =	rddreg [dreg:$0x3]  }
0x17: {  	[spmem:s12], [sflag:s6] =	dma.local [hbm:s5], $0x2700  }
0x18: {  	_ =	swait.ge [sflag:s13], $0x2700  }
0x19: {  	[sflag:s13] =	ssyncset.done $0x0  }
0x1a: {  	s5 =	simm.s32 @!p0 $0x7;
	[sflag:s13] =	ssyncadd.s32 $0xFFFFD900  }
0x1b: {  	[spmem:s14], [sflag:s6] =	dma.local @!p0 [hbm:s7], $0x100  }
0x1c: {  	_ =	swait.ge @!p0 [sflag:s5], $0x100  }
0x1d: {  	s16 =	simm.s32 $0x400;
	[sflag:s5] =	ssyncset.done @!p0 $0x0  }
0x1e: {  	s17 =	simm.s32 $0x13900;
	[sflag:s5] =	ssyncadd.s32 @!p0 $0xFFFFFF00;
	s5 =	simm.s32 $0x80  }
0x1f: {  	[tilespmem:s17], [sflag:$0x7] =	stream.strided.gather [hbm4b:s8+s5], $0x2780, s16, s5, $0x38;
	[tilespmem:$0x1F380] =	vst v63  }
0x20: {  	_ =	swait.ge [sflag:s13], $0x2780  }
0x21: {  	[sflag:s13] =	ssyncset.done $0x0  }
0x22: {  	[sflag:s13] =	ssyncadd.s32 $0xFFFFD880  }
0x23: {  	[bflag:$0x0] =	sbarrier.arrive $0xFFFF  }
0x24: {  	v1 =	vld [tilespmem:$0x13900]  }
0x25: {  	v2 =	vld [tilespmem:$0x13910];
	_ =	sdelay $0x1  }
0x26: {  	v3 =	vld [tilespmem:$0x13920];
	_ =	sdelay $0x1  }
0x27: {  	v5 =	vld [tilespmem:$0x13930];
	v4 =	vshra.s32 v1, $0xE;
	v1 =	vand.u32 $0x3FFF, v1  }
0x28: {  	v54 =	vshra.s32 v2, $0xE;
	v4 =	vadd.s32 v0, v4;
	[tilespmem:$0x16100] =	vst v1  }
0x29: {  	v55 =	vld [tilespmem:$0x13940];
	v1 =	vadd.s32 v0, v54;
	[tilespmem:$0x16080] =	vst v4  }
0x2a: {  	[tilespmem:$0x16090] =	vst v1;
	v1 =	vand.u32 $0x3FFF, v2;
	v2 =	vshra.s32 v3, $0xE  }
0x2b: {  	[tilespmem:$0x16110] =	vst v1;
	v1 =	vadd.s32 v0, v2;
	v2 =	vld [tilespmem:$0x13950]  }
0x2c: {  	[tilespmem:$0x160A0] =	vst v1;
	v1 =	vand.u32 $0x3FFF, v3;
	v3 =	vshra.s32 v5, $0xE  }
0x2d: {  	[tilespmem:$0x16120] =	vst v1;
	v1 =	vadd.s32 v0, v3  }
0x2e: {  	v3 =	vshra.s32 v55, $0xE;
	[tilespmem:$0x160B0] =	vst v1;
	v1 =	vand.u32 $0x3FFF, v5  }
0x2f: {  	[tilespmem:$0x16130] =	vst v1;
	v1 =	vadd.s32 v0, v3  }
0x30: {  	[tilespmem:$0x160C0] =	vst v1;
	v1 =	vand.u32 $0x3FFF, v55;
	v3 =	vshra.s32 v2, $0xE  }
0x31: {  	[tilespmem:$0x16140] =	vst v1;
	v1 =	vadd.s32 v0, v3  }
0x32: {  	[tilespmem:$0x160D0] =	vst v1;
	v1 =	vand.u32 $0x3FFF, v2  }
0x33: {  	[tilespmem:$0x16150] =	vst v1  }
0x34: {  	[tilespmem:s20], [sflag:$0x1] =	stream.indirect.gather [hbm4b:s4+s18], $0x80, s19, s18, $0xb8;
	[tilespmem:$0x1F380] =	vst v63  }
0x35: {  	v1 =	vld [tilespmem:$0x13960]  }
0x36: {  	v2 =	vld [tilespmem:$0x13970];
	_ =	sdelay $0x1  }
0x37: {  	v3 =	vld [tilespmem:$0x13980];
	_ =	sdelay $0x1  }
0x38: {  	v57 =	vld [tilespmem:$0x13990];
	v56 =	vshra.s32 v1, $0xE;
	v1 =	vand.u32 $0x3FFF, v1  }
0x39: {  	v58 =	vshra.s32 v2, $0xE;
	v4 =	vadd.s32 v0, v56;
	[tilespmem:$0x16200] =	vst v1  }
0x3a: {  	v59 =	vld [tilespmem:$0x139A0];
	v1 =	vadd.s32 v0, v58;
	[tilespmem:$0x16180] =	vst v4  }
0x3b: {  	[tilespmem:$0x16190] =	vst v1;
	v1 =	vand.u32 $0x3FFF, v2;
	v2 =	vshra.s32 v3, $0xE  }
0x3c: {  	[tilespmem:$0x16210] =	vst v1;
	v1 =	vadd.s32 v0, v2;
	v2 =	vld [tilespmem:$0x139B0]  }
0x3d: {  	[tilespmem:$0x161A0] =	vst v1;
	v1 =	vand.u32 $0x3FFF, v3;
	v3 =	vshra.s32 v57, $0xE  }
0x3e: {  	[tilespmem:$0x16220] =	vst v1;
	v1 =	vadd.s32 v0, v3  }
0x3f: {  	v3 =	vshra.s32 v59, $0xE;
	[tilespmem:$0x161B0] =	vst v1;
	v1 =	vand.u32 $0x3FFF, v57  }
0x40: {  	[tilespmem:$0x16230] =	vst v1;
	v1 =	vadd.s32 v0, v3  }
0x41: {  	[tilespmem:$0x161C0] =	vst v1;
	v1 =	vand.u32 $0x3FFF, v59;
	v3 =	vshra.s32 v2, $0xE  }
0x42: {  	[tilespmem:$0x16240] =	vst v1;
	v1 =	vadd.s32 v0, v3  }
0x43: {  	[tilespmem:$0x161D0] =	vst v1;
	v1 =	vand.u32 $0x3FFF, v2  }
0x44: {  	[tilespmem:$0x16250] =	vst v1  }
0x45: {  	[tilespmem:s22], [sflag:$0x2] =	stream.indirect.gather [hbm4b:s4+s18], $0x80, s21, s18, $0xb8;
	[tilespmem:$0x1F380] =	vst v63  }
0x46: {  	_ =	swait.ge [sflag:s23], $0x3000  }
0x47: {  	[sflag:s23] =	ssyncset.done $0x0  }
0x48: {  	[sflag:s23] =	ssyncadd.s32 $0xFFFFD000  }
0x49: {  	[spmem:s2] =	stream.indirect.scatter.add.f32 [tilespmem:s20], [sflag:$0x4], $0x80, s24, s18, $0xb8;
	[tilespmem:$0x1F380] =	vst v63  }
0x4a: {  	v1 =	vld [tilespmem:$0x139C0]  }
0x4b: {  	v2 =	vld [tilespmem:$0x139D0];
	_ =	sdelay $0x1  }
0x4c: {  	v3 =	vld [tilespmem:$0x139E0];
	_ =	sdelay $0x1  }
0x4d: {  	v61 =	vld [tilespmem:$0x139F0];
	v60 =	vshra.s32 v1, $0xE;
	v1 =	vand.u32 $0x3FFF, v1  }
0x4e: {  	v62 =	vshra.s32 v2, $0xE;
	v4 =	vadd.s32 v0, v60;
	[tilespmem:$0x16300] =	vst v1  }
0x4f: {  	v63 =	vld [tilespmem:$0x13A00];
	v1 =	vadd.s32 v0, v62;
	[tilespmem:$0x16280] =	vst v4  }
0x50: {  	[tilespmem:$0x16290] =	vst v1;
	v1 =	vand.u32 $0x3FFF, v2;
	v2 =	vshra.s32 v3, $0xE  }
0x51: {  	[tilespmem:$0x16310] =	vst v1;
	v1 =	vadd.s32 v0, v2;
	v2 =	vld [tilespmem:$0x13A10]  }
0x52: {  	[tilespmem:$0x162A0] =	vst v1;
	v1 =	vand.u32 $0x3FFF, v3;
	v3 =	vshra.s32 v61, $0xE  }
0x53: {  	[tilespmem:$0x16320] =	vst v1;
	v1 =	vadd.s32 v0, v3  }
0x54: {  	v3 =	vshra.s32 v63, $0xE;
	[tilespmem:$0x162B0] =	vst v1;
	v1 =	vand.u32 $0x3FFF, v61  }
0x55: {  	[tilespmem:$0x16330] =	vst v1;
	v1 =	vadd.s32 v0, v3  }
0x56: {  	[tilespmem:$0x162C0] =	vst v1;
	v1 =	vand.u32 $0x3FFF, v63;
	v3 =	vshra.s32 v2, $0xE  }
0x57: {  	[tilespmem:$0x16340] =	vst v1;
	v1 =	vadd.s32 v0, v3  }
0x58: {  	[tilespmem:$0x162D0] =	vst v1;
	v1 =	vand.u32 $0x3FFF, v2  }
0x59: {  	[tilespmem:$0x16350] =	vst v1  }
0x5a: {  	[tilespmem:s26], [sflag:$0x3] =	stream.indirect.gather [hbm4b:s4+s18], $0x80, s25, s18, $0xb8;
	[tilespmem:$0x1F380] =	vst v63  }
0x5b: {  	_ =	swait.ge [sflag:s28], $0x3000  }
0x5c: {  	[sflag:s28] =	ssyncset.done $0x0  }
0x5d: {  	[sflag:s28] =	ssyncadd.s32 $0xFFFFD000  }
0x5e: {  	[spmem:s2] =	stream.indirect.scatter.add.f32 [tilespmem:s22], [sflag:$0x5], $0x80, s29, s18, $0xb8;
	[tilespmem:$0x1F380] =	vst v63  }
0x5f: {  	_ =	swait.ge [sflag:s30], $0x3000  }
0x60: {  	[sflag:s30] =	ssyncset.done $0x0  }
0x61: {  	s5 =	simm.s32 $0x13B30;
	[sflag:s30] =	ssyncadd.s32 $0xFFFFD000  }
0x62: {  	v1 =	vld [tilespmem:s5+$0xFFFFFEF0];
	_ =	sdelay $0x4  }
0x63: {  	v2 =	vshra.s32 v1, $0xE;
	v1 =	vand.u32 $0x3FFF, v1  }
0x64: {  	v2 =	vadd.s32 v0, v2;
	[tilespmem:$0x16100] =	vst v1  }
0x65: {  	[tilespmem:$0x16080] =	vst v2  }
0x66: {  	v1 =	vld [tilespmem:s5+$0xFFFFFF00];
	_ =	sdelay $0x4  }
0x67: {  	v2 =	vshra.s32 v1, $0xE;
	v1 =	vand.u32 $0x3FFF, v1  }
0x68: {  	v2 =	vadd.s32 v0, v2;
	[tilespmem:$0x16110] =	vst v1  }
0x69: {  	[tilespmem:$0x16090] =	vst v2  }
0x6a: {  	v1 =	vld [tilespmem:s5+$0xFFFFFF10];
	_ =	sdelay $0x4  }
0x6b: {  	v2 =	vshra.s32 v1, $0xE;
	v1 =	vand.u32 $0x3FFF, v1  }
0x6c: {  	v2 =	vadd.s32 v0, v2;
	[tilespmem:$0x16120] =	vst v1  }
0x6d: {  	[tilespmem:$0x160A0] =	vst v2  }
0x6e: {  	v1 =	vld [tilespmem:s5+$0xFFFFFF20];
	_ =	sdelay $0x4  }
0x6f: {  	v2 =	vshra.s32 v1, $0xE;
	v1 =	vand.u32 $0x3FFF, v1  }
0x70: {  	v2 =	vadd.s32 v0, v2;
	[tilespmem:$0x16130] =	vst v1  }
0x71: {  	[tilespmem:$0x160B0] =	vst v2  }
0x72: {  	v1 =	vld [tilespmem:s5+$0xFFFFFF30];
	_ =	sdelay $0x4  }
0x73: {  	v2 =	vshra.s32 v1, $0xE;
	v1 =	vand.u32 $0x3FFF, v1  }
0x74: {  	v2 =	vadd.s32 v0, v2;
	[tilespmem:$0x16140] =	vst v1  }
0x75: {  	[tilespmem:$0x160C0] =	vst v2  }
0x76: {  	v1 =	vld [tilespmem:s5+$0xFFFFFF40];
	_ =	sdelay $0x4  }
0x77: {  	v2 =	vshra.s32 v1, $0xE;
	v1 =	vand.u32 $0x3FFF, v1  }
0x78: {  	v2 =	vadd.s32 v0, v2;
	[tilespmem:$0x16150] =	vst v1  }
0x79: {  	[tilespmem:$0x160D0] =	vst v2  }
0x7a: {  	[tilespmem:s20], [sflag:$0x1] =	stream.indirect.gather [hbm4b:s4+s18], $0x80, s19, s18, $0xb8;
	[tilespmem:$0x1F380] =	vst v63  }
0x7b: {  	_ =	swait.ge [sflag:s31], $0x3000  }
0x7c: {  	[sflag:s31] =	ssyncset.done $0x0  }
0x7d: {  	[sflag:s31] =	ssyncadd.s32 $0xFFFFD000  }
0x7e: {  	[spmem:s2] =	stream.indirect.scatter.add.f32 [tilespmem:s26], [sflag:$0x6], $0x80, s1, s18, $0xb8;
	[tilespmem:$0x1F380] =	vst v63  }
0x7f: {  	_ =	swait.ge [sflag:s0], $0x3000  }
0x80: {  	s17 =	simm.s32 $0x0;
	[sflag:s0] =	ssyncset.done $0x0  }
0x81: {  	s16 =	sand.u32 $0x7FE0, s17;
	[sflag:s0] =	ssyncadd.s32 $0xFFFFD000  }
0x82: {  	v1 =	vld [tilespmem:s16+$0x13A80];
	_ =	sdelay $0x4  }
0x83: {  	v2 =	vshra.s32 v1, $0xE;
	v1 =	vand.u32 $0x3FFF, v1  }
0x84: {  	v2 =	vadd.s32 v0, v2;
	[tilespmem:$0x16200] =	vst v1  }
0x85: {  	[tilespmem:$0x16180] =	vst v2  }
0x86: {  	v1 =	vld [tilespmem:s5+$0xFFFFFF60];
	_ =	sdelay $0x4  }
0x87: {  	v2 =	vshra.s32 v1, $0xE;
	v1 =	vand.u32 $0x3FFF, v1  }
0x88: {  	v2 =	vadd.s32 v0, v2;
	[tilespmem:$0x16210] =	vst v1  }
0x89: {  	[tilespmem:$0x16190] =	vst v2  }
0x8a: {  	v1 =	vld [tilespmem:s5+$0xFFFFFF70];
	_ =	sdelay $0x4  }
0x8b: {  	v2 =	vshra.s32 v1, $0xE;
	v1 =	vand.u32 $0x3FFF, v1  }
0x8c: {  	v2 =	vadd.s32 v0, v2;
	[tilespmem:$0x16220] =	vst v1  }
0x8d: {  	[tilespmem:$0x161A0] =	vst v2  }
0x8e: {  	v1 =	vld [tilespmem:s5+$0xFFFFFF80];
	_ =	sdelay $0x4  }
0x8f: {  	v2 =	vshra.s32 v1, $0xE;
	v1 =	vand.u32 $0x3FFF, v1  }
0x90: {  	v2 =	vadd.s32 v0, v2;
	[tilespmem:$0x16230] =	vst v1  }
0x91: {  	[tilespmem:$0x161B0] =	vst v2  }
0x92: {  	v1 =	vld [tilespmem:s5+$0xFFFFFF90];
	_ =	sdelay $0x4  }
0x93: {  	v2 =	vshra.s32 v1, $0xE;
	v1 =	vand.u32 $0x3FFF, v1  }
0x94: {  	v2 =	vadd.s32 v0, v2;
	[tilespmem:$0x16240] =	vst v1  }
0x95: {  	[tilespmem:$0x161C0] =	vst v2  }
0x96: {  	v1 =	vld [tilespmem:s5+$0xFFFFFFA0];
	_ =	sdelay $0x4  }
0x97: {  	v2 =	vshra.s32 v1, $0xE;
	v1 =	vand.u32 $0x3FFF, v1  }
0x98: {  	v2 =	vadd.s32 v0, v2;
	[tilespmem:$0x16250] =	vst v1  }
0x99: {  	[tilespmem:$0x161D0] =	vst v2  }
0x9a: {  	[tilespmem:s22], [sflag:$0x2] =	stream.indirect.gather [hbm4b:s4+s18], $0x80, s21, s18, $0xb8;
	[tilespmem:$0x1F380] =	vst v63  }
0x9b: {  	_ =	swait.ge [sflag:s23], $0x3000  }
0x9c: {  	[sflag:s23] =	ssyncset.done $0x0  }
0x9d: {  	[sflag:s23] =	ssyncadd.s32 $0xFFFFD000  }
0x9e: {  	[spmem:s2] =	stream.indirect.scatter.add.f32 [tilespmem:s20], [sflag:$0x4], $0x80, s24, s18, $0xb8;
	[tilespmem:$0x1F380] =	vst v63  }
0x9f: {  	_ =	swait.ge [sflag:s3], $0x3000  }
0xa0: {  	[sflag:s3] =	ssyncset.done $0x0  }
0xa1: {  	[sflag:s3] =	ssyncadd.s32 $0xFFFFD000  }
0xa2: {  	v1 =	vld [tilespmem:s5+$0xFFFFFFB0];
	_ =	sdelay $0x4  }
0xa3: {  	v2 =	vshra.s32 v1, $0xE;
	v1 =	vand.u32 $0x3FFF, v1  }
0xa4: {  	v2 =	vadd.s32 v0, v2;
	[tilespmem:$0x16300] =	vst v1  }
0xa5: {  	[tilespmem:$0x16280] =	vst v2  }
0xa6: {  	v1 =	vld [tilespmem:s5+$0xFFFFFFC0];
	_ =	sdelay $0x4  }
0xa7: {  	v2 =	vshra.s32 v1, $0xE;
	v1 =	vand.u32 $0x3FFF, v1  }
0xa8: {  	v2 =	vadd.s32 v0, v2;
	[tilespmem:$0x16310] =	vst v1  }
0xa9: {  	[tilespmem:$0x16290] =	vst v2  }
0xaa: {  	v1 =	vld [tilespmem:s16+$0x13B00];
	_ =	sdelay $0x4  }
0xab: {  	v2 =	vshra.s32 v1, $0xE;
	v1 =	vand.u32 $0x3FFF, v1  }
0xac: {  	v2 =	vadd.s32 v0, v2;
	[tilespmem:$0x16320] =	vst v1  }
0xad: {  	[tilespmem:$0x162A0] =	vst v2  }
0xae: {  	v1 =	vld [tilespmem:s5+$0xFFFFFFE0];
	_ =	sdelay $0x4  }
0xaf: {  	v2 =	vshra.s32 v1, $0xE;
	v1 =	vand.u32 $0x3FFF, v1  }
0xb0: {  	v2 =	vadd.s32 v0, v2;
	[tilespmem:$0x16330] =	vst v1  }
0xb1: {  	[tilespmem:$0x162B0] =	vst v2  }
0xb2: {  	v1 =	vld [tilespmem:s5+$0xFFFFFFF0];
	_ =	sdelay $0x4  }
0xb3: {  	v2 =	vshra.s32 v1, $0xE;
	v1 =	vand.u32 $0x3FFF, v1  }
0xb4: {  	v2 =	vadd.s32 v0, v2;
	[tilespmem:$0x16340] =	vst v1  }
0xb5: {  	[tilespmem:$0x162C0] =	vst v2  }
0xb6: {  	v1 =	vld [tilespmem:s5+$0x0];
	_ =	sdelay $0x4  }
0xb7: {  	v2 =	vshra.s32 v1, $0xE;
	v1 =	vand.u32 $0x3FFF, v1  }
0xb8: {  	v2 =	vadd.s32 v0, v2;
	[tilespmem:$0x16350] =	vst v1  }
0xb9: {  	s17 =	simm.s32 $0x13C50;
	s16 =	simm.s32 $0x120;
	[tilespmem:$0x162D0] =	vst v2  }
.LBB2_2:
0xba: {  	[tilespmem:s26], [sflag:$0x3] =	stream.indirect.gather [hbm4b:s4+s18], $0x80, s25, s18, $0xb8;
	[tilespmem:$0x1F380] =	vst v63  }
0xbb: {  	s5 =	smov.u32 s16  }
0xbc: {  	p1 =	sne.s32 s16, $0x2520;
	s16 =	sadd.s32 $0x120, s16;
	_ =	swait.ge [sflag:s28], $0x3000  }
0xbd: {  	[sflag:s28] =	ssyncset.done $0x0  }
0xbe: {  	[sflag:s28] =	ssyncadd.s32 $0xFFFFD000  }
0xbf: {  	[spmem:s2] =	stream.indirect.scatter.add.f32 [tilespmem:s22], [sflag:$0x5], $0x80, s29, s18, $0xb8;
	[tilespmem:$0x1F380] =	vst v63  }
0xc0: {  	_ =	swait.ge [sflag:s30], $0x3000  }
0xc1: {  	[sflag:s30] =	ssyncset.done $0x0  }
0xc2: {  	[sflag:s30] =	ssyncadd.s32 $0xFFFFD000  }
0xc3: {  	v1 =	vld [tilespmem:s17+$0xFFFFFEF0];
	_ =	sdelay $0x4  }
0xc4: {  	v2 =	vshra.s32 v1, $0xE;
	v1 =	vand.u32 $0x3FFF, v1  }
0xc5: {  	v2 =	vadd.s32 v0, v2;
	[tilespmem:$0x16100] =	vst v1  }
0xc6: {  	[tilespmem:$0x16080] =	vst v2  }
0xc7: {  	v1 =	vld [tilespmem:s17+$0xFFFFFF00];
	_ =	sdelay $0x4  }
0xc8: {  	v2 =	vshra.s32 v1, $0xE;
	v1 =	vand.u32 $0x3FFF, v1  }
0xc9: {  	v2 =	vadd.s32 v0, v2;
	[tilespmem:$0x16110] =	vst v1  }
0xca: {  	[tilespmem:$0x16090] =	vst v2  }
0xcb: {  	v1 =	vld [tilespmem:s17+$0xFFFFFF10];
	_ =	sdelay $0x4  }
0xcc: {  	v2 =	vshra.s32 v1, $0xE;
	v1 =	vand.u32 $0x3FFF, v1  }
0xcd: {  	v2 =	vadd.s32 v0, v2;
	[tilespmem:$0x16120] =	vst v1  }
0xce: {  	[tilespmem:$0x160A0] =	vst v2  }
0xcf: {  	v1 =	vld [tilespmem:s17+$0xFFFFFF20];
	_ =	sdelay $0x4  }
0xd0: {  	v2 =	vshra.s32 v1, $0xE;
	v1 =	vand.u32 $0x3FFF, v1  }
0xd1: {  	v2 =	vadd.s32 v0, v2;
	[tilespmem:$0x16130] =	vst v1  }
0xd2: {  	[tilespmem:$0x160B0] =	vst v2  }
0xd3: {  	v1 =	vld [tilespmem:s17+$0xFFFFFF30];
	_ =	sdelay $0x4  }
0xd4: {  	v2 =	vshra.s32 v1, $0xE;
	v1 =	vand.u32 $0x3FFF, v1  }
0xd5: {  	v2 =	vadd.s32 v0, v2;
	[tilespmem:$0x16140] =	vst v1  }
0xd6: {  	[tilespmem:$0x160C0] =	vst v2  }
0xd7: {  	v1 =	vld [tilespmem:s17+$0xFFFFFF40];
	_ =	sdelay $0x4  }
0xd8: {  	v2 =	vshra.s32 v1, $0xE;
	v1 =	vand.u32 $0x3FFF, v1  }
0xd9: {  	v2 =	vadd.s32 v0, v2;
	[tilespmem:$0x16150] =	vst v1  }
0xda: {  	[tilespmem:$0x160D0] =	vst v2  }
0xdb: {  	[tilespmem:s20], [sflag:$0x1] =	stream.indirect.gather [hbm4b:s4+s18], $0x80, s19, s18, $0xb8;
	[tilespmem:$0x1F380] =	vst v63  }
0xdc: {  	_ =	swait.ge [sflag:s31], $0x3000  }
0xdd: {  	[sflag:s31] =	ssyncset.done $0x0  }
0xde: {  	[sflag:s31] =	ssyncadd.s32 $0xFFFFD000  }
0xdf: {  	[spmem:s2] =	stream.indirect.scatter.add.f32 [tilespmem:s26], [sflag:$0x6], $0x80, s1, s18, $0xb8;
	[tilespmem:$0x1F380] =	vst v63  }
0xe0: {  	_ =	swait.ge [sflag:s0], $0x3000  }
0xe1: {  	[sflag:s0] =	ssyncset.done $0x0  }
0xe2: {  	s5 =	sand.u32 $0x7FE0, s5;
	[sflag:s0] =	ssyncadd.s32 $0xFFFFD000  }
0xe3: {  	v1 =	vld [tilespmem:s5+$0x13A80];
	_ =	sdelay $0x4  }
0xe4: {  	v2 =	vshra.s32 v1, $0xE;
	v1 =	vand.u32 $0x3FFF, v1  }
0xe5: {  	v2 =	vadd.s32 v0, v2;
	[tilespmem:$0x16200] =	vst v1  }
0xe6: {  	[tilespmem:$0x16180] =	vst v2  }
0xe7: {  	v1 =	vld [tilespmem:s17+$0xFFFFFF60];
	_ =	sdelay $0x4  }
0xe8: {  	v2 =	vshra.s32 v1, $0xE;
	v1 =	vand.u32 $0x3FFF, v1  }
0xe9: {  	v2 =	vadd.s32 v0, v2;
	[tilespmem:$0x16210] =	vst v1  }
0xea: {  	[tilespmem:$0x16190] =	vst v2  }
0xeb: {  	v1 =	vld [tilespmem:s17+$0xFFFFFF70];
	_ =	sdelay $0x4  }
0xec: {  	v2 =	vshra.s32 v1, $0xE;
	v1 =	vand.u32 $0x3FFF, v1  }
0xed: {  	v2 =	vadd.s32 v0, v2;
	[tilespmem:$0x16220] =	vst v1  }
0xee: {  	[tilespmem:$0x161A0] =	vst v2  }
0xef: {  	v1 =	vld [tilespmem:s17+$0xFFFFFF80];
	_ =	sdelay $0x4  }
0xf0: {  	v2 =	vshra.s32 v1, $0xE;
	v1 =	vand.u32 $0x3FFF, v1  }
0xf1: {  	v2 =	vadd.s32 v0, v2;
	[tilespmem:$0x16230] =	vst v1  }
0xf2: {  	[tilespmem:$0x161B0] =	vst v2  }
0xf3: {  	v1 =	vld [tilespmem:s17+$0xFFFFFF90];
	_ =	sdelay $0x4  }
0xf4: {  	v2 =	vshra.s32 v1, $0xE;
	v1 =	vand.u32 $0x3FFF, v1  }
0xf5: {  	v2 =	vadd.s32 v0, v2;
	[tilespmem:$0x16240] =	vst v1  }
0xf6: {  	[tilespmem:$0x161C0] =	vst v2  }
0xf7: {  	v1 =	vld [tilespmem:s17+$0xFFFFFFA0];
	_ =	sdelay $0x4  }
0xf8: {  	v2 =	vshra.s32 v1, $0xE;
	v1 =	vand.u32 $0x3FFF, v1  }
0xf9: {  	v2 =	vadd.s32 v0, v2;
	[tilespmem:$0x16250] =	vst v1  }
0xfa: {  	[tilespmem:$0x161D0] =	vst v2  }
0xfb: {  	[tilespmem:s22], [sflag:$0x2] =	stream.indirect.gather [hbm4b:s4+s18], $0x80, s21, s18, $0xb8;
	[tilespmem:$0x1F380] =	vst v63  }
0xfc: {  	_ =	swait.ge [sflag:s23], $0x3000  }
0xfd: {  	[sflag:s23] =	ssyncset.done $0x0  }
0xfe: {  	[sflag:s23] =	ssyncadd.s32 $0xFFFFD000  }
0xff: {  	[spmem:s2] =	stream.indirect.scatter.add.f32 [tilespmem:s20], [sflag:$0x4], $0x80, s24, s18, $0xb8;
	[tilespmem:$0x1F380] =	vst v63  }
0x100: {  	_ =	swait.ge [sflag:s3], $0x3000  }
0x101: {  	[sflag:s3] =	ssyncset.done $0x0  }
0x102: {  	[sflag:s3] =	ssyncadd.s32 $0xFFFFD000  }
0x103: {  	v1 =	vld [tilespmem:s17+$0xFFFFFFB0];
	_ =	sdelay $0x4  }
0x104: {  	v2 =	vshra.s32 v1, $0xE;
	v1 =	vand.u32 $0x3FFF, v1  }
0x105: {  	v2 =	vadd.s32 v0, v2;
	[tilespmem:$0x16300] =	vst v1  }
0x106: {  	[tilespmem:$0x16280] =	vst v2  }
0x107: {  	v1 =	vld [tilespmem:s17+$0xFFFFFFC0];
	_ =	sdelay $0x4  }
0x108: {  	v2 =	vshra.s32 v1, $0xE;
	v1 =	vand.u32 $0x3FFF, v1  }
0x109: {  	v2 =	vadd.s32 v0, v2;
	[tilespmem:$0x16310] =	vst v1  }
0x10a: {  	[tilespmem:$0x16290] =	vst v2  }
0x10b: {  	v1 =	vld [tilespmem:s5+$0x13B00];
	_ =	sdelay $0x4  }
0x10c: {  	v2 =	vshra.s32 v1, $0xE;
	v1 =	vand.u32 $0x3FFF, v1  }
0x10d: {  	v2 =	vadd.s32 v0, v2;
	[tilespmem:$0x16320] =	vst v1  }
0x10e: {  	[tilespmem:$0x162A0] =	vst v2  }
0x10f: {  	v1 =	vld [tilespmem:s17+$0xFFFFFFE0];
	_ =	sdelay $0x4  }
0x110: {  	v2 =	vshra.s32 v1, $0xE;
	v1 =	vand.u32 $0x3FFF, v1  }
0x111: {  	v2 =	vadd.s32 v0, v2;
	[tilespmem:$0x16330] =	vst v1  }
0x112: {  	[tilespmem:$0x162B0] =	vst v2  }
0x113: {  	v1 =	vld [tilespmem:s17+$0xFFFFFFF0];
	_ =	sdelay $0x4  }
0x114: {  	v2 =	vshra.s32 v1, $0xE;
	v1 =	vand.u32 $0x3FFF, v1  }
0x115: {  	v2 =	vadd.s32 v0, v2;
	[tilespmem:$0x16340] =	vst v1  }
0x116: {  	[tilespmem:$0x162C0] =	vst v2  }
0x117: {  	v1 =	vld [tilespmem:s17+$0x0];
	_ =	sdelay $0x2  }
.Ltmp0:
0x118: {  	(pc) =	sbr.rel @p1 .LBB2_2-.Ltmp0, $4  }
0x119: {  	_ = 	snop  }
0x11a: {  	v2 =	vshra.s32 v1, $0xE;
	v1 =	vand.u32 $0x3FFF, v1  }
0x11b: {  	v2 =	vadd.s32 v0, v2;
	[tilespmem:$0x16350] =	vst v1  }
0x11c: {  	s17 =	sadd.s32 $0x120, s17;
	[tilespmem:$0x162D0] =	vst v2  }
0x11d: {  	[tilespmem:s26], [sflag:$0x3] =	stream.indirect.gather [hbm4b:s4+s18], $0x80, s25, s18, $0xb8;
	[tilespmem:$0x1F380] =	vst v63  }
0x11e: {  	_ =	swait.ge [sflag:s28], $0x3000  }
0x11f: {  	[sflag:s28] =	ssyncset.done $0x0  }
0x120: {  	[sflag:s28] =	ssyncadd.s32 $0xFFFFD000  }
0x121: {  	[spmem:s2] =	stream.indirect.scatter.add.f32 [tilespmem:s22], [sflag:$0x5], $0x80, s29, s18, $0xb8;
	[tilespmem:$0x1F380] =	vst v63  }
0x122: {  	_ =	swait.ge [sflag:s31], $0x3000  }
0x123: {  	[sflag:s31] =	ssyncset.done $0x0  }
0x124: {  	[sflag:s31] =	ssyncadd.s32 $0xFFFFD000  }
0x125: {  	[spmem:s2] =	stream.indirect.scatter.add.f32 [tilespmem:s26], [sflag:$0x6], $0x80, s1, s18, $0xb8;
	[tilespmem:$0x1F380] =	vst v63  }
0x126: {  	_ =	swait.ge [sflag:s30], $0x3000  }
0x127: {  	[sflag:s30] =	ssyncset.done $0x0  }
0x128: {  	[sflag:s30] =	ssyncadd.s32 $0xFFFFD000  }
0x129: {  	_ =	swait.ge [sflag:s0], $0x3000  }
0x12a: {  	[sflag:s0] =	ssyncset.done $0x0  }
0x12b: {  	[sflag:s0] =	ssyncadd.s32 $0xFFFFD000  }
0x12c: {  	_ =	swait.ge [sflag:s3], $0x3000  }
0x12d: {  	[sflag:s3] =	ssyncset.done $0x0  }
0x12e: {  	[sflag:s3] =	ssyncadd.s32 $0xFFFFD000  }
0x12f: {  	[bflag:$0x0] =	sbarrier.arrive $0xFFFF  }
0x130: {  	[hbm:s9], [sflag:s6] =	dma.local [spmem:s12], $0x2700  }
0x131: {  	s15 =	sadd.s32 $0x1, s15;
	_ =	swait.ge [sflag:s13], $0x2700  }
0x132: {  	p1 =	sne.s32 s15, s11;
	[sflag:s13] =	ssyncset.done $0x0  }
.Ltmp1:
0x133: {  	s5 =	simm.s32 @!p0 $0x7;
	[sflag:s13] =	ssyncadd.s32 $0xFFFFD900;
	(pc) =	sbr.rel @p1 .LBB2_1-.Ltmp1, $4  }
0x134: {  	[hbm:s10], [sflag:s6] =	dma.local @!p0 [spmem:s14], $0x100  }
0x135: {  	_ =	swait.ge @!p0 [sflag:s5], $0x100  }
0x136: {  	[sflag:s5] =	ssyncset.done @!p0 $0x0  }
0x137: {  	[sflag:s5] =	ssyncadd.s32 @!p0 $0xFFFFFF00  }
0x138: {  	_ =	sfence.sel $0x180000  }
0x139: {  	[bflag:$0x0] =	sbarrier.arrive $0xFFFF  }
0x13a: {  	_ =	strace $0x9000004A  }
0x13b: {  	s0 =	stileid.u32;
	[bflag:$0x2] =	sbarrier.arrive $0xFFFF  }
0x13c: {  	p0 =	sne.s32 s0, $0x0;
	s0 =	rddreg [dreg:$0x2]  }
0x13d: {  	s0 =	sadd.s32 @!p0 $0x100000, s0  }
0x13e: {  	[sflag:s0] =	ssyncadd.tile.s32 @!p0 $0x1;
	_ =	shalt  }
.Lfunc_end2:
_tile_overlayer_lowered:
.L_overlay_start_2:
0x13f: {  	(tag) =	ssettag $0x2  }
0x140: {  	s0 =	rddreg [dreg:$0x0];
	s2 =	stileid.u32  }
0x141: {  	s1 =	rddreg [dreg:$0x1];
	p0 =	sne.s32 s2, $0x0  }
0x142: {  	s3 =	rddreg [dreg:$0x2];
	[bflag:$0x3] =	sbarrier.arrive $0xFFFF;
	s2 =	simm.s32 @!p0 $0x1C07  }
0x143: {  	[timem:s3], [sflag:s2] =	dma.local @!p0 [hbm:s0], s1  }
0x144: {  	s0 =	simm.s32 @!p0 $0x7  }
0x145: {  	_ =	swait.ge @!p0 [sflag:s0], s1  }
0x146: {  	s1 =	ssub.s32 @!p0 $0x0, s1;
	[sflag:s0] =	ssyncset.done @!p0 $0x0  }
0x147: {  	[sflag:s0] =	ssyncadd.s32 @!p0 s1  }
0x148: {  	[bflag:$0x3] =	sbarrier.arrive $0xFFFF  }
0x149: {  	_ =	shalt  }

// kernel: kernel.16.cloned.1.call-start
scs
__scs_entry_jumppad:
0x0: {  	(pc) =	sbr.rel $0x88, $3  }
0x1: {  	(tag) =	ssettag $0x0;
	lr =	simm.s32 $0x1  }
0x2: {  	[smem:$0x3F93] =	sst lr;
	_ =	strace $0xD0000000  }
0x3: {  	_ = 	snop  }
0x4: {  	_ = 	snop  }
0x5: {  	_ = 	snop  }
0x6: {  	_ = 	snop  }
0x7: {  	_ = 	snop  }
__scs_overlays_trampoline_lowered:
0x8: {  	[smem:$0x3FA2] =	sst s0  }
0x9: {  	[smem:$0x3FA3] =	sst s1  }
0xa: {  	[smem:$0x3FA4] =	sst s2  }
0xb: {  	[smem:$0x3FA5] =	sst s3  }
0xc: {  	[smem:$0x3FA6] =	sst s4  }
0xd: {  	[smem:$0x3FA7] =	sst s5  }
0xe: {  	[smem:$0x3FA8] =	sst s6  }
0xf: {  	[smem:$0x3FA9] =	sst s7  }
0x10: {  	[smem:$0x3FAA] =	sst s8  }
0x11: {  	[smem:$0x3FAB] =	sst s9;
	s0 =	simm.s32 @!p0 $0x0  }
0x12: {  	s1 =	sld [smem:$0x3F91];
	s0 =	simm.s32 @p0 $0x1  }
0x13: {  	[smem:$0x3FAC] =	sst s0;
	s0 =	simm.s32 @!p1 $0x0  }
0x14: {  	s2 =	sld [smem:$0x3F90];
	s0 =	simm.s32 @p1 $0x1  }
0x15: {  	[smem:$0x3FAD] =	sst s0;
	s0 =	simm.s32 @!p2 $0x0  }
0x16: {  	s3 =	sld [smem:$0x3FDB];
	s0 =	simm.s32 @p2 $0x1  }
0x17: {  	s4 =	simm.s32 $0x1BF5;
	[smem:$0x3FAF] =	sst s0  }
0x18: {  	s0 =	sld [smem:$0x3F92];
	_ =	swait.ge [sflag:s4], $0x0  }
0x19: {  	s7 =	sld [smem:$0x3F93]  }
0x1a: {  	s8 =	sadd.s32 $0xFFFFE003, lr  }
0x1b: {  	s9 =	sadd.s32 $0xFFFFFEF7, lr;
	s5 =	simm.s32 $0xFFFFFFFF;
	p2 =	slt.u32 s8, $0xFFFFF086  }
0x1c: {  	p1 =	slt.u32 s9, $0xF7A;
	s5 =	simm.s32 @!p2 $0x0  }
0x1d: {  	s5 =	simm.s32 @p1 $0x1;
	p0 =	seq.s32 s7, s2  }
0x1e: {  	s7 =	smul.u32 @!p0 $0xF7A, s2;
	p2 =	seq.s32 @!p0 s5, $0x0  }
0x1f: {  	s9 =	smul.u32 $0xF7A, s1;
	s8 =	simm.s32 @!p0 $0x1BF5;
	p2 =	por !p2, p0  }
0x20: {  	[sflag:s8] =	ssyncset.s32 @!p0 $0xFFFFF086;
	s6 =	sadd.s32 @!p0 s3, s7;
	s7 =	simm.s32 @!p0 $0x108  }
0x21: {  	s3 =	sadd.s32 s3, s9;
	s6 =	sadd.s32 @!p0 $0x88, s6;
	s7 =	simm.s32 @p2 $0x1082  }
0x22: {  	[simem:s7], [sflag:s8] =	dma.local @!p0 [hbm:s6], $0xF7A  }
0x23: {  	s9 =	sor.u32 $0xD0000000, s2;
	s6 =	simm.s32 $0x108;
	_ =	swait.ge @!p0 [sflag:s8], $0x0  }
0x24: {  	s3 =	sadd.s32 $0x88, s3;
	s6 =	simm.s32 @!p1 $0x1082;
	[sflag:s4] =	ssyncset.s32 $0xFFFFF086  }
0x25: {  	[simem:s6], [sflag:s4] =	dma.local [hbm:s3], $0xF7A  }
0x26: {  	[smem:$0x3F93] =	sst s1;
	(tag) =	ssettag s2;
	_ =	strace s9  }
0x27: {  	s1 =	sld [smem:$0x3FA3]  }
0x28: {  	s2 =	sld [smem:$0x3FA4]  }
0x29: {  	s4 =	sld [smem:$0x3FA6]  }
0x2a: {  	p0 =	seq.s32 s5, $0x0;
	s5 =	sld [smem:$0x3FA7]  }
0x2b: {  	s6 =	sld [smem:$0x3FA8]  }
0x2c: {  	s7 =	sld [smem:$0x3FA9]  }
0x2d: {  	s3 =	simm.s32 $0x108;
	s8 =	sld [smem:$0x3FAA]  }
0x2e: {  	s3 =	simm.s32 @!p0 $0x1082;
	s9 =	sld [smem:$0x3FAB]  }
0x2f: {  	lr =	sadd.s32 s0, s3;
	s0 =	sld [smem:$0x3FA2]  }
0x30: {  	s3 =	sld [smem:$0x3FA5]  }
0x31: {  	[smem:$0x3FAE] =	sst s10  }
0x32: {  	s10 =	sld [smem:$0x3FAC];
	_ =	sdelay $0x3  }
0x33: {  	p0 =	seq.s32 s10, $0x1;
	s10 =	sld [smem:$0x3FAE];
	_ =	sdelay $0x3  }
0x34: {  	[smem:$0x3FAE] =	sst s10  }
0x35: {  	s10 =	sld [smem:$0x3FAD];
	_ =	sdelay $0x3  }
0x36: {  	p1 =	seq.s32 s10, $0x1;
	s10 =	sld [smem:$0x3FAE];
	_ =	sdelay $0x3  }
0x37: {  	[smem:$0x3FAE] =	sst s10  }
0x38: {  	s10 =	sld [smem:$0x3FAF]  }
0x39: {  	_ = 	snop;
	(pc) =	sbr.ind lr, $3  }
0x3a: {  	_ = 	snop  }
0x3b: {  	_ = 	snop  }
0x3c: {  	p2 =	seq.s32 s10, $0x1;
	s10 =	sld [smem:$0x3FAE]  }
0x3d: {  	_ =	shalt  }
0x3e: {  	_ =	shalt  }
0x3f: {  	_ =	shalt  }
0x40: {  	_ =	shalt  }
0x41: {  	_ =	shalt  }
0x42: {  	_ =	shalt  }
0x43: {  	_ =	shalt  }
0x44: {  	_ =	shalt  }
0x45: {  	_ =	shalt  }
0x46: {  	_ =	shalt  }
0x47: {  	_ =	shalt  }
0x48: {  	_ =	shalt  }
0x49: {  	_ =	shalt  }
0x4a: {  	_ =	shalt  }
0x4b: {  	_ =	shalt  }
0x4c: {  	_ =	shalt  }
0x4d: {  	_ =	shalt  }
0x4e: {  	_ =	shalt  }
0x4f: {  	_ =	shalt  }
0x50: {  	_ =	shalt  }
0x51: {  	_ =	shalt  }
0x52: {  	_ =	shalt  }
0x53: {  	_ =	shalt  }
0x54: {  	_ =	shalt  }
0x55: {  	_ =	shalt  }
0x56: {  	_ =	shalt  }
0x57: {  	_ =	shalt  }
0x58: {  	_ =	shalt  }
0x59: {  	_ =	shalt  }
0x5a: {  	_ =	shalt  }
0x5b: {  	_ =	shalt  }
0x5c: {  	_ =	shalt  }
0x5d: {  	_ =	shalt  }
0x5e: {  	_ =	shalt  }
0x5f: {  	_ =	shalt  }
0x60: {  	_ =	shalt  }
0x61: {  	_ =	shalt  }
0x62: {  	_ =	shalt  }
0x63: {  	_ =	shalt  }
0x64: {  	_ =	shalt  }
0x65: {  	_ =	shalt  }
0x66: {  	_ =	shalt  }
0x67: {  	_ =	shalt  }
0x68: {  	_ =	shalt  }
0x69: {  	_ =	shalt  }
0x6a: {  	_ =	shalt  }
0x6b: {  	_ =	shalt  }
0x6c: {  	_ =	shalt  }
0x6d: {  	_ =	shalt  }
0x6e: {  	_ =	shalt  }
0x6f: {  	_ =	shalt  }
0x70: {  	_ =	shalt  }
0x71: {  	_ =	shalt  }
0x72: {  	_ =	shalt  }
0x73: {  	_ =	shalt  }
0x74: {  	_ =	shalt  }
0x75: {  	_ =	shalt  }
0x76: {  	_ =	shalt  }
0x77: {  	_ =	shalt  }
0x78: {  	_ =	shalt  }
0x79: {  	_ =	shalt  }
0x7a: {  	_ =	shalt  }
0x7b: {  	_ =	shalt  }
0x7c: {  	_ =	shalt  }
0x7d: {  	_ =	shalt  }
0x7e: {  	_ =	shalt  }
0x7f: {  	_ =	shalt  }
0x80: {  	_ =	shalt  }
0x81: {  	_ =	shalt  }
0x82: {  	_ =	shalt  }
0x83: {  	_ =	shalt  }
0x84: {  	_ =	shalt  }
0x85: {  	_ =	shalt  }
0x86: {  	_ =	shalt  }
0x87: {  	_ =	shalt  }
.Lfunc_end0:
.L_simem_size_0:
called_computation.2_lowered:
.L_overlay_start_0:
0x88: {  	s2 =	sld [smem:$0x3FD9]  }
0x89: {  	s3 =	sld [smem:$0x3FFE];
	_ =	sdelay $0x1  }
0x8a: {  	s1 =	srdreg.scid  }
0x8b: {  	s0 =	sand.u32 $0x1, s1  }
0x8c: {  	s16 =	sshll.u32 s0, $0xA;
	s2 =	sadd.s32 s3, s2  }
0x8d: {  	s2 =	sadd.s32 s2, s16  }
0x8e: {  	[smem:$0x3FBA] =	sst s2  }
0x8f: {  	_ = 	snop  }
0x90: {  	(tm) =	ssettm $0x1  }
0x91: {  	s17 =	sld [smem:$0x3FFB];
	_ =	sdelay $0x3  }
0x92: {  	_ =	strace s17  }
0x93: {  	s2 =	sld [smem:$0x3FFC];
	_ =	sdelay $0x3  }
0x94: {  	_ =	strace s2  }
0x95: {  	s2 =	sld [smem:$0x3FFD];
	_ =	sdelay $0x3  }
0x96: {  	_ =	strace s2  }
0x97: {  	_ =	strace $0x8FFFFFFF  }
0x98: {  	s18 =	sld [smem:$0x3FDB];
	_ =	sdelay $0x1  }
0x99: {  	s19 =	simm.s32 $_scs_section_size  }
0x9a: {  	s4 =	simm.s32 $_size__tile_overlayer_lowered;
	s5 =	simm.s32 $_tile_overlayer_lowered  }
0x9b: {  	s22 =	simm.s32 $0x1BFF;
	s21 =	sshll.u32 s5, $0x1;
	s2 =	sadd.s32 s19, s18  }
0x9c: {  	s6 =	simm.s32 $0x0;
	s20 =	sshll.u32 s4, $0x1;
	s4 =	sadd.s32 s21, s2  }
0x9d: {  	[timem:s6], [sflag:s22] =	dma.local [hbm:s4], s20  }
0x9e: {  	_ =	swait.ge [sflag:s22], s20  }
0x9f: {  	s3 =	ssub.s32 $0x0, s20;
	[sflag:s22] =	ssyncset.done $0x0  }
0xa0: {  	[sflag:s22] =	ssyncadd.s32 s3;
	_ =	sdelay $0x1  }
0xa1: {  	s23 =	simm.s32 $0x1B8B  }
0xa2: {  	_ =	swait.ge [sflag:s23], $0x1  }
0xa3: {  	[sflag:s23] =	ssyncset.done $0x0  }
0xa4: {  	s25 =	simm.s32 $0x1B8E;
	s24 =	sld [smem:$0x3FFE];
	[sflag:s23] =	ssyncadd.s32 $0xFFFFFFFF  }
0xa5: {  	s26 =	simm.s32 $execute0_lowered;
	[smem:$0x3FD2] =	sst s25  }
0xa6: {  	s4 =	sshll.u32 s26, $0x1;
	_ =	strace $0x8000004C;
	[dreg:$0x1] =	wrdreg $0xFFFFFFFF  }
0xa7: {  	s28 =	simm.s32 $_size_execute0_lowered;
	s2 =	sadd.s32 s2, s4;
	[dreg:$0x0] =	wrdreg $0x0  }
0xa8: {  	s4 =	sshll.u32 s28, $0x1;
	[dreg:$0x2] =	wrdreg s2  }
0xa9: {  	[dreg:$0x3] =	wrdreg s4  }
0xaa: {  	[dreg:$0x4] =	wrdreg $0xC0  }
0xab: {  	_ =	task [dreg:s6], $0x5FFFF  }
0xac: {  	[dreg:$0x1] =	wrdreg $0xFFFFFFFF  }
0xad: {  	[dreg:$0x0] =	wrdreg $0x60  }
0xae: {  	[dreg:$0x2] =	wrdreg s24  }
0xaf: {  	[dreg:$0x3] =	wrdreg $0x0  }
0xb0: {  	[dreg:$0x4] =	wrdreg $0x9  }
0xb1: {  	_ =	task.clear_ibuf [dreg:s6], $0x5FFFF;
	_ =	strace $0x9000004C  }
0xb2: {  	s29 =	simm.s32 $0x9;
	_ =	strace $0x8000004E  }
0xb3: {  	_ =	swait.ge [sflag:s29], $0x1  }
0xb4: {  	[sflag:s29] =	ssyncadd.s32 $0xFFFFFFFF  }
0xb5: {  	_ =	strace $0x9000004E  }
0xb6: {  	_ =	sfence  }
0xb7: {  	s30 =	sld [smem:$0x0];
	_ =	sdelay $0x2  }
0xb8: {  	s31 =	sshll.u32 s1, $0xD;
	s1 =	sshrl.u32 s1, $0x2  }
0xb9: {  	s3 =	sand.u32 $0x4000, s31;
	s1 =	sadd.s32 s1, s30  }
0xba: {  	s0 =	sor.u32 s3, s0;
	s1 =	sshll.u32 s1, $0x11  }
0xbb: {  	s0 =	sor.u32 s1, s0  }
0xbc: {  	s0 =	sadd.s32 $0x8F2B, s0  }
0xbd: {  	[sflag:s0] =	ssyncadd.remote.s32 $0x1  }
0xbe: {  	_ =	sfence.sel $0xFFFF  }
0xbf: {  	[dreg:$0x0] =	wrdreg $0xFFFFFFFF;
	(pc) =	sbr.abs _section_cstart, $3  }
0xc0: {  	[dreg:$0x1] =	wrdreg $0xFFFFFFFF  }
0xc1: {  	_ =	task.clear_ibuf [dreg:s6], $0x2FFFF;
	_ =	strace $0x9FFFFFFF  }
0xc2: {  	(tm) =	ssettm $0x7FFFFFFF  }
0xc3: {  	_ =	shalt  }
tec
execute0_lowered:
.L_overlay_start_1:
0x0: {  	(tag) =	ssettag $0x1  }
0x1: {  	s0 =	rddreg [dreg:$0x0]  }
0x2: {  	s13 =	stileid.u32;
	s2 =	rddreg [dreg:$0x1];
	s5 =	simm.s32 $0x0  }
0x3: {  	s4 =	srdreg.scid;
	s18 =	simm.s32 $0x60;
	s19 =	simm.s32 $0x16080  }
0x4: {  	s20 =	simm.s32 $0x16380;
	s21 =	simm.s32 $0x16180;
	s22 =	simm.s32 $0x19380  }
0x5: {  	s28 =	simm.s32 $0x2;
	s29 =	simm.s32 $0x16200;
	s30 =	simm.s32 $0x4  }
0x6: {  	s31 =	simm.s32 $0x3;
	s15 =	simm.s32 $0x0;
	s1 =	sshrl.u32 s13, $0x3  }
0x7: {  	s3 =	sshll.u32 s13, $0x7;
	[smem:$0x7FF] =	sst s5;
	s6 =	smul.u32 $0x4E000, s13  }
0x8: {  	s16 =	sand.u32 $0x1, s4;
	s4 =	sadd.s32 $0x4200, s0;
	s8 =	smul.u32 $0x270, s13  }
0x9: {  	s25 =	sshll.u32 s13, $0x6;
	s14 =	sadd.s32 $0x138000, s2;
	p0 =	sne.s32 s13, $0xF  }
0xa: {  	s13 =	simm.s32 $0x7;
	s1 =	smul.u32 $0x13C00, s1;
	s3 =	sand.u32 $0x380, s3  }
0xb: {  	_ =	strace $0x8000004D;
	s17 =	smul.u32 $0x2710, s16;
	s7 =	ssub.s32 $0x2, s16  }
0xc: {  	s14 =	sshrl.u32 @!p0 s14, $0x3;
	s9 =	sshrl.u32 s7, $0x1;
	s6 =	sshrl.u32 s6, $0x2  }
0xd: {  	s1 =	sor.u32 s3, s1;
	s3 =	smul.u32 $0x138800, s16;
	s11 =	ssub.s32 s7, s9  }
0xe: {  	s12 =	sadd.s32 s6, s2;
	s23 =	sadd.s32 s8, s17;
	s6 =	sor.u32 $0x1C07, s25  }
0xf: {  	s25 =	simm.s32 $0x16280;
	s1 =	sshrl.u32 s1, $0x3;
	s24 =	sshll.u32 s23, $0x4  }
0x10: {  	s11 =	smax.u32 s11, $0x1;
	s12 =	sshrl.u32 s12, $0x3;
	s23 =	simm.s32 $0x1  }
0x11: {  	s1 =	sadd.s32 s1, s0;
	s3 =	sshrl.u32 s3, $0x3;
	s26 =	sadd.s32 s4, s24  }
0x12: {  	s0 =	sadd.s32 $0x57400, s0;
	[dreg:$0x3] =	wrdreg s26;
	s3 =	sadd.s32 $0x27000, s3  }
0x13: {  	s8 =	sadd.s32 $0x52400, s1;
	s9 =	sadd.s32 s0, s24;
	s24 =	simm.s32 $0x16100  }
0x14: {  	s26 =	simm.s32 $0x1C380;
	s1 =	simm.s32 $0x16300;
	s7 =	sadd.s32 s4, s3  }
0x15: {  	v0 =	vmov s17;
	s10 =	sadd.s32 s0, s3;
	s0 =	simm.s32 $0x5;
	s3 =	simm.s32 $0x6  }
.LBB2_1:
0x16: {  	s5 =	rddreg [dreg:$0x3]  }
0x17: {  	[spmem:s12], [sflag:s6] =	dma.local [hbm:s5], $0x2700  }
0x18: {  	_ =	swait.ge [sflag:s13], $0x2700  }
0x19: {  	[sflag:s13] =	ssyncset.done $0x0  }
0x1a: {  	s5 =	simm.s32 @!p0 $0x7;
	[sflag:s13] =	ssyncadd.s32 $0xFFFFD900  }
0x1b: {  	[spmem:s14], [sflag:s6] =	dma.local @!p0 [hbm:s7], $0x100  }
0x1c: {  	_ =	swait.ge @!p0 [sflag:s5], $0x100  }
0x1d: {  	s16 =	simm.s32 $0x400;
	[sflag:s5] =	ssyncset.done @!p0 $0x0  }
0x1e: {  	s17 =	simm.s32 $0x13900;
	[sflag:s5] =	ssyncadd.s32 @!p0 $0xFFFFFF00;
	s5 =	simm.s32 $0x80  }
0x1f: {  	[tilespmem:s17], [sflag:$0x7] =	stream.strided.gather [hbm4b:s8+s5], $0x2780, s16, s5, $0x38;
	[tilespmem:$0x1F380] =	vst v63  }
0x20: {  	_ =	swait.ge [sflag:s13], $0x2780  }
0x21: {  	[sflag:s13] =	ssyncset.done $0x0  }
0x22: {  	[sflag:s13] =	ssyncadd.s32 $0xFFFFD880  }
0x23: {  	[bflag:$0x0] =	sbarrier.arrive $0xFFFF  }
0x24: {  	v1 =	vld [tilespmem:$0x13900]  }
0x25: {  	v2 =	vld [tilespmem:$0x13910];
	_ =	sdelay $0x1  }
0x26: {  	v3 =	vld [tilespmem:$0x13920];
	_ =	sdelay $0x1  }
0x27: {  	v5 =	vld [tilespmem:$0x13930];
	v4 =	vshra.s32 v1, $0xE;
	v1 =	vand.u32 $0x3FFF, v1  }
0x28: {  	v54 =	vshra.s32 v2, $0xE;
	v4 =	vadd.s32 v0, v4;
	[tilespmem:$0x16100] =	vst v1  }
0x29: {  	v55 =	vld [tilespmem:$0x13940];
	v1 =	vadd.s32 v0, v54;
	[tilespmem:$0x16080] =	vst v4  }
0x2a: {  	[tilespmem:$0x16090] =	vst v1;
	v1 =	vand.u32 $0x3FFF, v2;
	v2 =	vshra.s32 v3, $0xE  }
0x2b: {  	[tilespmem:$0x16110] =	vst v1;
	v1 =	vadd.s32 v0, v2;
	v2 =	vld [tilespmem:$0x13950]  }
0x2c: {  	[tilespmem:$0x160A0] =	vst v1;
	v1 =	vand.u32 $0x3FFF, v3;
	v3 =	vshra.s32 v5, $0xE  }
0x2d: {  	[tilespmem:$0x16120] =	vst v1;
	v1 =	vadd.s32 v0, v3  }
0x2e: {  	v3 =	vshra.s32 v55, $0xE;
	[tilespmem:$0x160B0] =	vst v1;
	v1 =	vand.u32 $0x3FFF, v5  }
0x2f: {  	[tilespmem:$0x16130] =	vst v1;
	v1 =	vadd.s32 v0, v3  }
0x30: {  	[tilespmem:$0x160C0] =	vst v1;
	v1 =	vand.u32 $0x3FFF, v55;
	v3 =	vshra.s32 v2, $0xE  }
0x31: {  	[tilespmem:$0x16140] =	vst v1;
	v1 =	vadd.s32 v0, v3  }
0x32: {  	[tilespmem:$0x160D0] =	vst v1;
	v1 =	vand.u32 $0x3FFF, v2  }
0x33: {  	[tilespmem:$0x16150] =	vst v1  }
0x34: {  	[tilespmem:s20], [sflag:$0x1] =	stream.indirect.gather [hbm4b:s4+s18], $0x80, s19, s18, $0xb8;
	[tilespmem:$0x1F380] =	vst v63  }
0x35: {  	v1 =	vld [tilespmem:$0x13960]  }
0x36: {  	v2 =	vld [tilespmem:$0x13970];
	_ =	sdelay $0x1  }
0x37: {  	v3 =	vld [tilespmem:$0x13980];
	_ =	sdelay $0x1  }
0x38: {  	v57 =	vld [tilespmem:$0x13990];
	v56 =	vshra.s32 v1, $0xE;
	v1 =	vand.u32 $0x3FFF, v1  }
0x39: {  	v58 =	vshra.s32 v2, $0xE;
	v4 =	vadd.s32 v0, v56;
	[tilespmem:$0x16200] =	vst v1  }
0x3a: {  	v59 =	vld [tilespmem:$0x139A0];
	v1 =	vadd.s32 v0, v58;
	[tilespmem:$0x16180] =	vst v4  }
0x3b: {  	[tilespmem:$0x16190] =	vst v1;
	v1 =	vand.u32 $0x3FFF, v2;
	v2 =	vshra.s32 v3, $0xE  }
0x3c: {  	[tilespmem:$0x16210] =	vst v1;
	v1 =	vadd.s32 v0, v2;
	v2 =	vld [tilespmem:$0x139B0]  }
0x3d: {  	[tilespmem:$0x161A0] =	vst v1;
	v1 =	vand.u32 $0x3FFF, v3;
	v3 =	vshra.s32 v57, $0xE  }
0x3e: {  	[tilespmem:$0x16220] =	vst v1;
	v1 =	vadd.s32 v0, v3  }
0x3f: {  	v3 =	vshra.s32 v59, $0xE;
	[tilespmem:$0x161B0] =	vst v1;
	v1 =	vand.u32 $0x3FFF, v57  }
0x40: {  	[tilespmem:$0x16230] =	vst v1;
	v1 =	vadd.s32 v0, v3  }
0x41: {  	[tilespmem:$0x161C0] =	vst v1;
	v1 =	vand.u32 $0x3FFF, v59;
	v3 =	vshra.s32 v2, $0xE  }
0x42: {  	[tilespmem:$0x16240] =	vst v1;
	v1 =	vadd.s32 v0, v3  }
0x43: {  	[tilespmem:$0x161D0] =	vst v1;
	v1 =	vand.u32 $0x3FFF, v2  }
0x44: {  	[tilespmem:$0x16250] =	vst v1  }
0x45: {  	[tilespmem:s22], [sflag:$0x2] =	stream.indirect.gather [hbm4b:s4+s18], $0x80, s21, s18, $0xb8;
	[tilespmem:$0x1F380] =	vst v63  }
0x46: {  	_ =	swait.ge [sflag:s23], $0x3000  }
0x47: {  	[sflag:s23] =	ssyncset.done $0x0  }
0x48: {  	[sflag:s23] =	ssyncadd.s32 $0xFFFFD000  }
0x49: {  	[spmem:s2] =	stream.indirect.scatter.add.f32 [tilespmem:s20], [sflag:$0x4], $0x80, s24, s18, $0xb8;
	[tilespmem:$0x1F380] =	vst v63  }
0x4a: {  	v1 =	vld [tilespmem:$0x139C0]  }
0x4b: {  	v2 =	vld [tilespmem:$0x139D0];
	_ =	sdelay $0x1  }
0x4c: {  	v3 =	vld [tilespmem:$0x139E0];
	_ =	sdelay $0x1  }
0x4d: {  	v61 =	vld [tilespmem:$0x139F0];
	v60 =	vshra.s32 v1, $0xE;
	v1 =	vand.u32 $0x3FFF, v1  }
0x4e: {  	v62 =	vshra.s32 v2, $0xE;
	v4 =	vadd.s32 v0, v60;
	[tilespmem:$0x16300] =	vst v1  }
0x4f: {  	v63 =	vld [tilespmem:$0x13A00];
	v1 =	vadd.s32 v0, v62;
	[tilespmem:$0x16280] =	vst v4  }
0x50: {  	[tilespmem:$0x16290] =	vst v1;
	v1 =	vand.u32 $0x3FFF, v2;
	v2 =	vshra.s32 v3, $0xE  }
0x51: {  	[tilespmem:$0x16310] =	vst v1;
	v1 =	vadd.s32 v0, v2;
	v2 =	vld [tilespmem:$0x13A10]  }
0x52: {  	[tilespmem:$0x162A0] =	vst v1;
	v1 =	vand.u32 $0x3FFF, v3;
	v3 =	vshra.s32 v61, $0xE  }
0x53: {  	[tilespmem:$0x16320] =	vst v1;
	v1 =	vadd.s32 v0, v3  }
0x54: {  	v3 =	vshra.s32 v63, $0xE;
	[tilespmem:$0x162B0] =	vst v1;
	v1 =	vand.u32 $0x3FFF, v61  }
0x55: {  	[tilespmem:$0x16330] =	vst v1;
	v1 =	vadd.s32 v0, v3  }
0x56: {  	[tilespmem:$0x162C0] =	vst v1;
	v1 =	vand.u32 $0x3FFF, v63;
	v3 =	vshra.s32 v2, $0xE  }
0x57: {  	[tilespmem:$0x16340] =	vst v1;
	v1 =	vadd.s32 v0, v3  }
0x58: {  	[tilespmem:$0x162D0] =	vst v1;
	v1 =	vand.u32 $0x3FFF, v2  }
0x59: {  	[tilespmem:$0x16350] =	vst v1  }
0x5a: {  	[tilespmem:s26], [sflag:$0x3] =	stream.indirect.gather [hbm4b:s4+s18], $0x80, s25, s18, $0xb8;
	[tilespmem:$0x1F380] =	vst v63  }
0x5b: {  	_ =	swait.ge [sflag:s28], $0x3000  }
0x5c: {  	[sflag:s28] =	ssyncset.done $0x0  }
0x5d: {  	[sflag:s28] =	ssyncadd.s32 $0xFFFFD000  }
0x5e: {  	[spmem:s2] =	stream.indirect.scatter.add.f32 [tilespmem:s22], [sflag:$0x5], $0x80, s29, s18, $0xb8;
	[tilespmem:$0x1F380] =	vst v63  }
0x5f: {  	_ =	swait.ge [sflag:s30], $0x3000  }
0x60: {  	[sflag:s30] =	ssyncset.done $0x0  }
0x61: {  	s5 =	simm.s32 $0x13B30;
	[sflag:s30] =	ssyncadd.s32 $0xFFFFD000  }
0x62: {  	v1 =	vld [tilespmem:s5+$0xFFFFFEF0];
	_ =	sdelay $0x4  }
0x63: {  	v2 =	vshra.s32 v1, $0xE;
	v1 =	vand.u32 $0x3FFF, v1  }
0x64: {  	v2 =	vadd.s32 v0, v2;
	[tilespmem:$0x16100] =	vst v1  }
0x65: {  	[tilespmem:$0x16080] =	vst v2  }
0x66: {  	v1 =	vld [tilespmem:s5+$0xFFFFFF00];
	_ =	sdelay $0x4  }
0x67: {  	v2 =	vshra.s32 v1, $0xE;
	v1 =	vand.u32 $0x3FFF, v1  }
0x68: {  	v2 =	vadd.s32 v0, v2;
	[tilespmem:$0x16110] =	vst v1  }
0x69: {  	[tilespmem:$0x16090] =	vst v2  }
0x6a: {  	v1 =	vld [tilespmem:s5+$0xFFFFFF10];
	_ =	sdelay $0x4  }
0x6b: {  	v2 =	vshra.s32 v1, $0xE;
	v1 =	vand.u32 $0x3FFF, v1  }
0x6c: {  	v2 =	vadd.s32 v0, v2;
	[tilespmem:$0x16120] =	vst v1  }
0x6d: {  	[tilespmem:$0x160A0] =	vst v2  }
0x6e: {  	v1 =	vld [tilespmem:s5+$0xFFFFFF20];
	_ =	sdelay $0x4  }
0x6f: {  	v2 =	vshra.s32 v1, $0xE;
	v1 =	vand.u32 $0x3FFF, v1  }
0x70: {  	v2 =	vadd.s32 v0, v2;
	[tilespmem:$0x16130] =	vst v1  }
0x71: {  	[tilespmem:$0x160B0] =	vst v2  }
0x72: {  	v1 =	vld [tilespmem:s5+$0xFFFFFF30];
	_ =	sdelay $0x4  }
0x73: {  	v2 =	vshra.s32 v1, $0xE;
	v1 =	vand.u32 $0x3FFF, v1  }
0x74: {  	v2 =	vadd.s32 v0, v2;
	[tilespmem:$0x16140] =	vst v1  }
0x75: {  	[tilespmem:$0x160C0] =	vst v2  }
0x76: {  	v1 =	vld [tilespmem:s5+$0xFFFFFF40];
	_ =	sdelay $0x4  }
0x77: {  	v2 =	vshra.s32 v1, $0xE;
	v1 =	vand.u32 $0x3FFF, v1  }
0x78: {  	v2 =	vadd.s32 v0, v2;
	[tilespmem:$0x16150] =	vst v1  }
0x79: {  	[tilespmem:$0x160D0] =	vst v2  }
0x7a: {  	[tilespmem:s20], [sflag:$0x1] =	stream.indirect.gather [hbm4b:s4+s18], $0x80, s19, s18, $0xb8;
	[tilespmem:$0x1F380] =	vst v63  }
0x7b: {  	_ =	swait.ge [sflag:s31], $0x3000  }
0x7c: {  	[sflag:s31] =	ssyncset.done $0x0  }
0x7d: {  	[sflag:s31] =	ssyncadd.s32 $0xFFFFD000  }
0x7e: {  	[spmem:s2] =	stream.indirect.scatter.add.f32 [tilespmem:s26], [sflag:$0x6], $0x80, s1, s18, $0xb8;
	[tilespmem:$0x1F380] =	vst v63  }
0x7f: {  	_ =	swait.ge [sflag:s0], $0x3000  }
0x80: {  	s17 =	simm.s32 $0x0;
	[sflag:s0] =	ssyncset.done $0x0  }
0x81: {  	s16 =	sand.u32 $0x7FE0, s17;
	[sflag:s0] =	ssyncadd.s32 $0xFFFFD000  }
0x82: {  	v1 =	vld [tilespmem:s16+$0x13A80];
	_ =	sdelay $0x4  }
0x83: {  	v2 =	vshra.s32 v1, $0xE;
	v1 =	vand.u32 $0x3FFF, v1  }
0x84: {  	v2 =	vadd.s32 v0, v2;
	[tilespmem:$0x16200] =	vst v1  }
0x85: {  	[tilespmem:$0x16180] =	vst v2  }
0x86: {  	v1 =	vld [tilespmem:s5+$0xFFFFFF60];
	_ =	sdelay $0x4  }
0x87: {  	v2 =	vshra.s32 v1, $0xE;
	v1 =	vand.u32 $0x3FFF, v1  }
0x88: {  	v2 =	vadd.s32 v0, v2;
	[tilespmem:$0x16210] =	vst v1  }
0x89: {  	[tilespmem:$0x16190] =	vst v2  }
0x8a: {  	v1 =	vld [tilespmem:s5+$0xFFFFFF70];
	_ =	sdelay $0x4  }
0x8b: {  	v2 =	vshra.s32 v1, $0xE;
	v1 =	vand.u32 $0x3FFF, v1  }
0x8c: {  	v2 =	vadd.s32 v0, v2;
	[tilespmem:$0x16220] =	vst v1  }
0x8d: {  	[tilespmem:$0x161A0] =	vst v2  }
0x8e: {  	v1 =	vld [tilespmem:s5+$0xFFFFFF80];
	_ =	sdelay $0x4  }
0x8f: {  	v2 =	vshra.s32 v1, $0xE;
	v1 =	vand.u32 $0x3FFF, v1  }
0x90: {  	v2 =	vadd.s32 v0, v2;
	[tilespmem:$0x16230] =	vst v1  }
0x91: {  	[tilespmem:$0x161B0] =	vst v2  }
0x92: {  	v1 =	vld [tilespmem:s5+$0xFFFFFF90];
	_ =	sdelay $0x4  }
0x93: {  	v2 =	vshra.s32 v1, $0xE;
	v1 =	vand.u32 $0x3FFF, v1  }
0x94: {  	v2 =	vadd.s32 v0, v2;
	[tilespmem:$0x16240] =	vst v1  }
0x95: {  	[tilespmem:$0x161C0] =	vst v2  }
0x96: {  	v1 =	vld [tilespmem:s5+$0xFFFFFFA0];
	_ =	sdelay $0x4  }
0x97: {  	v2 =	vshra.s32 v1, $0xE;
	v1 =	vand.u32 $0x3FFF, v1  }
0x98: {  	v2 =	vadd.s32 v0, v2;
	[tilespmem:$0x16250] =	vst v1  }
0x99: {  	[tilespmem:$0x161D0] =	vst v2  }
0x9a: {  	[tilespmem:s22], [sflag:$0x2] =	stream.indirect.gather [hbm4b:s4+s18], $0x80, s21, s18, $0xb8;
	[tilespmem:$0x1F380] =	vst v63  }
0x9b: {  	_ =	swait.ge [sflag:s23], $0x3000  }
0x9c: {  	[sflag:s23] =	ssyncset.done $0x0  }
0x9d: {  	[sflag:s23] =	ssyncadd.s32 $0xFFFFD000  }
0x9e: {  	[spmem:s2] =	stream.indirect.scatter.add.f32 [tilespmem:s20], [sflag:$0x4], $0x80, s24, s18, $0xb8;
	[tilespmem:$0x1F380] =	vst v63  }
0x9f: {  	_ =	swait.ge [sflag:s3], $0x3000  }
0xa0: {  	[sflag:s3] =	ssyncset.done $0x0  }
0xa1: {  	[sflag:s3] =	ssyncadd.s32 $0xFFFFD000  }
0xa2: {  	v1 =	vld [tilespmem:s5+$0xFFFFFFB0];
	_ =	sdelay $0x4  }
0xa3: {  	v2 =	vshra.s32 v1, $0xE;
	v1 =	vand.u32 $0x3FFF, v1  }
0xa4: {  	v2 =	vadd.s32 v0, v2;
	[tilespmem:$0x16300] =	vst v1  }
0xa5: {  	[tilespmem:$0x16280] =	vst v2  }
0xa6: {  	v1 =	vld [tilespmem:s5+$0xFFFFFFC0];
	_ =	sdelay $0x4  }
0xa7: {  	v2 =	vshra.s32 v1, $0xE;
	v1 =	vand.u32 $0x3FFF, v1  }
0xa8: {  	v2 =	vadd.s32 v0, v2;
	[tilespmem:$0x16310] =	vst v1  }
0xa9: {  	[tilespmem:$0x16290] =	vst v2  }
0xaa: {  	v1 =	vld [tilespmem:s16+$0x13B00];
	_ =	sdelay $0x4  }
0xab: {  	v2 =	vshra.s32 v1, $0xE;
	v1 =	vand.u32 $0x3FFF, v1  }
0xac: {  	v2 =	vadd.s32 v0, v2;
	[tilespmem:$0x16320] =	vst v1  }
0xad: {  	[tilespmem:$0x162A0] =	vst v2  }
0xae: {  	v1 =	vld [tilespmem:s5+$0xFFFFFFE0];
	_ =	sdelay $0x4  }
0xaf: {  	v2 =	vshra.s32 v1, $0xE;
	v1 =	vand.u32 $0x3FFF, v1  }
0xb0: {  	v2 =	vadd.s32 v0, v2;
	[tilespmem:$0x16330] =	vst v1  }
0xb1: {  	[tilespmem:$0x162B0] =	vst v2  }
0xb2: {  	v1 =	vld [tilespmem:s5+$0xFFFFFFF0];
	_ =	sdelay $0x4  }
0xb3: {  	v2 =	vshra.s32 v1, $0xE;
	v1 =	vand.u32 $0x3FFF, v1  }
0xb4: {  	v2 =	vadd.s32 v0, v2;
	[tilespmem:$0x16340] =	vst v1  }
0xb5: {  	[tilespmem:$0x162C0] =	vst v2  }
0xb6: {  	v1 =	vld [tilespmem:s5+$0x0];
	_ =	sdelay $0x4  }
0xb7: {  	v2 =	vshra.s32 v1, $0xE;
	v1 =	vand.u32 $0x3FFF, v1  }
0xb8: {  	v2 =	vadd.s32 v0, v2;
	[tilespmem:$0x16350] =	vst v1  }
0xb9: {  	s17 =	simm.s32 $0x13C50;
	s16 =	simm.s32 $0x120;
	[tilespmem:$0x162D0] =	vst v2  }
.LBB2_2:
0xba: {  	[tilespmem:s26], [sflag:$0x3] =	stream.indirect.gather [hbm4b:s4+s18], $0x80, s25, s18, $0xb8;
	[tilespmem:$0x1F380] =	vst v63  }
0xbb: {  	s5 =	smov.u32 s16  }
0xbc: {  	p1 =	sne.s32 s16, $0x2520;
	s16 =	sadd.s32 $0x120, s16;
	_ =	swait.ge [sflag:s28], $0x3000  }
0xbd: {  	[sflag:s28] =	ssyncset.done $0x0  }
0xbe: {  	[sflag:s28] =	ssyncadd.s32 $0xFFFFD000  }
0xbf: {  	[spmem:s2] =	stream.indirect.scatter.add.f32 [tilespmem:s22], [sflag:$0x5], $0x80, s29, s18, $0xb8;
	[tilespmem:$0x1F380] =	vst v63  }
0xc0: {  	_ =	swait.ge [sflag:s30], $0x3000  }
0xc1: {  	[sflag:s30] =	ssyncset.done $0x0  }
0xc2: {  	[sflag:s30] =	ssyncadd.s32 $0xFFFFD000  }
0xc3: {  	v1 =	vld [tilespmem:s17+$0xFFFFFEF0];
	_ =	sdelay $0x4  }
0xc4: {  	v2 =	vshra.s32 v1, $0xE;
	v1 =	vand.u32 $0x3FFF, v1  }
0xc5: {  	v2 =	vadd.s32 v0, v2;
	[tilespmem:$0x16100] =	vst v1  }
0xc6: {  	[tilespmem:$0x16080] =	vst v2  }
0xc7: {  	v1 =	vld [tilespmem:s17+$0xFFFFFF00];
	_ =	sdelay $0x4  }
0xc8: {  	v2 =	vshra.s32 v1, $0xE;
	v1 =	vand.u32 $0x3FFF, v1  }
0xc9: {  	v2 =	vadd.s32 v0, v2;
	[tilespmem:$0x16110] =	vst v1  }
0xca: {  	[tilespmem:$0x16090] =	vst v2  }
0xcb: {  	v1 =	vld [tilespmem:s17+$0xFFFFFF10];
	_ =	sdelay $0x4  }
0xcc: {  	v2 =	vshra.s32 v1, $0xE;
	v1 =	vand.u32 $0x3FFF, v1  }
0xcd: {  	v2 =	vadd.s32 v0, v2;
	[tilespmem:$0x16120] =	vst v1  }
0xce: {  	[tilespmem:$0x160A0] =	vst v2  }
0xcf: {  	v1 =	vld [tilespmem:s17+$0xFFFFFF20];
	_ =	sdelay $0x4  }
0xd0: {  	v2 =	vshra.s32 v1, $0xE;
	v1 =	vand.u32 $0x3FFF, v1  }
0xd1: {  	v2 =	vadd.s32 v0, v2;
	[tilespmem:$0x16130] =	vst v1  }
0xd2: {  	[tilespmem:$0x160B0] =	vst v2  }
0xd3: {  	v1 =	vld [tilespmem:s17+$0xFFFFFF30];
	_ =	sdelay $0x4  }
0xd4: {  	v2 =	vshra.s32 v1, $0xE;
	v1 =	vand.u32 $0x3FFF, v1  }
0xd5: {  	v2 =	vadd.s32 v0, v2;
	[tilespmem:$0x16140] =	vst v1  }
0xd6: {  	[tilespmem:$0x160C0] =	vst v2  }
0xd7: {  	v1 =	vld [tilespmem:s17+$0xFFFFFF40];
	_ =	sdelay $0x4  }
0xd8: {  	v2 =	vshra.s32 v1, $0xE;
	v1 =	vand.u32 $0x3FFF, v1  }
0xd9: {  	v2 =	vadd.s32 v0, v2;
	[tilespmem:$0x16150] =	vst v1  }
0xda: {  	[tilespmem:$0x160D0] =	vst v2  }
0xdb: {  	[tilespmem:s20], [sflag:$0x1] =	stream.indirect.gather [hbm4b:s4+s18], $0x80, s19, s18, $0xb8;
	[tilespmem:$0x1F380] =	vst v63  }
0xdc: {  	_ =	swait.ge [sflag:s31], $0x3000  }
0xdd: {  	[sflag:s31] =	ssyncset.done $0x0  }
0xde: {  	[sflag:s31] =	ssyncadd.s32 $0xFFFFD000  }
0xdf: {  	[spmem:s2] =	stream.indirect.scatter.add.f32 [tilespmem:s26], [sflag:$0x6], $0x80, s1, s18, $0xb8;
	[tilespmem:$0x1F380] =	vst v63  }
0xe0: {  	_ =	swait.ge [sflag:s0], $0x3000  }
0xe1: {  	[sflag:s0] =	ssyncset.done $0x0  }
0xe2: {  	s5 =	sand.u32 $0x7FE0, s5;
	[sflag:s0] =	ssyncadd.s32 $0xFFFFD000  }
0xe3: {  	v1 =	vld [tilespmem:s5+$0x13A80];
	_ =	sdelay $0x4  }
0xe4: {  	v2 =	vshra.s32 v1, $0xE;
	v1 =	vand.u32 $0x3FFF, v1  }
0xe5: {  	v2 =	vadd.s32 v0, v2;
	[tilespmem:$0x16200] =	vst v1  }
0xe6: {  	[tilespmem:$0x16180] =	vst v2  }
0xe7: {  	v1 =	vld [tilespmem:s17+$0xFFFFFF60];
	_ =	sdelay $0x4  }
0xe8: {  	v2 =	vshra.s32 v1, $0xE;
	v1 =	vand.u32 $0x3FFF, v1  }
0xe9: {  	v2 =	vadd.s32 v0, v2;
	[tilespmem:$0x16210] =	vst v1  }
0xea: {  	[tilespmem:$0x16190] =	vst v2  }
0xeb: {  	v1 =	vld [tilespmem:s17+$0xFFFFFF70];
	_ =	sdelay $0x4  }
0xec: {  	v2 =	vshra.s32 v1, $0xE;
	v1 =	vand.u32 $0x3FFF, v1  }
0xed: {  	v2 =	vadd.s32 v0, v2;
	[tilespmem:$0x16220] =	vst v1  }
0xee: {  	[tilespmem:$0x161A0] =	vst v2  }
0xef: {  	v1 =	vld [tilespmem:s17+$0xFFFFFF80];
	_ =	sdelay $0x4  }
0xf0: {  	v2 =	vshra.s32 v1, $0xE;
	v1 =	vand.u32 $0x3FFF, v1  }
0xf1: {  	v2 =	vadd.s32 v0, v2;
	[tilespmem:$0x16230] =	vst v1  }
0xf2: {  	[tilespmem:$0x161B0] =	vst v2  }
0xf3: {  	v1 =	vld [tilespmem:s17+$0xFFFFFF90];
	_ =	sdelay $0x4  }
0xf4: {  	v2 =	vshra.s32 v1, $0xE;
	v1 =	vand.u32 $0x3FFF, v1  }
0xf5: {  	v2 =	vadd.s32 v0, v2;
	[tilespmem:$0x16240] =	vst v1  }
0xf6: {  	[tilespmem:$0x161C0] =	vst v2  }
0xf7: {  	v1 =	vld [tilespmem:s17+$0xFFFFFFA0];
	_ =	sdelay $0x4  }
0xf8: {  	v2 =	vshra.s32 v1, $0xE;
	v1 =	vand.u32 $0x3FFF, v1  }
0xf9: {  	v2 =	vadd.s32 v0, v2;
	[tilespmem:$0x16250] =	vst v1  }
0xfa: {  	[tilespmem:$0x161D0] =	vst v2  }
0xfb: {  	[tilespmem:s22], [sflag:$0x2] =	stream.indirect.gather [hbm4b:s4+s18], $0x80, s21, s18, $0xb8;
	[tilespmem:$0x1F380] =	vst v63  }
0xfc: {  	_ =	swait.ge [sflag:s23], $0x3000  }
0xfd: {  	[sflag:s23] =	ssyncset.done $0x0  }
0xfe: {  	[sflag:s23] =	ssyncadd.s32 $0xFFFFD000  }
0xff: {  	[spmem:s2] =	stream.indirect.scatter.add.f32 [tilespmem:s20], [sflag:$0x4], $0x80, s24, s18, $0xb8;
	[tilespmem:$0x1F380] =	vst v63  }
0x100: {  	_ =	swait.ge [sflag:s3], $0x3000  }
0x101: {  	[sflag:s3] =	ssyncset.done $0x0  }
0x102: {  	[sflag:s3] =	ssyncadd.s32 $0xFFFFD000  }
0x103: {  	v1 =	vld [tilespmem:s17+$0xFFFFFFB0];
	_ =	sdelay $0x4  }
0x104: {  	v2 =	vshra.s32 v1, $0xE;
	v1 =	vand.u32 $0x3FFF, v1  }
0x105: {  	v2 =	vadd.s32 v0, v2;
	[tilespmem:$0x16300] =	vst v1  }
0x106: {  	[tilespmem:$0x16280] =	vst v2  }
0x107: {  	v1 =	vld [tilespmem:s17+$0xFFFFFFC0];
	_ =	sdelay $0x4  }
0x108: {  	v2 =	vshra.s32 v1, $0xE;
	v1 =	vand.u32 $0x3FFF, v1  }
0x109: {  	v2 =	vadd.s32 v0, v2;
	[tilespmem:$0x16310] =	vst v1  }
0x10a: {  	[tilespmem:$0x16290] =	vst v2  }
0x10b: {  	v1 =	vld [tilespmem:s5+$0x13B00];
	_ =	sdelay $0x4  }
0x10c: {  	v2 =	vshra.s32 v1, $0xE;
	v1 =	vand.u32 $0x3FFF, v1  }
0x10d: {  	v2 =	vadd.s32 v0, v2;
	[tilespmem:$0x16320] =	vst v1  }
0x10e: {  	[tilespmem:$0x162A0] =	vst v2  }
0x10f: {  	v1 =	vld [tilespmem:s17+$0xFFFFFFE0];
	_ =	sdelay $0x4  }
0x110: {  	v2 =	vshra.s32 v1, $0xE;
	v1 =	vand.u32 $0x3FFF, v1  }
0x111: {  	v2 =	vadd.s32 v0, v2;
	[tilespmem:$0x16330] =	vst v1  }
0x112: {  	[tilespmem:$0x162B0] =	vst v2  }
0x113: {  	v1 =	vld [tilespmem:s17+$0xFFFFFFF0];
	_ =	sdelay $0x4  }
0x114: {  	v2 =	vshra.s32 v1, $0xE;
	v1 =	vand.u32 $0x3FFF, v1  }
0x115: {  	v2 =	vadd.s32 v0, v2;
	[tilespmem:$0x16340] =	vst v1  }
0x116: {  	[tilespmem:$0x162C0] =	vst v2  }
0x117: {  	v1 =	vld [tilespmem:s17+$0x0];
	_ =	sdelay $0x2  }
.Ltmp0:
0x118: {  	(pc) =	sbr.rel @p1 .LBB2_2-.Ltmp0, $4  }
0x119: {  	_ = 	snop  }
0x11a: {  	v2 =	vshra.s32 v1, $0xE;
	v1 =	vand.u32 $0x3FFF, v1  }
0x11b: {  	v2 =	vadd.s32 v0, v2;
	[tilespmem:$0x16350] =	vst v1  }
0x11c: {  	s17 =	sadd.s32 $0x120, s17;
	[tilespmem:$0x162D0] =	vst v2  }
0x11d: {  	[tilespmem:s26], [sflag:$0x3] =	stream.indirect.gather [hbm4b:s4+s18], $0x80, s25, s18, $0xb8;
	[tilespmem:$0x1F380] =	vst v63  }
0x11e: {  	_ =	swait.ge [sflag:s28], $0x3000  }
0x11f: {  	[sflag:s28] =	ssyncset.done $0x0  }
0x120: {  	[sflag:s28] =	ssyncadd.s32 $0xFFFFD000  }
0x121: {  	[spmem:s2] =	stream.indirect.scatter.add.f32 [tilespmem:s22], [sflag:$0x5], $0x80, s29, s18, $0xb8;
	[tilespmem:$0x1F380] =	vst v63  }
0x122: {  	_ =	swait.ge [sflag:s31], $0x3000  }
0x123: {  	[sflag:s31] =	ssyncset.done $0x0  }
0x124: {  	[sflag:s31] =	ssyncadd.s32 $0xFFFFD000  }
0x125: {  	[spmem:s2] =	stream.indirect.scatter.add.f32 [tilespmem:s26], [sflag:$0x6], $0x80, s1, s18, $0xb8;
	[tilespmem:$0x1F380] =	vst v63  }
0x126: {  	_ =	swait.ge [sflag:s30], $0x3000  }
0x127: {  	[sflag:s30] =	ssyncset.done $0x0  }
0x128: {  	[sflag:s30] =	ssyncadd.s32 $0xFFFFD000  }
0x129: {  	_ =	swait.ge [sflag:s0], $0x3000  }
0x12a: {  	[sflag:s0] =	ssyncset.done $0x0  }
0x12b: {  	[sflag:s0] =	ssyncadd.s32 $0xFFFFD000  }
0x12c: {  	_ =	swait.ge [sflag:s3], $0x3000  }
0x12d: {  	[sflag:s3] =	ssyncset.done $0x0  }
0x12e: {  	[sflag:s3] =	ssyncadd.s32 $0xFFFFD000  }
0x12f: {  	[bflag:$0x0] =	sbarrier.arrive $0xFFFF  }
0x130: {  	[hbm:s9], [sflag:s6] =	dma.local [spmem:s12], $0x2700  }
0x131: {  	s15 =	sadd.s32 $0x1, s15;
	_ =	swait.ge [sflag:s13], $0x2700  }
0x132: {  	p1 =	sne.s32 s15, s11;
	[sflag:s13] =	ssyncset.done $0x0  }
.Ltmp1:
0x133: {  	s5 =	simm.s32 @!p0 $0x7;
	[sflag:s13] =	ssyncadd.s32 $0xFFFFD900;
	(pc) =	sbr.rel @p1 .LBB2_1-.Ltmp1, $4  }
0x134: {  	[hbm:s10], [sflag:s6] =	dma.local @!p0 [spmem:s14], $0x100  }
0x135: {  	_ =	swait.ge @!p0 [sflag:s5], $0x100  }
0x136: {  	[sflag:s5] =	ssyncset.done @!p0 $0x0  }
0x137: {  	[sflag:s5] =	ssyncadd.s32 @!p0 $0xFFFFFF00  }
0x138: {  	_ =	sfence.sel $0x180000  }
0x139: {  	[bflag:$0x0] =	sbarrier.arrive $0xFFFF  }
0x13a: {  	_ =	strace $0x9000004D  }
0x13b: {  	s0 =	stileid.u32;
	[bflag:$0x2] =	sbarrier.arrive $0xFFFF  }
0x13c: {  	p0 =	sne.s32 s0, $0x0;
	s0 =	rddreg [dreg:$0x2]  }
0x13d: {  	s0 =	sadd.s32 @!p0 $0x100000, s0  }
0x13e: {  	[sflag:s0] =	ssyncadd.tile.s32 @!p0 $0x1;
	_ =	shalt  }
.Lfunc_end2:
_tile_overlayer_lowered:
.L_overlay_start_2:
0x13f: {  	(tag) =	ssettag $0x2  }
0x140: {  	s0 =	rddreg [dreg:$0x0];
	s2 =	stileid.u32  }
0x141: {  	s1 =	rddreg [dreg:$0x1];
	p0 =	sne.s32 s2, $0x0  }
0x142: {  	s3 =	rddreg [dreg:$0x2];
	[bflag:$0x3] =	sbarrier.arrive $0xFFFF;
	s2 =	simm.s32 @!p0 $0x1C07  }
0x143: {  	[timem:s3], [sflag:s2] =	dma.local @!p0 [hbm:s0], s1  }
0x144: {  	s0 =	simm.s32 @!p0 $0x7  }
0x145: {  	_ =	swait.ge @!p0 [sflag:s0], s1  }
0x146: {  	s1 =	ssub.s32 @!p0 $0x0, s1;
	[sflag:s0] =	ssyncset.done @!p0 $0x0  }
0x147: {  	[sflag:s0] =	ssyncadd.s32 @!p0 s1  }
0x148: {  	[bflag:$0x3] =	sbarrier.arrive $0xFFFF  }
0x149: {  	_ =	shalt  }

</sc_bundles>
